<compile_context>
chip_gen: v7x
topology: tpu7x:2x2x1
jax: 0.10.2.dev20260603
libtpu: 0.0.44.dev20260713+nightly
codegen_flags: <defaults>
</compile_context>

<pallas_src>
import functools

import jax
import jax.numpy as jnp
from jax import lax
from jax.experimental import pallas as pl
from jax.experimental.pallas import tpu as pltpu
from jax.experimental.pallas import tpu_sc as plsc

N_NODES = 10000
N_EDGES = 160000
D_FEAT = 256
HALF = 128
ALPHA1 = 0.005
ALPHA2 = 1.0
BETA1 = 1.0
BETA2 = 0.1
EPS = 1e-15

NT = 16
CHUNK = 128
NCHUNK = 80
E_PER_TILE = CHUNK * NCHUNK
E_PAD = NT * E_PER_TILE
NBUF = 2
ROW_BYTES = CHUNK * HALF * 4
IDX_BYTES = CHUNK * 4
GB = 10
RB = 1024
N_PAD_ROWS = GB * RB
ROWS_PER_TILE = 624

@functools.cache
def _make_sc_edge_aggregate():
    mesh = plsc.VectorSubcoreMesh(core_axis_name="c", subcore_axis_name="s")

    scratch = [
        pltpu.VMEM_SHARED((N_NODES, HALF), jnp.float32),
        pltpu.VMEM((NCHUNK, CHUNK), jnp.int32),
        pltpu.SemaphoreType.DMA,
    ]
    for _ in range(NBUF):
        scratch += [
            pltpu.VMEM((CHUNK,), jnp.int32),
            pltpu.VMEM((CHUNK,), jnp.float32),
            pltpu.VMEM((CHUNK, HALF), jnp.float32),
            pltpu.SemaphoreType.DMA,
            pltpu.SemaphoreType.DMA,
            pltpu.SemaphoreType.DMA,
        ]

    @functools.partial(
        pl.kernel,
        mesh=mesh,
        out_type=(
            jax.ShapeDtypeStruct((N_NODES, HALF), jnp.float32),
            jax.ShapeDtypeStruct((N_NODES, HALF), jnp.float32),
        ),
        scratch_types=scratch,
    )
    def _sc_edge_aggregate(feat2, src_h2, dst_h, em, out_lo, out_hi,
                           acc, src_all, sem_h, *bufs):
        _sc_body(feat2, src_h2, dst_h, em, out_lo, out_hi,
                 acc, src_all, sem_h, bufs)

    return _sc_edge_aggregate


def _sc_body(feat2, src_h2, dst_h, em, out_lo, out_hi,
             acc, src_all, sem_h, bufs):
    c = lax.axis_index("c")
    s = lax.axis_index("s")
    B = [bufs[i * 6:(i + 1) * 6] for i in range(NBUF)]
    rows0 = B[0][2]

    def _zrow(i, carry):
        for j in range(HALF // 16):
            rows0[i, pl.ds(j * 16, 16)] = jnp.zeros((16,), jnp.float32)
        return carry
    lax.fori_loop(0, CHUNK, _zrow, 0)
    rbase = s * ROWS_PER_TILE
    _nf, _rem = divmod(ROWS_PER_TILE, CHUNK)
    for t in range(_nf):
        pltpu.sync_copy(rows0.at[pl.ds(0, CHUNK)],
                        acc.at[pl.ds(rbase + t * CHUNK, CHUNK)])
    if _rem:
        pltpu.sync_copy(rows0.at[pl.ds(0, _rem)],
                        acc.at[pl.ds(rbase + _nf * CHUNK, _rem)])

    @pl.when(s == NT - 1)
    def _():
        pltpu.sync_copy(rows0.at[pl.ds(0, N_NODES - NT * ROWS_PER_TILE)],
                        acc.at[pl.ds(NT * ROWS_PER_TILE,
                                     N_NODES - NT * ROWS_PER_TILE)])
    plsc.subcore_barrier()

    ebase = s * E_PER_TILE

    pltpu.async_copy(src_h2.at[pl.ds(s * NCHUNK, NCHUNK)], src_all,
                     sem_h).wait()

    def _prep(r, carry):
        for g in range(CHUNK // 16):
            sl = pl.ds(g * 16, 16)
            src_all[r, sl] = src_all[r, sl] * 2 + c
        return carry
    lax.fori_loop(0, NCHUNK, _prep, 0)

    def issue_de(ci, b):
        dst_r, em_r, _, sem_de, _, _ = B[b]
        base = ebase + ci * CHUNK
        pltpu.async_copy(dst_h.at[pl.ds(base, CHUNK)], dst_r, sem_de)
        pltpu.async_copy(em.at[pl.ds(base, CHUNK)], em_r, sem_de)

    def issue_gather(ci, b):
        _, _, rows_r, _, sem_g, _ = B[b]
        pltpu.async_copy(feat2.at[src_all.at[ci]], rows_r, sem_g)

    def issue_scatter(b):
        dst_r, _, rows_r, _, _, sem_s = B[b]
        pltpu.async_copy(rows_r, acc.at[dst_r], sem_s, add=True)

    def scale(b):
        _, em_r, rows_r, _, _, _ = B[b]

        def _scale(g, carry):
            x = em_r[pl.ds(g * 16, 16)]
            wv = 1.0 / (1.0 + jnp.exp(-x))
            for l in range(16):
                w = lax.gather(
                    wv, jnp.full((16, 1), l, jnp.int32),
                    lax.GatherDimensionNumbers(offset_dims=(),
                                               collapsed_slice_dims=(0,),
                                               start_index_map=(0,)),
                    (1,), mode=lax.GatherScatterMode.PROMISE_IN_BOUNDS)
                e = g * 16 + l
                for j in range(HALF // 16):
                    slj = pl.ds(j * 16, 16)
                    rows_r[e, slj] = rows_r[e, slj] * w
            return carry
        lax.fori_loop(0, CHUNK // 16, _scale, 0)

    issue_de(0, 0)
    issue_gather(0, 0)

    def _round(k, carry):
        for b in range(NBUF):
            ci = k * NBUF + b
            nxt = ci + 1
            nb = (b + 1) % NBUF
            dst_r, em_r, rows_r, sem_de, sem_g, sem_s = B[b]
            pltpu.make_async_copy(feat2.at[src_all.at[ci]], rows_r,
                                  sem_g).wait()

            @pl.when(nxt < NCHUNK)
            def _():
                @pl.when(nxt >= NBUF)
                def _():
                    pltpu.make_async_copy(
                        B[nb][2], acc.at[B[nb][0]], B[nb][5]).wait()
                issue_de(nxt, nb)
                issue_gather(nxt, nb)

            base = ebase + ci * CHUNK
            pltpu.make_async_copy(dst_h.at[pl.ds(base, CHUNK)], dst_r,
                                  sem_de).wait()
            pltpu.make_async_copy(em.at[pl.ds(base, CHUNK)], em_r,
                                  sem_de).wait()
            scale(b)
            issue_scatter(b)
        return carry
    lax.fori_loop(0, NCHUNK // NBUF, _round, 0)
    for b in range(NBUF):
        pltpu.make_async_copy(B[b][2], acc.at[B[b][0]], B[b][5]).wait()

    plsc.subcore_barrier()
    sl = pl.ds(rbase, ROWS_PER_TILE)
    sl_r = pl.ds(NT * ROWS_PER_TILE, N_NODES - NT * ROWS_PER_TILE)

    @pl.when(c == 0)
    def _():
        pltpu.sync_copy(acc.at[sl], out_lo.at[sl])

        @pl.when(s == NT - 1)
        def _():
            pltpu.sync_copy(acc.at[sl_r], out_lo.at[sl_r])

    @pl.when(c == 1)
    def _():
        pltpu.sync_copy(acc.at[sl], out_hi.at[sl])

        @pl.when(s == NT - 1)
        def _():
            pltpu.sync_copy(acc.at[sl_r], out_hi.at[sl_r])

EB = N_EDGES // GB


def _tc_body(alo, ahi, em, pred, fm, w1, w2r, out):
    i = pl.program_id(0)

    @pl.when(i == 0)
    def _():
        out[0, 0] = 0.0

    sfm = 1.0 / (1.0 + jnp.exp(-fm[...]))
    hid = lax.dot_general(
        alo[...] * sfm[:, :HALF], w1[:HALF, :],
        (((1,), (0,)), ((), ())),
        preferred_element_type=jnp.float32,
    ) + lax.dot_general(
        ahi[...] * sfm[:, HALF:], w1[HALF:, :],
        (((1,), (0,)), ((), ())),
        preferred_element_type=jnp.float32,
    )
    hid = jnp.maximum(hid, 0.0)
    lg = lax.dot_general(
        hid, w2r[...], (((1,), (1,)), ((), ())),
        preferred_element_type=jnp.float32,
    )[:, 0]
    mse_part = jnp.sum((lg - pred[...].reshape(RB)) ** 2) / N_NODES

    ew = 1.0 / (1.0 + jnp.exp(-em[...]))
    ent_e = -ew * jnp.log(ew + EPS) - (1.0 - ew) * jnp.log(1.0 - ew + EPS)
    contrib = mse_part + ALPHA1 * jnp.sum(ew) + ALPHA2 * jnp.sum(ent_e) / N_EDGES

    out[0, 0] += contrib

    @pl.when(i == GB - 1)
    def _():
        ent_f = -sfm * jnp.log(sfm + EPS) - (1.0 - sfm) * jnp.log(1.0 - sfm + EPS)
        out[0, 0] += BETA1 * jnp.mean(sfm) + BETA2 * jnp.mean(ent_f)


_tc_loss = pl.pallas_call(
    _tc_body,
    grid=(GB,),
    in_specs=[
        pl.BlockSpec((RB, HALF), lambda i: (i, 0)),
        pl.BlockSpec((RB, HALF), lambda i: (i, 0)),
        pl.BlockSpec((1, EB // 128, 128), lambda i: (i, 0, 0)),
        pl.BlockSpec((1, RB // 128, 128), lambda i: (i, 0, 0)),
        pl.BlockSpec((1, D_FEAT), lambda i: (0, 0)),
        pl.BlockSpec((D_FEAT, D_FEAT), lambda i: (0, 0)),
        pl.BlockSpec((1, D_FEAT), lambda i: (0, 0)),
    ],
    out_specs=pl.BlockSpec((1, 1), lambda i: (0, 0), memory_space=pltpu.SMEM),
    out_shape=jax.ShapeDtypeStruct((1, 1), jnp.float32),
)


def kernel(feat, edge_index, feat_mask, edge_mask, W1, W2, pred_value):
    feat2 = feat.reshape(2 * N_NODES, HALF)
    epad = E_PAD - N_EDGES
    src_h2 = jnp.concatenate(
        [edge_index[0], jnp.zeros((epad,), jnp.int32)]
    ).reshape(NT * NCHUNK, CHUNK)
    dst_h = jnp.concatenate([edge_index[1], jnp.zeros((epad,), jnp.int32)])
    em_h = jnp.concatenate(
        [edge_mask, jnp.full((epad,), -88.0, jnp.float32)])
    alo, ahi = _make_sc_edge_aggregate()(feat2, src_h2, dst_h, em_h)
    pad_n = N_PAD_ROWS - N_NODES
    alo_p = jnp.pad(alo, ((0, pad_n), (0, 0)))
    ahi_p = jnp.pad(ahi, ((0, pad_n), (0, 0)))
    pred_p = jnp.pad(pred_value, (0, pad_n)).reshape(GB, RB // 128, 128)
    em2 = edge_mask.reshape(GB, EB // 128, 128)
    w2r = W2.reshape(1, D_FEAT)
    out = _tc_loss(alo_p, ahi_p, em2, pred_p, feat_mask, W1, w2r)
    return out[0, 0]

# --- scband reference (transcript-rebuilt; emitter-appended) ---
"""Pipeline reference for scband-hetero-gnnexplainer-12094627906205 (READ-ONLY COPY).

The authoritative reference and input builder live on the scoring server;
editing this copy changes nothing except your own understanding.
"""

import jax, jax.numpy as jnp
import numpy as np

N_NODES = 10000
N_EDGES = 160000
D_FEAT = 256
ALPHA1 = 0.005
ALPHA2 = 1.0
BETA1 = 1.0
BETA2 = 0.1
EPS = 1e-15


def setup_inputs(seed: int = 0) -> dict:
    key = jax.random.key(seed)
    k1, k2, k3, k4, k5, k6, k7 = jax.random.split(key, 7)
    feat = jax.random.normal(k1, (N_NODES, D_FEAT), dtype=jnp.float32)
    edge_index = jax.random.randint(k2, (2, N_EDGES), 0, N_NODES, dtype=jnp.int64 if jax.config.read('jax_enable_x64') else jnp.int32).astype(jnp.int32)
    # mask init mirrors _init_masks: feat mask std=0.1, edge mask std=gain('relu')*sqrt(2/(src+dst))
    feat_mask = jax.random.normal(k3, (1, D_FEAT), dtype=jnp.float32) * 0.1
    gain = float(np.sqrt(2.0))  # relu gain
    e_std = gain * float(np.sqrt(2.0 / (N_NODES + N_NODES)))
    edge_mask = jax.random.normal(k4, (N_EDGES,), dtype=jnp.float32) * e_std
    W1 = jax.random.normal(k5, (D_FEAT, D_FEAT), dtype=jnp.float32) / np.sqrt(D_FEAT)
    W2 = jax.random.normal(k6, (D_FEAT, 1), dtype=jnp.float32) / np.sqrt(D_FEAT)
    pred_value = jax.random.normal(k7, (N_NODES,), dtype=jnp.float32)
    return {"feat": feat, "edge_index": edge_index, "feat_mask": feat_mask, "edge_mask": edge_mask, "W1": W1, "W2": W2, "pred_value": pred_value}


def _inner_model(h, edge_index, eweight, W1, W2):
    # 1-layer edge-weighted message passing GNN (the wrapped `model`):
    # gather src features, scale by edge weight, scatter-add to dst, MLP head.
    src = edge_index[0]
    dst = edge_index[1]
    msg = jnp.take(h, src, axis=0) * eweight[:, None]
    agg = jax.ops.segment_sum(msg, dst, num_segments=N_NODES)
    hid = jax.nn.relu(agg @ W1)
    logits = (hid @ W2).squeeze(-1)
    return logits


def reference(feat, edge_index, feat_mask, edge_mask, W1, W2, pred_value):
    # One explain_graph training-step forward:
    # h = feat * sigmoid(feat_mask); eweight = sigmoid(edge_mask)
    h = feat * jax.nn.sigmoid(feat_mask)
    ew = jax.nn.sigmoid(edge_mask)
    logits = _inner_model(h, edge_index, ew, W1, W2)
    loss = jnp.mean((logits - pred_value) ** 2)
    # _loss_regularize
    em = jax.nn.sigmoid(edge_mask)
    loss = loss + ALPHA1 * jnp.sum(em)
    ent_e = -em * jnp.log(em + EPS) - (1.0 - em) * jnp.log(1.0 - em + EPS)
    loss = loss + ALPHA2 * jnp.mean(ent_e)
    fm = jax.nn.sigmoid(feat_mask)
    loss = loss + BETA1 * jnp.mean(fm)
    ent_f = -fm * jnp.log(fm + EPS) - (1.0 - fm) * jnp.log(1.0 - fm + EPS)
    loss = loss + BETA2 * jnp.mean(ent_f)
    return loss

if __name__ == "__main__":
    import jax
    _d = setup_inputs()
    print(jax.jit(kernel)(*tuple(_d.values())))

</pallas_src>

<mosaic_0001>
#map = affine_map<(d0, d1) -> (0, 0)>
#map1 = affine_map<(d0, d1) -> (0)>
module attributes {stable_mosaic.version = 14 : i64} {
  func.func @_sc_edge_aggregate(%arg0: i32, %arg1: i32, %arg2: memref<20000x128xf32, #tpu.memory_space<hbm>>, %arg3: memref<1280x128xi32, #tpu.memory_space<hbm>>, %arg4: memref<163840xi32, #tpu.memory_space<hbm>>, %arg5: memref<163840xf32, #tpu.memory_space<hbm>>, %arg6: memref<10000x128xf32, #tpu.memory_space<hbm>>, %arg7: memref<10000x128xf32, #tpu.memory_space<hbm>>, %arg8: memref<10000x128xf32, #tpu.memory_space<vmem_shared>>, %arg9: memref<80x128xi32, #tpu.memory_space<vmem>>, %arg10: memref<!tpu.dma_semaphore, #tpu.memory_space<semaphore_mem>>, %arg11: memref<128xi32, #tpu.memory_space<vmem>>, %arg12: memref<128xf32, #tpu.memory_space<vmem>>, %arg13: memref<128x128xf32, #tpu.memory_space<vmem>>, %arg14: memref<!tpu.dma_semaphore, #tpu.memory_space<semaphore_mem>>, %arg15: memref<!tpu.dma_semaphore, #tpu.memory_space<semaphore_mem>>, %arg16: memref<!tpu.dma_semaphore, #tpu.memory_space<semaphore_mem>>, %arg17: memref<128xi32, #tpu.memory_space<vmem>>, %arg18: memref<128xf32, #tpu.memory_space<vmem>>, %arg19: memref<128x128xf32, #tpu.memory_space<vmem>>, %arg20: memref<!tpu.dma_semaphore, #tpu.memory_space<semaphore_mem>>, %arg21: memref<!tpu.dma_semaphore, #tpu.memory_space<semaphore_mem>>, %arg22: memref<!tpu.dma_semaphore, #tpu.memory_space<semaphore_mem>>) attributes {dimension_semantics = [#tpu.dimension_semantics<core_parallel>, #tpu.dimension_semantics<subcore_parallel>], iteration_bounds = array<i64: 2, 16>, scalar_prefetch = 0 : i64, scratch_operands = 15 : i64, tpu.core_type = #tpu.core_type<sc_vector_subcore>, window_params = [{transform_indices = #map}, {transform_indices = #map}, {transform_indices = #map1}, {transform_indices = #map1}, {transform_indices = #map}, {transform_indices = #map}]} {
    %scan3A = arith.constant 0 : i32
    %scan3A_0 = arith.constant 0 : i32
    %scan3A_1 = arith.constant 128 : i32
    %scan3A_2 = arith.addi %scan3A_0, %scan3A_1 : i32
    %scan3A_3 = arith.constant 1 : i32
    scf.for %scan3A_69 = %scan3A_0 to %scan3A_2 step %scan3A_3  : i32 {
      %broadcast_in_dim3A = arith.constant 0.000000e+00 : f32
      %broadcast_in_dim3A_70 = vector.broadcast %broadcast_in_dim3A : f32 to vector<16xf32>
      %swap3A = arith.index_cast %scan3A_69 : i32 to index
      %swap3A_71 = arith.constant 0 : index
      %swap3A_72 = tpu.vector_load %arg13[%swap3A, %swap3A_71] {strides = array<i32>} : memref<128x128xf32, #tpu.memory_space<vmem>>, vector<1x16xf32>,
      %swap3A_73 = vector.shape_cast %swap3A_72 : vector<1x16xf32> to vector<16xf32>
      %swap3A_74 = vector.shape_cast %broadcast_in_dim3A_70 : vector<16xf32> to vector<1x16xf32>
      tpu.vector_store %arg13[%swap3A, %swap3A_71], %swap3A_74 {strides = array<i32>} : memref<128x128xf32, #tpu.memory_space<vmem>>, vector<1x16xf32>,
      %broadcast_in_dim3A_75 = arith.constant 0.000000e+00 : f32
      %broadcast_in_dim3A_76 = vector.broadcast %broadcast_in_dim3A_75 : f32 to vector<16xf32>
      %swap3A_77 = arith.index_cast %scan3A_69 : i32 to index
      %swap3A_78 = arith.constant 16 : index
      %swap3A_79 = tpu.vector_load %arg13[%swap3A_77, %swap3A_78] {strides = array<i32>} : memref<128x128xf32, #tpu.memory_space<vmem>>, vector<1x16xf32>,
      %swap3A_80 = vector.shape_cast %swap3A_79 : vector<1x16xf32> to vector<16xf32>
      %swap3A_81 = vector.shape_cast %broadcast_in_dim3A_76 : vector<16xf32> to vector<1x16xf32>
      tpu.vector_store %arg13[%swap3A_77, %swap3A_78], %swap3A_81 {strides = array<i32>} : memref<128x128xf32, #tpu.memory_space<vmem>>, vector<1x16xf32>,
      %broadcast_in_dim3A_82 = arith.constant 0.000000e+00 : f32
      %broadcast_in_dim3A_83 = vector.broadcast %broadcast_in_dim3A_82 : f32 to vector<16xf32>
      %swap3A_84 = arith.index_cast %scan3A_69 : i32 to index
      %swap3A_85 = arith.constant 32 : index
      %swap3A_86 = tpu.vector_load %arg13[%swap3A_84, %swap3A_85] {strides = array<i32>} : memref<128x128xf32, #tpu.memory_space<vmem>>, vector<1x16xf32>,
      %swap3A_87 = vector.shape_cast %swap3A_86 : vector<1x16xf32> to vector<16xf32>
      %swap3A_88 = vector.shape_cast %broadcast_in_dim3A_83 : vector<16xf32> to vector<1x16xf32>
      tpu.vector_store %arg13[%swap3A_84, %swap3A_85], %swap3A_88 {strides = array<i32>} : memref<128x128xf32, #tpu.memory_space<vmem>>, vector<1x16xf32>,
      %broadcast_in_dim3A_89 = arith.constant 0.000000e+00 : f32
      %broadcast_in_dim3A_90 = vector.broadcast %broadcast_in_dim3A_89 : f32 to vector<16xf32>
      %swap3A_91 = arith.index_cast %scan3A_69 : i32 to index
      %swap3A_92 = arith.constant 48 : index
      %swap3A_93 = tpu.vector_load %arg13[%swap3A_91, %swap3A_92] {strides = array<i32>} : memref<128x128xf32, #tpu.memory_space<vmem>>, vector<1x16xf32>,
      %swap3A_94 = vector.shape_cast %swap3A_93 : vector<1x16xf32> to vector<16xf32>
      %swap3A_95 = vector.shape_cast %broadcast_in_dim3A_90 : vector<16xf32> to vector<1x16xf32>
      tpu.vector_store %arg13[%swap3A_91, %swap3A_92], %swap3A_95 {strides = array<i32>} : memref<128x128xf32, #tpu.memory_space<vmem>>, vector<1x16xf32>,
      %broadcast_in_dim3A_96 = arith.constant 0.000000e+00 : f32
      %broadcast_in_dim3A_97 = vector.broadcast %broadcast_in_dim3A_96 : f32 to vector<16xf32>
      %swap3A_98 = arith.index_cast %scan3A_69 : i32 to index
      %swap3A_99 = arith.constant 64 : index
      %swap3A_100 = tpu.vector_load %arg13[%swap3A_98, %swap3A_99] {strides = array<i32>} : memref<128x128xf32, #tpu.memory_space<vmem>>, vector<1x16xf32>,
      %swap3A_101 = vector.shape_cast %swap3A_100 : vector<1x16xf32> to vector<16xf32>
      %swap3A_102 = vector.shape_cast %broadcast_in_dim3A_97 : vector<16xf32> to vector<1x16xf32>
      tpu.vector_store %arg13[%swap3A_98, %swap3A_99], %swap3A_102 {strides = array<i32>} : memref<128x128xf32, #tpu.memory_space<vmem>>, vector<1x16xf32>,
      %broadcast_in_dim3A_103 = arith.constant 0.000000e+00 : f32
      %broadcast_in_dim3A_104 = vector.broadcast %broadcast_in_dim3A_103 : f32 to vector<16xf32>
      %swap3A_105 = arith.index_cast %scan3A_69 : i32 to index
      %swap3A_106 = arith.constant 80 : index
      %swap3A_107 = tpu.vector_load %arg13[%swap3A_105, %swap3A_106] {strides = array<i32>} : memref<128x128xf32, #tpu.memory_space<vmem>>, vector<1x16xf32>,
      %swap3A_108 = vector.shape_cast %swap3A_107 : vector<1x16xf32> to vector<16xf32>
      %swap3A_109 = vector.shape_cast %broadcast_in_dim3A_104 : vector<16xf32> to vector<1x16xf32>
      tpu.vector_store %arg13[%swap3A_105, %swap3A_106], %swap3A_109 {strides = array<i32>} : memref<128x128xf32, #tpu.memory_space<vmem>>, vector<1x16xf32>,
      %broadcast_in_dim3A_110 = arith.constant 0.000000e+00 : f32
      %broadcast_in_dim3A_111 = vector.broadcast %broadcast_in_dim3A_110 : f32 to vector<16xf32>
      %swap3A_112 = arith.index_cast %scan3A_69 : i32 to index
      %swap3A_113 = arith.constant 96 : index
      %swap3A_114 = tpu.vector_load %arg13[%swap3A_112, %swap3A_113] {strides = array<i32>} : memref<128x128xf32, #tpu.memory_space<vmem>>, vector<1x16xf32>,
      %swap3A_115 = vector.shape_cast %swap3A_114 : vector<1x16xf32> to vector<16xf32>
      %swap3A_116 = vector.shape_cast %broadcast_in_dim3A_111 : vector<16xf32> to vector<1x16xf32>
      tpu.vector_store %arg13[%swap3A_112, %swap3A_113], %swap3A_116 {strides = array<i32>} : memref<128x128xf32, #tpu.memory_space<vmem>>, vector<1x16xf32>,
      %broadcast_in_dim3A_117 = arith.constant 0.000000e+00 : f32
      %broadcast_in_dim3A_118 = vector.broadcast %broadcast_in_dim3A_117 : f32 to vector<16xf32>
      %swap3A_119 = arith.index_cast %scan3A_69 : i32 to index
      %swap3A_120 = arith.constant 112 : index
      %swap3A_121 = tpu.vector_load %arg13[%swap3A_119, %swap3A_120] {strides = array<i32>} : memref<128x128xf32, #tpu.memory_space<vmem>>, vector<1x16xf32>,
      %swap3A_122 = vector.shape_cast %swap3A_121 : vector<1x16xf32> to vector<16xf32>
      %swap3A_123 = vector.shape_cast %broadcast_in_dim3A_118 : vector<16xf32> to vector<1x16xf32>
      tpu.vector_store %arg13[%swap3A_119, %swap3A_120], %swap3A_123 {strides = array<i32>} : memref<128x128xf32, #tpu.memory_space<vmem>>, vector<1x16xf32>,
    }
    %scan3A_4 = arith.constant 128 : i32
    %mul3A = arith.constant 624 : i32
    %mul3A_5 = arith.muli %arg1, %mul3A : i32
    %add3A = arith.constant 0 : i32
    %add3A_6 = arith.addi %mul3A_5, %add3A : i32
    "tpu.region"() ({
      %run_scoped3A = tpu.sem_alloc : memref<!tpu.dma_semaphore, #tpu.memory_space<semaphore_mem>>
      %dma_start3A_69 = arith.constant 0 : i32
      %dma_start3A_70 = arith.constant 0 : i32
      %dma_start3A_71 = tpu.memref_slice %arg13[%dma_start3A_69, %dma_start3A_70] : memref<128x128xf32, #tpu.memory_space<vmem>> -> memref<128x128xf32, #tpu.memory_space<vmem>>
      %dma_start3A_72 = arith.constant 0 : i32
      %dma_start3A_73 = tpu.memref_slice %arg8[%add3A_6, %dma_start3A_72] : memref<10000x128xf32, #tpu.memory_space<vmem_shared>> -> memref<128x128xf32, #tpu.memory_space<vmem_shared>>
      %dma_start3A_74 = arith.constant 0 : i32
      %dma_start3A_75 = tpu.memref_slice %arg8[%add3A_6, %dma_start3A_74] : memref<10000x128xf32, #tpu.memory_space<vmem_shared>> -> memref<128x128xf32, #tpu.memory_space<vmem_shared>>
      %dma_start3A_76 = arith.constant 0 : i32
      %dma_start3A_77 = arith.constant 0 : i32
      %dma_start3A_78 = tpu.memref_slice %arg13[%dma_start3A_76, %dma_start3A_77] : memref<128x128xf32, #tpu.memory_space<vmem>> -> memref<128x128xf32, #tpu.memory_space<vmem>>
      tpu.enqueue_dma source(%dma_start3A_78 : memref<128x128xf32, #tpu.memory_space<vmem>>) target(%dma_start3A_75 : memref<128x128xf32, #tpu.memory_space<vmem_shared>>) target_semaphore(%run_scoped3A : memref<!tpu.dma_semaphore, #tpu.memory_space<semaphore_mem>>)
      %dma_wait3A_79 = arith.constant 0 : i32
      %dma_wait3A_80 = arith.constant 0 : i32
      %dma_wait3A_81 = tpu.memref_slice %arg13[%dma_wait3A_79, %dma_wait3A_80] : memref<128x128xf32, #tpu.memory_space<vmem>> -> memref<128x128xf32, #tpu.memory_space<vmem>>
      %dma_wait3A_82 = arith.constant 0 : i32
      %dma_wait3A_83 = tpu.memref_slice %arg8[%add3A_6, %dma_wait3A_82] : memref<10000x128xf32, #tpu.memory_space<vmem_shared>> -> memref<128x128xf32, #tpu.memory_space<vmem_shared>>
      %dma_wait3A_84 = arith.constant 0 : i32
      %dma_wait3A_85 = tpu.memref_slice %arg8[%add3A_6, %dma_wait3A_84] : memref<10000x128xf32, #tpu.memory_space<vmem_shared>> -> memref<128x128xf32, #tpu.memory_space<vmem_shared>>
      %dma_wait3A_86 = arith.constant 0 : i32
      %dma_wait3A_87 = arith.constant 0 : i32
      %dma_wait3A_88 = tpu.memref_slice %arg13[%dma_wait3A_86, %dma_wait3A_87] : memref<128x128xf32, #tpu.memory_space<vmem>> -> memref<128x128xf32, #tpu.memory_space<vmem>>
      tpu.wait_dma2 semaphore(%run_scoped3A : memref<!tpu.dma_semaphore, #tpu.memory_space<semaphore_mem>>) src(%dma_wait3A_88 : memref<128x128xf32, #tpu.memory_space<vmem>>) dst(%dma_wait3A_85 : memref<128x128xf32, #tpu.memory_space<vmem_shared>>)
      tpu.yield
    }) : () -> ()
    %add3A_7 = arith.constant 128 : i32
    %add3A_8 = arith.addi %mul3A_5, %add3A_7 : i32
    "tpu.region"() ({
      %run_scoped3A = tpu.sem_alloc : memref<!tpu.dma_semaphore, #tpu.memory_space<semaphore_mem>>
      %dma_start3A_69 = arith.constant 0 : i32
      %dma_start3A_70 = arith.constant 0 : i32
      %dma_start3A_71 = tpu.memref_slice %arg13[%dma_start3A_69, %dma_start3A_70] : memref<128x128xf32, #tpu.memory_space<vmem>> -> memref<128x128xf32, #tpu.memory_space<vmem>>
      %dma_start3A_72 = arith.constant 0 : i32
      %dma_start3A_73 = tpu.memref_slice %arg8[%add3A_8, %dma_start3A_72] : memref<10000x128xf32, #tpu.memory_space<vmem_shared>> -> memref<128x128xf32, #tpu.memory_space<vmem_shared>>
      %dma_start3A_74 = arith.constant 0 : i32
      %dma_start3A_75 = tpu.memref_slice %arg8[%add3A_8, %dma_start3A_74] : memref<10000x128xf32, #tpu.memory_space<vmem_shared>> -> memref<128x128xf32, #tpu.memory_space<vmem_shared>>
      %dma_start3A_76 = arith.constant 0 : i32
      %dma_start3A_77 = arith.constant 0 : i32
      %dma_start3A_78 = tpu.memref_slice %arg13[%dma_start3A_76, %dma_start3A_77] : memref<128x128xf32, #tpu.memory_space<vmem>> -> memref<128x128xf32, #tpu.memory_space<vmem>>
      tpu.enqueue_dma source(%dma_start3A_78 : memref<128x128xf32, #tpu.memory_space<vmem>>) target(%dma_start3A_75 : memref<128x128xf32, #tpu.memory_space<vmem_shared>>) target_semaphore(%run_scoped3A : memref<!tpu.dma_semaphore, #tpu.memory_space<semaphore_mem>>)
      %dma_wait3A_79 = arith.constant 0 : i32
      %dma_wait3A_80 = arith.constant 0 : i32
      %dma_wait3A_81 = tpu.memref_slice %arg13[%dma_wait3A_79, %dma_wait3A_80] : memref<128x128xf32, #tpu.memory_space<vmem>> -> memref<128x128xf32, #tpu.memory_space<vmem>>
      %dma_wait3A_82 = arith.constant 0 : i32
      %dma_wait3A_83 = tpu.memref_slice %arg8[%add3A_8, %dma_wait3A_82] : memref<10000x128xf32, #tpu.memory_space<vmem_shared>> -> memref<128x128xf32, #tpu.memory_space<vmem_shared>>
      %dma_wait3A_84 = arith.constant 0 : i32
      %dma_wait3A_85 = tpu.memref_slice %arg8[%add3A_8, %dma_wait3A_84] : memref<10000x128xf32, #tpu.memory_space<vmem_shared>> -> memref<128x128xf32, #tpu.memory_space<vmem_shared>>
      %dma_wait3A_86 = arith.constant 0 : i32
      %dma_wait3A_87 = arith.constant 0 : i32
      %dma_wait3A_88 = tpu.memref_slice %arg13[%dma_wait3A_86, %dma_wait3A_87] : memref<128x128xf32, #tpu.memory_space<vmem>> -> memref<128x128xf32, #tpu.memory_space<vmem>>
      tpu.wait_dma2 semaphore(%run_scoped3A : memref<!tpu.dma_semaphore, #tpu.memory_space<semaphore_mem>>) src(%dma_wait3A_88 : memref<128x128xf32, #tpu.memory_space<vmem>>) dst(%dma_wait3A_85 : memref<128x128xf32, #tpu.memory_space<vmem_shared>>)
      tpu.yield
    }) : () -> ()
    %add3A_9 = arith.constant 256 : i32
    %add3A_10 = arith.addi %mul3A_5, %add3A_9 : i32
    "tpu.region"() ({
      %run_scoped3A = tpu.sem_alloc : memref<!tpu.dma_semaphore, #tpu.memory_space<semaphore_mem>>
      %dma_start3A_69 = arith.constant 0 : i32
      %dma_start3A_70 = arith.constant 0 : i32
      %dma_start3A_71 = tpu.memref_slice %arg13[%dma_start3A_69, %dma_start3A_70] : memref<128x128xf32, #tpu.memory_space<vmem>> -> memref<128x128xf32, #tpu.memory_space<vmem>>
      %dma_start3A_72 = arith.constant 0 : i32
      %dma_start3A_73 = tpu.memref_slice %arg8[%add3A_10, %dma_start3A_72] : memref<10000x128xf32, #tpu.memory_space<vmem_shared>> -> memref<128x128xf32, #tpu.memory_space<vmem_shared>>
      %dma_start3A_74 = arith.constant 0 : i32
      %dma_start3A_75 = tpu.memref_slice %arg8[%add3A_10, %dma_start3A_74] : memref<10000x128xf32, #tpu.memory_space<vmem_shared>> -> memref<128x128xf32, #tpu.memory_space<vmem_shared>>
      %dma_start3A_76 = arith.constant 0 : i32
      %dma_start3A_77 = arith.constant 0 : i32
      %dma_start3A_78 = tpu.memref_slice %arg13[%dma_start3A_76, %dma_start3A_77] : memref<128x128xf32, #tpu.memory_space<vmem>> -> memref<128x128xf32, #tpu.memory_space<vmem>>
      tpu.enqueue_dma source(%dma_start3A_78 : memref<128x128xf32, #tpu.memory_space<vmem>>) target(%dma_start3A_75 : memref<128x128xf32, #tpu.memory_space<vmem_shared>>) target_semaphore(%run_scoped3A : memref<!tpu.dma_semaphore, #tpu.memory_space<semaphore_mem>>)
      %dma_wait3A_79 = arith.constant 0 : i32
      %dma_wait3A_80 = arith.constant 0 : i32
      %dma_wait3A_81 = tpu.memref_slice %arg13[%dma_wait3A_79, %dma_wait3A_80] : memref<128x128xf32, #tpu.memory_space<vmem>> -> memref<128x128xf32, #tpu.memory_space<vmem>>
      %dma_wait3A_82 = arith.constant 0 : i32
      %dma_wait3A_83 = tpu.memref_slice %arg8[%add3A_10, %dma_wait3A_82] : memref<10000x128xf32, #tpu.memory_space<vmem_shared>> -> memref<128x128xf32, #tpu.memory_space<vmem_shared>>
      %dma_wait3A_84 = arith.constant 0 : i32
      %dma_wait3A_85 = tpu.memref_slice %arg8[%add3A_10, %dma_wait3A_84] : memref<10000x128xf32, #tpu.memory_space<vmem_shared>> -> memref<128x128xf32, #tpu.memory_space<vmem_shared>>
      %dma_wait3A_86 = arith.constant 0 : i32
      %dma_wait3A_87 = arith.constant 0 : i32
      %dma_wait3A_88 = tpu.memref_slice %arg13[%dma_wait3A_86, %dma_wait3A_87] : memref<128x128xf32, #tpu.memory_space<vmem>> -> memref<128x128xf32, #tpu.memory_space<vmem>>
      tpu.wait_dma2 semaphore(%run_scoped3A : memref<!tpu.dma_semaphore, #tpu.memory_space<semaphore_mem>>) src(%dma_wait3A_88 : memref<128x128xf32, #tpu.memory_space<vmem>>) dst(%dma_wait3A_85 : memref<128x128xf32, #tpu.memory_space<vmem_shared>>)
      tpu.yield
    }) : () -> ()
    %add3A_11 = arith.constant 384 : i32
    %add3A_12 = arith.addi %mul3A_5, %add3A_11 : i32
    "tpu.region"() ({
      %run_scoped3A = tpu.sem_alloc : memref<!tpu.dma_semaphore, #tpu.memory_space<semaphore_mem>>
      %dma_start3A_69 = arith.constant 0 : i32
      %dma_start3A_70 = arith.constant 0 : i32
      %dma_start3A_71 = tpu.memref_slice %arg13[%dma_start3A_69, %dma_start3A_70] : memref<128x128xf32, #tpu.memory_space<vmem>> -> memref<128x128xf32, #tpu.memory_space<vmem>>
      %dma_start3A_72 = arith.constant 0 : i32
      %dma_start3A_73 = tpu.memref_slice %arg8[%add3A_12, %dma_start3A_72] : memref<10000x128xf32, #tpu.memory_space<vmem_shared>> -> memref<128x128xf32, #tpu.memory_space<vmem_shared>>
      %dma_start3A_74 = arith.constant 0 : i32
      %dma_start3A_75 = tpu.memref_slice %arg8[%add3A_12, %dma_start3A_74] : memref<10000x128xf32, #tpu.memory_space<vmem_shared>> -> memref<128x128xf32, #tpu.memory_space<vmem_shared>>
      %dma_start3A_76 = arith.constant 0 : i32
      %dma_start3A_77 = arith.constant 0 : i32
      %dma_start3A_78 = tpu.memref_slice %arg13[%dma_start3A_76, %dma_start3A_77] : memref<128x128xf32, #tpu.memory_space<vmem>> -> memref<128x128xf32, #tpu.memory_space<vmem>>
      tpu.enqueue_dma source(%dma_start3A_78 : memref<128x128xf32, #tpu.memory_space<vmem>>) target(%dma_start3A_75 : memref<128x128xf32, #tpu.memory_space<vmem_shared>>) target_semaphore(%run_scoped3A : memref<!tpu.dma_semaphore, #tpu.memory_space<semaphore_mem>>)
      %dma_wait3A_79 = arith.constant 0 : i32
      %dma_wait3A_80 = arith.constant 0 : i32
      %dma_wait3A_81 = tpu.memref_slice %arg13[%dma_wait3A_79, %dma_wait3A_80] : memref<128x128xf32, #tpu.memory_space<vmem>> -> memref<128x128xf32, #tpu.memory_space<vmem>>
      %dma_wait3A_82 = arith.constant 0 : i32
      %dma_wait3A_83 = tpu.memref_slice %arg8[%add3A_12, %dma_wait3A_82] : memref<10000x128xf32, #tpu.memory_space<vmem_shared>> -> memref<128x128xf32, #tpu.memory_space<vmem_shared>>
      %dma_wait3A_84 = arith.constant 0 : i32
      %dma_wait3A_85 = tpu.memref_slice %arg8[%add3A_12, %dma_wait3A_84] : memref<10000x128xf32, #tpu.memory_space<vmem_shared>> -> memref<128x128xf32, #tpu.memory_space<vmem_shared>>
      %dma_wait3A_86 = arith.constant 0 : i32
      %dma_wait3A_87 = arith.constant 0 : i32
      %dma_wait3A_88 = tpu.memref_slice %arg13[%dma_wait3A_86, %dma_wait3A_87] : memref<128x128xf32, #tpu.memory_space<vmem>> -> memref<128x128xf32, #tpu.memory_space<vmem>>
      tpu.wait_dma2 semaphore(%run_scoped3A : memref<!tpu.dma_semaphore, #tpu.memory_space<semaphore_mem>>) src(%dma_wait3A_88 : memref<128x128xf32, #tpu.memory_space<vmem>>) dst(%dma_wait3A_85 : memref<128x128xf32, #tpu.memory_space<vmem_shared>>)
      tpu.yield
    }) : () -> ()
    %add3A_13 = arith.constant 512 : i32
    %add3A_14 = arith.addi %mul3A_5, %add3A_13 : i32
    "tpu.region"() ({
      %run_scoped3A = tpu.sem_alloc : memref<!tpu.dma_semaphore, #tpu.memory_space<semaphore_mem>>
      %dma_start3A_69 = arith.constant 0 : i32
      %dma_start3A_70 = arith.constant 0 : i32
      %dma_start3A_71 = tpu.memref_slice %arg13[%dma_start3A_69, %dma_start3A_70] : memref<128x128xf32, #tpu.memory_space<vmem>> -> memref<112x128xf32, #tpu.memory_space<vmem>>
      %dma_start3A_72 = arith.constant 0 : i32
      %dma_start3A_73 = tpu.memref_slice %arg8[%add3A_14, %dma_start3A_72] : memref<10000x128xf32, #tpu.memory_space<vmem_shared>> -> memref<112x128xf32, #tpu.memory_space<vmem_shared>>
      %dma_start3A_74 = arith.constant 0 : i32
      %dma_start3A_75 = tpu.memref_slice %arg8[%add3A_14, %dma_start3A_74] : memref<10000x128xf32, #tpu.memory_space<vmem_shared>> -> memref<112x128xf32, #tpu.memory_space<vmem_shared>>
      %dma_start3A_76 = arith.constant 0 : i32
      %dma_start3A_77 = arith.constant 0 : i32
      %dma_start3A_78 = tpu.memref_slice %arg13[%dma_start3A_76, %dma_start3A_77] : memref<128x128xf32, #tpu.memory_space<vmem>> -> memref<112x128xf32, #tpu.memory_space<vmem>>
      tpu.enqueue_dma source(%dma_start3A_78 : memref<112x128xf32, #tpu.memory_space<vmem>>) target(%dma_start3A_75 : memref<112x128xf32, #tpu.memory_space<vmem_shared>>) target_semaphore(%run_scoped3A : memref<!tpu.dma_semaphore, #tpu.memory_space<semaphore_mem>>)
      %dma_wait3A_79 = arith.constant 0 : i32
      %dma_wait3A_80 = arith.constant 0 : i32
      %dma_wait3A_81 = tpu.memref_slice %arg13[%dma_wait3A_79, %dma_wait3A_80] : memref<128x128xf32, #tpu.memory_space<vmem>> -> memref<112x128xf32, #tpu.memory_space<vmem>>
      %dma_wait3A_82 = arith.constant 0 : i32
      %dma_wait3A_83 = tpu.memref_slice %arg8[%add3A_14, %dma_wait3A_82] : memref<10000x128xf32, #tpu.memory_space<vmem_shared>> -> memref<112x128xf32, #tpu.memory_space<vmem_shared>>
      %dma_wait3A_84 = arith.constant 0 : i32
      %dma_wait3A_85 = tpu.memref_slice %arg8[%add3A_14, %dma_wait3A_84] : memref<10000x128xf32, #tpu.memory_space<vmem_shared>> -> memref<112x128xf32, #tpu.memory_space<vmem_shared>>
      %dma_wait3A_86 = arith.constant 0 : i32
      %dma_wait3A_87 = arith.constant 0 : i32
      %dma_wait3A_88 = tpu.memref_slice %arg13[%dma_wait3A_86, %dma_wait3A_87] : memref<128x128xf32, #tpu.memory_space<vmem>> -> memref<112x128xf32, #tpu.memory_space<vmem>>
      tpu.wait_dma2 semaphore(%run_scoped3A : memref<!tpu.dma_semaphore, #tpu.memory_space<semaphore_mem>>) src(%dma_wait3A_88 : memref<112x128xf32, #tpu.memory_space<vmem>>) dst(%dma_wait3A_85 : memref<112x128xf32, #tpu.memory_space<vmem_shared>>)
      tpu.yield
    }) : () -> ()
    %eq3A = arith.constant 15 : i32
    %eq3A_15 = arith.cmpi eq, %arg1, %eq3A : i32
    %convert_element_type3A = arith.extui %eq3A_15 : i1 to i32
    %cond3A = arith.constant 0 : i32
    %cond3A_16 = arith.cmpi ne, %convert_element_type3A, %cond3A : i32
    scf.if %cond3A_16 {
      "tpu.region"() ({
        %run_scoped3A = tpu.sem_alloc : memref<!tpu.dma_semaphore, #tpu.memory_space<semaphore_mem>>
        %dma_start3A_69 = arith.constant 0 : i32
        %dma_start3A_70 = arith.constant 0 : i32
        %dma_start3A_71 = tpu.memref_slice %arg13[%dma_start3A_69, %dma_start3A_70] : memref<128x128xf32, #tpu.memory_space<vmem>> -> memref<16x128xf32, #tpu.memory_space<vmem>>
        %dma_start3A_72 = arith.constant 9984 : i32
        %dma_start3A_73 = arith.constant 0 : i32
        %dma_start3A_74 = tpu.memref_slice %arg8[%dma_start3A_72, %dma_start3A_73] : memref<10000x128xf32, #tpu.memory_space<vmem_shared>> -> memref<16x128xf32, #tpu.memory_space<vmem_shared>>
        %dma_start3A_75 = arith.constant 9984 : i32
        %dma_start3A_76 = arith.constant 0 : i32
        %dma_start3A_77 = tpu.memref_slice %arg8[%dma_start3A_75, %dma_start3A_76] : memref<10000x128xf32, #tpu.memory_space<vmem_shared>> -> memref<16x128xf32, #tpu.memory_space<vmem_shared>>
        %dma_start3A_78 = arith.constant 0 : i32
        %dma_start3A_79 = arith.constant 0 : i32
        %dma_start3A_80 = tpu.memref_slice %arg13[%dma_start3A_78, %dma_start3A_79] : memref<128x128xf32, #tpu.memory_space<vmem>> -> memref<16x128xf32, #tpu.memory_space<vmem>>
        tpu.enqueue_dma source(%dma_start3A_80 : memref<16x128xf32, #tpu.memory_space<vmem>>) target(%dma_start3A_77 : memref<16x128xf32, #tpu.memory_space<vmem_shared>>) target_semaphore(%run_scoped3A : memref<!tpu.dma_semaphore, #tpu.memory_space<semaphore_mem>>)
        %dma_wait3A_81 = arith.constant 0 : i32
        %dma_wait3A_82 = arith.constant 0 : i32
        %dma_wait3A_83 = tpu.memref_slice %arg13[%dma_wait3A_81, %dma_wait3A_82] : memref<128x128xf32, #tpu.memory_space<vmem>> -> memref<16x128xf32, #tpu.memory_space<vmem>>
        %dma_wait3A_84 = arith.constant 9984 : i32
        %dma_wait3A_85 = arith.constant 0 : i32
        %dma_wait3A_86 = tpu.memref_slice %arg8[%dma_wait3A_84, %dma_wait3A_85] : memref<10000x128xf32, #tpu.memory_space<vmem_shared>> -> memref<16x128xf32, #tpu.memory_space<vmem_shared>>
        %dma_wait3A_87 = arith.constant 9984 : i32
        %dma_wait3A_88 = arith.constant 0 : i32
        %dma_wait3A_89 = tpu.memref_slice %arg8[%dma_wait3A_87, %dma_wait3A_88] : memref<10000x128xf32, #tpu.memory_space<vmem_shared>> -> memref<16x128xf32, #tpu.memory_space<vmem_shared>>
        %dma_wait3A_90 = arith.constant 0 : i32
        %dma_wait3A_91 = arith.constant 0 : i32
        %dma_wait3A_92 = tpu.memref_slice %arg13[%dma_wait3A_90, %dma_wait3A_91] : memref<128x128xf32, #tpu.memory_space<vmem>> -> memref<16x128xf32, #tpu.memory_space<vmem>>
        tpu.wait_dma2 semaphore(%run_scoped3A : memref<!tpu.dma_semaphore, #tpu.memory_space<semaphore_mem>>) src(%dma_wait3A_92 : memref<16x128xf32, #tpu.memory_space<vmem>>) dst(%dma_wait3A_89 : memref<16x128xf32, #tpu.memory_space<vmem_shared>>)
        tpu.yield
      }) : () -> ()
    } else {
    }
    %barrier3A = arith.constant 0 : index
    tpu.barrier barrier_id(%barrier3A)
    %mul3A_17 = arith.constant 10240 : i32
    %mul3A_18 = arith.muli %arg1, %mul3A_17 : i32
    %mul3A_19 = arith.constant 80 : i32
    %mul3A_20 = arith.muli %arg1, %mul3A_19 : i32
    %dma_start3A = arith.constant 0 : i32
    %dma_start3A_21 = tpu.memref_slice %arg3[%mul3A_20, %dma_start3A] : memref<1280x128xi32, #tpu.memory_space<hbm>> -> memref<80x128xi32, #tpu.memory_space<hbm>>
    %dma_start3A_22 = arith.constant 0 : i32
    %dma_start3A_23 = tpu.memref_slice %arg3[%mul3A_20, %dma_start3A_22] : memref<1280x128xi32, #tpu.memory_space<hbm>> -> memref<80x128xi32, #tpu.memory_space<hbm>>
    tpu.enqueue_dma source(%dma_start3A_23 : memref<80x128xi32, #tpu.memory_space<hbm>>) target(%arg9 : memref<80x128xi32, #tpu.memory_space<vmem>>) target_semaphore(%arg10 : memref<!tpu.dma_semaphore, #tpu.memory_space<semaphore_mem>>)
    %dma_wait3A = arith.constant 0 : i32
    %dma_wait3A_24 = tpu.memref_slice %arg3[%mul3A_20, %dma_wait3A] : memref<1280x128xi32, #tpu.memory_space<hbm>> -> memref<80x128xi32, #tpu.memory_space<hbm>>
    %dma_wait3A_25 = arith.constant 0 : i32
    %dma_wait3A_26 = tpu.memref_slice %arg3[%mul3A_20, %dma_wait3A_25] : memref<1280x128xi32, #tpu.memory_space<hbm>> -> memref<80x128xi32, #tpu.memory_space<hbm>>
    tpu.wait_dma2 semaphore(%arg10 : memref<!tpu.dma_semaphore, #tpu.memory_space<semaphore_mem>>) src(%dma_wait3A_26 : memref<80x128xi32, #tpu.memory_space<hbm>>) dst(%arg9 : memref<80x128xi32, #tpu.memory_space<vmem>>)
    %scan3A_27 = arith.constant 0 : i32
    %scan3A_28 = arith.constant 0 : i32
    %scan3A_29 = arith.constant 80 : i32
    %scan3A_30 = arith.addi %scan3A_28, %scan3A_29 : i32
    %scan3A_31 = arith.constant 1 : i32
    scf.for %scan3A_69 = %scan3A_28 to %scan3A_30 step %scan3A_31  : i32 {
      %get3A = arith.index_cast %scan3A_69 : i32 to index
      %get3A_70 = arith.constant 0 : index
      %get3A_71 = tpu.vector_load %arg9[%get3A, %get3A_70] {strides = array<i32>} : memref<80x128xi32, #tpu.memory_space<vmem>>, vector<1x16xi32>,
      %get3A_72 = vector.shape_cast %get3A_71 : vector<1x16xi32> to vector<16xi32>
      %mul3A_73 = arith.constant 2 : i32
      %mul3A_74 = vector.broadcast %mul3A_73 : i32 to vector<16xi32>
      %mul3A_75 = arith.muli %get3A_72, %mul3A_74 : vector<16xi32>
      %add3A_76 = vector.broadcast %arg0 : i32 to vector<16xi32>
      %add3A_77 = arith.addi %mul3A_75, %add3A_76 : vector<16xi32>
      %swap3A = arith.index_cast %scan3A_69 : i32 to index
      %swap3A_78 = arith.constant 0 : index
      %swap3A_79 = tpu.vector_load %arg9[%swap3A, %swap3A_78] {strides = array<i32>} : memref<80x128xi32, #tpu.memory_space<vmem>>, vector<1x16xi32>,
      %swap3A_80 = vector.shape_cast %swap3A_79 : vector<1x16xi32> to vector<16xi32>
      %swap3A_81 = vector.shape_cast %add3A_77 : vector<16xi32> to vector<1x16xi32>
      tpu.vector_store %arg9[%swap3A, %swap3A_78], %swap3A_81 {strides = array<i32>} : memref<80x128xi32, #tpu.memory_space<vmem>>, vector<1x16xi32>,
      %get3A_82 = arith.index_cast %scan3A_69 : i32 to index
      %get3A_83 = arith.constant 16 : index
      %get3A_84 = tpu.vector_load %arg9[%get3A_82, %get3A_83] {strides = array<i32>} : memref<80x128xi32, #tpu.memory_space<vmem>>, vector<1x16xi32>,
      %get3A_85 = vector.shape_cast %get3A_84 : vector<1x16xi32> to vector<16xi32>
      %mul3A_86 = arith.constant 2 : i32
      %mul3A_87 = vector.broadcast %mul3A_86 : i32 to vector<16xi32>
      %mul3A_88 = arith.muli %get3A_85, %mul3A_87 : vector<16xi32>
      %add3A_89 = vector.broadcast %arg0 : i32 to vector<16xi32>
      %add3A_90 = arith.addi %mul3A_88, %add3A_89 : vector<16xi32>
      %swap3A_91 = arith.index_cast %scan3A_69 : i32 to index
      %swap3A_92 = arith.constant 16 : index
      %swap3A_93 = tpu.vector_load %arg9[%swap3A_91, %swap3A_92] {strides = array<i32>} : memref<80x128xi32, #tpu.memory_space<vmem>>, vector<1x16xi32>,
      %swap3A_94 = vector.shape_cast %swap3A_93 : vector<1x16xi32> to vector<16xi32>
      %swap3A_95 = vector.shape_cast %add3A_90 : vector<16xi32> to vector<1x16xi32>
      tpu.vector_store %arg9[%swap3A_91, %swap3A_92], %swap3A_95 {strides = array<i32>} : memref<80x128xi32, #tpu.memory_space<vmem>>, vector<1x16xi32>,
      %get3A_96 = arith.index_cast %scan3A_69 : i32 to index
      %get3A_97 = arith.constant 32 : index
      %get3A_98 = tpu.vector_load %arg9[%get3A_96, %get3A_97] {strides = array<i32>} : memref<80x128xi32, #tpu.memory_space<vmem>>, vector<1x16xi32>,
      %get3A_99 = vector.shape_cast %get3A_98 : vector<1x16xi32> to vector<16xi32>
      %mul3A_100 = arith.constant 2 : i32
      %mul3A_101 = vector.broadcast %mul3A_100 : i32 to vector<16xi32>
      %mul3A_102 = arith.muli %get3A_99, %mul3A_101 : vector<16xi32>
      %add3A_103 = vector.broadcast %arg0 : i32 to vector<16xi32>
      %add3A_104 = arith.addi %mul3A_102, %add3A_103 : vector<16xi32>
      %swap3A_105 = arith.index_cast %scan3A_69 : i32 to index
      %swap3A_106 = arith.constant 32 : index
      %swap3A_107 = tpu.vector_load %arg9[%swap3A_105, %swap3A_106] {strides = array<i32>} : memref<80x128xi32, #tpu.memory_space<vmem>>, vector<1x16xi32>,
      %swap3A_108 = vector.shape_cast %swap3A_107 : vector<1x16xi32> to vector<16xi32>
      %swap3A_109 = vector.shape_cast %add3A_104 : vector<16xi32> to vector<1x16xi32>
      tpu.vector_store %arg9[%swap3A_105, %swap3A_106], %swap3A_109 {strides = array<i32>} : memref<80x128xi32, #tpu.memory_space<vmem>>, vector<1x16xi32>,
      %get3A_110 = arith.index_cast %scan3A_69 : i32 to index
      %get3A_111 = arith.constant 48 : index
      %get3A_112 = tpu.vector_load %arg9[%get3A_110, %get3A_111] {strides = array<i32>} : memref<80x128xi32, #tpu.memory_space<vmem>>, vector<1x16xi32>,
      %get3A_113 = vector.shape_cast %get3A_112 : vector<1x16xi32> to vector<16xi32>
      %mul3A_114 = arith.constant 2 : i32
      %mul3A_115 = vector.broadcast %mul3A_114 : i32 to vector<16xi32>
      %mul3A_116 = arith.muli %get3A_113, %mul3A_115 : vector<16xi32>
      %add3A_117 = vector.broadcast %arg0 : i32 to vector<16xi32>
      %add3A_118 = arith.addi %mul3A_116, %add3A_117 : vector<16xi32>
      %swap3A_119 = arith.index_cast %scan3A_69 : i32 to index
      %swap3A_120 = arith.constant 48 : index
      %swap3A_121 = tpu.vector_load %arg9[%swap3A_119, %swap3A_120] {strides = array<i32>} : memref<80x128xi32, #tpu.memory_space<vmem>>, vector<1x16xi32>,
      %swap3A_122 = vector.shape_cast %swap3A_121 : vector<1x16xi32> to vector<16xi32>
      %swap3A_123 = vector.shape_cast %add3A_118 : vector<16xi32> to vector<1x16xi32>
      tpu.vector_store %arg9[%swap3A_119, %swap3A_120], %swap3A_123 {strides = array<i32>} : memref<80x128xi32, #tpu.memory_space<vmem>>, vector<1x16xi32>,
      %get3A_124 = arith.index_cast %scan3A_69 : i32 to index
      %get3A_125 = arith.constant 64 : index
      %get3A_126 = tpu.vector_load %arg9[%get3A_124, %get3A_125] {strides = array<i32>} : memref<80x128xi32, #tpu.memory_space<vmem>>, vector<1x16xi32>,
      %get3A_127 = vector.shape_cast %get3A_126 : vector<1x16xi32> to vector<16xi32>
      %mul3A_128 = arith.constant 2 : i32
      %mul3A_129 = vector.broadcast %mul3A_128 : i32 to vector<16xi32>
      %mul3A_130 = arith.muli %get3A_127, %mul3A_129 : vector<16xi32>
      %add3A_131 = vector.broadcast %arg0 : i32 to vector<16xi32>
      %add3A_132 = arith.addi %mul3A_130, %add3A_131 : vector<16xi32>
      %swap3A_133 = arith.index_cast %scan3A_69 : i32 to index
      %swap3A_134 = arith.constant 64 : index
      %swap3A_135 = tpu.vector_load %arg9[%swap3A_133, %swap3A_134] {strides = array<i32>} : memref<80x128xi32, #tpu.memory_space<vmem>>, vector<1x16xi32>,
      %swap3A_136 = vector.shape_cast %swap3A_135 : vector<1x16xi32> to vector<16xi32>
      %swap3A_137 = vector.shape_cast %add3A_132 : vector<16xi32> to vector<1x16xi32>
      tpu.vector_store %arg9[%swap3A_133, %swap3A_134], %swap3A_137 {strides = array<i32>} : memref<80x128xi32, #tpu.memory_space<vmem>>, vector<1x16xi32>,
      %get3A_138 = arith.index_cast %scan3A_69 : i32 to index
      %get3A_139 = arith.constant 80 : index
      %get3A_140 = tpu.vector_load %arg9[%get3A_138, %get3A_139] {strides = array<i32>} : memref<80x128xi32, #tpu.memory_space<vmem>>, vector<1x16xi32>,
      %get3A_141 = vector.shape_cast %get3A_140 : vector<1x16xi32> to vector<16xi32>
      %mul3A_142 = arith.constant 2 : i32
      %mul3A_143 = vector.broadcast %mul3A_142 : i32 to vector<16xi32>
      %mul3A_144 = arith.muli %get3A_141, %mul3A_143 : vector<16xi32>
      %add3A_145 = vector.broadcast %arg0 : i32 to vector<16xi32>
      %add3A_146 = arith.addi %mul3A_144, %add3A_145 : vector<16xi32>
      %swap3A_147 = arith.index_cast %scan3A_69 : i32 to index
      %swap3A_148 = arith.constant 80 : index
      %swap3A_149 = tpu.vector_load %arg9[%swap3A_147, %swap3A_148] {strides = array<i32>} : memref<80x128xi32, #tpu.memory_space<vmem>>, vector<1x16xi32>,
      %swap3A_150 = vector.shape_cast %swap3A_149 : vector<1x16xi32> to vector<16xi32>
      %swap3A_151 = vector.shape_cast %add3A_146 : vector<16xi32> to vector<1x16xi32>
      tpu.vector_store %arg9[%swap3A_147, %swap3A_148], %swap3A_151 {strides = array<i32>} : memref<80x128xi32, #tpu.memory_space<vmem>>, vector<1x16xi32>,
      %get3A_152 = arith.index_cast %scan3A_69 : i32 to index
      %get3A_153 = arith.constant 96 : index
      %get3A_154 = tpu.vector_load %arg9[%get3A_152, %get3A_153] {strides = array<i32>} : memref<80x128xi32, #tpu.memory_space<vmem>>, vector<1x16xi32>,
      %get3A_155 = vector.shape_cast %get3A_154 : vector<1x16xi32> to vector<16xi32>
      %mul3A_156 = arith.constant 2 : i32
      %mul3A_157 = vector.broadcast %mul3A_156 : i32 to vector<16xi32>
      %mul3A_158 = arith.muli %get3A_155, %mul3A_157 : vector<16xi32>
      %add3A_159 = vector.broadcast %arg0 : i32 to vector<16xi32>
      %add3A_160 = arith.addi %mul3A_158, %add3A_159 : vector<16xi32>
      %swap3A_161 = arith.index_cast %scan3A_69 : i32 to index
      %swap3A_162 = arith.constant 96 : index
      %swap3A_163 = tpu.vector_load %arg9[%swap3A_161, %swap3A_162] {strides = array<i32>} : memref<80x128xi32, #tpu.memory_space<vmem>>, vector<1x16xi32>,
      %swap3A_164 = vector.shape_cast %swap3A_163 : vector<1x16xi32> to vector<16xi32>
      %swap3A_165 = vector.shape_cast %add3A_160 : vector<16xi32> to vector<1x16xi32>
      tpu.vector_store %arg9[%swap3A_161, %swap3A_162], %swap3A_165 {strides = array<i32>} : memref<80x128xi32, #tpu.memory_space<vmem>>, vector<1x16xi32>,
      %get3A_166 = arith.index_cast %scan3A_69 : i32 to index
      %get3A_167 = arith.constant 112 : index
      %get3A_168 = tpu.vector_load %arg9[%get3A_166, %get3A_167] {strides = array<i32>} : memref<80x128xi32, #tpu.memory_space<vmem>>, vector<1x16xi32>,
      %get3A_169 = vector.shape_cast %get3A_168 : vector<1x16xi32> to vector<16xi32>
      %mul3A_170 = arith.constant 2 : i32
      %mul3A_171 = vector.broadcast %mul3A_170 : i32 to vector<16xi32>
      %mul3A_172 = arith.muli %get3A_169, %mul3A_171 : vector<16xi32>
      %add3A_173 = vector.broadcast %arg0 : i32 to vector<16xi32>
      %add3A_174 = arith.addi %mul3A_172, %add3A_173 : vector<16xi32>
      %swap3A_175 = arith.index_cast %scan3A_69 : i32 to index
      %swap3A_176 = arith.constant 112 : index
      %swap3A_177 = tpu.vector_load %arg9[%swap3A_175, %swap3A_176] {strides = array<i32>} : memref<80x128xi32, #tpu.memory_space<vmem>>, vector<1x16xi32>,
      %swap3A_178 = vector.shape_cast %swap3A_177 : vector<1x16xi32> to vector<16xi32>
      %swap3A_179 = vector.shape_cast %add3A_174 : vector<16xi32> to vector<1x16xi32>
      tpu.vector_store %arg9[%swap3A_175, %swap3A_176], %swap3A_179 {strides = array<i32>} : memref<80x128xi32, #tpu.memory_space<vmem>>, vector<1x16xi32>,
    }
    %scan3A_32 = arith.constant 80 : i32
    %add3A_33 = arith.constant 0 : i32
    %add3A_34 = arith.addi %mul3A_18, %add3A_33 : i32
    %dma_start3A_35 = tpu.memref_slice %arg4[%add3A_34] : memref<163840xi32, #tpu.memory_space<hbm>> -> memref<128xi32, #tpu.memory_space<hbm>>
    %dma_start3A_36 = tpu.memref_slice %arg4[%add3A_34] : memref<163840xi32, #tpu.memory_space<hbm>> -> memref<128xi32, #tpu.memory_space<hbm>>
    tpu.enqueue_dma source(%dma_start3A_36 : memref<128xi32, #tpu.memory_space<hbm>>) target(%arg11 : memref<128xi32, #tpu.memory_space<vmem>>) target_semaphore(%arg14 : memref<!tpu.dma_semaphore, #tpu.memory_space<semaphore_mem>>)
    %dma_start3A_37 = tpu.memref_slice %arg5[%add3A_34] : memref<163840xf32, #tpu.memory_space<hbm>> -> memref<128xf32, #tpu.memory_space<hbm>>
    %dma_start3A_38 = tpu.memref_slice %arg5[%add3A_34] : memref<163840xf32, #tpu.memory_space<hbm>> -> memref<128xf32, #tpu.memory_space<hbm>>
    tpu.enqueue_dma source(%dma_start3A_38 : memref<128xf32, #tpu.memory_space<hbm>>) target(%arg12 : memref<128xf32, #tpu.memory_space<vmem>>) target_semaphore(%arg14 : memref<!tpu.dma_semaphore, #tpu.memory_space<semaphore_mem>>)
    %dma_start3A_39 = arith.constant 0 : i32
    %dma_start3A_40 = arith.constant 0 : i32
    %dma_start3A_41 = tpu.memref_slice %arg9[%dma_start3A_39, %dma_start3A_40] : memref<80x128xi32, #tpu.memory_space<vmem>> -> memref<1x128xi32, #tpu.memory_space<vmem>>
    %dma_start3A_42 = tpu.memref_squeeze %dma_start3A_41 : memref<1x128xi32, #tpu.memory_space<vmem>> -> memref<128xi32, #tpu.memory_space<vmem>>
    %dma_start3A_43 = arith.constant 0 : i32
    %dma_start3A_44 = arith.constant 0 : i32
    %dma_start3A_45 = tpu.memref_slice %arg2[%dma_start3A_43, %dma_start3A_44] : memref<20000x128xf32, #tpu.memory_space<hbm>> -> memref<20000x128xf32, #tpu.memory_space<hbm>>
    tpu.enqueue_indirect_dma source(%dma_start3A_45 : memref<20000x128xf32, #tpu.memory_space<hbm>>) target(%arg13 : memref<128x128xf32, #tpu.memory_space<vmem>>) offsets(%dma_start3A_42 : memref<128xi32, #tpu.memory_space<vmem>>) semaphore(%arg15 : memref<!tpu.dma_semaphore, #tpu.memory_space<semaphore_mem>>)
    %scan3A_46 = arith.constant 0 : i32
    %scan3A_47 = arith.constant 0 : i32
    %scan3A_48 = arith.constant 40 : i32
    %scan3A_49 = arith.addi %scan3A_47, %scan3A_48 : i32
    %scan3A_50 = arith.constant 1 : i32
    scf.for %scan3A_69 = %scan3A_47 to %scan3A_49 step %scan3A_50  : i32 {
      %mul3A_70 = arith.constant 2 : i32
      %mul3A_71 = arith.muli %scan3A_69, %mul3A_70 : i32
      %add3A_72 = arith.constant 0 : i32
      %add3A_73 = arith.addi %mul3A_71, %add3A_72 : i32
      %add3A_74 = arith.constant 1 : i32
      %add3A_75 = arith.addi %add3A_73, %add3A_74 : i32
      %dma_wait3A_76 = arith.constant 0 : i32
      %dma_wait3A_77 = tpu.memref_slice %arg9[%add3A_73, %dma_wait3A_76] : memref<80x128xi32, #tpu.memory_space<vmem>> -> memref<1x128xi32, #tpu.memory_space<vmem>>
      %dma_wait3A_78 = tpu.memref_squeeze %dma_wait3A_77 : memref<1x128xi32, #tpu.memory_space<vmem>> -> memref<128xi32, #tpu.memory_space<vmem>>
      %dma_wait3A_79 = arith.constant 0 : i32
      %dma_wait3A_80 = arith.constant 0 : i32
      %dma_wait3A_81 = tpu.memref_slice %arg2[%dma_wait3A_79, %dma_wait3A_80] : memref<20000x128xf32, #tpu.memory_space<hbm>> -> memref<20000x128xf32, #tpu.memory_space<hbm>>
      tpu.wait_indirect_dma semaphore(%arg15 : memref<!tpu.dma_semaphore, #tpu.memory_space<semaphore_mem>>) src(%dma_wait3A_81 : memref<20000x128xf32, #tpu.memory_space<hbm>>) dst(%arg13 : memref<128x128xf32, #tpu.memory_space<vmem>>)
      %lt3A = arith.constant 80 : i32
      %lt3A_82 = arith.cmpi slt, %add3A_75, %lt3A : i32
      %convert_element_type3A_83 = arith.extui %lt3A_82 : i1 to i32
      %cond3A_84 = arith.constant 0 : i32
      %cond3A_85 = arith.cmpi ne, %convert_element_type3A_83, %cond3A_84 : i32
      scf.if %cond3A_85 {
        %ge3A = arith.constant 2 : i32
        %ge3A_135 = arith.cmpi sge, %add3A_75, %ge3A : i32
        %convert_element_type3A_136 = arith.extui %ge3A_135 : i1 to i32
        %cond3A_137 = arith.constant 0 : i32
        %cond3A_138 = arith.cmpi ne, %convert_element_type3A_136, %cond3A_137 : i32
        scf.if %cond3A_138 {
          %dma_wait3A_152 = arith.constant 0 : i32
          %dma_wait3A_153 = arith.constant 0 : i32
          %dma_wait3A_154 = tpu.memref_slice %arg8[%dma_wait3A_152, %dma_wait3A_153] : memref<10000x128xf32, #tpu.memory_space<vmem_shared>> -> memref<10000x128xf32, #tpu.memory_space<vmem_shared>>
          tpu.wait_indirect_dma semaphore(%arg22 : memref<!tpu.dma_semaphore, #tpu.memory_space<semaphore_mem>>) src(%arg19 : memref<128x128xf32, #tpu.memory_space<vmem>>) dst(%dma_wait3A_154 : memref<10000x128xf32, #tpu.memory_space<vmem_shared>>)
        } else {
        }
        %mul3A_139 = arith.constant 128 : i32
        %mul3A_140 = arith.muli %add3A_75, %mul3A_139 : i32
        %add3A_141 = arith.addi %mul3A_18, %mul3A_140 : i32
        %dma_start3A_142 = tpu.memref_slice %arg4[%add3A_141] : memref<163840xi32, #tpu.memory_space<hbm>> -> memref<128xi32, #tpu.memory_space<hbm>>
        %dma_start3A_143 = tpu.memref_slice %arg4[%add3A_141] : memref<163840xi32, #tpu.memory_space<hbm>> -> memref<128xi32, #tpu.memory_space<hbm>>
        tpu.enqueue_dma source(%dma_start3A_143 : memref<128xi32, #tpu.memory_space<hbm>>) target(%arg17 : memref<128xi32, #tpu.memory_space<vmem>>) target_semaphore(%arg20 : memref<!tpu.dma_semaphore, #tpu.memory_space<semaphore_mem>>)
        %dma_start3A_144 = tpu.memref_slice %arg5[%add3A_141] : memref<163840xf32, #tpu.memory_space<hbm>> -> memref<128xf32, #tpu.memory_space<hbm>>
        %dma_start3A_145 = tpu.memref_slice %arg5[%add3A_141] : memref<163840xf32, #tpu.memory_space<hbm>> -> memref<128xf32, #tpu.memory_space<hbm>>
        tpu.enqueue_dma source(%dma_start3A_145 : memref<128xf32, #tpu.memory_space<hbm>>) target(%arg18 : memref<128xf32, #tpu.memory_space<vmem>>) target_semaphore(%arg20 : memref<!tpu.dma_semaphore, #tpu.memory_space<semaphore_mem>>)
        %dma_start3A_146 = arith.constant 0 : i32
        %dma_start3A_147 = tpu.memref_slice %arg9[%add3A_75, %dma_start3A_146] : memref<80x128xi32, #tpu.memory_space<vmem>> -> memref<1x128xi32, #tpu.memory_space<vmem>>
        %dma_start3A_148 = tpu.memref_squeeze %dma_start3A_147 : memref<1x128xi32, #tpu.memory_space<vmem>> -> memref<128xi32, #tpu.memory_space<vmem>>
        %dma_start3A_149 = arith.constant 0 : i32
        %dma_start3A_150 = arith.constant 0 : i32
        %dma_start3A_151 = tpu.memref_slice %arg2[%dma_start3A_149, %dma_start3A_150] : memref<20000x128xf32, #tpu.memory_space<hbm>> -> memref<20000x128xf32, #tpu.memory_space<hbm>>
        tpu.enqueue_indirect_dma source(%dma_start3A_151 : memref<20000x128xf32, #tpu.memory_space<hbm>>) target(%arg19 : memref<128x128xf32, #tpu.memory_space<vmem>>) offsets(%dma_start3A_148 : memref<128xi32, #tpu.memory_space<vmem>>) semaphore(%arg21 : memref<!tpu.dma_semaphore, #tpu.memory_space<semaphore_mem>>)
      } else {
      }
      %mul3A_86 = arith.constant 128 : i32
      %mul3A_87 = arith.muli %add3A_73, %mul3A_86 : i32
      %add3A_88 = arith.addi %mul3A_18, %mul3A_87 : i32
      %dma_wait3A_89 = tpu.memref_slice %arg4[%add3A_88] : memref<163840xi32, #tpu.memory_space<hbm>> -> memref<128xi32, #tpu.memory_space<hbm>>
      %dma_wait3A_90 = tpu.memref_slice %arg4[%add3A_88] : memref<163840xi32, #tpu.memory_space<hbm>> -> memref<128xi32, #tpu.memory_space<hbm>>
      tpu.wait_dma2 semaphore(%arg14 : memref<!tpu.dma_semaphore, #tpu.memory_space<semaphore_mem>>) src(%dma_wait3A_90 : memref<128xi32, #tpu.memory_space<hbm>>) dst(%arg11 : memref<128xi32, #tpu.memory_space<vmem>>)
      %dma_wait3A_91 = tpu.memref_slice %arg5[%add3A_88] : memref<163840xf32, #tpu.memory_space<hbm>> -> memref<128xf32, #tpu.memory_space<hbm>>
      %dma_wait3A_92 = tpu.memref_slice %arg5[%add3A_88] : memref<163840xf32, #tpu.memory_space<hbm>> -> memref<128xf32, #tpu.memory_space<hbm>>
      tpu.wait_dma2 semaphore(%arg14 : memref<!tpu.dma_semaphore, #tpu.memory_space<semaphore_mem>>) src(%dma_wait3A_92 : memref<128xf32, #tpu.memory_space<hbm>>) dst(%arg12 : memref<128xf32, #tpu.memory_space<vmem>>)
      %scan3A_93 = arith.constant 0 : i32
      %scan3A_94 = arith.constant 0 : i32
      %scan3A_95 = arith.constant 8 : i32
      %scan3A_96 = arith.addi %scan3A_94, %scan3A_95 : i32
      %scan3A_97 = arith.constant 1 : i32
      scf.for %scan3A_135 = %scan3A_94 to %scan3A_96 step %scan3A_97  : i32 {
        %mul3A_136 = arith.constant 16 : i32
        %mul3A_137 = arith.muli %scan3A_135, %mul3A_136 : i32
        %get3A = arith.index_cast %mul3A_137 : i32 to index
        %get3A_138 = tpu.vector_load %arg12[%get3A] {strides = array<i32>} : memref<128xf32, #tpu.memory_space<vmem>>, vector<16xf32>,
        %get3A_139 = vector.shape_cast %get3A_138 : vector<16xf32> to vector<16xf32>
        %neg3A = arith.constant 0.000000e+00 : f32
        %neg3A_140 = vector.broadcast %neg3A : f32 to vector<16xf32>
        %neg3A_141 = arith.subf %neg3A_140, %get3A_139 : vector<16xf32>
        %exp3A = math.exp %neg3A_141 : vector<16xf32>
        %add3A_142 = arith.constant 1.000000e+00 : f32
        %add3A_143 = vector.broadcast %add3A_142 : f32 to vector<16xf32>
        %add3A_144 = arith.addf %add3A_143, %exp3A : vector<16xf32>
        %div3A = arith.constant 1.000000e+00 : f32
        %div3A_145 = vector.broadcast %div3A : f32 to vector<16xf32>
        %div3A_146 = arith.divf %div3A_145, %add3A_144 : vector<16xf32>
        %broadcast_in_dim3A = arith.constant 0 : i32
        %broadcast_in_dim3A_147 = vector.broadcast %broadcast_in_dim3A : i32 to vector<16x1xi32>
        %gather3A = vector.shape_cast %broadcast_in_dim3A_147 : vector<16x1xi32> to vector<16xi32>
        %gather3A_148 = tpu.dynamic_gather %div3A_146[%gather3A] in [0] : vector<16xf32>, vector<16xi32> -> vector<16xf32>
        %mul3A_149 = arith.constant 16 : i32
        %mul3A_150 = arith.muli %scan3A_135, %mul3A_149 : i32
        %add3A_151 = arith.constant 0 : i32
        %add3A_152 = arith.addi %mul3A_150, %add3A_151 : i32
        %get3A_153 = arith.index_cast %add3A_152 : i32 to index
        %get3A_154 = arith.constant 0 : index
        %get3A_155 = tpu.vector_load %arg13[%get3A_153, %get3A_154] {strides = array<i32>} : memref<128x128xf32, #tpu.memory_space<vmem>>, vector<1x16xf32>,
        %get3A_156 = vector.shape_cast %get3A_155 : vector<1x16xf32> to vector<16xf32>
        %mul3A_157 = arith.mulf %get3A_156, %gather3A_148 : vector<16xf32>
        %swap3A = arith.index_cast %add3A_152 : i32 to index
        %swap3A_158 = arith.constant 0 : index
        %swap3A_159 = tpu.vector_load %arg13[%swap3A, %swap3A_158] {strides = array<i32>} : memref<128x128xf32, #tpu.memory_space<vmem>>, vector<1x16xf32>,
        %swap3A_160 = vector.shape_cast %swap3A_159 : vector<1x16xf32> to vector<16xf32>
        %swap3A_161 = vector.shape_cast %mul3A_157 : vector<16xf32> to vector<1x16xf32>
        tpu.vector_store %arg13[%swap3A, %swap3A_158], %swap3A_161 {strides = array<i32>} : memref<128x128xf32, #tpu.memory_space<vmem>>, vector<1x16xf32>,
        %get3A_162 = arith.index_cast %add3A_152 : i32 to index
        %get3A_163 = arith.constant 16 : index
        %get3A_164 = tpu.vector_load %arg13[%get3A_162, %get3A_163] {strides = array<i32>} : memref<128x128xf32, #tpu.memory_space<vmem>>, vector<1x16xf32>,
        %get3A_165 = vector.shape_cast %get3A_164 : vector<1x16xf32> to vector<16xf32>
        %mul3A_166 = arith.mulf %get3A_165, %gather3A_148 : vector<16xf32>
        %swap3A_167 = arith.index_cast %add3A_152 : i32 to index
        %swap3A_168 = arith.constant 16 : index
        %swap3A_169 = tpu.vector_load %arg13[%swap3A_167, %swap3A_168] {strides = array<i32>} : memref<128x128xf32, #tpu.memory_space<vmem>>, vector<1x16xf32>,
        %swap3A_170 = vector.shape_cast %swap3A_169 : vector<1x16xf32> to vector<16xf32>
        %swap3A_171 = vector.shape_cast %mul3A_166 : vector<16xf32> to vector<1x16xf32>
        tpu.vector_store %arg13[%swap3A_167, %swap3A_168], %swap3A_171 {strides = array<i32>} : memref<128x128xf32, #tpu.memory_space<vmem>>, vector<1x16xf32>,
        %get3A_172 = arith.index_cast %add3A_152 : i32 to index
        %get3A_173 = arith.constant 32 : index
        %get3A_174 = tpu.vector_load %arg13[%get3A_172, %get3A_173] {strides = array<i32>} : memref<128x128xf32, #tpu.memory_space<vmem>>, vector<1x16xf32>,
        %get3A_175 = vector.shape_cast %get3A_174 : vector<1x16xf32> to vector<16xf32>
        %mul3A_176 = arith.mulf %get3A_175, %gather3A_148 : vector<16xf32>
        %swap3A_177 = arith.index_cast %add3A_152 : i32 to index
        %swap3A_178 = arith.constant 32 : index
        %swap3A_179 = tpu.vector_load %arg13[%swap3A_177, %swap3A_178] {strides = array<i32>} : memref<128x128xf32, #tpu.memory_space<vmem>>, vector<1x16xf32>,
        %swap3A_180 = vector.shape_cast %swap3A_179 : vector<1x16xf32> to vector<16xf32>
        %swap3A_181 = vector.shape_cast %mul3A_176 : vector<16xf32> to vector<1x16xf32>
        tpu.vector_store %arg13[%swap3A_177, %swap3A_178], %swap3A_181 {strides = array<i32>} : memref<128x128xf32, #tpu.memory_space<vmem>>, vector<1x16xf32>,
        %get3A_182 = arith.index_cast %add3A_152 : i32 to index
        %get3A_183 = arith.constant 48 : index
        %get3A_184 = tpu.vector_load %arg13[%get3A_182, %get3A_183] {strides = array<i32>} : memref<128x128xf32, #tpu.memory_space<vmem>>, vector<1x16xf32>,
        %get3A_185 = vector.shape_cast %get3A_184 : vector<1x16xf32> to vector<16xf32>
        %mul3A_186 = arith.mulf %get3A_185, %gather3A_148 : vector<16xf32>
        %swap3A_187 = arith.index_cast %add3A_152 : i32 to index
        %swap3A_188 = arith.constant 48 : index
        %swap3A_189 = tpu.vector_load %arg13[%swap3A_187, %swap3A_188] {strides = array<i32>} : memref<128x128xf32, #tpu.memory_space<vmem>>, vector<1x16xf32>,
        %swap3A_190 = vector.shape_cast %swap3A_189 : vector<1x16xf32> to vector<16xf32>
        %swap3A_191 = vector.shape_cast %mul3A_186 : vector<16xf32> to vector<1x16xf32>
        tpu.vector_store %arg13[%swap3A_187, %swap3A_188], %swap3A_191 {strides = array<i32>} : memref<128x128xf32, #tpu.memory_space<vmem>>, vector<1x16xf32>,
        %get3A_192 = arith.index_cast %add3A_152 : i32 to index
        %get3A_193 = arith.constant 64 : index
        %get3A_194 = tpu.vector_load %arg13[%get3A_192, %get3A_193] {strides = array<i32>} : memref<128x128xf32, #tpu.memory_space<vmem>>, vector<1x16xf32>,
        %get3A_195 = vector.shape_cast %get3A_194 : vector<1x16xf32> to vector<16xf32>
        %mul3A_196 = arith.mulf %get3A_195, %gather3A_148 : vector<16xf32>
        %swap3A_197 = arith.index_cast %add3A_152 : i32 to index
        %swap3A_198 = arith.constant 64 : index
        %swap3A_199 = tpu.vector_load %arg13[%swap3A_197, %swap3A_198] {strides = array<i32>} : memref<128x128xf32, #tpu.memory_space<vmem>>, vector<1x16xf32>,
        %swap3A_200 = vector.shape_cast %swap3A_199 : vector<1x16xf32> to vector<16xf32>
        %swap3A_201 = vector.shape_cast %mul3A_196 : vector<16xf32> to vector<1x16xf32>
        tpu.vector_store %arg13[%swap3A_197, %swap3A_198], %swap3A_201 {strides = array<i32>} : memref<128x128xf32, #tpu.memory_space<vmem>>, vector<1x16xf32>,
        %get3A_202 = arith.index_cast %add3A_152 : i32 to index
        %get3A_203 = arith.constant 80 : index
        %get3A_204 = tpu.vector_load %arg13[%get3A_202, %get3A_203] {strides = array<i32>} : memref<128x128xf32, #tpu.memory_space<vmem>>, vector<1x16xf32>,
        %get3A_205 = vector.shape_cast %get3A_204 : vector<1x16xf32> to vector<16xf32>
        %mul3A_206 = arith.mulf %get3A_205, %gather3A_148 : vector<16xf32>
        %swap3A_207 = arith.index_cast %add3A_152 : i32 to index
        %swap3A_208 = arith.constant 80 : index
        %swap3A_209 = tpu.vector_load %arg13[%swap3A_207, %swap3A_208] {strides = array<i32>} : memref<128x128xf32, #tpu.memory_space<vmem>>, vector<1x16xf32>,
        %swap3A_210 = vector.shape_cast %swap3A_209 : vector<1x16xf32> to vector<16xf32>
        %swap3A_211 = vector.shape_cast %mul3A_206 : vector<16xf32> to vector<1x16xf32>
        tpu.vector_store %arg13[%swap3A_207, %swap3A_208], %swap3A_211 {strides = array<i32>} : memref<128x128xf32, #tpu.memory_space<vmem>>, vector<1x16xf32>,
        %get3A_212 = arith.index_cast %add3A_152 : i32 to index
        %get3A_213 = arith.constant 96 : index
        %get3A_214 = tpu.vector_load %arg13[%get3A_212, %get3A_213] {strides = array<i32>} : memref<128x128xf32, #tpu.memory_space<vmem>>, vector<1x16xf32>,
        %get3A_215 = vector.shape_cast %get3A_214 : vector<1x16xf32> to vector<16xf32>
        %mul3A_216 = arith.mulf %get3A_215, %gather3A_148 : vector<16xf32>
        %swap3A_217 = arith.index_cast %add3A_152 : i32 to index
        %swap3A_218 = arith.constant 96 : index
        %swap3A_219 = tpu.vector_load %arg13[%swap3A_217, %swap3A_218] {strides = array<i32>} : memref<128x128xf32, #tpu.memory_space<vmem>>, vector<1x16xf32>,
        %swap3A_220 = vector.shape_cast %swap3A_219 : vector<1x16xf32> to vector<16xf32>
        %swap3A_221 = vector.shape_cast %mul3A_216 : vector<16xf32> to vector<1x16xf32>
        tpu.vector_store %arg13[%swap3A_217, %swap3A_218], %swap3A_221 {strides = array<i32>} : memref<128x128xf32, #tpu.memory_space<vmem>>, vector<1x16xf32>,
        %get3A_222 = arith.index_cast %add3A_152 : i32 to index
        %get3A_223 = arith.constant 112 : index
        %get3A_224 = tpu.vector_load %arg13[%get3A_222, %get3A_223] {strides = array<i32>} : memref<128x128xf32, #tpu.memory_space<vmem>>, vector<1x16xf32>,
        %get3A_225 = vector.shape_cast %get3A_224 : vector<1x16xf32> to vector<16xf32>
        %mul3A_226 = arith.mulf %get3A_225, %gather3A_148 : vector<16xf32>
        %swap3A_227 = arith.index_cast %add3A_152 : i32 to index
        %swap3A_228 = arith.constant 112 : index
        %swap3A_229 = tpu.vector_load %arg13[%swap3A_227, %swap3A_228] {strides = array<i32>} : memref<128x128xf32, #tpu.memory_space<vmem>>, vector<1x16xf32>,
        %swap3A_230 = vector.shape_cast %swap3A_229 : vector<1x16xf32> to vector<16xf32>
        %swap3A_231 = vector.shape_cast %mul3A_226 : vector<16xf32> to vector<1x16xf32>
        tpu.vector_store %arg13[%swap3A_227, %swap3A_228], %swap3A_231 {strides = array<i32>} : memref<128x128xf32, #tpu.memory_space<vmem>>, vector<1x16xf32>,
        %broadcast_in_dim3A_232 = arith.constant 1 : i32
        %broadcast_in_dim3A_233 = vector.broadcast %broadcast_in_dim3A_232 : i32 to vector<16x1xi32>
        %gather3A_234 = vector.shape_cast %broadcast_in_dim3A_233 : vector<16x1xi32> to vector<16xi32>
        %gather3A_235 = tpu.dynamic_gather %div3A_146[%gather3A_234] in [0] : vector<16xf32>, vector<16xi32> -> vector<16xf32>
        %mul3A_236 = arith.constant 16 : i32
        %mul3A_237 = arith.muli %scan3A_135, %mul3A_236 : i32
        %add3A_238 = arith.constant 1 : i32
        %add3A_239 = arith.addi %mul3A_237, %add3A_238 : i32
        %get3A_240 = arith.index_cast %add3A_239 : i32 to index
        %get3A_241 = arith.constant 0 : index
        %get3A_242 = tpu.vector_load %arg13[%get3A_240, %get3A_241] {strides = array<i32>} : memref<128x128xf32, #tpu.memory_space<vmem>>, vector<1x16xf32>,
        %get3A_243 = vector.shape_cast %get3A_242 : vector<1x16xf32> to vector<16xf32>
        %mul3A_244 = arith.mulf %get3A_243, %gather3A_235 : vector<16xf32>
        %swap3A_245 = arith.index_cast %add3A_239 : i32 to index
        %swap3A_246 = arith.constant 0 : index
        %swap3A_247 = tpu.vector_load %arg13[%swap3A_245, %swap3A_246] {strides = array<i32>} : memref<128x128xf32, #tpu.memory_space<vmem>>, vector<1x16xf32>,
        %swap3A_248 = vector.shape_cast %swap3A_247 : vector<1x16xf32> to vector<16xf32>
        %swap3A_249 = vector.shape_cast %mul3A_244 : vector<16xf32> to vector<1x16xf32>
        tpu.vector_store %arg13[%swap3A_245, %swap3A_246], %swap3A_249 {strides = array<i32>} : memref<128x128xf32, #tpu.memory_space<vmem>>, vector<1x16xf32>,
        %get3A_250 = arith.index_cast %add3A_239 : i32 to index
        %get3A_251 = arith.constant 16 : index
        %get3A_252 = tpu.vector_load %arg13[%get3A_250, %get3A_251] {strides = array<i32>} : memref<128x128xf32, #tpu.memory_space<vmem>>, vector<1x16xf32>,
        %get3A_253 = vector.shape_cast %get3A_252 : vector<1x16xf32> to vector<16xf32>
        %mul3A_254 = arith.mulf %get3A_253, %gather3A_235 : vector<16xf32>
        %swap3A_255 = arith.index_cast %add3A_239 : i32 to index
        %swap3A_256 = arith.constant 16 : index
        %swap3A_257 = tpu.vector_load %arg13[%swap3A_255, %swap3A_256] {strides = array<i32>} : memref<128x128xf32, #tpu.memory_space<vmem>>, vector<1x16xf32>,
        %swap3A_258 = vector.shape_cast %swap3A_257 : vector<1x16xf32> to vector<16xf32>
        %swap3A_259 = vector.shape_cast %mul3A_254 : vector<16xf32> to vector<1x16xf32>
        tpu.vector_store %arg13[%swap3A_255, %swap3A_256], %swap3A_259 {strides = array<i32>} : memref<128x128xf32, #tpu.memory_space<vmem>>, vector<1x16xf32>,
        %get3A_260 = arith.index_cast %add3A_239 : i32 to index
        %get3A_261 = arith.constant 32 : index
        %get3A_262 = tpu.vector_load %arg13[%get3A_260, %get3A_261] {strides = array<i32>} : memref<128x128xf32, #tpu.memory_space<vmem>>, vector<1x16xf32>,
        %get3A_263 = vector.shape_cast %get3A_262 : vector<1x16xf32> to vector<16xf32>
        %mul3A_264 = arith.mulf %get3A_263, %gather3A_235 : vector<16xf32>
        %swap3A_265 = arith.index_cast %add3A_239 : i32 to index
        %swap3A_266 = arith.constant 32 : index
        %swap3A_267 = tpu.vector_load %arg13[%swap3A_265, %swap3A_266] {strides = array<i32>} : memref<128x128xf32, #tpu.memory_space<vmem>>, vector<1x16xf32>,
        %swap3A_268 = vector.shape_cast %swap3A_267 : vector<1x16xf32> to vector<16xf32>
        %swap3A_269 = vector.shape_cast %mul3A_264 : vector<16xf32> to vector<1x16xf32>
        tpu.vector_store %arg13[%swap3A_265, %swap3A_266], %swap3A_269 {strides = array<i32>} : memref<128x128xf32, #tpu.memory_space<vmem>>, vector<1x16xf32>,
        %get3A_270 = arith.index_cast %add3A_239 : i32 to index
        %get3A_271 = arith.constant 48 : index
        %get3A_272 = tpu.vector_load %arg13[%get3A_270, %get3A_271] {strides = array<i32>} : memref<128x128xf32, #tpu.memory_space<vmem>>, vector<1x16xf32>,
        %get3A_273 = vector.shape_cast %get3A_272 : vector<1x16xf32> to vector<16xf32>
        %mul3A_274 = arith.mulf %get3A_273, %gather3A_235 : vector<16xf32>
        %swap3A_275 = arith.index_cast %add3A_239 : i32 to index
        %swap3A_276 = arith.constant 48 : index
        %swap3A_277 = tpu.vector_load %arg13[%swap3A_275, %swap3A_276] {strides = array<i32>} : memref<128x128xf32, #tpu.memory_space<vmem>>, vector<1x16xf32>,
        %swap3A_278 = vector.shape_cast %swap3A_277 : vector<1x16xf32> to vector<16xf32>
        %swap3A_279 = vector.shape_cast %mul3A_274 : vector<16xf32> to vector<1x16xf32>
        tpu.vector_store %arg13[%swap3A_275, %swap3A_276], %swap3A_279 {strides = array<i32>} : memref<128x128xf32, #tpu.memory_space<vmem>>, vector<1x16xf32>,
        %get3A_280 = arith.index_cast %add3A_239 : i32 to index
        %get3A_281 = arith.constant 64 : index
        %get3A_282 = tpu.vector_load %arg13[%get3A_280, %get3A_281] {strides = array<i32>} : memref<128x128xf32, #tpu.memory_space<vmem>>, vector<1x16xf32>,
        %get3A_283 = vector.shape_cast %get3A_282 : vector<1x16xf32> to vector<16xf32>
        %mul3A_284 = arith.mulf %get3A_283, %gather3A_235 : vector<16xf32>
        %swap3A_285 = arith.index_cast %add3A_239 : i32 to index
        %swap3A_286 = arith.constant 64 : index
        %swap3A_287 = tpu.vector_load %arg13[%swap3A_285, %swap3A_286] {strides = array<i32>} : memref<128x128xf32, #tpu.memory_space<vmem>>, vector<1x16xf32>,
        %swap3A_288 = vector.shape_cast %swap3A_287 : vector<1x16xf32> to vector<16xf32>
        %swap3A_289 = vector.shape_cast %mul3A_284 : vector<16xf32> to vector<1x16xf32>
        tpu.vector_store %arg13[%swap3A_285, %swap3A_286], %swap3A_289 {strides = array<i32>} : memref<128x128xf32, #tpu.memory_space<vmem>>, vector<1x16xf32>,
        %get3A_290 = arith.index_cast %add3A_239 : i32 to index
        %get3A_291 = arith.constant 80 : index
        %get3A_292 = tpu.vector_load %arg13[%get3A_290, %get3A_291] {strides = array<i32>} : memref<128x128xf32, #tpu.memory_space<vmem>>, vector<1x16xf32>,
        %get3A_293 = vector.shape_cast %get3A_292 : vector<1x16xf32> to vector<16xf32>
        %mul3A_294 = arith.mulf %get3A_293, %gather3A_235 : vector<16xf32>
        %swap3A_295 = arith.index_cast %add3A_239 : i32 to index
        %swap3A_296 = arith.constant 80 : index
        %swap3A_297 = tpu.vector_load %arg13[%swap3A_295, %swap3A_296] {strides = array<i32>} : memref<128x128xf32, #tpu.memory_space<vmem>>, vector<1x16xf32>,
        %swap3A_298 = vector.shape_cast %swap3A_297 : vector<1x16xf32> to vector<16xf32>
        %swap3A_299 = vector.shape_cast %mul3A_294 : vector<16xf32> to vector<1x16xf32>
        tpu.vector_store %arg13[%swap3A_295, %swap3A_296], %swap3A_299 {strides = array<i32>} : memref<128x128xf32, #tpu.memory_space<vmem>>, vector<1x16xf32>,
        %get3A_300 = arith.index_cast %add3A_239 : i32 to index
        %get3A_301 = arith.constant 96 : index
        %get3A_302 = tpu.vector_load %arg13[%get3A_300, %get3A_301] {strides = array<i32>} : memref<128x128xf32, #tpu.memory_space<vmem>>, vector<1x16xf32>,
        %get3A_303 = vector.shape_cast %get3A_302 : vector<1x16xf32> to vector<16xf32>
        %mul3A_304 = arith.mulf %get3A_303, %gather3A_235 : vector<16xf32>
        %swap3A_305 = arith.index_cast %add3A_239 : i32 to index
        %swap3A_306 = arith.constant 96 : index
        %swap3A_307 = tpu.vector_load %arg13[%swap3A_305, %swap3A_306] {strides = array<i32>} : memref<128x128xf32, #tpu.memory_space<vmem>>, vector<1x16xf32>,
        %swap3A_308 = vector.shape_cast %swap3A_307 : vector<1x16xf32> to vector<16xf32>
        %swap3A_309 = vector.shape_cast %mul3A_304 : vector<16xf32> to vector<1x16xf32>
        tpu.vector_store %arg13[%swap3A_305, %swap3A_306], %swap3A_309 {strides = array<i32>} : memref<128x128xf32, #tpu.memory_space<vmem>>, vector<1x16xf32>,
        %get3A_310 = arith.index_cast %add3A_239 : i32 to index
        %get3A_311 = arith.constant 112 : index
        %get3A_312 = tpu.vector_load %arg13[%get3A_310, %get3A_311] {strides = array<i32>} : memref<128x128xf32, #tpu.memory_space<vmem>>, vector<1x16xf32>,
        %get3A_313 = vector.shape_cast %get3A_312 : vector<1x16xf32> to vector<16xf32>
        %mul3A_314 = arith.mulf %get3A_313, %gather3A_235 : vector<16xf32>
        %swap3A_315 = arith.index_cast %add3A_239 : i32 to index
        %swap3A_316 = arith.constant 112 : index
        %swap3A_317 = tpu.vector_load %arg13[%swap3A_315, %swap3A_316] {strides = array<i32>} : memref<128x128xf32, #tpu.memory_space<vmem>>, vector<1x16xf32>,
        %swap3A_318 = vector.shape_cast %swap3A_317 : vector<1x16xf32> to vector<16xf32>
        %swap3A_319 = vector.shape_cast %mul3A_314 : vector<16xf32> to vector<1x16xf32>
        tpu.vector_store %arg13[%swap3A_315, %swap3A_316], %swap3A_319 {strides = array<i32>} : memref<128x128xf32, #tpu.memory_space<vmem>>, vector<1x16xf32>,
        %broadcast_in_dim3A_320 = arith.constant 2 : i32
        %broadcast_in_dim3A_321 = vector.broadcast %broadcast_in_dim3A_320 : i32 to vector<16x1xi32>
        %gather3A_322 = vector.shape_cast %broadcast_in_dim3A_321 : vector<16x1xi32> to vector<16xi32>
        %gather3A_323 = tpu.dynamic_gather %div3A_146[%gather3A_322] in [0] : vector<16xf32>, vector<16xi32> -> vector<16xf32>
        %mul3A_324 = arith.constant 16 : i32
        %mul3A_325 = arith.muli %scan3A_135, %mul3A_324 : i32
        %add3A_326 = arith.constant 2 : i32
        %add3A_327 = arith.addi %mul3A_325, %add3A_326 : i32
        %get3A_328 = arith.index_cast %add3A_327 : i32 to index
        %get3A_329 = arith.constant 0 : index
        %get3A_330 = tpu.vector_load %arg13[%get3A_328, %get3A_329] {strides = array<i32>} : memref<128x128xf32, #tpu.memory_space<vmem>>, vector<1x16xf32>,
        %get3A_331 = vector.shape_cast %get3A_330 : vector<1x16xf32> to vector<16xf32>
        %mul3A_332 = arith.mulf %get3A_331, %gather3A_323 : vector<16xf32>
        %swap3A_333 = arith.index_cast %add3A_327 : i32 to index
        %swap3A_334 = arith.constant 0 : index
        %swap3A_335 = tpu.vector_load %arg13[%swap3A_333, %swap3A_334] {strides = array<i32>} : memref<128x128xf32, #tpu.memory_space<vmem>>, vector<1x16xf32>,
        %swap3A_336 = vector.shape_cast %swap3A_335 : vector<1x16xf32> to vector<16xf32>
        %swap3A_337 = vector.shape_cast %mul3A_332 : vector<16xf32> to vector<1x16xf32>
        tpu.vector_store %arg13[%swap3A_333, %swap3A_334], %swap3A_337 {strides = array<i32>} : memref<128x128xf32, #tpu.memory_space<vmem>>, vector<1x16xf32>,
        %get3A_338 = arith.index_cast %add3A_327 : i32 to index
        %get3A_339 = arith.constant 16 : index
        %get3A_340 = tpu.vector_load %arg13[%get3A_338, %get3A_339] {strides = array<i32>} : memref<128x128xf32, #tpu.memory_space<vmem>>, vector<1x16xf32>,
        %get3A_341 = vector.shape_cast %get3A_340 : vector<1x16xf32> to vector<16xf32>
        %mul3A_342 = arith.mulf %get3A_341, %gather3A_323 : vector<16xf32>
        %swap3A_343 = arith.index_cast %add3A_327 : i32 to index
        %swap3A_344 = arith.constant 16 : index
        %swap3A_345 = tpu.vector_load %arg13[%swap3A_343, %swap3A_344] {strides = array<i32>} : memref<128x128xf32, #tpu.memory_space<vmem>>, vector<1x16xf32>,
        %swap3A_346 = vector.shape_cast %swap3A_345 : vector<1x16xf32> to vector<16xf32>
        %swap3A_347 = vector.shape_cast %mul3A_342 : vector<16xf32> to vector<1x16xf32>
        tpu.vector_store %arg13[%swap3A_343, %swap3A_344], %swap3A_347 {strides = array<i32>} : memref<128x128xf32, #tpu.memory_space<vmem>>, vector<1x16xf32>,
        %get3A_348 = arith.index_cast %add3A_327 : i32 to index
        %get3A_349 = arith.constant 32 : index
        %get3A_350 = tpu.vector_load %arg13[%get3A_348, %get3A_349] {strides = array<i32>} : memref<128x128xf32, #tpu.memory_space<vmem>>, vector<1x16xf32>,
        %get3A_351 = vector.shape_cast %get3A_350 : vector<1x16xf32> to vector<16xf32>
        %mul3A_352 = arith.mulf %get3A_351, %gather3A_323 : vector<16xf32>
        %swap3A_353 = arith.index_cast %add3A_327 : i32 to index
        %swap3A_354 = arith.constant 32 : index
        %swap3A_355 = tpu.vector_load %arg13[%swap3A_353, %swap3A_354] {strides = array<i32>} : memref<128x128xf32, #tpu.memory_space<vmem>>, vector<1x16xf32>,
        %swap3A_356 = vector.shape_cast %swap3A_355 : vector<1x16xf32> to vector<16xf32>
        %swap3A_357 = vector.shape_cast %mul3A_352 : vector<16xf32> to vector<1x16xf32>
        tpu.vector_store %arg13[%swap3A_353, %swap3A_354], %swap3A_357 {strides = array<i32>} : memref<128x128xf32, #tpu.memory_space<vmem>>, vector<1x16xf32>,
        %get3A_358 = arith.index_cast %add3A_327 : i32 to index
        %get3A_359 = arith.constant 48 : index
        %get3A_360 = tpu.vector_load %arg13[%get3A_358, %get3A_359] {strides = array<i32>} : memref<128x128xf32, #tpu.memory_space<vmem>>, vector<1x16xf32>,
        %get3A_361 = vector.shape_cast %get3A_360 : vector<1x16xf32> to vector<16xf32>
        %mul3A_362 = arith.mulf %get3A_361, %gather3A_323 : vector<16xf32>
        %swap3A_363 = arith.index_cast %add3A_327 : i32 to index
        %swap3A_364 = arith.constant 48 : index
        %swap3A_365 = tpu.vector_load %arg13[%swap3A_363, %swap3A_364] {strides = array<i32>} : memref<128x128xf32, #tpu.memory_space<vmem>>, vector<1x16xf32>,
        %swap3A_366 = vector.shape_cast %swap3A_365 : vector<1x16xf32> to vector<16xf32>
        %swap3A_367 = vector.shape_cast %mul3A_362 : vector<16xf32> to vector<1x16xf32>
        tpu.vector_store %arg13[%swap3A_363, %swap3A_364], %swap3A_367 {strides = array<i32>} : memref<128x128xf32, #tpu.memory_space<vmem>>, vector<1x16xf32>,
        %get3A_368 = arith.index_cast %add3A_327 : i32 to index
        %get3A_369 = arith.constant 64 : index
        %get3A_370 = tpu.vector_load %arg13[%get3A_368, %get3A_369] {strides = array<i32>} : memref<128x128xf32, #tpu.memory_space<vmem>>, vector<1x16xf32>,
        %get3A_371 = vector.shape_cast %get3A_370 : vector<1x16xf32> to vector<16xf32>
        %mul3A_372 = arith.mulf %get3A_371, %gather3A_323 : vector<16xf32>
        %swap3A_373 = arith.index_cast %add3A_327 : i32 to index
        %swap3A_374 = arith.constant 64 : index
        %swap3A_375 = tpu.vector_load %arg13[%swap3A_373, %swap3A_374] {strides = array<i32>} : memref<128x128xf32, #tpu.memory_space<vmem>>, vector<1x16xf32>,
        %swap3A_376 = vector.shape_cast %swap3A_375 : vector<1x16xf32> to vector<16xf32>
        %swap3A_377 = vector.shape_cast %mul3A_372 : vector<16xf32> to vector<1x16xf32>
        tpu.vector_store %arg13[%swap3A_373, %swap3A_374], %swap3A_377 {strides = array<i32>} : memref<128x128xf32, #tpu.memory_space<vmem>>, vector<1x16xf32>,
        %get3A_378 = arith.index_cast %add3A_327 : i32 to index
        %get3A_379 = arith.constant 80 : index
        %get3A_380 = tpu.vector_load %arg13[%get3A_378, %get3A_379] {strides = array<i32>} : memref<128x128xf32, #tpu.memory_space<vmem>>, vector<1x16xf32>,
        %get3A_381 = vector.shape_cast %get3A_380 : vector<1x16xf32> to vector<16xf32>
        %mul3A_382 = arith.mulf %get3A_381, %gather3A_323 : vector<16xf32>
        %swap3A_383 = arith.index_cast %add3A_327 : i32 to index
        %swap3A_384 = arith.constant 80 : index
        %swap3A_385 = tpu.vector_load %arg13[%swap3A_383, %swap3A_384] {strides = array<i32>} : memref<128x128xf32, #tpu.memory_space<vmem>>, vector<1x16xf32>,
        %swap3A_386 = vector.shape_cast %swap3A_385 : vector<1x16xf32> to vector<16xf32>
        %swap3A_387 = vector.shape_cast %mul3A_382 : vector<16xf32> to vector<1x16xf32>
        tpu.vector_store %arg13[%swap3A_383, %swap3A_384], %swap3A_387 {strides = array<i32>} : memref<128x128xf32, #tpu.memory_space<vmem>>, vector<1x16xf32>,
        %get3A_388 = arith.index_cast %add3A_327 : i32 to index
        %get3A_389 = arith.constant 96 : index
        %get3A_390 = tpu.vector_load %arg13[%get3A_388, %get3A_389] {strides = array<i32>} : memref<128x128xf32, #tpu.memory_space<vmem>>, vector<1x16xf32>,
        %get3A_391 = vector.shape_cast %get3A_390 : vector<1x16xf32> to vector<16xf32>
        %mul3A_392 = arith.mulf %get3A_391, %gather3A_323 : vector<16xf32>
        %swap3A_393 = arith.index_cast %add3A_327 : i32 to index
        %swap3A_394 = arith.constant 96 : index
        %swap3A_395 = tpu.vector_load %arg13[%swap3A_393, %swap3A_394] {strides = array<i32>} : memref<128x128xf32, #tpu.memory_space<vmem>>, vector<1x16xf32>,
        %swap3A_396 = vector.shape_cast %swap3A_395 : vector<1x16xf32> to vector<16xf32>
        %swap3A_397 = vector.shape_cast %mul3A_392 : vector<16xf32> to vector<1x16xf32>
        tpu.vector_store %arg13[%swap3A_393, %swap3A_394], %swap3A_397 {strides = array<i32>} : memref<128x128xf32, #tpu.memory_space<vmem>>, vector<1x16xf32>,
        %get3A_398 = arith.index_cast %add3A_327 : i32 to index
        %get3A_399 = arith.constant 112 : index
        %get3A_400 = tpu.vector_load %arg13[%get3A_398, %get3A_399] {strides = array<i32>} : memref<128x128xf32, #tpu.memory_space<vmem>>, vector<1x16xf32>,
        %get3A_401 = vector.shape_cast %get3A_400 : vector<1x16xf32> to vector<16xf32>
        %mul3A_402 = arith.mulf %get3A_401, %gather3A_323 : vector<16xf32>
        %swap3A_403 = arith.index_cast %add3A_327 : i32 to index
        %swap3A_404 = arith.constant 112 : index
        %swap3A_405 = tpu.vector_load %arg13[%swap3A_403, %swap3A_404] {strides = array<i32>} : memref<128x128xf32, #tpu.memory_space<vmem>>, vector<1x16xf32>,
        %swap3A_406 = vector.shape_cast %swap3A_405 : vector<1x16xf32> to vector<16xf32>
        %swap3A_407 = vector.shape_cast %mul3A_402 : vector<16xf32> to vector<1x16xf32>
        tpu.vector_store %arg13[%swap3A_403, %swap3A_404], %swap3A_407 {strides = array<i32>} : memref<128x128xf32, #tpu.memory_space<vmem>>, vector<1x16xf32>,
        %broadcast_in_dim3A_408 = arith.constant 3 : i32
        %broadcast_in_dim3A_409 = vector.broadcast %broadcast_in_dim3A_408 : i32 to vector<16x1xi32>
        %gather3A_410 = vector.shape_cast %broadcast_in_dim3A_409 : vector<16x1xi32> to vector<16xi32>
        %gather3A_411 = tpu.dynamic_gather %div3A_146[%gather3A_410] in [0] : vector<16xf32>, vector<16xi32> -> vector<16xf32>
        %mul3A_412 = arith.constant 16 : i32
        %mul3A_413 = arith.muli %scan3A_135, %mul3A_412 : i32
        %add3A_414 = arith.constant 3 : i32
        %add3A_415 = arith.addi %mul3A_413, %add3A_414 : i32
        %get3A_416 = arith.index_cast %add3A_415 : i32 to index
        %get3A_417 = arith.constant 0 : index
        %get3A_418 = tpu.vector_load %arg13[%get3A_416, %get3A_417] {strides = array<i32>} : memref<128x128xf32, #tpu.memory_space<vmem>>, vector<1x16xf32>,
        %get3A_419 = vector.shape_cast %get3A_418 : vector<1x16xf32> to vector<16xf32>
        %mul3A_420 = arith.mulf %get3A_419, %gather3A_411 : vector<16xf32>
        %swap3A_421 = arith.index_cast %add3A_415 : i32 to index
        %swap3A_422 = arith.constant 0 : index
        %swap3A_423 = tpu.vector_load %arg13[%swap3A_421, %swap3A_422] {strides = array<i32>} : memref<128x128xf32, #tpu.memory_space<vmem>>, vector<1x16xf32>,
        %swap3A_424 = vector.shape_cast %swap3A_423 : vector<1x16xf32> to vector<16xf32>
        %swap3A_425 = vector.shape_cast %mul3A_420 : vector<16xf32> to vector<1x16xf32>
        tpu.vector_store %arg13[%swap3A_421, %swap3A_422], %swap3A_425 {strides = array<i32>} : memref<128x128xf32, #tpu.memory_space<vmem>>, vector<1x16xf32>,
        %get3A_426 = arith.index_cast %add3A_415 : i32 to index
        %get3A_427 = arith.constant 16 : index
        %get3A_428 = tpu.vector_load %arg13[%get3A_426, %get3A_427] {strides = array<i32>} : memref<128x128xf32, #tpu.memory_space<vmem>>, vector<1x16xf32>,
        %get3A_429 = vector.shape_cast %get3A_428 : vector<1x16xf32> to vector<16xf32>
        %mul3A_430 = arith.mulf %get3A_429, %gather3A_411 : vector<16xf32>
        %swap3A_431 = arith.index_cast %add3A_415 : i32 to index
        %swap3A_432 = arith.constant 16 : index
        %swap3A_433 = tpu.vector_load %arg13[%swap3A_431, %swap3A_432] {strides = array<i32>} : memref<128x128xf32, #tpu.memory_space<vmem>>, vector<1x16xf32>,
        %swap3A_434 = vector.shape_cast %swap3A_433 : vector<1x16xf32> to vector<16xf32>
        %swap3A_435 = vector.shape_cast %mul3A_430 : vector<16xf32> to vector<1x16xf32>
        tpu.vector_store %arg13[%swap3A_431, %swap3A_432], %swap3A_435 {strides = array<i32>} : memref<128x128xf32, #tpu.memory_space<vmem>>, vector<1x16xf32>,
        %get3A_436 = arith.index_cast %add3A_415 : i32 to index
        %get3A_437 = arith.constant 32 : index
        %get3A_438 = tpu.vector_load %arg13[%get3A_436, %get3A_437] {strides = array<i32>} : memref<128x128xf32, #tpu.memory_space<vmem>>, vector<1x16xf32>,
        %get3A_439 = vector.shape_cast %get3A_438 : vector<1x16xf32> to vector<16xf32>
        %mul3A_440 = arith.mulf %get3A_439, %gather3A_411 : vector<16xf32>
        %swap3A_441 = arith.index_cast %add3A_415 : i32 to index
        %swap3A_442 = arith.constant 32 : index
        %swap3A_443 = tpu.vector_load %arg13[%swap3A_441, %swap3A_442] {strides = array<i32>} : memref<128x128xf32, #tpu.memory_space<vmem>>, vector<1x16xf32>,
        %swap3A_444 = vector.shape_cast %swap3A_443 : vector<1x16xf32> to vector<16xf32>
        %swap3A_445 = vector.shape_cast %mul3A_440 : vector<16xf32> to vector<1x16xf32>
        tpu.vector_store %arg13[%swap3A_441, %swap3A_442], %swap3A_445 {strides = array<i32>} : memref<128x128xf32, #tpu.memory_space<vmem>>, vector<1x16xf32>,
        %get3A_446 = arith.index_cast %add3A_415 : i32 to index
        %get3A_447 = arith.constant 48 : index
        %get3A_448 = tpu.vector_load %arg13[%get3A_446, %get3A_447] {strides = array<i32>} : memref<128x128xf32, #tpu.memory_space<vmem>>, vector<1x16xf32>,
        %get3A_449 = vector.shape_cast %get3A_448 : vector<1x16xf32> to vector<16xf32>
        %mul3A_450 = arith.mulf %get3A_449, %gather3A_411 : vector<16xf32>
        %swap3A_451 = arith.index_cast %add3A_415 : i32 to index
        %swap3A_452 = arith.constant 48 : index
        %swap3A_453 = tpu.vector_load %arg13[%swap3A_451, %swap3A_452] {strides = array<i32>} : memref<128x128xf32, #tpu.memory_space<vmem>>, vector<1x16xf32>,
        %swap3A_454 = vector.shape_cast %swap3A_453 : vector<1x16xf32> to vector<16xf32>
        %swap3A_455 = vector.shape_cast %mul3A_450 : vector<16xf32> to vector<1x16xf32>
        tpu.vector_store %arg13[%swap3A_451, %swap3A_452], %swap3A_455 {strides = array<i32>} : memref<128x128xf32, #tpu.memory_space<vmem>>, vector<1x16xf32>,
        %get3A_456 = arith.index_cast %add3A_415 : i32 to index
        %get3A_457 = arith.constant 64 : index
        %get3A_458 = tpu.vector_load %arg13[%get3A_456, %get3A_457] {strides = array<i32>} : memref<128x128xf32, #tpu.memory_space<vmem>>, vector<1x16xf32>,
        %get3A_459 = vector.shape_cast %get3A_458 : vector<1x16xf32> to vector<16xf32>
        %mul3A_460 = arith.mulf %get3A_459, %gather3A_411 : vector<16xf32>
        %swap3A_461 = arith.index_cast %add3A_415 : i32 to index
        %swap3A_462 = arith.constant 64 : index
        %swap3A_463 = tpu.vector_load %arg13[%swap3A_461, %swap3A_462] {strides = array<i32>} : memref<128x128xf32, #tpu.memory_space<vmem>>, vector<1x16xf32>,
        %swap3A_464 = vector.shape_cast %swap3A_463 : vector<1x16xf32> to vector<16xf32>
        %swap3A_465 = vector.shape_cast %mul3A_460 : vector<16xf32> to vector<1x16xf32>
        tpu.vector_store %arg13[%swap3A_461, %swap3A_462], %swap3A_465 {strides = array<i32>} : memref<128x128xf32, #tpu.memory_space<vmem>>, vector<1x16xf32>,
        %get3A_466 = arith.index_cast %add3A_415 : i32 to index
        %get3A_467 = arith.constant 80 : index
        %get3A_468 = tpu.vector_load %arg13[%get3A_466, %get3A_467] {strides = array<i32>} : memref<128x128xf32, #tpu.memory_space<vmem>>, vector<1x16xf32>,
        %get3A_469 = vector.shape_cast %get3A_468 : vector<1x16xf32> to vector<16xf32>
        %mul3A_470 = arith.mulf %get3A_469, %gather3A_411 : vector<16xf32>
        %swap3A_471 = arith.index_cast %add3A_415 : i32 to index
        %swap3A_472 = arith.constant 80 : index
        %swap3A_473 = tpu.vector_load %arg13[%swap3A_471, %swap3A_472] {strides = array<i32>} : memref<128x128xf32, #tpu.memory_space<vmem>>, vector<1x16xf32>,
        %swap3A_474 = vector.shape_cast %swap3A_473 : vector<1x16xf32> to vector<16xf32>
        %swap3A_475 = vector.shape_cast %mul3A_470 : vector<16xf32> to vector<1x16xf32>
        tpu.vector_store %arg13[%swap3A_471, %swap3A_472], %swap3A_475 {strides = array<i32>} : memref<128x128xf32, #tpu.memory_space<vmem>>, vector<1x16xf32>,
        %get3A_476 = arith.index_cast %add3A_415 : i32 to index
        %get3A_477 = arith.constant 96 : index
        %get3A_478 = tpu.vector_load %arg13[%get3A_476, %get3A_477] {strides = array<i32>} : memref<128x128xf32, #tpu.memory_space<vmem>>, vector<1x16xf32>,
        %get3A_479 = vector.shape_cast %get3A_478 : vector<1x16xf32> to vector<16xf32>
        %mul3A_480 = arith.mulf %get3A_479, %gather3A_411 : vector<16xf32>
        %swap3A_481 = arith.index_cast %add3A_415 : i32 to index
        %swap3A_482 = arith.constant 96 : index
        %swap3A_483 = tpu.vector_load %arg13[%swap3A_481, %swap3A_482] {strides = array<i32>} : memref<128x128xf32, #tpu.memory_space<vmem>>, vector<1x16xf32>,
        %swap3A_484 = vector.shape_cast %swap3A_483 : vector<1x16xf32> to vector<16xf32>
        %swap3A_485 = vector.shape_cast %mul3A_480 : vector<16xf32> to vector<1x16xf32>
        tpu.vector_store %arg13[%swap3A_481, %swap3A_482], %swap3A_485 {strides = array<i32>} : memref<128x128xf32, #tpu.memory_space<vmem>>, vector<1x16xf32>,
        %get3A_486 = arith.index_cast %add3A_415 : i32 to index
        %get3A_487 = arith.constant 112 : index
        %get3A_488 = tpu.vector_load %arg13[%get3A_486, %get3A_487] {strides = array<i32>} : memref<128x128xf32, #tpu.memory_space<vmem>>, vector<1x16xf32>,
        %get3A_489 = vector.shape_cast %get3A_488 : vector<1x16xf32> to vector<16xf32>
        %mul3A_490 = arith.mulf %get3A_489, %gather3A_411 : vector<16xf32>
        %swap3A_491 = arith.index_cast %add3A_415 : i32 to index
        %swap3A_492 = arith.constant 112 : index
        %swap3A_493 = tpu.vector_load %arg13[%swap3A_491, %swap3A_492] {strides = array<i32>} : memref<128x128xf32, #tpu.memory_space<vmem>>, vector<1x16xf32>,
        %swap3A_494 = vector.shape_cast %swap3A_493 : vector<1x16xf32> to vector<16xf32>
        %swap3A_495 = vector.shape_cast %mul3A_490 : vector<16xf32> to vector<1x16xf32>
        tpu.vector_store %arg13[%swap3A_491, %swap3A_492], %swap3A_495 {strides = array<i32>} : memref<128x128xf32, #tpu.memory_space<vmem>>, vector<1x16xf32>,
        %broadcast_in_dim3A_496 = arith.constant 4 : i32
        %broadcast_in_dim3A_497 = vector.broadcast %broadcast_in_dim3A_496 : i32 to vector<16x1xi32>
        %gather3A_498 = vector.shape_cast %broadcast_in_dim3A_497 : vector<16x1xi32> to vector<16xi32>
        %gather3A_499 = tpu.dynamic_gather %div3A_146[%gather3A_498] in [0] : vector<16xf32>, vector<16xi32> -> vector<16xf32>
        %mul3A_500 = arith.constant 16 : i32
        %mul3A_501 = arith.muli %scan3A_135, %mul3A_500 : i32
        %add3A_502 = arith.constant 4 : i32
        %add3A_503 = arith.addi %mul3A_501, %add3A_502 : i32
        %get3A_504 = arith.index_cast %add3A_503 : i32 to index
        %get3A_505 = arith.constant 0 : index
        %get3A_506 = tpu.vector_load %arg13[%get3A_504, %get3A_505] {strides = array<i32>} : memref<128x128xf32, #tpu.memory_space<vmem>>, vector<1x16xf32>,
        %get3A_507 = vector.shape_cast %get3A_506 : vector<1x16xf32> to vector<16xf32>
        %mul3A_508 = arith.mulf %get3A_507, %gather3A_499 : vector<16xf32>
        %swap3A_509 = arith.index_cast %add3A_503 : i32 to index
        %swap3A_510 = arith.constant 0 : index
        %swap3A_511 = tpu.vector_load %arg13[%swap3A_509, %swap3A_510] {strides = array<i32>} : memref<128x128xf32, #tpu.memory_space<vmem>>, vector<1x16xf32>,
        %swap3A_512 = vector.shape_cast %swap3A_511 : vector<1x16xf32> to vector<16xf32>
        %swap3A_513 = vector.shape_cast %mul3A_508 : vector<16xf32> to vector<1x16xf32>
        tpu.vector_store %arg13[%swap3A_509, %swap3A_510], %swap3A_513 {strides = array<i32>} : memref<128x128xf32, #tpu.memory_space<vmem>>, vector<1x16xf32>,
        %get3A_514 = arith.index_cast %add3A_503 : i32 to index
        %get3A_515 = arith.constant 16 : index
        %get3A_516 = tpu.vector_load %arg13[%get3A_514, %get3A_515] {strides = array<i32>} : memref<128x128xf32, #tpu.memory_space<vmem>>, vector<1x16xf32>,
        %get3A_517 = vector.shape_cast %get3A_516 : vector<1x16xf32> to vector<16xf32>
        %mul3A_518 = arith.mulf %get3A_517, %gather3A_499 : vector<16xf32>
        %swap3A_519 = arith.index_cast %add3A_503 : i32 to index
        %swap3A_520 = arith.constant 16 : index
        %swap3A_521 = tpu.vector_load %arg13[%swap3A_519, %swap3A_520] {strides = array<i32>} : memref<128x128xf32, #tpu.memory_space<vmem>>, vector<1x16xf32>,
        %swap3A_522 = vector.shape_cast %swap3A_521 : vector<1x16xf32> to vector<16xf32>
        %swap3A_523 = vector.shape_cast %mul3A_518 : vector<16xf32> to vector<1x16xf32>
        tpu.vector_store %arg13[%swap3A_519, %swap3A_520], %swap3A_523 {strides = array<i32>} : memref<128x128xf32, #tpu.memory_space<vmem>>, vector<1x16xf32>,
        %get3A_524 = arith.index_cast %add3A_503 : i32 to index
        %get3A_525 = arith.constant 32 : index
        %get3A_526 = tpu.vector_load %arg13[%get3A_524, %get3A_525] {strides = array<i32>} : memref<128x128xf32, #tpu.memory_space<vmem>>, vector<1x16xf32>,
        %get3A_527 = vector.shape_cast %get3A_526 : vector<1x16xf32> to vector<16xf32>
        %mul3A_528 = arith.mulf %get3A_527, %gather3A_499 : vector<16xf32>
        %swap3A_529 = arith.index_cast %add3A_503 : i32 to index
        %swap3A_530 = arith.constant 32 : index
        %swap3A_531 = tpu.vector_load %arg13[%swap3A_529, %swap3A_530] {strides = array<i32>} : memref<128x128xf32, #tpu.memory_space<vmem>>, vector<1x16xf32>,
        %swap3A_532 = vector.shape_cast %swap3A_531 : vector<1x16xf32> to vector<16xf32>
        %swap3A_533 = vector.shape_cast %mul3A_528 : vector<16xf32> to vector<1x16xf32>
        tpu.vector_store %arg13[%swap3A_529, %swap3A_530], %swap3A_533 {strides = array<i32>} : memref<128x128xf32, #tpu.memory_space<vmem>>, vector<1x16xf32>,
        %get3A_534 = arith.index_cast %add3A_503 : i32 to index
        %get3A_535 = arith.constant 48 : index
        %get3A_536 = tpu.vector_load %arg13[%get3A_534, %get3A_535] {strides = array<i32>} : memref<128x128xf32, #tpu.memory_space<vmem>>, vector<1x16xf32>,
        %get3A_537 = vector.shape_cast %get3A_536 : vector<1x16xf32> to vector<16xf32>
        %mul3A_538 = arith.mulf %get3A_537, %gather3A_499 : vector<16xf32>
        %swap3A_539 = arith.index_cast %add3A_503 : i32 to index
        %swap3A_540 = arith.constant 48 : index
        %swap3A_541 = tpu.vector_load %arg13[%swap3A_539, %swap3A_540] {strides = array<i32>} : memref<128x128xf32, #tpu.memory_space<vmem>>, vector<1x16xf32>,
        %swap3A_542 = vector.shape_cast %swap3A_541 : vector<1x16xf32> to vector<16xf32>
        %swap3A_543 = vector.shape_cast %mul3A_538 : vector<16xf32> to vector<1x16xf32>
        tpu.vector_store %arg13[%swap3A_539, %swap3A_540], %swap3A_543 {strides = array<i32>} : memref<128x128xf32, #tpu.memory_space<vmem>>, vector<1x16xf32>,
        %get3A_544 = arith.index_cast %add3A_503 : i32 to index
        %get3A_545 = arith.constant 64 : index
        %get3A_546 = tpu.vector_load %arg13[%get3A_544, %get3A_545] {strides = array<i32>} : memref<128x128xf32, #tpu.memory_space<vmem>>, vector<1x16xf32>,
        %get3A_547 = vector.shape_cast %get3A_546 : vector<1x16xf32> to vector<16xf32>
        %mul3A_548 = arith.mulf %get3A_547, %gather3A_499 : vector<16xf32>
        %swap3A_549 = arith.index_cast %add3A_503 : i32 to index
        %swap3A_550 = arith.constant 64 : index
        %swap3A_551 = tpu.vector_load %arg13[%swap3A_549, %swap3A_550] {strides = array<i32>} : memref<128x128xf32, #tpu.memory_space<vmem>>, vector<1x16xf32>,
        %swap3A_552 = vector.shape_cast %swap3A_551 : vector<1x16xf32> to vector<16xf32>
        %swap3A_553 = vector.shape_cast %mul3A_548 : vector<16xf32> to vector<1x16xf32>
        tpu.vector_store %arg13[%swap3A_549, %swap3A_550], %swap3A_553 {strides = array<i32>} : memref<128x128xf32, #tpu.memory_space<vmem>>, vector<1x16xf32>,
        %get3A_554 = arith.index_cast %add3A_503 : i32 to index
        %get3A_555 = arith.constant 80 : index
        %get3A_556 = tpu.vector_load %arg13[%get3A_554, %get3A_555] {strides = array<i32>} : memref<128x128xf32, #tpu.memory_space<vmem>>, vector<1x16xf32>,
        %get3A_557 = vector.shape_cast %get3A_556 : vector<1x16xf32> to vector<16xf32>
        %mul3A_558 = arith.mulf %get3A_557, %gather3A_499 : vector<16xf32>
        %swap3A_559 = arith.index_cast %add3A_503 : i32 to index
        %swap3A_560 = arith.constant 80 : index
        %swap3A_561 = tpu.vector_load %arg13[%swap3A_559, %swap3A_560] {strides = array<i32>} : memref<128x128xf32, #tpu.memory_space<vmem>>, vector<1x16xf32>,
        %swap3A_562 = vector.shape_cast %swap3A_561 : vector<1x16xf32> to vector<16xf32>
        %swap3A_563 = vector.shape_cast %mul3A_558 : vector<16xf32> to vector<1x16xf32>
        tpu.vector_store %arg13[%swap3A_559, %swap3A_560], %swap3A_563 {strides = array<i32>} : memref<128x128xf32, #tpu.memory_space<vmem>>, vector<1x16xf32>,
        %get3A_564 = arith.index_cast %add3A_503 : i32 to index
        %get3A_565 = arith.constant 96 : index
        %get3A_566 = tpu.vector_load %arg13[%get3A_564, %get3A_565] {strides = array<i32>} : memref<128x128xf32, #tpu.memory_space<vmem>>, vector<1x16xf32>,
        %get3A_567 = vector.shape_cast %get3A_566 : vector<1x16xf32> to vector<16xf32>
        %mul3A_568 = arith.mulf %get3A_567, %gather3A_499 : vector<16xf32>
        %swap3A_569 = arith.index_cast %add3A_503 : i32 to index
        %swap3A_570 = arith.constant 96 : index
        %swap3A_571 = tpu.vector_load %arg13[%swap3A_569, %swap3A_570] {strides = array<i32>} : memref<128x128xf32, #tpu.memory_space<vmem>>, vector<1x16xf32>,
        %swap3A_572 = vector.shape_cast %swap3A_571 : vector<1x16xf32> to vector<16xf32>
        %swap3A_573 = vector.shape_cast %mul3A_568 : vector<16xf32> to vector<1x16xf32>
        tpu.vector_store %arg13[%swap3A_569, %swap3A_570], %swap3A_573 {strides = array<i32>} : memref<128x128xf32, #tpu.memory_space<vmem>>, vector<1x16xf32>,
        %get3A_574 = arith.index_cast %add3A_503 : i32 to index
        %get3A_575 = arith.constant 112 : index
        %get3A_576 = tpu.vector_load %arg13[%get3A_574, %get3A_575] {strides = array<i32>} : memref<128x128xf32, #tpu.memory_space<vmem>>, vector<1x16xf32>,
        %get3A_577 = vector.shape_cast %get3A_576 : vector<1x16xf32> to vector<16xf32>
        %mul3A_578 = arith.mulf %get3A_577, %gather3A_499 : vector<16xf32>
        %swap3A_579 = arith.index_cast %add3A_503 : i32 to index
        %swap3A_580 = arith.constant 112 : index
        %swap3A_581 = tpu.vector_load %arg13[%swap3A_579, %swap3A_580] {strides = array<i32>} : memref<128x128xf32, #tpu.memory_space<vmem>>, vector<1x16xf32>,
        %swap3A_582 = vector.shape_cast %swap3A_581 : vector<1x16xf32> to vector<16xf32>
        %swap3A_583 = vector.shape_cast %mul3A_578 : vector<16xf32> to vector<1x16xf32>
        tpu.vector_store %arg13[%swap3A_579, %swap3A_580], %swap3A_583 {strides = array<i32>} : memref<128x128xf32, #tpu.memory_space<vmem>>, vector<1x16xf32>,
        %broadcast_in_dim3A_584 = arith.constant 5 : i32
        %broadcast_in_dim3A_585 = vector.broadcast %broadcast_in_dim3A_584 : i32 to vector<16x1xi32>
        %gather3A_586 = vector.shape_cast %broadcast_in_dim3A_585 : vector<16x1xi32> to vector<16xi32>
        %gather3A_587 = tpu.dynamic_gather %div3A_146[%gather3A_586] in [0] : vector<16xf32>, vector<16xi32> -> vector<16xf32>
        %mul3A_588 = arith.constant 16 : i32
        %mul3A_589 = arith.muli %scan3A_135, %mul3A_588 : i32
        %add3A_590 = arith.constant 5 : i32
        %add3A_591 = arith.addi %mul3A_589, %add3A_590 : i32
        %get3A_592 = arith.index_cast %add3A_591 : i32 to index
        %get3A_593 = arith.constant 0 : index
        %get3A_594 = tpu.vector_load %arg13[%get3A_592, %get3A_593] {strides = array<i32>} : memref<128x128xf32, #tpu.memory_space<vmem>>, vector<1x16xf32>,
        %get3A_595 = vector.shape_cast %get3A_594 : vector<1x16xf32> to vector<16xf32>
        %mul3A_596 = arith.mulf %get3A_595, %gather3A_587 : vector<16xf32>
        %swap3A_597 = arith.index_cast %add3A_591 : i32 to index
        %swap3A_598 = arith.constant 0 : index
        %swap3A_599 = tpu.vector_load %arg13[%swap3A_597, %swap3A_598] {strides = array<i32>} : memref<128x128xf32, #tpu.memory_space<vmem>>, vector<1x16xf32>,
        %swap3A_600 = vector.shape_cast %swap3A_599 : vector<1x16xf32> to vector<16xf32>
        %swap3A_601 = vector.shape_cast %mul3A_596 : vector<16xf32> to vector<1x16xf32>
        tpu.vector_store %arg13[%swap3A_597, %swap3A_598], %swap3A_601 {strides = array<i32>} : memref<128x128xf32, #tpu.memory_space<vmem>>, vector<1x16xf32>,
        %get3A_602 = arith.index_cast %add3A_591 : i32 to index
        %get3A_603 = arith.constant 16 : index
        %get3A_604 = tpu.vector_load %arg13[%get3A_602, %get3A_603] {strides = array<i32>} : memref<128x128xf32, #tpu.memory_space<vmem>>, vector<1x16xf32>,
        %get3A_605 = vector.shape_cast %get3A_604 : vector<1x16xf32> to vector<16xf32>
        %mul3A_606 = arith.mulf %get3A_605, %gather3A_587 : vector<16xf32>
        %swap3A_607 = arith.index_cast %add3A_591 : i32 to index
        %swap3A_608 = arith.constant 16 : index
        %swap3A_609 = tpu.vector_load %arg13[%swap3A_607, %swap3A_608] {strides = array<i32>} : memref<128x128xf32, #tpu.memory_space<vmem>>, vector<1x16xf32>,
        %swap3A_610 = vector.shape_cast %swap3A_609 : vector<1x16xf32> to vector<16xf32>
        %swap3A_611 = vector.shape_cast %mul3A_606 : vector<16xf32> to vector<1x16xf32>
        tpu.vector_store %arg13[%swap3A_607, %swap3A_608], %swap3A_611 {strides = array<i32>} : memref<128x128xf32, #tpu.memory_space<vmem>>, vector<1x16xf32>,
        %get3A_612 = arith.index_cast %add3A_591 : i32 to index
        %get3A_613 = arith.constant 32 : index
        %get3A_614 = tpu.vector_load %arg13[%get3A_612, %get3A_613] {strides = array<i32>} : memref<128x128xf32, #tpu.memory_space<vmem>>, vector<1x16xf32>,
        %get3A_615 = vector.shape_cast %get3A_614 : vector<1x16xf32> to vector<16xf32>
        %mul3A_616 = arith.mulf %get3A_615, %gather3A_587 : vector<16xf32>
        %swap3A_617 = arith.index_cast %add3A_591 : i32 to index
        %swap3A_618 = arith.constant 32 : index
        %swap3A_619 = tpu.vector_load %arg13[%swap3A_617, %swap3A_618] {strides = array<i32>} : memref<128x128xf32, #tpu.memory_space<vmem>>, vector<1x16xf32>,
        %swap3A_620 = vector.shape_cast %swap3A_619 : vector<1x16xf32> to vector<16xf32>
        %swap3A_621 = vector.shape_cast %mul3A_616 : vector<16xf32> to vector<1x16xf32>
        tpu.vector_store %arg13[%swap3A_617, %swap3A_618], %swap3A_621 {strides = array<i32>} : memref<128x128xf32, #tpu.memory_space<vmem>>, vector<1x16xf32>,
        %get3A_622 = arith.index_cast %add3A_591 : i32 to index
        %get3A_623 = arith.constant 48 : index
        %get3A_624 = tpu.vector_load %arg13[%get3A_622, %get3A_623] {strides = array<i32>} : memref<128x128xf32, #tpu.memory_space<vmem>>, vector<1x16xf32>,
        %get3A_625 = vector.shape_cast %get3A_624 : vector<1x16xf32> to vector<16xf32>
        %mul3A_626 = arith.mulf %get3A_625, %gather3A_587 : vector<16xf32>
        %swap3A_627 = arith.index_cast %add3A_591 : i32 to index
        %swap3A_628 = arith.constant 48 : index
        %swap3A_629 = tpu.vector_load %arg13[%swap3A_627, %swap3A_628] {strides = array<i32>} : memref<128x128xf32, #tpu.memory_space<vmem>>, vector<1x16xf32>,
        %swap3A_630 = vector.shape_cast %swap3A_629 : vector<1x16xf32> to vector<16xf32>
        %swap3A_631 = vector.shape_cast %mul3A_626 : vector<16xf32> to vector<1x16xf32>
        tpu.vector_store %arg13[%swap3A_627, %swap3A_628], %swap3A_631 {strides = array<i32>} : memref<128x128xf32, #tpu.memory_space<vmem>>, vector<1x16xf32>,
        %get3A_632 = arith.index_cast %add3A_591 : i32 to index
        %get3A_633 = arith.constant 64 : index
        %get3A_634 = tpu.vector_load %arg13[%get3A_632, %get3A_633] {strides = array<i32>} : memref<128x128xf32, #tpu.memory_space<vmem>>, vector<1x16xf32>,
        %get3A_635 = vector.shape_cast %get3A_634 : vector<1x16xf32> to vector<16xf32>
        %mul3A_636 = arith.mulf %get3A_635, %gather3A_587 : vector<16xf32>
        %swap3A_637 = arith.index_cast %add3A_591 : i32 to index
        %swap3A_638 = arith.constant 64 : index
        %swap3A_639 = tpu.vector_load %arg13[%swap3A_637, %swap3A_638] {strides = array<i32>} : memref<128x128xf32, #tpu.memory_space<vmem>>, vector<1x16xf32>,
        %swap3A_640 = vector.shape_cast %swap3A_639 : vector<1x16xf32> to vector<16xf32>
        %swap3A_641 = vector.shape_cast %mul3A_636 : vector<16xf32> to vector<1x16xf32>
        tpu.vector_store %arg13[%swap3A_637, %swap3A_638], %swap3A_641 {strides = array<i32>} : memref<128x128xf32, #tpu.memory_space<vmem>>, vector<1x16xf32>,
        %get3A_642 = arith.index_cast %add3A_591 : i32 to index
        %get3A_643 = arith.constant 80 : index
        %get3A_644 = tpu.vector_load %arg13[%get3A_642, %get3A_643] {strides = array<i32>} : memref<128x128xf32, #tpu.memory_space<vmem>>, vector<1x16xf32>,
        %get3A_645 = vector.shape_cast %get3A_644 : vector<1x16xf32> to vector<16xf32>
        %mul3A_646 = arith.mulf %get3A_645, %gather3A_587 : vector<16xf32>
        %swap3A_647 = arith.index_cast %add3A_591 : i32 to index
        %swap3A_648 = arith.constant 80 : index
        %swap3A_649 = tpu.vector_load %arg13[%swap3A_647, %swap3A_648] {strides = array<i32>} : memref<128x128xf32, #tpu.memory_space<vmem>>, vector<1x16xf32>,
        %swap3A_650 = vector.shape_cast %swap3A_649 : vector<1x16xf32> to vector<16xf32>
        %swap3A_651 = vector.shape_cast %mul3A_646 : vector<16xf32> to vector<1x16xf32>
        tpu.vector_store %arg13[%swap3A_647, %swap3A_648], %swap3A_651 {strides = array<i32>} : memref<128x128xf32, #tpu.memory_space<vmem>>, vector<1x16xf32>,
        %get3A_652 = arith.index_cast %add3A_591 : i32 to index
        %get3A_653 = arith.constant 96 : index
        %get3A_654 = tpu.vector_load %arg13[%get3A_652, %get3A_653] {strides = array<i32>} : memref<128x128xf32, #tpu.memory_space<vmem>>, vector<1x16xf32>,
        %get3A_655 = vector.shape_cast %get3A_654 : vector<1x16xf32> to vector<16xf32>
        %mul3A_656 = arith.mulf %get3A_655, %gather3A_587 : vector<16xf32>
        %swap3A_657 = arith.index_cast %add3A_591 : i32 to index
        %swap3A_658 = arith.constant 96 : index
        %swap3A_659 = tpu.vector_load %arg13[%swap3A_657, %swap3A_658] {strides = array<i32>} : memref<128x128xf32, #tpu.memory_space<vmem>>, vector<1x16xf32>,
        %swap3A_660 = vector.shape_cast %swap3A_659 : vector<1x16xf32> to vector<16xf32>
        %swap3A_661 = vector.shape_cast %mul3A_656 : vector<16xf32> to vector<1x16xf32>
        tpu.vector_store %arg13[%swap3A_657, %swap3A_658], %swap3A_661 {strides = array<i32>} : memref<128x128xf32, #tpu.memory_space<vmem>>, vector<1x16xf32>,
        %get3A_662 = arith.index_cast %add3A_591 : i32 to index
        %get3A_663 = arith.constant 112 : index
        %get3A_664 = tpu.vector_load %arg13[%get3A_662, %get3A_663] {strides = array<i32>} : memref<128x128xf32, #tpu.memory_space<vmem>>, vector<1x16xf32>,
        %get3A_665 = vector.shape_cast %get3A_664 : vector<1x16xf32> to vector<16xf32>
        %mul3A_666 = arith.mulf %get3A_665, %gather3A_587 : vector<16xf32>
        %swap3A_667 = arith.index_cast %add3A_591 : i32 to index
        %swap3A_668 = arith.constant 112 : index
        %swap3A_669 = tpu.vector_load %arg13[%swap3A_667, %swap3A_668] {strides = array<i32>} : memref<128x128xf32, #tpu.memory_space<vmem>>, vector<1x16xf32>,
        %swap3A_670 = vector.shape_cast %swap3A_669 : vector<1x16xf32> to vector<16xf32>
        %swap3A_671 = vector.shape_cast %mul3A_666 : vector<16xf32> to vector<1x16xf32>
        tpu.vector_store %arg13[%swap3A_667, %swap3A_668], %swap3A_671 {strides = array<i32>} : memref<128x128xf32, #tpu.memory_space<vmem>>, vector<1x16xf32>,
        %broadcast_in_dim3A_672 = arith.constant 6 : i32
        %broadcast_in_dim3A_673 = vector.broadcast %broadcast_in_dim3A_672 : i32 to vector<16x1xi32>
        %gather3A_674 = vector.shape_cast %broadcast_in_dim3A_673 : vector<16x1xi32> to vector<16xi32>
        %gather3A_675 = tpu.dynamic_gather %div3A_146[%gather3A_674] in [0] : vector<16xf32>, vector<16xi32> -> vector<16xf32>
        %mul3A_676 = arith.constant 16 : i32
        %mul3A_677 = arith.muli %scan3A_135, %mul3A_676 : i32
        %add3A_678 = arith.constant 6 : i32
        %add3A_679 = arith.addi %mul3A_677, %add3A_678 : i32
        %get3A_680 = arith.index_cast %add3A_679 : i32 to index
        %get3A_681 = arith.constant 0 : index
        %get3A_682 = tpu.vector_load %arg13[%get3A_680, %get3A_681] {strides = array<i32>} : memref<128x128xf32, #tpu.memory_space<vmem>>, vector<1x16xf32>,
        %get3A_683 = vector.shape_cast %get3A_682 : vector<1x16xf32> to vector<16xf32>
        %mul3A_684 = arith.mulf %get3A_683, %gather3A_675 : vector<16xf32>
        %swap3A_685 = arith.index_cast %add3A_679 : i32 to index
        %swap3A_686 = arith.constant 0 : index
        %swap3A_687 = tpu.vector_load %arg13[%swap3A_685, %swap3A_686] {strides = array<i32>} : memref<128x128xf32, #tpu.memory_space<vmem>>, vector<1x16xf32>,
        %swap3A_688 = vector.shape_cast %swap3A_687 : vector<1x16xf32> to vector<16xf32>
        %swap3A_689 = vector.shape_cast %mul3A_684 : vector<16xf32> to vector<1x16xf32>
        tpu.vector_store %arg13[%swap3A_685, %swap3A_686], %swap3A_689 {strides = array<i32>} : memref<128x128xf32, #tpu.memory_space<vmem>>, vector<1x16xf32>,
        %get3A_690 = arith.index_cast %add3A_679 : i32 to index
        %get3A_691 = arith.constant 16 : index
        %get3A_692 = tpu.vector_load %arg13[%get3A_690, %get3A_691] {strides = array<i32>} : memref<128x128xf32, #tpu.memory_space<vmem>>, vector<1x16xf32>,
        %get3A_693 = vector.shape_cast %get3A_692 : vector<1x16xf32> to vector<16xf32>
        %mul3A_694 = arith.mulf %get3A_693, %gather3A_675 : vector<16xf32>
        %swap3A_695 = arith.index_cast %add3A_679 : i32 to index
        %swap3A_696 = arith.constant 16 : index
        %swap3A_697 = tpu.vector_load %arg13[%swap3A_695, %swap3A_696] {strides = array<i32>} : memref<128x128xf32, #tpu.memory_space<vmem>>, vector<1x16xf32>,
        %swap3A_698 = vector.shape_cast %swap3A_697 : vector<1x16xf32> to vector<16xf32>
        %swap3A_699 = vector.shape_cast %mul3A_694 : vector<16xf32> to vector<1x16xf32>
        tpu.vector_store %arg13[%swap3A_695, %swap3A_696], %swap3A_699 {strides = array<i32>} : memref<128x128xf32, #tpu.memory_space<vmem>>, vector<1x16xf32>,
        %get3A_700 = arith.index_cast %add3A_679 : i32 to index
        %get3A_701 = arith.constant 32 : index
        %get3A_702 = tpu.vector_load %arg13[%get3A_700, %get3A_701] {strides = array<i32>} : memref<128x128xf32, #tpu.memory_space<vmem>>, vector<1x16xf32>,
        %get3A_703 = vector.shape_cast %get3A_702 : vector<1x16xf32> to vector<16xf32>
        %mul3A_704 = arith.mulf %get3A_703, %gather3A_675 : vector<16xf32>
        %swap3A_705 = arith.index_cast %add3A_679 : i32 to index
        %swap3A_706 = arith.constant 32 : index
        %swap3A_707 = tpu.vector_load %arg13[%swap3A_705, %swap3A_706] {strides = array<i32>} : memref<128x128xf32, #tpu.memory_space<vmem>>, vector<1x16xf32>,
        %swap3A_708 = vector.shape_cast %swap3A_707 : vector<1x16xf32> to vector<16xf32>
        %swap3A_709 = vector.shape_cast %mul3A_704 : vector<16xf32> to vector<1x16xf32>
        tpu.vector_store %arg13[%swap3A_705, %swap3A_706], %swap3A_709 {strides = array<i32>} : memref<128x128xf32, #tpu.memory_space<vmem>>, vector<1x16xf32>,
        %get3A_710 = arith.index_cast %add3A_679 : i32 to index
        %get3A_711 = arith.constant 48 : index
        %get3A_712 = tpu.vector_load %arg13[%get3A_710, %get3A_711] {strides = array<i32>} : memref<128x128xf32, #tpu.memory_space<vmem>>, vector<1x16xf32>,
        %get3A_713 = vector.shape_cast %get3A_712 : vector<1x16xf32> to vector<16xf32>
        %mul3A_714 = arith.mulf %get3A_713, %gather3A_675 : vector<16xf32>
        %swap3A_715 = arith.index_cast %add3A_679 : i32 to index
        %swap3A_716 = arith.constant 48 : index
        %swap3A_717 = tpu.vector_load %arg13[%swap3A_715, %swap3A_716] {strides = array<i32>} : memref<128x128xf32, #tpu.memory_space<vmem>>, vector<1x16xf32>,
        %swap3A_718 = vector.shape_cast %swap3A_717 : vector<1x16xf32> to vector<16xf32>
        %swap3A_719 = vector.shape_cast %mul3A_714 : vector<16xf32> to vector<1x16xf32>
        tpu.vector_store %arg13[%swap3A_715, %swap3A_716], %swap3A_719 {strides = array<i32>} : memref<128x128xf32, #tpu.memory_space<vmem>>, vector<1x16xf32>,
        %get3A_720 = arith.index_cast %add3A_679 : i32 to index
        %get3A_721 = arith.constant 64 : index
        %get3A_722 = tpu.vector_load %arg13[%get3A_720, %get3A_721] {strides = array<i32>} : memref<128x128xf32, #tpu.memory_space<vmem>>, vector<1x16xf32>,
        %get3A_723 = vector.shape_cast %get3A_722 : vector<1x16xf32> to vector<16xf32>
        %mul3A_724 = arith.mulf %get3A_723, %gather3A_675 : vector<16xf32>
        %swap3A_725 = arith.index_cast %add3A_679 : i32 to index
        %swap3A_726 = arith.constant 64 : index
        %swap3A_727 = tpu.vector_load %arg13[%swap3A_725, %swap3A_726] {strides = array<i32>} : memref<128x128xf32, #tpu.memory_space<vmem>>, vector<1x16xf32>,
        %swap3A_728 = vector.shape_cast %swap3A_727 : vector<1x16xf32> to vector<16xf32>
        %swap3A_729 = vector.shape_cast %mul3A_724 : vector<16xf32> to vector<1x16xf32>
        tpu.vector_store %arg13[%swap3A_725, %swap3A_726], %swap3A_729 {strides = array<i32>} : memref<128x128xf32, #tpu.memory_space<vmem>>, vector<1x16xf32>,
        %get3A_730 = arith.index_cast %add3A_679 : i32 to index
        %get3A_731 = arith.constant 80 : index
        %get3A_732 = tpu.vector_load %arg13[%get3A_730, %get3A_731] {strides = array<i32>} : memref<128x128xf32, #tpu.memory_space<vmem>>, vector<1x16xf32>,
        %get3A_733 = vector.shape_cast %get3A_732 : vector<1x16xf32> to vector<16xf32>
        %mul3A_734 = arith.mulf %get3A_733, %gather3A_675 : vector<16xf32>
        %swap3A_735 = arith.index_cast %add3A_679 : i32 to index
        %swap3A_736 = arith.constant 80 : index
        %swap3A_737 = tpu.vector_load %arg13[%swap3A_735, %swap3A_736] {strides = array<i32>} : memref<128x128xf32, #tpu.memory_space<vmem>>, vector<1x16xf32>,
        %swap3A_738 = vector.shape_cast %swap3A_737 : vector<1x16xf32> to vector<16xf32>
        %swap3A_739 = vector.shape_cast %mul3A_734 : vector<16xf32> to vector<1x16xf32>
        tpu.vector_store %arg13[%swap3A_735, %swap3A_736], %swap3A_739 {strides = array<i32>} : memref<128x128xf32, #tpu.memory_space<vmem>>, vector<1x16xf32>,
        %get3A_740 = arith.index_cast %add3A_679 : i32 to index
        %get3A_741 = arith.constant 96 : index
        %get3A_742 = tpu.vector_load %arg13[%get3A_740, %get3A_741] {strides = array<i32>} : memref<128x128xf32, #tpu.memory_space<vmem>>, vector<1x16xf32>,
        %get3A_743 = vector.shape_cast %get3A_742 : vector<1x16xf32> to vector<16xf32>
        %mul3A_744 = arith.mulf %get3A_743, %gather3A_675 : vector<16xf32>
        %swap3A_745 = arith.index_cast %add3A_679 : i32 to index
        %swap3A_746 = arith.constant 96 : index
        %swap3A_747 = tpu.vector_load %arg13[%swap3A_745, %swap3A_746] {strides = array<i32>} : memref<128x128xf32, #tpu.memory_space<vmem>>, vector<1x16xf32>,
        %swap3A_748 = vector.shape_cast %swap3A_747 : vector<1x16xf32> to vector<16xf32>
        %swap3A_749 = vector.shape_cast %mul3A_744 : vector<16xf32> to vector<1x16xf32>
        tpu.vector_store %arg13[%swap3A_745, %swap3A_746], %swap3A_749 {strides = array<i32>} : memref<128x128xf32, #tpu.memory_space<vmem>>, vector<1x16xf32>,
        %get3A_750 = arith.index_cast %add3A_679 : i32 to index
        %get3A_751 = arith.constant 112 : index
        %get3A_752 = tpu.vector_load %arg13[%get3A_750, %get3A_751] {strides = array<i32>} : memref<128x128xf32, #tpu.memory_space<vmem>>, vector<1x16xf32>,
        %get3A_753 = vector.shape_cast %get3A_752 : vector<1x16xf32> to vector<16xf32>
        %mul3A_754 = arith.mulf %get3A_753, %gather3A_675 : vector<16xf32>
        %swap3A_755 = arith.index_cast %add3A_679 : i32 to index
        %swap3A_756 = arith.constant 112 : index
        %swap3A_757 = tpu.vector_load %arg13[%swap3A_755, %swap3A_756] {strides = array<i32>} : memref<128x128xf32, #tpu.memory_space<vmem>>, vector<1x16xf32>,
        %swap3A_758 = vector.shape_cast %swap3A_757 : vector<1x16xf32> to vector<16xf32>
        %swap3A_759 = vector.shape_cast %mul3A_754 : vector<16xf32> to vector<1x16xf32>
        tpu.vector_store %arg13[%swap3A_755, %swap3A_756], %swap3A_759 {strides = array<i32>} : memref<128x128xf32, #tpu.memory_space<vmem>>, vector<1x16xf32>,
        %broadcast_in_dim3A_760 = arith.constant 7 : i32
        %broadcast_in_dim3A_761 = vector.broadcast %broadcast_in_dim3A_760 : i32 to vector<16x1xi32>
        %gather3A_762 = vector.shape_cast %broadcast_in_dim3A_761 : vector<16x1xi32> to vector<16xi32>
        %gather3A_763 = tpu.dynamic_gather %div3A_146[%gather3A_762] in [0] : vector<16xf32>, vector<16xi32> -> vector<16xf32>
        %mul3A_764 = arith.constant 16 : i32
        %mul3A_765 = arith.muli %scan3A_135, %mul3A_764 : i32
        %add3A_766 = arith.constant 7 : i32
        %add3A_767 = arith.addi %mul3A_765, %add3A_766 : i32
        %get3A_768 = arith.index_cast %add3A_767 : i32 to index
        %get3A_769 = arith.constant 0 : index
        %get3A_770 = tpu.vector_load %arg13[%get3A_768, %get3A_769] {strides = array<i32>} : memref<128x128xf32, #tpu.memory_space<vmem>>, vector<1x16xf32>,
        %get3A_771 = vector.shape_cast %get3A_770 : vector<1x16xf32> to vector<16xf32>
        %mul3A_772 = arith.mulf %get3A_771, %gather3A_763 : vector<16xf32>
        %swap3A_773 = arith.index_cast %add3A_767 : i32 to index
        %swap3A_774 = arith.constant 0 : index
        %swap3A_775 = tpu.vector_load %arg13[%swap3A_773, %swap3A_774] {strides = array<i32>} : memref<128x128xf32, #tpu.memory_space<vmem>>, vector<1x16xf32>,
        %swap3A_776 = vector.shape_cast %swap3A_775 : vector<1x16xf32> to vector<16xf32>
        %swap3A_777 = vector.shape_cast %mul3A_772 : vector<16xf32> to vector<1x16xf32>
        tpu.vector_store %arg13[%swap3A_773, %swap3A_774], %swap3A_777 {strides = array<i32>} : memref<128x128xf32, #tpu.memory_space<vmem>>, vector<1x16xf32>,
        %get3A_778 = arith.index_cast %add3A_767 : i32 to index
        %get3A_779 = arith.constant 16 : index
        %get3A_780 = tpu.vector_load %arg13[%get3A_778, %get3A_779] {strides = array<i32>} : memref<128x128xf32, #tpu.memory_space<vmem>>, vector<1x16xf32>,
        %get3A_781 = vector.shape_cast %get3A_780 : vector<1x16xf32> to vector<16xf32>
        %mul3A_782 = arith.mulf %get3A_781, %gather3A_763 : vector<16xf32>
        %swap3A_783 = arith.index_cast %add3A_767 : i32 to index
        %swap3A_784 = arith.constant 16 : index
        %swap3A_785 = tpu.vector_load %arg13[%swap3A_783, %swap3A_784] {strides = array<i32>} : memref<128x128xf32, #tpu.memory_space<vmem>>, vector<1x16xf32>,
        %swap3A_786 = vector.shape_cast %swap3A_785 : vector<1x16xf32> to vector<16xf32>
        %swap3A_787 = vector.shape_cast %mul3A_782 : vector<16xf32> to vector<1x16xf32>
        tpu.vector_store %arg13[%swap3A_783, %swap3A_784], %swap3A_787 {strides = array<i32>} : memref<128x128xf32, #tpu.memory_space<vmem>>, vector<1x16xf32>,
        %get3A_788 = arith.index_cast %add3A_767 : i32 to index
        %get3A_789 = arith.constant 32 : index
        %get3A_790 = tpu.vector_load %arg13[%get3A_788, %get3A_789] {strides = array<i32>} : memref<128x128xf32, #tpu.memory_space<vmem>>, vector<1x16xf32>,
        %get3A_791 = vector.shape_cast %get3A_790 : vector<1x16xf32> to vector<16xf32>
        %mul3A_792 = arith.mulf %get3A_791, %gather3A_763 : vector<16xf32>
        %swap3A_793 = arith.index_cast %add3A_767 : i32 to index
        %swap3A_794 = arith.constant 32 : index
        %swap3A_795 = tpu.vector_load %arg13[%swap3A_793, %swap3A_794] {strides = array<i32>} : memref<128x128xf32, #tpu.memory_space<vmem>>, vector<1x16xf32>,
        %swap3A_796 = vector.shape_cast %swap3A_795 : vector<1x16xf32> to vector<16xf32>
        %swap3A_797 = vector.shape_cast %mul3A_792 : vector<16xf32> to vector<1x16xf32>
        tpu.vector_store %arg13[%swap3A_793, %swap3A_794], %swap3A_797 {strides = array<i32>} : memref<128x128xf32, #tpu.memory_space<vmem>>, vector<1x16xf32>,
        %get3A_798 = arith.index_cast %add3A_767 : i32 to index
        %get3A_799 = arith.constant 48 : index
        %get3A_800 = tpu.vector_load %arg13[%get3A_798, %get3A_799] {strides = array<i32>} : memref<128x128xf32, #tpu.memory_space<vmem>>, vector<1x16xf32>,
        %get3A_801 = vector.shape_cast %get3A_800 : vector<1x16xf32> to vector<16xf32>
        %mul3A_802 = arith.mulf %get3A_801, %gather3A_763 : vector<16xf32>
        %swap3A_803 = arith.index_cast %add3A_767 : i32 to index
        %swap3A_804 = arith.constant 48 : index
        %swap3A_805 = tpu.vector_load %arg13[%swap3A_803, %swap3A_804] {strides = array<i32>} : memref<128x128xf32, #tpu.memory_space<vmem>>, vector<1x16xf32>,
        %swap3A_806 = vector.shape_cast %swap3A_805 : vector<1x16xf32> to vector<16xf32>
        %swap3A_807 = vector.shape_cast %mul3A_802 : vector<16xf32> to vector<1x16xf32>
        tpu.vector_store %arg13[%swap3A_803, %swap3A_804], %swap3A_807 {strides = array<i32>} : memref<128x128xf32, #tpu.memory_space<vmem>>, vector<1x16xf32>,
        %get3A_808 = arith.index_cast %add3A_767 : i32 to index
        %get3A_809 = arith.constant 64 : index
        %get3A_810 = tpu.vector_load %arg13[%get3A_808, %get3A_809] {strides = array<i32>} : memref<128x128xf32, #tpu.memory_space<vmem>>, vector<1x16xf32>,
        %get3A_811 = vector.shape_cast %get3A_810 : vector<1x16xf32> to vector<16xf32>
        %mul3A_812 = arith.mulf %get3A_811, %gather3A_763 : vector<16xf32>
        %swap3A_813 = arith.index_cast %add3A_767 : i32 to index
        %swap3A_814 = arith.constant 64 : index
        %swap3A_815 = tpu.vector_load %arg13[%swap3A_813, %swap3A_814] {strides = array<i32>} : memref<128x128xf32, #tpu.memory_space<vmem>>, vector<1x16xf32>,
        %swap3A_816 = vector.shape_cast %swap3A_815 : vector<1x16xf32> to vector<16xf32>
        %swap3A_817 = vector.shape_cast %mul3A_812 : vector<16xf32> to vector<1x16xf32>
        tpu.vector_store %arg13[%swap3A_813, %swap3A_814], %swap3A_817 {strides = array<i32>} : memref<128x128xf32, #tpu.memory_space<vmem>>, vector<1x16xf32>,
        %get3A_818 = arith.index_cast %add3A_767 : i32 to index
        %get3A_819 = arith.constant 80 : index
        %get3A_820 = tpu.vector_load %arg13[%get3A_818, %get3A_819] {strides = array<i32>} : memref<128x128xf32, #tpu.memory_space<vmem>>, vector<1x16xf32>,
        %get3A_821 = vector.shape_cast %get3A_820 : vector<1x16xf32> to vector<16xf32>
        %mul3A_822 = arith.mulf %get3A_821, %gather3A_763 : vector<16xf32>
        %swap3A_823 = arith.index_cast %add3A_767 : i32 to index
        %swap3A_824 = arith.constant 80 : index
        %swap3A_825 = tpu.vector_load %arg13[%swap3A_823, %swap3A_824] {strides = array<i32>} : memref<128x128xf32, #tpu.memory_space<vmem>>, vector<1x16xf32>,
        %swap3A_826 = vector.shape_cast %swap3A_825 : vector<1x16xf32> to vector<16xf32>
        %swap3A_827 = vector.shape_cast %mul3A_822 : vector<16xf32> to vector<1x16xf32>
        tpu.vector_store %arg13[%swap3A_823, %swap3A_824], %swap3A_827 {strides = array<i32>} : memref<128x128xf32, #tpu.memory_space<vmem>>, vector<1x16xf32>,
        %get3A_828 = arith.index_cast %add3A_767 : i32 to index
        %get3A_829 = arith.constant 96 : index
        %get3A_830 = tpu.vector_load %arg13[%get3A_828, %get3A_829] {strides = array<i32>} : memref<128x128xf32, #tpu.memory_space<vmem>>, vector<1x16xf32>,
        %get3A_831 = vector.shape_cast %get3A_830 : vector<1x16xf32> to vector<16xf32>
        %mul3A_832 = arith.mulf %get3A_831, %gather3A_763 : vector<16xf32>
        %swap3A_833 = arith.index_cast %add3A_767 : i32 to index
        %swap3A_834 = arith.constant 96 : index
        %swap3A_835 = tpu.vector_load %arg13[%swap3A_833, %swap3A_834] {strides = array<i32>} : memref<128x128xf32, #tpu.memory_space<vmem>>, vector<1x16xf32>,
        %swap3A_836 = vector.shape_cast %swap3A_835 : vector<1x16xf32> to vector<16xf32>
        %swap3A_837 = vector.shape_cast %mul3A_832 : vector<16xf32> to vector<1x16xf32>
        tpu.vector_store %arg13[%swap3A_833, %swap3A_834], %swap3A_837 {strides = array<i32>} : memref<128x128xf32, #tpu.memory_space<vmem>>, vector<1x16xf32>,
        %get3A_838 = arith.index_cast %add3A_767 : i32 to index
        %get3A_839 = arith.constant 112 : index
        %get3A_840 = tpu.vector_load %arg13[%get3A_838, %get3A_839] {strides = array<i32>} : memref<128x128xf32, #tpu.memory_space<vmem>>, vector<1x16xf32>,
        %get3A_841 = vector.shape_cast %get3A_840 : vector<1x16xf32> to vector<16xf32>
        %mul3A_842 = arith.mulf %get3A_841, %gather3A_763 : vector<16xf32>
        %swap3A_843 = arith.index_cast %add3A_767 : i32 to index
        %swap3A_844 = arith.constant 112 : index
        %swap3A_845 = tpu.vector_load %arg13[%swap3A_843, %swap3A_844] {strides = array<i32>} : memref<128x128xf32, #tpu.memory_space<vmem>>, vector<1x16xf32>,
        %swap3A_846 = vector.shape_cast %swap3A_845 : vector<1x16xf32> to vector<16xf32>
        %swap3A_847 = vector.shape_cast %mul3A_842 : vector<16xf32> to vector<1x16xf32>
        tpu.vector_store %arg13[%swap3A_843, %swap3A_844], %swap3A_847 {strides = array<i32>} : memref<128x128xf32, #tpu.memory_space<vmem>>, vector<1x16xf32>,
        %broadcast_in_dim3A_848 = arith.constant 8 : i32
        %broadcast_in_dim3A_849 = vector.broadcast %broadcast_in_dim3A_848 : i32 to vector<16x1xi32>
        %gather3A_850 = vector.shape_cast %broadcast_in_dim3A_849 : vector<16x1xi32> to vector<16xi32>
        %gather3A_851 = tpu.dynamic_gather %div3A_146[%gather3A_850] in [0] : vector<16xf32>, vector<16xi32> -> vector<16xf32>
        %mul3A_852 = arith.constant 16 : i32
        %mul3A_853 = arith.muli %scan3A_135, %mul3A_852 : i32
        %add3A_854 = arith.constant 8 : i32
        %add3A_855 = arith.addi %mul3A_853, %add3A_854 : i32
        %get3A_856 = arith.index_cast %add3A_855 : i32 to index
        %get3A_857 = arith.constant 0 : index
        %get3A_858 = tpu.vector_load %arg13[%get3A_856, %get3A_857] {strides = array<i32>} : memref<128x128xf32, #tpu.memory_space<vmem>>, vector<1x16xf32>,
        %get3A_859 = vector.shape_cast %get3A_858 : vector<1x16xf32> to vector<16xf32>
        %mul3A_860 = arith.mulf %get3A_859, %gather3A_851 : vector<16xf32>
        %swap3A_861 = arith.index_cast %add3A_855 : i32 to index
        %swap3A_862 = arith.constant 0 : index
        %swap3A_863 = tpu.vector_load %arg13[%swap3A_861, %swap3A_862] {strides = array<i32>} : memref<128x128xf32, #tpu.memory_space<vmem>>, vector<1x16xf32>,
        %swap3A_864 = vector.shape_cast %swap3A_863 : vector<1x16xf32> to vector<16xf32>
        %swap3A_865 = vector.shape_cast %mul3A_860 : vector<16xf32> to vector<1x16xf32>
        tpu.vector_store %arg13[%swap3A_861, %swap3A_862], %swap3A_865 {strides = array<i32>} : memref<128x128xf32, #tpu.memory_space<vmem>>, vector<1x16xf32>,
        %get3A_866 = arith.index_cast %add3A_855 : i32 to index
        %get3A_867 = arith.constant 16 : index
        %get3A_868 = tpu.vector_load %arg13[%get3A_866, %get3A_867] {strides = array<i32>} : memref<128x128xf32, #tpu.memory_space<vmem>>, vector<1x16xf32>,
        %get3A_869 = vector.shape_cast %get3A_868 : vector<1x16xf32> to vector<16xf32>
        %mul3A_870 = arith.mulf %get3A_869, %gather3A_851 : vector<16xf32>
        %swap3A_871 = arith.index_cast %add3A_855 : i32 to index
        %swap3A_872 = arith.constant 16 : index
        %swap3A_873 = tpu.vector_load %arg13[%swap3A_871, %swap3A_872] {strides = array<i32>} : memref<128x128xf32, #tpu.memory_space<vmem>>, vector<1x16xf32>,
        %swap3A_874 = vector.shape_cast %swap3A_873 : vector<1x16xf32> to vector<16xf32>
        %swap3A_875 = vector.shape_cast %mul3A_870 : vector<16xf32> to vector<1x16xf32>
        tpu.vector_store %arg13[%swap3A_871, %swap3A_872], %swap3A_875 {strides = array<i32>} : memref<128x128xf32, #tpu.memory_space<vmem>>, vector<1x16xf32>,
        %get3A_876 = arith.index_cast %add3A_855 : i32 to index
        %get3A_877 = arith.constant 32 : index
        %get3A_878 = tpu.vector_load %arg13[%get3A_876, %get3A_877] {strides = array<i32>} : memref<128x128xf32, #tpu.memory_space<vmem>>, vector<1x16xf32>,
        %get3A_879 = vector.shape_cast %get3A_878 : vector<1x16xf32> to vector<16xf32>
        %mul3A_880 = arith.mulf %get3A_879, %gather3A_851 : vector<16xf32>
        %swap3A_881 = arith.index_cast %add3A_855 : i32 to index
        %swap3A_882 = arith.constant 32 : index
        %swap3A_883 = tpu.vector_load %arg13[%swap3A_881, %swap3A_882] {strides = array<i32>} : memref<128x128xf32, #tpu.memory_space<vmem>>, vector<1x16xf32>,
        %swap3A_884 = vector.shape_cast %swap3A_883 : vector<1x16xf32> to vector<16xf32>
        %swap3A_885 = vector.shape_cast %mul3A_880 : vector<16xf32> to vector<1x16xf32>
        tpu.vector_store %arg13[%swap3A_881, %swap3A_882], %swap3A_885 {strides = array<i32>} : memref<128x128xf32, #tpu.memory_space<vmem>>, vector<1x16xf32>,
        %get3A_886 = arith.index_cast %add3A_855 : i32 to index
        %get3A_887 = arith.constant 48 : index
        %get3A_888 = tpu.vector_load %arg13[%get3A_886, %get3A_887] {strides = array<i32>} : memref<128x128xf32, #tpu.memory_space<vmem>>, vector<1x16xf32>,
        %get3A_889 = vector.shape_cast %get3A_888 : vector<1x16xf32> to vector<16xf32>
        %mul3A_890 = arith.mulf %get3A_889, %gather3A_851 : vector<16xf32>
        %swap3A_891 = arith.index_cast %add3A_855 : i32 to index
        %swap3A_892 = arith.constant 48 : index
        %swap3A_893 = tpu.vector_load %arg13[%swap3A_891, %swap3A_892] {strides = array<i32>} : memref<128x128xf32, #tpu.memory_space<vmem>>, vector<1x16xf32>,
        %swap3A_894 = vector.shape_cast %swap3A_893 : vector<1x16xf32> to vector<16xf32>
        %swap3A_895 = vector.shape_cast %mul3A_890 : vector<16xf32> to vector<1x16xf32>
        tpu.vector_store %arg13[%swap3A_891, %swap3A_892], %swap3A_895 {strides = array<i32>} : memref<128x128xf32, #tpu.memory_space<vmem>>, vector<1x16xf32>,
        %get3A_896 = arith.index_cast %add3A_855 : i32 to index
        %get3A_897 = arith.constant 64 : index
        %get3A_898 = tpu.vector_load %arg13[%get3A_896, %get3A_897] {strides = array<i32>} : memref<128x128xf32, #tpu.memory_space<vmem>>, vector<1x16xf32>,
        %get3A_899 = vector.shape_cast %get3A_898 : vector<1x16xf32> to vector<16xf32>
        %mul3A_900 = arith.mulf %get3A_899, %gather3A_851 : vector<16xf32>
        %swap3A_901 = arith.index_cast %add3A_855 : i32 to index
        %swap3A_902 = arith.constant 64 : index
        %swap3A_903 = tpu.vector_load %arg13[%swap3A_901, %swap3A_902] {strides = array<i32>} : memref<128x128xf32, #tpu.memory_space<vmem>>, vector<1x16xf32>,
        %swap3A_904 = vector.shape_cast %swap3A_903 : vector<1x16xf32> to vector<16xf32>
        %swap3A_905 = vector.shape_cast %mul3A_900 : vector<16xf32> to vector<1x16xf32>
        tpu.vector_store %arg13[%swap3A_901, %swap3A_902], %swap3A_905 {strides = array<i32>} : memref<128x128xf32, #tpu.memory_space<vmem>>, vector<1x16xf32>,
        %get3A_906 = arith.index_cast %add3A_855 : i32 to index
        %get3A_907 = arith.constant 80 : index
        %get3A_908 = tpu.vector_load %arg13[%get3A_906, %get3A_907] {strides = array<i32>} : memref<128x128xf32, #tpu.memory_space<vmem>>, vector<1x16xf32>,
        %get3A_909 = vector.shape_cast %get3A_908 : vector<1x16xf32> to vector<16xf32>
        %mul3A_910 = arith.mulf %get3A_909, %gather3A_851 : vector<16xf32>
        %swap3A_911 = arith.index_cast %add3A_855 : i32 to index
        %swap3A_912 = arith.constant 80 : index
        %swap3A_913 = tpu.vector_load %arg13[%swap3A_911, %swap3A_912] {strides = array<i32>} : memref<128x128xf32, #tpu.memory_space<vmem>>, vector<1x16xf32>,
        %swap3A_914 = vector.shape_cast %swap3A_913 : vector<1x16xf32> to vector<16xf32>
        %swap3A_915 = vector.shape_cast %mul3A_910 : vector<16xf32> to vector<1x16xf32>
        tpu.vector_store %arg13[%swap3A_911, %swap3A_912], %swap3A_915 {strides = array<i32>} : memref<128x128xf32, #tpu.memory_space<vmem>>, vector<1x16xf32>,
        %get3A_916 = arith.index_cast %add3A_855 : i32 to index
        %get3A_917 = arith.constant 96 : index
        %get3A_918 = tpu.vector_load %arg13[%get3A_916, %get3A_917] {strides = array<i32>} : memref<128x128xf32, #tpu.memory_space<vmem>>, vector<1x16xf32>,
        %get3A_919 = vector.shape_cast %get3A_918 : vector<1x16xf32> to vector<16xf32>
        %mul3A_920 = arith.mulf %get3A_919, %gather3A_851 : vector<16xf32>
        %swap3A_921 = arith.index_cast %add3A_855 : i32 to index
        %swap3A_922 = arith.constant 96 : index
        %swap3A_923 = tpu.vector_load %arg13[%swap3A_921, %swap3A_922] {strides = array<i32>} : memref<128x128xf32, #tpu.memory_space<vmem>>, vector<1x16xf32>,
        %swap3A_924 = vector.shape_cast %swap3A_923 : vector<1x16xf32> to vector<16xf32>
        %swap3A_925 = vector.shape_cast %mul3A_920 : vector<16xf32> to vector<1x16xf32>
        tpu.vector_store %arg13[%swap3A_921, %swap3A_922], %swap3A_925 {strides = array<i32>} : memref<128x128xf32, #tpu.memory_space<vmem>>, vector<1x16xf32>,
        %get3A_926 = arith.index_cast %add3A_855 : i32 to index
        %get3A_927 = arith.constant 112 : index
        %get3A_928 = tpu.vector_load %arg13[%get3A_926, %get3A_927] {strides = array<i32>} : memref<128x128xf32, #tpu.memory_space<vmem>>, vector<1x16xf32>,
        %get3A_929 = vector.shape_cast %get3A_928 : vector<1x16xf32> to vector<16xf32>
        %mul3A_930 = arith.mulf %get3A_929, %gather3A_851 : vector<16xf32>
        %swap3A_931 = arith.index_cast %add3A_855 : i32 to index
        %swap3A_932 = arith.constant 112 : index
        %swap3A_933 = tpu.vector_load %arg13[%swap3A_931, %swap3A_932] {strides = array<i32>} : memref<128x128xf32, #tpu.memory_space<vmem>>, vector<1x16xf32>,
        %swap3A_934 = vector.shape_cast %swap3A_933 : vector<1x16xf32> to vector<16xf32>
        %swap3A_935 = vector.shape_cast %mul3A_930 : vector<16xf32> to vector<1x16xf32>
        tpu.vector_store %arg13[%swap3A_931, %swap3A_932], %swap3A_935 {strides = array<i32>} : memref<128x128xf32, #tpu.memory_space<vmem>>, vector<1x16xf32>,
        %broadcast_in_dim3A_936 = arith.constant 9 : i32
        %broadcast_in_dim3A_937 = vector.broadcast %broadcast_in_dim3A_936 : i32 to vector<16x1xi32>
        %gather3A_938 = vector.shape_cast %broadcast_in_dim3A_937 : vector<16x1xi32> to vector<16xi32>
        %gather3A_939 = tpu.dynamic_gather %div3A_146[%gather3A_938] in [0] : vector<16xf32>, vector<16xi32> -> vector<16xf32>
        %mul3A_940 = arith.constant 16 : i32
        %mul3A_941 = arith.muli %scan3A_135, %mul3A_940 : i32
        %add3A_942 = arith.constant 9 : i32
        %add3A_943 = arith.addi %mul3A_941, %add3A_942 : i32
        %get3A_944 = arith.index_cast %add3A_943 : i32 to index
        %get3A_945 = arith.constant 0 : index
        %get3A_946 = tpu.vector_load %arg13[%get3A_944, %get3A_945] {strides = array<i32>} : memref<128x128xf32, #tpu.memory_space<vmem>>, vector<1x16xf32>,
        %get3A_947 = vector.shape_cast %get3A_946 : vector<1x16xf32> to vector<16xf32>
        %mul3A_948 = arith.mulf %get3A_947, %gather3A_939 : vector<16xf32>
        %swap3A_949 = arith.index_cast %add3A_943 : i32 to index
        %swap3A_950 = arith.constant 0 : index
        %swap3A_951 = tpu.vector_load %arg13[%swap3A_949, %swap3A_950] {strides = array<i32>} : memref<128x128xf32, #tpu.memory_space<vmem>>, vector<1x16xf32>,
        %swap3A_952 = vector.shape_cast %swap3A_951 : vector<1x16xf32> to vector<16xf32>
        %swap3A_953 = vector.shape_cast %mul3A_948 : vector<16xf32> to vector<1x16xf32>
        tpu.vector_store %arg13[%swap3A_949, %swap3A_950], %swap3A_953 {strides = array<i32>} : memref<128x128xf32, #tpu.memory_space<vmem>>, vector<1x16xf32>,
        %get3A_954 = arith.index_cast %add3A_943 : i32 to index
        %get3A_955 = arith.constant 16 : index
        %get3A_956 = tpu.vector_load %arg13[%get3A_954, %get3A_955] {strides = array<i32>} : memref<128x128xf32, #tpu.memory_space<vmem>>, vector<1x16xf32>,
        %get3A_957 = vector.shape_cast %get3A_956 : vector<1x16xf32> to vector<16xf32>
        %mul3A_958 = arith.mulf %get3A_957, %gather3A_939 : vector<16xf32>
        %swap3A_959 = arith.index_cast %add3A_943 : i32 to index
        %swap3A_960 = arith.constant 16 : index
        %swap3A_961 = tpu.vector_load %arg13[%swap3A_959, %swap3A_960] {strides = array<i32>} : memref<128x128xf32, #tpu.memory_space<vmem>>, vector<1x16xf32>,
        %swap3A_962 = vector.shape_cast %swap3A_961 : vector<1x16xf32> to vector<16xf32>
        %swap3A_963 = vector.shape_cast %mul3A_958 : vector<16xf32> to vector<1x16xf32>
        tpu.vector_store %arg13[%swap3A_959, %swap3A_960], %swap3A_963 {strides = array<i32>} : memref<128x128xf32, #tpu.memory_space<vmem>>, vector<1x16xf32>,
        %get3A_964 = arith.index_cast %add3A_943 : i32 to index
        %get3A_965 = arith.constant 32 : index
        %get3A_966 = tpu.vector_load %arg13[%get3A_964, %get3A_965] {strides = array<i32>} : memref<128x128xf32, #tpu.memory_space<vmem>>, vector<1x16xf32>,
        %get3A_967 = vector.shape_cast %get3A_966 : vector<1x16xf32> to vector<16xf32>
        %mul3A_968 = arith.mulf %get3A_967, %gather3A_939 : vector<16xf32>
        %swap3A_969 = arith.index_cast %add3A_943 : i32 to index
        %swap3A_970 = arith.constant 32 : index
        %swap3A_971 = tpu.vector_load %arg13[%swap3A_969, %swap3A_970] {strides = array<i32>} : memref<128x128xf32, #tpu.memory_space<vmem>>, vector<1x16xf32>,
        %swap3A_972 = vector.shape_cast %swap3A_971 : vector<1x16xf32> to vector<16xf32>
        %swap3A_973 = vector.shape_cast %mul3A_968 : vector<16xf32> to vector<1x16xf32>
        tpu.vector_store %arg13[%swap3A_969, %swap3A_970], %swap3A_973 {strides = array<i32>} : memref<128x128xf32, #tpu.memory_space<vmem>>, vector<1x16xf32>,
        %get3A_974 = arith.index_cast %add3A_943 : i32 to index
        %get3A_975 = arith.constant 48 : index
        %get3A_976 = tpu.vector_load %arg13[%get3A_974, %get3A_975] {strides = array<i32>} : memref<128x128xf32, #tpu.memory_space<vmem>>, vector<1x16xf32>,
        %get3A_977 = vector.shape_cast %get3A_976 : vector<1x16xf32> to vector<16xf32>
        %mul3A_978 = arith.mulf %get3A_977, %gather3A_939 : vector<16xf32>
        %swap3A_979 = arith.index_cast %add3A_943 : i32 to index
        %swap3A_980 = arith.constant 48 : index
        %swap3A_981 = tpu.vector_load %arg13[%swap3A_979, %swap3A_980] {strides = array<i32>} : memref<128x128xf32, #tpu.memory_space<vmem>>, vector<1x16xf32>,
        %swap3A_982 = vector.shape_cast %swap3A_981 : vector<1x16xf32> to vector<16xf32>
        %swap3A_983 = vector.shape_cast %mul3A_978 : vector<16xf32> to vector<1x16xf32>
        tpu.vector_store %arg13[%swap3A_979, %swap3A_980], %swap3A_983 {strides = array<i32>} : memref<128x128xf32, #tpu.memory_space<vmem>>, vector<1x16xf32>,
        %get3A_984 = arith.index_cast %add3A_943 : i32 to index
        %get3A_985 = arith.constant 64 : index
        %get3A_986 = tpu.vector_load %arg13[%get3A_984, %get3A_985] {strides = array<i32>} : memref<128x128xf32, #tpu.memory_space<vmem>>, vector<1x16xf32>,
        %get3A_987 = vector.shape_cast %get3A_986 : vector<1x16xf32> to vector<16xf32>
        %mul3A_988 = arith.mulf %get3A_987, %gather3A_939 : vector<16xf32>
        %swap3A_989 = arith.index_cast %add3A_943 : i32 to index
        %swap3A_990 = arith.constant 64 : index
        %swap3A_991 = tpu.vector_load %arg13[%swap3A_989, %swap3A_990] {strides = array<i32>} : memref<128x128xf32, #tpu.memory_space<vmem>>, vector<1x16xf32>,
        %swap3A_992 = vector.shape_cast %swap3A_991 : vector<1x16xf32> to vector<16xf32>
        %swap3A_993 = vector.shape_cast %mul3A_988 : vector<16xf32> to vector<1x16xf32>
        tpu.vector_store %arg13[%swap3A_989, %swap3A_990], %swap3A_993 {strides = array<i32>} : memref<128x128xf32, #tpu.memory_space<vmem>>, vector<1x16xf32>,
        %get3A_994 = arith.index_cast %add3A_943 : i32 to index
        %get3A_995 = arith.constant 80 : index
        %get3A_996 = tpu.vector_load %arg13[%get3A_994, %get3A_995] {strides = array<i32>} : memref<128x128xf32, #tpu.memory_space<vmem>>, vector<1x16xf32>,
        %get3A_997 = vector.shape_cast %get3A_996 : vector<1x16xf32> to vector<16xf32>
        %mul3A_998 = arith.mulf %get3A_997, %gather3A_939 : vector<16xf32>
        %swap3A_999 = arith.index_cast %add3A_943 : i32 to index
        %swap3A_1000 = arith.constant 80 : index
        %swap3A_1001 = tpu.vector_load %arg13[%swap3A_999, %swap3A_1000] {strides = array<i32>} : memref<128x128xf32, #tpu.memory_space<vmem>>, vector<1x16xf32>,
        %swap3A_1002 = vector.shape_cast %swap3A_1001 : vector<1x16xf32> to vector<16xf32>
        %swap3A_1003 = vector.shape_cast %mul3A_998 : vector<16xf32> to vector<1x16xf32>
        tpu.vector_store %arg13[%swap3A_999, %swap3A_1000], %swap3A_1003 {strides = array<i32>} : memref<128x128xf32, #tpu.memory_space<vmem>>, vector<1x16xf32>,
        %get3A_1004 = arith.index_cast %add3A_943 : i32 to index
        %get3A_1005 = arith.constant 96 : index
        %get3A_1006 = tpu.vector_load %arg13[%get3A_1004, %get3A_1005] {strides = array<i32>} : memref<128x128xf32, #tpu.memory_space<vmem>>, vector<1x16xf32>,
        %get3A_1007 = vector.shape_cast %get3A_1006 : vector<1x16xf32> to vector<16xf32>
        %mul3A_1008 = arith.mulf %get3A_1007, %gather3A_939 : vector<16xf32>
        %swap3A_1009 = arith.index_cast %add3A_943 : i32 to index
        %swap3A_1010 = arith.constant 96 : index
        %swap3A_1011 = tpu.vector_load %arg13[%swap3A_1009, %swap3A_1010] {strides = array<i32>} : memref<128x128xf32, #tpu.memory_space<vmem>>, vector<1x16xf32>,
        %swap3A_1012 = vector.shape_cast %swap3A_1011 : vector<1x16xf32> to vector<16xf32>
        %swap3A_1013 = vector.shape_cast %mul3A_1008 : vector<16xf32> to vector<1x16xf32>
        tpu.vector_store %arg13[%swap3A_1009, %swap3A_1010], %swap3A_1013 {strides = array<i32>} : memref<128x128xf32, #tpu.memory_space<vmem>>, vector<1x16xf32>,
        %get3A_1014 = arith.index_cast %add3A_943 : i32 to index
        %get3A_1015 = arith.constant 112 : index
        %get3A_1016 = tpu.vector_load %arg13[%get3A_1014, %get3A_1015] {strides = array<i32>} : memref<128x128xf32, #tpu.memory_space<vmem>>, vector<1x16xf32>,
        %get3A_1017 = vector.shape_cast %get3A_1016 : vector<1x16xf32> to vector<16xf32>
        %mul3A_1018 = arith.mulf %get3A_1017, %gather3A_939 : vector<16xf32>
        %swap3A_1019 = arith.index_cast %add3A_943 : i32 to index
        %swap3A_1020 = arith.constant 112 : index
        %swap3A_1021 = tpu.vector_load %arg13[%swap3A_1019, %swap3A_1020] {strides = array<i32>} : memref<128x128xf32, #tpu.memory_space<vmem>>, vector<1x16xf32>,
        %swap3A_1022 = vector.shape_cast %swap3A_1021 : vector<1x16xf32> to vector<16xf32>
        %swap3A_1023 = vector.shape_cast %mul3A_1018 : vector<16xf32> to vector<1x16xf32>
        tpu.vector_store %arg13[%swap3A_1019, %swap3A_1020], %swap3A_1023 {strides = array<i32>} : memref<128x128xf32, #tpu.memory_space<vmem>>, vector<1x16xf32>,
        %broadcast_in_dim3A_1024 = arith.constant 10 : i32
        %broadcast_in_dim3A_1025 = vector.broadcast %broadcast_in_dim3A_1024 : i32 to vector<16x1xi32>
        %gather3A_1026 = vector.shape_cast %broadcast_in_dim3A_1025 : vector<16x1xi32> to vector<16xi32>
        %gather3A_1027 = tpu.dynamic_gather %div3A_146[%gather3A_1026] in [0] : vector<16xf32>, vector<16xi32> -> vector<16xf32>
        %mul3A_1028 = arith.constant 16 : i32
        %mul3A_1029 = arith.muli %scan3A_135, %mul3A_1028 : i32
        %add3A_1030 = arith.constant 10 : i32
        %add3A_1031 = arith.addi %mul3A_1029, %add3A_1030 : i32
        %get3A_1032 = arith.index_cast %add3A_1031 : i32 to index
        %get3A_1033 = arith.constant 0 : index
        %get3A_1034 = tpu.vector_load %arg13[%get3A_1032, %get3A_1033] {strides = array<i32>} : memref<128x128xf32, #tpu.memory_space<vmem>>, vector<1x16xf32>,
        %get3A_1035 = vector.shape_cast %get3A_1034 : vector<1x16xf32> to vector<16xf32>
        %mul3A_1036 = arith.mulf %get3A_1035, %gather3A_1027 : vector<16xf32>
        %swap3A_1037 = arith.index_cast %add3A_1031 : i32 to index
        %swap3A_1038 = arith.constant 0 : index
        %swap3A_1039 = tpu.vector_load %arg13[%swap3A_1037, %swap3A_1038] {strides = array<i32>} : memref<128x128xf32, #tpu.memory_space<vmem>>, vector<1x16xf32>,
        %swap3A_1040 = vector.shape_cast %swap3A_1039 : vector<1x16xf32> to vector<16xf32>
        %swap3A_1041 = vector.shape_cast %mul3A_1036 : vector<16xf32> to vector<1x16xf32>
        tpu.vector_store %arg13[%swap3A_1037, %swap3A_1038], %swap3A_1041 {strides = array<i32>} : memref<128x128xf32, #tpu.memory_space<vmem>>, vector<1x16xf32>,
        %get3A_1042 = arith.index_cast %add3A_1031 : i32 to index
        %get3A_1043 = arith.constant 16 : index
        %get3A_1044 = tpu.vector_load %arg13[%get3A_1042, %get3A_1043] {strides = array<i32>} : memref<128x128xf32, #tpu.memory_space<vmem>>, vector<1x16xf32>,
        %get3A_1045 = vector.shape_cast %get3A_1044 : vector<1x16xf32> to vector<16xf32>
        %mul3A_1046 = arith.mulf %get3A_1045, %gather3A_1027 : vector<16xf32>
        %swap3A_1047 = arith.index_cast %add3A_1031 : i32 to index
        %swap3A_1048 = arith.constant 16 : index
        %swap3A_1049 = tpu.vector_load %arg13[%swap3A_1047, %swap3A_1048] {strides = array<i32>} : memref<128x128xf32, #tpu.memory_space<vmem>>, vector<1x16xf32>,
        %swap3A_1050 = vector.shape_cast %swap3A_1049 : vector<1x16xf32> to vector<16xf32>
        %swap3A_1051 = vector.shape_cast %mul3A_1046 : vector<16xf32> to vector<1x16xf32>
        tpu.vector_store %arg13[%swap3A_1047, %swap3A_1048], %swap3A_1051 {strides = array<i32>} : memref<128x128xf32, #tpu.memory_space<vmem>>, vector<1x16xf32>,
        %get3A_1052 = arith.index_cast %add3A_1031 : i32 to index
        %get3A_1053 = arith.constant 32 : index
        %get3A_1054 = tpu.vector_load %arg13[%get3A_1052, %get3A_1053] {strides = array<i32>} : memref<128x128xf32, #tpu.memory_space<vmem>>, vector<1x16xf32>,
        %get3A_1055 = vector.shape_cast %get3A_1054 : vector<1x16xf32> to vector<16xf32>
        %mul3A_1056 = arith.mulf %get3A_1055, %gather3A_1027 : vector<16xf32>
        %swap3A_1057 = arith.index_cast %add3A_1031 : i32 to index
        %swap3A_1058 = arith.constant 32 : index
        %swap3A_1059 = tpu.vector_load %arg13[%swap3A_1057, %swap3A_1058] {strides = array<i32>} : memref<128x128xf32, #tpu.memory_space<vmem>>, vector<1x16xf32>,
        %swap3A_1060 = vector.shape_cast %swap3A_1059 : vector<1x16xf32> to vector<16xf32>
        %swap3A_1061 = vector.shape_cast %mul3A_1056 : vector<16xf32> to vector<1x16xf32>
        tpu.vector_store %arg13[%swap3A_1057, %swap3A_1058], %swap3A_1061 {strides = array<i32>} : memref<128x128xf32, #tpu.memory_space<vmem>>, vector<1x16xf32>,
        %get3A_1062 = arith.index_cast %add3A_1031 : i32 to index
        %get3A_1063 = arith.constant 48 : index
        %get3A_1064 = tpu.vector_load %arg13[%get3A_1062, %get3A_1063] {strides = array<i32>} : memref<128x128xf32, #tpu.memory_space<vmem>>, vector<1x16xf32>,
        %get3A_1065 = vector.shape_cast %get3A_1064 : vector<1x16xf32> to vector<16xf32>
        %mul3A_1066 = arith.mulf %get3A_1065, %gather3A_1027 : vector<16xf32>
        %swap3A_1067 = arith.index_cast %add3A_1031 : i32 to index
        %swap3A_1068 = arith.constant 48 : index
        %swap3A_1069 = tpu.vector_load %arg13[%swap3A_1067, %swap3A_1068] {strides = array<i32>} : memref<128x128xf32, #tpu.memory_space<vmem>>, vector<1x16xf32>,
        %swap3A_1070 = vector.shape_cast %swap3A_1069 : vector<1x16xf32> to vector<16xf32>
        %swap3A_1071 = vector.shape_cast %mul3A_1066 : vector<16xf32> to vector<1x16xf32>
        tpu.vector_store %arg13[%swap3A_1067, %swap3A_1068], %swap3A_1071 {strides = array<i32>} : memref<128x128xf32, #tpu.memory_space<vmem>>, vector<1x16xf32>,
        %get3A_1072 = arith.index_cast %add3A_1031 : i32 to index
        %get3A_1073 = arith.constant 64 : index
        %get3A_1074 = tpu.vector_load %arg13[%get3A_1072, %get3A_1073] {strides = array<i32>} : memref<128x128xf32, #tpu.memory_space<vmem>>, vector<1x16xf32>,
        %get3A_1075 = vector.shape_cast %get3A_1074 : vector<1x16xf32> to vector<16xf32>
        %mul3A_1076 = arith.mulf %get3A_1075, %gather3A_1027 : vector<16xf32>
        %swap3A_1077 = arith.index_cast %add3A_1031 : i32 to index
        %swap3A_1078 = arith.constant 64 : index
        %swap3A_1079 = tpu.vector_load %arg13[%swap3A_1077, %swap3A_1078] {strides = array<i32>} : memref<128x128xf32, #tpu.memory_space<vmem>>, vector<1x16xf32>,
        %swap3A_1080 = vector.shape_cast %swap3A_1079 : vector<1x16xf32> to vector<16xf32>
        %swap3A_1081 = vector.shape_cast %mul3A_1076 : vector<16xf32> to vector<1x16xf32>
        tpu.vector_store %arg13[%swap3A_1077, %swap3A_1078], %swap3A_1081 {strides = array<i32>} : memref<128x128xf32, #tpu.memory_space<vmem>>, vector<1x16xf32>,
        %get3A_1082 = arith.index_cast %add3A_1031 : i32 to index
        %get3A_1083 = arith.constant 80 : index
        %get3A_1084 = tpu.vector_load %arg13[%get3A_1082, %get3A_1083] {strides = array<i32>} : memref<128x128xf32, #tpu.memory_space<vmem>>, vector<1x16xf32>,
        %get3A_1085 = vector.shape_cast %get3A_1084 : vector<1x16xf32> to vector<16xf32>
        %mul3A_1086 = arith.mulf %get3A_1085, %gather3A_1027 : vector<16xf32>
        %swap3A_1087 = arith.index_cast %add3A_1031 : i32 to index
        %swap3A_1088 = arith.constant 80 : index
        %swap3A_1089 = tpu.vector_load %arg13[%swap3A_1087, %swap3A_1088] {strides = array<i32>} : memref<128x128xf32, #tpu.memory_space<vmem>>, vector<1x16xf32>,
        %swap3A_1090 = vector.shape_cast %swap3A_1089 : vector<1x16xf32> to vector<16xf32>
        %swap3A_1091 = vector.shape_cast %mul3A_1086 : vector<16xf32> to vector<1x16xf32>
        tpu.vector_store %arg13[%swap3A_1087, %swap3A_1088], %swap3A_1091 {strides = array<i32>} : memref<128x128xf32, #tpu.memory_space<vmem>>, vector<1x16xf32>,
        %get3A_1092 = arith.index_cast %add3A_1031 : i32 to index
        %get3A_1093 = arith.constant 96 : index
        %get3A_1094 = tpu.vector_load %arg13[%get3A_1092, %get3A_1093] {strides = array<i32>} : memref<128x128xf32, #tpu.memory_space<vmem>>, vector<1x16xf32>,
        %get3A_1095 = vector.shape_cast %get3A_1094 : vector<1x16xf32> to vector<16xf32>
        %mul3A_1096 = arith.mulf %get3A_1095, %gather3A_1027 : vector<16xf32>
        %swap3A_1097 = arith.index_cast %add3A_1031 : i32 to index
        %swap3A_1098 = arith.constant 96 : index
        %swap3A_1099 = tpu.vector_load %arg13[%swap3A_1097, %swap3A_1098] {strides = array<i32>} : memref<128x128xf32, #tpu.memory_space<vmem>>, vector<1x16xf32>,
        %swap3A_1100 = vector.shape_cast %swap3A_1099 : vector<1x16xf32> to vector<16xf32>
        %swap3A_1101 = vector.shape_cast %mul3A_1096 : vector<16xf32> to vector<1x16xf32>
        tpu.vector_store %arg13[%swap3A_1097, %swap3A_1098], %swap3A_1101 {strides = array<i32>} : memref<128x128xf32, #tpu.memory_space<vmem>>, vector<1x16xf32>,
        %get3A_1102 = arith.index_cast %add3A_1031 : i32 to index
        %get3A_1103 = arith.constant 112 : index
        %get3A_1104 = tpu.vector_load %arg13[%get3A_1102, %get3A_1103] {strides = array<i32>} : memref<128x128xf32, #tpu.memory_space<vmem>>, vector<1x16xf32>,
        %get3A_1105 = vector.shape_cast %get3A_1104 : vector<1x16xf32> to vector<16xf32>
        %mul3A_1106 = arith.mulf %get3A_1105, %gather3A_1027 : vector<16xf32>
        %swap3A_1107 = arith.index_cast %add3A_1031 : i32 to index
        %swap3A_1108 = arith.constant 112 : index
        %swap3A_1109 = tpu.vector_load %arg13[%swap3A_1107, %swap3A_1108] {strides = array<i32>} : memref<128x128xf32, #tpu.memory_space<vmem>>, vector<1x16xf32>,
        %swap3A_1110 = vector.shape_cast %swap3A_1109 : vector<1x16xf32> to vector<16xf32>
        %swap3A_1111 = vector.shape_cast %mul3A_1106 : vector<16xf32> to vector<1x16xf32>
        tpu.vector_store %arg13[%swap3A_1107, %swap3A_1108], %swap3A_1111 {strides = array<i32>} : memref<128x128xf32, #tpu.memory_space<vmem>>, vector<1x16xf32>,
        %broadcast_in_dim3A_1112 = arith.constant 11 : i32
        %broadcast_in_dim3A_1113 = vector.broadcast %broadcast_in_dim3A_1112 : i32 to vector<16x1xi32>
        %gather3A_1114 = vector.shape_cast %broadcast_in_dim3A_1113 : vector<16x1xi32> to vector<16xi32>
        %gather3A_1115 = tpu.dynamic_gather %div3A_146[%gather3A_1114] in [0] : vector<16xf32>, vector<16xi32> -> vector<16xf32>
        %mul3A_1116 = arith.constant 16 : i32
        %mul3A_1117 = arith.muli %scan3A_135, %mul3A_1116 : i32
        %add3A_1118 = arith.constant 11 : i32
        %add3A_1119 = arith.addi %mul3A_1117, %add3A_1118 : i32
        %get3A_1120 = arith.index_cast %add3A_1119 : i32 to index
        %get3A_1121 = arith.constant 0 : index
        %get3A_1122 = tpu.vector_load %arg13[%get3A_1120, %get3A_1121] {strides = array<i32>} : memref<128x128xf32, #tpu.memory_space<vmem>>, vector<1x16xf32>,
        %get3A_1123 = vector.shape_cast %get3A_1122 : vector<1x16xf32> to vector<16xf32>
        %mul3A_1124 = arith.mulf %get3A_1123, %gather3A_1115 : vector<16xf32>
        %swap3A_1125 = arith.index_cast %add3A_1119 : i32 to index
        %swap3A_1126 = arith.constant 0 : index
        %swap3A_1127 = tpu.vector_load %arg13[%swap3A_1125, %swap3A_1126] {strides = array<i32>} : memref<128x128xf32, #tpu.memory_space<vmem>>, vector<1x16xf32>,
        %swap3A_1128 = vector.shape_cast %swap3A_1127 : vector<1x16xf32> to vector<16xf32>
        %swap3A_1129 = vector.shape_cast %mul3A_1124 : vector<16xf32> to vector<1x16xf32>
        tpu.vector_store %arg13[%swap3A_1125, %swap3A_1126], %swap3A_1129 {strides = array<i32>} : memref<128x128xf32, #tpu.memory_space<vmem>>, vector<1x16xf32>,
        %get3A_1130 = arith.index_cast %add3A_1119 : i32 to index
        %get3A_1131 = arith.constant 16 : index
        %get3A_1132 = tpu.vector_load %arg13[%get3A_1130, %get3A_1131] {strides = array<i32>} : memref<128x128xf32, #tpu.memory_space<vmem>>, vector<1x16xf32>,
        %get3A_1133 = vector.shape_cast %get3A_1132 : vector<1x16xf32> to vector<16xf32>
        %mul3A_1134 = arith.mulf %get3A_1133, %gather3A_1115 : vector<16xf32>
        %swap3A_1135 = arith.index_cast %add3A_1119 : i32 to index
        %swap3A_1136 = arith.constant 16 : index
        %swap3A_1137 = tpu.vector_load %arg13[%swap3A_1135, %swap3A_1136] {strides = array<i32>} : memref<128x128xf32, #tpu.memory_space<vmem>>, vector<1x16xf32>,
        %swap3A_1138 = vector.shape_cast %swap3A_1137 : vector<1x16xf32> to vector<16xf32>
        %swap3A_1139 = vector.shape_cast %mul3A_1134 : vector<16xf32> to vector<1x16xf32>
        tpu.vector_store %arg13[%swap3A_1135, %swap3A_1136], %swap3A_1139 {strides = array<i32>} : memref<128x128xf32, #tpu.memory_space<vmem>>, vector<1x16xf32>,
        %get3A_1140 = arith.index_cast %add3A_1119 : i32 to index
        %get3A_1141 = arith.constant 32 : index
        %get3A_1142 = tpu.vector_load %arg13[%get3A_1140, %get3A_1141] {strides = array<i32>} : memref<128x128xf32, #tpu.memory_space<vmem>>, vector<1x16xf32>,
        %get3A_1143 = vector.shape_cast %get3A_1142 : vector<1x16xf32> to vector<16xf32>
        %mul3A_1144 = arith.mulf %get3A_1143, %gather3A_1115 : vector<16xf32>
        %swap3A_1145 = arith.index_cast %add3A_1119 : i32 to index
        %swap3A_1146 = arith.constant 32 : index
        %swap3A_1147 = tpu.vector_load %arg13[%swap3A_1145, %swap3A_1146] {strides = array<i32>} : memref<128x128xf32, #tpu.memory_space<vmem>>, vector<1x16xf32>,
        %swap3A_1148 = vector.shape_cast %swap3A_1147 : vector<1x16xf32> to vector<16xf32>
        %swap3A_1149 = vector.shape_cast %mul3A_1144 : vector<16xf32> to vector<1x16xf32>
        tpu.vector_store %arg13[%swap3A_1145, %swap3A_1146], %swap3A_1149 {strides = array<i32>} : memref<128x128xf32, #tpu.memory_space<vmem>>, vector<1x16xf32>,
        %get3A_1150 = arith.index_cast %add3A_1119 : i32 to index
        %get3A_1151 = arith.constant 48 : index
        %get3A_1152 = tpu.vector_load %arg13[%get3A_1150, %get3A_1151] {strides = array<i32>} : memref<128x128xf32, #tpu.memory_space<vmem>>, vector<1x16xf32>,
        %get3A_1153 = vector.shape_cast %get3A_1152 : vector<1x16xf32> to vector<16xf32>
        %mul3A_1154 = arith.mulf %get3A_1153, %gather3A_1115 : vector<16xf32>
        %swap3A_1155 = arith.index_cast %add3A_1119 : i32 to index
        %swap3A_1156 = arith.constant 48 : index
        %swap3A_1157 = tpu.vector_load %arg13[%swap3A_1155, %swap3A_1156] {strides = array<i32>} : memref<128x128xf32, #tpu.memory_space<vmem>>, vector<1x16xf32>,
        %swap3A_1158 = vector.shape_cast %swap3A_1157 : vector<1x16xf32> to vector<16xf32>
        %swap3A_1159 = vector.shape_cast %mul3A_1154 : vector<16xf32> to vector<1x16xf32>
        tpu.vector_store %arg13[%swap3A_1155, %swap3A_1156], %swap3A_1159 {strides = array<i32>} : memref<128x128xf32, #tpu.memory_space<vmem>>, vector<1x16xf32>,
        %get3A_1160 = arith.index_cast %add3A_1119 : i32 to index
        %get3A_1161 = arith.constant 64 : index
        %get3A_1162 = tpu.vector_load %arg13[%get3A_1160, %get3A_1161] {strides = array<i32>} : memref<128x128xf32, #tpu.memory_space<vmem>>, vector<1x16xf32>,
        %get3A_1163 = vector.shape_cast %get3A_1162 : vector<1x16xf32> to vector<16xf32>
        %mul3A_1164 = arith.mulf %get3A_1163, %gather3A_1115 : vector<16xf32>
        %swap3A_1165 = arith.index_cast %add3A_1119 : i32 to index
        %swap3A_1166 = arith.constant 64 : index
        %swap3A_1167 = tpu.vector_load %arg13[%swap3A_1165, %swap3A_1166] {strides = array<i32>} : memref<128x128xf32, #tpu.memory_space<vmem>>, vector<1x16xf32>,
        %swap3A_1168 = vector.shape_cast %swap3A_1167 : vector<1x16xf32> to vector<16xf32>
        %swap3A_1169 = vector.shape_cast %mul3A_1164 : vector<16xf32> to vector<1x16xf32>
        tpu.vector_store %arg13[%swap3A_1165, %swap3A_1166], %swap3A_1169 {strides = array<i32>} : memref<128x128xf32, #tpu.memory_space<vmem>>, vector<1x16xf32>,
        %get3A_1170 = arith.index_cast %add3A_1119 : i32 to index
        %get3A_1171 = arith.constant 80 : index
        %get3A_1172 = tpu.vector_load %arg13[%get3A_1170, %get3A_1171] {strides = array<i32>} : memref<128x128xf32, #tpu.memory_space<vmem>>, vector<1x16xf32>,
        %get3A_1173 = vector.shape_cast %get3A_1172 : vector<1x16xf32> to vector<16xf32>
        %mul3A_1174 = arith.mulf %get3A_1173, %gather3A_1115 : vector<16xf32>
        %swap3A_1175 = arith.index_cast %add3A_1119 : i32 to index
        %swap3A_1176 = arith.constant 80 : index
        %swap3A_1177 = tpu.vector_load %arg13[%swap3A_1175, %swap3A_1176] {strides = array<i32>} : memref<128x128xf32, #tpu.memory_space<vmem>>, vector<1x16xf32>,
        %swap3A_1178 = vector.shape_cast %swap3A_1177 : vector<1x16xf32> to vector<16xf32>
        %swap3A_1179 = vector.shape_cast %mul3A_1174 : vector<16xf32> to vector<1x16xf32>
        tpu.vector_store %arg13[%swap3A_1175, %swap3A_1176], %swap3A_1179 {strides = array<i32>} : memref<128x128xf32, #tpu.memory_space<vmem>>, vector<1x16xf32>,
        %get3A_1180 = arith.index_cast %add3A_1119 : i32 to index
        %get3A_1181 = arith.constant 96 : index
        %get3A_1182 = tpu.vector_load %arg13[%get3A_1180, %get3A_1181] {strides = array<i32>} : memref<128x128xf32, #tpu.memory_space<vmem>>, vector<1x16xf32>,
        %get3A_1183 = vector.shape_cast %get3A_1182 : vector<1x16xf32> to vector<16xf32>
        %mul3A_1184 = arith.mulf %get3A_1183, %gather3A_1115 : vector<16xf32>
        %swap3A_1185 = arith.index_cast %add3A_1119 : i32 to index
        %swap3A_1186 = arith.constant 96 : index
        %swap3A_1187 = tpu.vector_load %arg13[%swap3A_1185, %swap3A_1186] {strides = array<i32>} : memref<128x128xf32, #tpu.memory_space<vmem>>, vector<1x16xf32>,
        %swap3A_1188 = vector.shape_cast %swap3A_1187 : vector<1x16xf32> to vector<16xf32>
        %swap3A_1189 = vector.shape_cast %mul3A_1184 : vector<16xf32> to vector<1x16xf32>
        tpu.vector_store %arg13[%swap3A_1185, %swap3A_1186], %swap3A_1189 {strides = array<i32>} : memref<128x128xf32, #tpu.memory_space<vmem>>, vector<1x16xf32>,
        %get3A_1190 = arith.index_cast %add3A_1119 : i32 to index
        %get3A_1191 = arith.constant 112 : index
        %get3A_1192 = tpu.vector_load %arg13[%get3A_1190, %get3A_1191] {strides = array<i32>} : memref<128x128xf32, #tpu.memory_space<vmem>>, vector<1x16xf32>,
        %get3A_1193 = vector.shape_cast %get3A_1192 : vector<1x16xf32> to vector<16xf32>
        %mul3A_1194 = arith.mulf %get3A_1193, %gather3A_1115 : vector<16xf32>
        %swap3A_1195 = arith.index_cast %add3A_1119 : i32 to index
        %swap3A_1196 = arith.constant 112 : index
        %swap3A_1197 = tpu.vector_load %arg13[%swap3A_1195, %swap3A_1196] {strides = array<i32>} : memref<128x128xf32, #tpu.memory_space<vmem>>, vector<1x16xf32>,
        %swap3A_1198 = vector.shape_cast %swap3A_1197 : vector<1x16xf32> to vector<16xf32>
        %swap3A_1199 = vector.shape_cast %mul3A_1194 : vector<16xf32> to vector<1x16xf32>
        tpu.vector_store %arg13[%swap3A_1195, %swap3A_1196], %swap3A_1199 {strides = array<i32>} : memref<128x128xf32, #tpu.memory_space<vmem>>, vector<1x16xf32>,
        %broadcast_in_dim3A_1200 = arith.constant 12 : i32
        %broadcast_in_dim3A_1201 = vector.broadcast %broadcast_in_dim3A_1200 : i32 to vector<16x1xi32>
        %gather3A_1202 = vector.shape_cast %broadcast_in_dim3A_1201 : vector<16x1xi32> to vector<16xi32>
        %gather3A_1203 = tpu.dynamic_gather %div3A_146[%gather3A_1202] in [0] : vector<16xf32>, vector<16xi32> -> vector<16xf32>
        %mul3A_1204 = arith.constant 16 : i32
        %mul3A_1205 = arith.muli %scan3A_135, %mul3A_1204 : i32
        %add3A_1206 = arith.constant 12 : i32
        %add3A_1207 = arith.addi %mul3A_1205, %add3A_1206 : i32
        %get3A_1208 = arith.index_cast %add3A_1207 : i32 to index
        %get3A_1209 = arith.constant 0 : index
        %get3A_1210 = tpu.vector_load %arg13[%get3A_1208, %get3A_1209] {strides = array<i32>} : memref<128x128xf32, #tpu.memory_space<vmem>>, vector<1x16xf32>,
        %get3A_1211 = vector.shape_cast %get3A_1210 : vector<1x16xf32> to vector<16xf32>
        %mul3A_1212 = arith.mulf %get3A_1211, %gather3A_1203 : vector<16xf32>
        %swap3A_1213 = arith.index_cast %add3A_1207 : i32 to index
        %swap3A_1214 = arith.constant 0 : index
        %swap3A_1215 = tpu.vector_load %arg13[%swap3A_1213, %swap3A_1214] {strides = array<i32>} : memref<128x128xf32, #tpu.memory_space<vmem>>, vector<1x16xf32>,
        %swap3A_1216 = vector.shape_cast %swap3A_1215 : vector<1x16xf32> to vector<16xf32>
        %swap3A_1217 = vector.shape_cast %mul3A_1212 : vector<16xf32> to vector<1x16xf32>
        tpu.vector_store %arg13[%swap3A_1213, %swap3A_1214], %swap3A_1217 {strides = array<i32>} : memref<128x128xf32, #tpu.memory_space<vmem>>, vector<1x16xf32>,
        %get3A_1218 = arith.index_cast %add3A_1207 : i32 to index
        %get3A_1219 = arith.constant 16 : index
        %get3A_1220 = tpu.vector_load %arg13[%get3A_1218, %get3A_1219] {strides = array<i32>} : memref<128x128xf32, #tpu.memory_space<vmem>>, vector<1x16xf32>,
        %get3A_1221 = vector.shape_cast %get3A_1220 : vector<1x16xf32> to vector<16xf32>
        %mul3A_1222 = arith.mulf %get3A_1221, %gather3A_1203 : vector<16xf32>
        %swap3A_1223 = arith.index_cast %add3A_1207 : i32 to index
        %swap3A_1224 = arith.constant 16 : index
        %swap3A_1225 = tpu.vector_load %arg13[%swap3A_1223, %swap3A_1224] {strides = array<i32>} : memref<128x128xf32, #tpu.memory_space<vmem>>, vector<1x16xf32>,
        %swap3A_1226 = vector.shape_cast %swap3A_1225 : vector<1x16xf32> to vector<16xf32>
        %swap3A_1227 = vector.shape_cast %mul3A_1222 : vector<16xf32> to vector<1x16xf32>
        tpu.vector_store %arg13[%swap3A_1223, %swap3A_1224], %swap3A_1227 {strides = array<i32>} : memref<128x128xf32, #tpu.memory_space<vmem>>, vector<1x16xf32>,
        %get3A_1228 = arith.index_cast %add3A_1207 : i32 to index
        %get3A_1229 = arith.constant 32 : index
        %get3A_1230 = tpu.vector_load %arg13[%get3A_1228, %get3A_1229] {strides = array<i32>} : memref<128x128xf32, #tpu.memory_space<vmem>>, vector<1x16xf32>,
        %get3A_1231 = vector.shape_cast %get3A_1230 : vector<1x16xf32> to vector<16xf32>
        %mul3A_1232 = arith.mulf %get3A_1231, %gather3A_1203 : vector<16xf32>
        %swap3A_1233 = arith.index_cast %add3A_1207 : i32 to index
        %swap3A_1234 = arith.constant 32 : index
        %swap3A_1235 = tpu.vector_load %arg13[%swap3A_1233, %swap3A_1234] {strides = array<i32>} : memref<128x128xf32, #tpu.memory_space<vmem>>, vector<1x16xf32>,
        %swap3A_1236 = vector.shape_cast %swap3A_1235 : vector<1x16xf32> to vector<16xf32>
        %swap3A_1237 = vector.shape_cast %mul3A_1232 : vector<16xf32> to vector<1x16xf32>
        tpu.vector_store %arg13[%swap3A_1233, %swap3A_1234], %swap3A_1237 {strides = array<i32>} : memref<128x128xf32, #tpu.memory_space<vmem>>, vector<1x16xf32>,
        %get3A_1238 = arith.index_cast %add3A_1207 : i32 to index
        %get3A_1239 = arith.constant 48 : index
        %get3A_1240 = tpu.vector_load %arg13[%get3A_1238, %get3A_1239] {strides = array<i32>} : memref<128x128xf32, #tpu.memory_space<vmem>>, vector<1x16xf32>,
        %get3A_1241 = vector.shape_cast %get3A_1240 : vector<1x16xf32> to vector<16xf32>
        %mul3A_1242 = arith.mulf %get3A_1241, %gather3A_1203 : vector<16xf32>
        %swap3A_1243 = arith.index_cast %add3A_1207 : i32 to index
        %swap3A_1244 = arith.constant 48 : index
        %swap3A_1245 = tpu.vector_load %arg13[%swap3A_1243, %swap3A_1244] {strides = array<i32>} : memref<128x128xf32, #tpu.memory_space<vmem>>, vector<1x16xf32>,
        %swap3A_1246 = vector.shape_cast %swap3A_1245 : vector<1x16xf32> to vector<16xf32>
        %swap3A_1247 = vector.shape_cast %mul3A_1242 : vector<16xf32> to vector<1x16xf32>
        tpu.vector_store %arg13[%swap3A_1243, %swap3A_1244], %swap3A_1247 {strides = array<i32>} : memref<128x128xf32, #tpu.memory_space<vmem>>, vector<1x16xf32>,
        %get3A_1248 = arith.index_cast %add3A_1207 : i32 to index
        %get3A_1249 = arith.constant 64 : index
        %get3A_1250 = tpu.vector_load %arg13[%get3A_1248, %get3A_1249] {strides = array<i32>} : memref<128x128xf32, #tpu.memory_space<vmem>>, vector<1x16xf32>,
        %get3A_1251 = vector.shape_cast %get3A_1250 : vector<1x16xf32> to vector<16xf32>
        %mul3A_1252 = arith.mulf %get3A_1251, %gather3A_1203 : vector<16xf32>
        %swap3A_1253 = arith.index_cast %add3A_1207 : i32 to index
        %swap3A_1254 = arith.constant 64 : index
        %swap3A_1255 = tpu.vector_load %arg13[%swap3A_1253, %swap3A_1254] {strides = array<i32>} : memref<128x128xf32, #tpu.memory_space<vmem>>, vector<1x16xf32>,
        %swap3A_1256 = vector.shape_cast %swap3A_1255 : vector<1x16xf32> to vector<16xf32>
        %swap3A_1257 = vector.shape_cast %mul3A_1252 : vector<16xf32> to vector<1x16xf32>
        tpu.vector_store %arg13[%swap3A_1253, %swap3A_1254], %swap3A_1257 {strides = array<i32>} : memref<128x128xf32, #tpu.memory_space<vmem>>, vector<1x16xf32>,
        %get3A_1258 = arith.index_cast %add3A_1207 : i32 to index
        %get3A_1259 = arith.constant 80 : index
        %get3A_1260 = tpu.vector_load %arg13[%get3A_1258, %get3A_1259] {strides = array<i32>} : memref<128x128xf32, #tpu.memory_space<vmem>>, vector<1x16xf32>,
        %get3A_1261 = vector.shape_cast %get3A_1260 : vector<1x16xf32> to vector<16xf32>
        %mul3A_1262 = arith.mulf %get3A_1261, %gather3A_1203 : vector<16xf32>
        %swap3A_1263 = arith.index_cast %add3A_1207 : i32 to index
        %swap3A_1264 = arith.constant 80 : index
        %swap3A_1265 = tpu.vector_load %arg13[%swap3A_1263, %swap3A_1264] {strides = array<i32>} : memref<128x128xf32, #tpu.memory_space<vmem>>, vector<1x16xf32>,
        %swap3A_1266 = vector.shape_cast %swap3A_1265 : vector<1x16xf32> to vector<16xf32>
        %swap3A_1267 = vector.shape_cast %mul3A_1262 : vector<16xf32> to vector<1x16xf32>
        tpu.vector_store %arg13[%swap3A_1263, %swap3A_1264], %swap3A_1267 {strides = array<i32>} : memref<128x128xf32, #tpu.memory_space<vmem>>, vector<1x16xf32>,
        %get3A_1268 = arith.index_cast %add3A_1207 : i32 to index
        %get3A_1269 = arith.constant 96 : index
        %get3A_1270 = tpu.vector_load %arg13[%get3A_1268, %get3A_1269] {strides = array<i32>} : memref<128x128xf32, #tpu.memory_space<vmem>>, vector<1x16xf32>,
        %get3A_1271 = vector.shape_cast %get3A_1270 : vector<1x16xf32> to vector<16xf32>
        %mul3A_1272 = arith.mulf %get3A_1271, %gather3A_1203 : vector<16xf32>
        %swap3A_1273 = arith.index_cast %add3A_1207 : i32 to index
        %swap3A_1274 = arith.constant 96 : index
        %swap3A_1275 = tpu.vector_load %arg13[%swap3A_1273, %swap3A_1274] {strides = array<i32>} : memref<128x128xf32, #tpu.memory_space<vmem>>, vector<1x16xf32>,
        %swap3A_1276 = vector.shape_cast %swap3A_1275 : vector<1x16xf32> to vector<16xf32>
        %swap3A_1277 = vector.shape_cast %mul3A_1272 : vector<16xf32> to vector<1x16xf32>
        tpu.vector_store %arg13[%swap3A_1273, %swap3A_1274], %swap3A_1277 {strides = array<i32>} : memref<128x128xf32, #tpu.memory_space<vmem>>, vector<1x16xf32>,
        %get3A_1278 = arith.index_cast %add3A_1207 : i32 to index
        %get3A_1279 = arith.constant 112 : index
        %get3A_1280 = tpu.vector_load %arg13[%get3A_1278, %get3A_1279] {strides = array<i32>} : memref<128x128xf32, #tpu.memory_space<vmem>>, vector<1x16xf32>,
        %get3A_1281 = vector.shape_cast %get3A_1280 : vector<1x16xf32> to vector<16xf32>
        %mul3A_1282 = arith.mulf %get3A_1281, %gather3A_1203 : vector<16xf32>
        %swap3A_1283 = arith.index_cast %add3A_1207 : i32 to index
        %swap3A_1284 = arith.constant 112 : index
        %swap3A_1285 = tpu.vector_load %arg13[%swap3A_1283, %swap3A_1284] {strides = array<i32>} : memref<128x128xf32, #tpu.memory_space<vmem>>, vector<1x16xf32>,
        %swap3A_1286 = vector.shape_cast %swap3A_1285 : vector<1x16xf32> to vector<16xf32>
        %swap3A_1287 = vector.shape_cast %mul3A_1282 : vector<16xf32> to vector<1x16xf32>
        tpu.vector_store %arg13[%swap3A_1283, %swap3A_1284], %swap3A_1287 {strides = array<i32>} : memref<128x128xf32, #tpu.memory_space<vmem>>, vector<1x16xf32>,
        %broadcast_in_dim3A_1288 = arith.constant 13 : i32
        %broadcast_in_dim3A_1289 = vector.broadcast %broadcast_in_dim3A_1288 : i32 to vector<16x1xi32>
        %gather3A_1290 = vector.shape_cast %broadcast_in_dim3A_1289 : vector<16x1xi32> to vector<16xi32>
        %gather3A_1291 = tpu.dynamic_gather %div3A_146[%gather3A_1290] in [0] : vector<16xf32>, vector<16xi32> -> vector<16xf32>
        %mul3A_1292 = arith.constant 16 : i32
        %mul3A_1293 = arith.muli %scan3A_135, %mul3A_1292 : i32
        %add3A_1294 = arith.constant 13 : i32
        %add3A_1295 = arith.addi %mul3A_1293, %add3A_1294 : i32
        %get3A_1296 = arith.index_cast %add3A_1295 : i32 to index
        %get3A_1297 = arith.constant 0 : index
        %get3A_1298 = tpu.vector_load %arg13[%get3A_1296, %get3A_1297] {strides = array<i32>} : memref<128x128xf32, #tpu.memory_space<vmem>>, vector<1x16xf32>,
        %get3A_1299 = vector.shape_cast %get3A_1298 : vector<1x16xf32> to vector<16xf32>
        %mul3A_1300 = arith.mulf %get3A_1299, %gather3A_1291 : vector<16xf32>
        %swap3A_1301 = arith.index_cast %add3A_1295 : i32 to index
        %swap3A_1302 = arith.constant 0 : index
        %swap3A_1303 = tpu.vector_load %arg13[%swap3A_1301, %swap3A_1302] {strides = array<i32>} : memref<128x128xf32, #tpu.memory_space<vmem>>, vector<1x16xf32>,
        %swap3A_1304 = vector.shape_cast %swap3A_1303 : vector<1x16xf32> to vector<16xf32>
        %swap3A_1305 = vector.shape_cast %mul3A_1300 : vector<16xf32> to vector<1x16xf32>
        tpu.vector_store %arg13[%swap3A_1301, %swap3A_1302], %swap3A_1305 {strides = array<i32>} : memref<128x128xf32, #tpu.memory_space<vmem>>, vector<1x16xf32>,
        %get3A_1306 = arith.index_cast %add3A_1295 : i32 to index
        %get3A_1307 = arith.constant 16 : index
        %get3A_1308 = tpu.vector_load %arg13[%get3A_1306, %get3A_1307] {strides = array<i32>} : memref<128x128xf32, #tpu.memory_space<vmem>>, vector<1x16xf32>,
        %get3A_1309 = vector.shape_cast %get3A_1308 : vector<1x16xf32> to vector<16xf32>
        %mul3A_1310 = arith.mulf %get3A_1309, %gather3A_1291 : vector<16xf32>
        %swap3A_1311 = arith.index_cast %add3A_1295 : i32 to index
        %swap3A_1312 = arith.constant 16 : index
        %swap3A_1313 = tpu.vector_load %arg13[%swap3A_1311, %swap3A_1312] {strides = array<i32>} : memref<128x128xf32, #tpu.memory_space<vmem>>, vector<1x16xf32>,
        %swap3A_1314 = vector.shape_cast %swap3A_1313 : vector<1x16xf32> to vector<16xf32>
        %swap3A_1315 = vector.shape_cast %mul3A_1310 : vector<16xf32> to vector<1x16xf32>
        tpu.vector_store %arg13[%swap3A_1311, %swap3A_1312], %swap3A_1315 {strides = array<i32>} : memref<128x128xf32, #tpu.memory_space<vmem>>, vector<1x16xf32>,
        %get3A_1316 = arith.index_cast %add3A_1295 : i32 to index
        %get3A_1317 = arith.constant 32 : index
        %get3A_1318 = tpu.vector_load %arg13[%get3A_1316, %get3A_1317] {strides = array<i32>} : memref<128x128xf32, #tpu.memory_space<vmem>>, vector<1x16xf32>,
        %get3A_1319 = vector.shape_cast %get3A_1318 : vector<1x16xf32> to vector<16xf32>
        %mul3A_1320 = arith.mulf %get3A_1319, %gather3A_1291 : vector<16xf32>
        %swap3A_1321 = arith.index_cast %add3A_1295 : i32 to index
        %swap3A_1322 = arith.constant 32 : index
        %swap3A_1323 = tpu.vector_load %arg13[%swap3A_1321, %swap3A_1322] {strides = array<i32>} : memref<128x128xf32, #tpu.memory_space<vmem>>, vector<1x16xf32>,
        %swap3A_1324 = vector.shape_cast %swap3A_1323 : vector<1x16xf32> to vector<16xf32>
        %swap3A_1325 = vector.shape_cast %mul3A_1320 : vector<16xf32> to vector<1x16xf32>
        tpu.vector_store %arg13[%swap3A_1321, %swap3A_1322], %swap3A_1325 {strides = array<i32>} : memref<128x128xf32, #tpu.memory_space<vmem>>, vector<1x16xf32>,
        %get3A_1326 = arith.index_cast %add3A_1295 : i32 to index
        %get3A_1327 = arith.constant 48 : index
        %get3A_1328 = tpu.vector_load %arg13[%get3A_1326, %get3A_1327] {strides = array<i32>} : memref<128x128xf32, #tpu.memory_space<vmem>>, vector<1x16xf32>,
        %get3A_1329 = vector.shape_cast %get3A_1328 : vector<1x16xf32> to vector<16xf32>
        %mul3A_1330 = arith.mulf %get3A_1329, %gather3A_1291 : vector<16xf32>
        %swap3A_1331 = arith.index_cast %add3A_1295 : i32 to index
        %swap3A_1332 = arith.constant 48 : index
        %swap3A_1333 = tpu.vector_load %arg13[%swap3A_1331, %swap3A_1332] {strides = array<i32>} : memref<128x128xf32, #tpu.memory_space<vmem>>, vector<1x16xf32>,
        %swap3A_1334 = vector.shape_cast %swap3A_1333 : vector<1x16xf32> to vector<16xf32>
        %swap3A_1335 = vector.shape_cast %mul3A_1330 : vector<16xf32> to vector<1x16xf32>
        tpu.vector_store %arg13[%swap3A_1331, %swap3A_1332], %swap3A_1335 {strides = array<i32>} : memref<128x128xf32, #tpu.memory_space<vmem>>, vector<1x16xf32>,
        %get3A_1336 = arith.index_cast %add3A_1295 : i32 to index
        %get3A_1337 = arith.constant 64 : index
        %get3A_1338 = tpu.vector_load %arg13[%get3A_1336, %get3A_1337] {strides = array<i32>} : memref<128x128xf32, #tpu.memory_space<vmem>>, vector<1x16xf32>,
        %get3A_1339 = vector.shape_cast %get3A_1338 : vector<1x16xf32> to vector<16xf32>
        %mul3A_1340 = arith.mulf %get3A_1339, %gather3A_1291 : vector<16xf32>
        %swap3A_1341 = arith.index_cast %add3A_1295 : i32 to index
        %swap3A_1342 = arith.constant 64 : index
        %swap3A_1343 = tpu.vector_load %arg13[%swap3A_1341, %swap3A_1342] {strides = array<i32>} : memref<128x128xf32, #tpu.memory_space<vmem>>, vector<1x16xf32>,
        %swap3A_1344 = vector.shape_cast %swap3A_1343 : vector<1x16xf32> to vector<16xf32>
        %swap3A_1345 = vector.shape_cast %mul3A_1340 : vector<16xf32> to vector<1x16xf32>
        tpu.vector_store %arg13[%swap3A_1341, %swap3A_1342], %swap3A_1345 {strides = array<i32>} : memref<128x128xf32, #tpu.memory_space<vmem>>, vector<1x16xf32>,
        %get3A_1346 = arith.index_cast %add3A_1295 : i32 to index
        %get3A_1347 = arith.constant 80 : index
        %get3A_1348 = tpu.vector_load %arg13[%get3A_1346, %get3A_1347] {strides = array<i32>} : memref<128x128xf32, #tpu.memory_space<vmem>>, vector<1x16xf32>,
        %get3A_1349 = vector.shape_cast %get3A_1348 : vector<1x16xf32> to vector<16xf32>
        %mul3A_1350 = arith.mulf %get3A_1349, %gather3A_1291 : vector<16xf32>
        %swap3A_1351 = arith.index_cast %add3A_1295 : i32 to index
        %swap3A_1352 = arith.constant 80 : index
        %swap3A_1353 = tpu.vector_load %arg13[%swap3A_1351, %swap3A_1352] {strides = array<i32>} : memref<128x128xf32, #tpu.memory_space<vmem>>, vector<1x16xf32>,
        %swap3A_1354 = vector.shape_cast %swap3A_1353 : vector<1x16xf32> to vector<16xf32>
        %swap3A_1355 = vector.shape_cast %mul3A_1350 : vector<16xf32> to vector<1x16xf32>
        tpu.vector_store %arg13[%swap3A_1351, %swap3A_1352], %swap3A_1355 {strides = array<i32>} : memref<128x128xf32, #tpu.memory_space<vmem>>, vector<1x16xf32>,
        %get3A_1356 = arith.index_cast %add3A_1295 : i32 to index
        %get3A_1357 = arith.constant 96 : index
        %get3A_1358 = tpu.vector_load %arg13[%get3A_1356, %get3A_1357] {strides = array<i32>} : memref<128x128xf32, #tpu.memory_space<vmem>>, vector<1x16xf32>,
        %get3A_1359 = vector.shape_cast %get3A_1358 : vector<1x16xf32> to vector<16xf32>
        %mul3A_1360 = arith.mulf %get3A_1359, %gather3A_1291 : vector<16xf32>
        %swap3A_1361 = arith.index_cast %add3A_1295 : i32 to index
        %swap3A_1362 = arith.constant 96 : index
        %swap3A_1363 = tpu.vector_load %arg13[%swap3A_1361, %swap3A_1362] {strides = array<i32>} : memref<128x128xf32, #tpu.memory_space<vmem>>, vector<1x16xf32>,
        %swap3A_1364 = vector.shape_cast %swap3A_1363 : vector<1x16xf32> to vector<16xf32>
        %swap3A_1365 = vector.shape_cast %mul3A_1360 : vector<16xf32> to vector<1x16xf32>
        tpu.vector_store %arg13[%swap3A_1361, %swap3A_1362], %swap3A_1365 {strides = array<i32>} : memref<128x128xf32, #tpu.memory_space<vmem>>, vector<1x16xf32>,
        %get3A_1366 = arith.index_cast %add3A_1295 : i32 to index
        %get3A_1367 = arith.constant 112 : index
        %get3A_1368 = tpu.vector_load %arg13[%get3A_1366, %get3A_1367] {strides = array<i32>} : memref<128x128xf32, #tpu.memory_space<vmem>>, vector<1x16xf32>,
        %get3A_1369 = vector.shape_cast %get3A_1368 : vector<1x16xf32> to vector<16xf32>
        %mul3A_1370 = arith.mulf %get3A_1369, %gather3A_1291 : vector<16xf32>
        %swap3A_1371 = arith.index_cast %add3A_1295 : i32 to index
        %swap3A_1372 = arith.constant 112 : index
        %swap3A_1373 = tpu.vector_load %arg13[%swap3A_1371, %swap3A_1372] {strides = array<i32>} : memref<128x128xf32, #tpu.memory_space<vmem>>, vector<1x16xf32>,
        %swap3A_1374 = vector.shape_cast %swap3A_1373 : vector<1x16xf32> to vector<16xf32>
        %swap3A_1375 = vector.shape_cast %mul3A_1370 : vector<16xf32> to vector<1x16xf32>
        tpu.vector_store %arg13[%swap3A_1371, %swap3A_1372], %swap3A_1375 {strides = array<i32>} : memref<128x128xf32, #tpu.memory_space<vmem>>, vector<1x16xf32>,
        %broadcast_in_dim3A_1376 = arith.constant 14 : i32
        %broadcast_in_dim3A_1377 = vector.broadcast %broadcast_in_dim3A_1376 : i32 to vector<16x1xi32>
        %gather3A_1378 = vector.shape_cast %broadcast_in_dim3A_1377 : vector<16x1xi32> to vector<16xi32>
        %gather3A_1379 = tpu.dynamic_gather %div3A_146[%gather3A_1378] in [0] : vector<16xf32>, vector<16xi32> -> vector<16xf32>
        %mul3A_1380 = arith.constant 16 : i32
        %mul3A_1381 = arith.muli %scan3A_135, %mul3A_1380 : i32
        %add3A_1382 = arith.constant 14 : i32
        %add3A_1383 = arith.addi %mul3A_1381, %add3A_1382 : i32
        %get3A_1384 = arith.index_cast %add3A_1383 : i32 to index
        %get3A_1385 = arith.constant 0 : index
        %get3A_1386 = tpu.vector_load %arg13[%get3A_1384, %get3A_1385] {strides = array<i32>} : memref<128x128xf32, #tpu.memory_space<vmem>>, vector<1x16xf32>,
        %get3A_1387 = vector.shape_cast %get3A_1386 : vector<1x16xf32> to vector<16xf32>
        %mul3A_1388 = arith.mulf %get3A_1387, %gather3A_1379 : vector<16xf32>
        %swap3A_1389 = arith.index_cast %add3A_1383 : i32 to index
        %swap3A_1390 = arith.constant 0 : index
        %swap3A_1391 = tpu.vector_load %arg13[%swap3A_1389, %swap3A_1390] {strides = array<i32>} : memref<128x128xf32, #tpu.memory_space<vmem>>, vector<1x16xf32>,
        %swap3A_1392 = vector.shape_cast %swap3A_1391 : vector<1x16xf32> to vector<16xf32>
        %swap3A_1393 = vector.shape_cast %mul3A_1388 : vector<16xf32> to vector<1x16xf32>
        tpu.vector_store %arg13[%swap3A_1389, %swap3A_1390], %swap3A_1393 {strides = array<i32>} : memref<128x128xf32, #tpu.memory_space<vmem>>, vector<1x16xf32>,
        %get3A_1394 = arith.index_cast %add3A_1383 : i32 to index
        %get3A_1395 = arith.constant 16 : index
        %get3A_1396 = tpu.vector_load %arg13[%get3A_1394, %get3A_1395] {strides = array<i32>} : memref<128x128xf32, #tpu.memory_space<vmem>>, vector<1x16xf32>,
        %get3A_1397 = vector.shape_cast %get3A_1396 : vector<1x16xf32> to vector<16xf32>
        %mul3A_1398 = arith.mulf %get3A_1397, %gather3A_1379 : vector<16xf32>
        %swap3A_1399 = arith.index_cast %add3A_1383 : i32 to index
        %swap3A_1400 = arith.constant 16 : index
        %swap3A_1401 = tpu.vector_load %arg13[%swap3A_1399, %swap3A_1400] {strides = array<i32>} : memref<128x128xf32, #tpu.memory_space<vmem>>, vector<1x16xf32>,
        %swap3A_1402 = vector.shape_cast %swap3A_1401 : vector<1x16xf32> to vector<16xf32>
        %swap3A_1403 = vector.shape_cast %mul3A_1398 : vector<16xf32> to vector<1x16xf32>
        tpu.vector_store %arg13[%swap3A_1399, %swap3A_1400], %swap3A_1403 {strides = array<i32>} : memref<128x128xf32, #tpu.memory_space<vmem>>, vector<1x16xf32>,
        %get3A_1404 = arith.index_cast %add3A_1383 : i32 to index
        %get3A_1405 = arith.constant 32 : index
        %get3A_1406 = tpu.vector_load %arg13[%get3A_1404, %get3A_1405] {strides = array<i32>} : memref<128x128xf32, #tpu.memory_space<vmem>>, vector<1x16xf32>,
        %get3A_1407 = vector.shape_cast %get3A_1406 : vector<1x16xf32> to vector<16xf32>
        %mul3A_1408 = arith.mulf %get3A_1407, %gather3A_1379 : vector<16xf32>
        %swap3A_1409 = arith.index_cast %add3A_1383 : i32 to index
        %swap3A_1410 = arith.constant 32 : index
        %swap3A_1411 = tpu.vector_load %arg13[%swap3A_1409, %swap3A_1410] {strides = array<i32>} : memref<128x128xf32, #tpu.memory_space<vmem>>, vector<1x16xf32>,
        %swap3A_1412 = vector.shape_cast %swap3A_1411 : vector<1x16xf32> to vector<16xf32>
        %swap3A_1413 = vector.shape_cast %mul3A_1408 : vector<16xf32> to vector<1x16xf32>
        tpu.vector_store %arg13[%swap3A_1409, %swap3A_1410], %swap3A_1413 {strides = array<i32>} : memref<128x128xf32, #tpu.memory_space<vmem>>, vector<1x16xf32>,
        %get3A_1414 = arith.index_cast %add3A_1383 : i32 to index
        %get3A_1415 = arith.constant 48 : index
        %get3A_1416 = tpu.vector_load %arg13[%get3A_1414, %get3A_1415] {strides = array<i32>} : memref<128x128xf32, #tpu.memory_space<vmem>>, vector<1x16xf32>,
        %get3A_1417 = vector.shape_cast %get3A_1416 : vector<1x16xf32> to vector<16xf32>
        %mul3A_1418 = arith.mulf %get3A_1417, %gather3A_1379 : vector<16xf32>
        %swap3A_1419 = arith.index_cast %add3A_1383 : i32 to index
        %swap3A_1420 = arith.constant 48 : index
        %swap3A_1421 = tpu.vector_load %arg13[%swap3A_1419, %swap3A_1420] {strides = array<i32>} : memref<128x128xf32, #tpu.memory_space<vmem>>, vector<1x16xf32>,
        %swap3A_1422 = vector.shape_cast %swap3A_1421 : vector<1x16xf32> to vector<16xf32>
        %swap3A_1423 = vector.shape_cast %mul3A_1418 : vector<16xf32> to vector<1x16xf32>
        tpu.vector_store %arg13[%swap3A_1419, %swap3A_1420], %swap3A_1423 {strides = array<i32>} : memref<128x128xf32, #tpu.memory_space<vmem>>, vector<1x16xf32>,
        %get3A_1424 = arith.index_cast %add3A_1383 : i32 to index
        %get3A_1425 = arith.constant 64 : index
        %get3A_1426 = tpu.vector_load %arg13[%get3A_1424, %get3A_1425] {strides = array<i32>} : memref<128x128xf32, #tpu.memory_space<vmem>>, vector<1x16xf32>,
        %get3A_1427 = vector.shape_cast %get3A_1426 : vector<1x16xf32> to vector<16xf32>
        %mul3A_1428 = arith.mulf %get3A_1427, %gather3A_1379 : vector<16xf32>
        %swap3A_1429 = arith.index_cast %add3A_1383 : i32 to index
        %swap3A_1430 = arith.constant 64 : index
        %swap3A_1431 = tpu.vector_load %arg13[%swap3A_1429, %swap3A_1430] {strides = array<i32>} : memref<128x128xf32, #tpu.memory_space<vmem>>, vector<1x16xf32>,
        %swap3A_1432 = vector.shape_cast %swap3A_1431 : vector<1x16xf32> to vector<16xf32>
        %swap3A_1433 = vector.shape_cast %mul3A_1428 : vector<16xf32> to vector<1x16xf32>
        tpu.vector_store %arg13[%swap3A_1429, %swap3A_1430], %swap3A_1433 {strides = array<i32>} : memref<128x128xf32, #tpu.memory_space<vmem>>, vector<1x16xf32>,
        %get3A_1434 = arith.index_cast %add3A_1383 : i32 to index
        %get3A_1435 = arith.constant 80 : index
        %get3A_1436 = tpu.vector_load %arg13[%get3A_1434, %get3A_1435] {strides = array<i32>} : memref<128x128xf32, #tpu.memory_space<vmem>>, vector<1x16xf32>,
        %get3A_1437 = vector.shape_cast %get3A_1436 : vector<1x16xf32> to vector<16xf32>
        %mul3A_1438 = arith.mulf %get3A_1437, %gather3A_1379 : vector<16xf32>
        %swap3A_1439 = arith.index_cast %add3A_1383 : i32 to index
        %swap3A_1440 = arith.constant 80 : index
        %swap3A_1441 = tpu.vector_load %arg13[%swap3A_1439, %swap3A_1440] {strides = array<i32>} : memref<128x128xf32, #tpu.memory_space<vmem>>, vector<1x16xf32>,
        %swap3A_1442 = vector.shape_cast %swap3A_1441 : vector<1x16xf32> to vector<16xf32>
        %swap3A_1443 = vector.shape_cast %mul3A_1438 : vector<16xf32> to vector<1x16xf32>
        tpu.vector_store %arg13[%swap3A_1439, %swap3A_1440], %swap3A_1443 {strides = array<i32>} : memref<128x128xf32, #tpu.memory_space<vmem>>, vector<1x16xf32>,
        %get3A_1444 = arith.index_cast %add3A_1383 : i32 to index
        %get3A_1445 = arith.constant 96 : index
        %get3A_1446 = tpu.vector_load %arg13[%get3A_1444, %get3A_1445] {strides = array<i32>} : memref<128x128xf32, #tpu.memory_space<vmem>>, vector<1x16xf32>,
        %get3A_1447 = vector.shape_cast %get3A_1446 : vector<1x16xf32> to vector<16xf32>
        %mul3A_1448 = arith.mulf %get3A_1447, %gather3A_1379 : vector<16xf32>
        %swap3A_1449 = arith.index_cast %add3A_1383 : i32 to index
        %swap3A_1450 = arith.constant 96 : index
        %swap3A_1451 = tpu.vector_load %arg13[%swap3A_1449, %swap3A_1450] {strides = array<i32>} : memref<128x128xf32, #tpu.memory_space<vmem>>, vector<1x16xf32>,
        %swap3A_1452 = vector.shape_cast %swap3A_1451 : vector<1x16xf32> to vector<16xf32>
        %swap3A_1453 = vector.shape_cast %mul3A_1448 : vector<16xf32> to vector<1x16xf32>
        tpu.vector_store %arg13[%swap3A_1449, %swap3A_1450], %swap3A_1453 {strides = array<i32>} : memref<128x128xf32, #tpu.memory_space<vmem>>, vector<1x16xf32>,
        %get3A_1454 = arith.index_cast %add3A_1383 : i32 to index
        %get3A_1455 = arith.constant 112 : index
        %get3A_1456 = tpu.vector_load %arg13[%get3A_1454, %get3A_1455] {strides = array<i32>} : memref<128x128xf32, #tpu.memory_space<vmem>>, vector<1x16xf32>,
        %get3A_1457 = vector.shape_cast %get3A_1456 : vector<1x16xf32> to vector<16xf32>
        %mul3A_1458 = arith.mulf %get3A_1457, %gather3A_1379 : vector<16xf32>
        %swap3A_1459 = arith.index_cast %add3A_1383 : i32 to index
        %swap3A_1460 = arith.constant 112 : index
        %swap3A_1461 = tpu.vector_load %arg13[%swap3A_1459, %swap3A_1460] {strides = array<i32>} : memref<128x128xf32, #tpu.memory_space<vmem>>, vector<1x16xf32>,
        %swap3A_1462 = vector.shape_cast %swap3A_1461 : vector<1x16xf32> to vector<16xf32>
        %swap3A_1463 = vector.shape_cast %mul3A_1458 : vector<16xf32> to vector<1x16xf32>
        tpu.vector_store %arg13[%swap3A_1459, %swap3A_1460], %swap3A_1463 {strides = array<i32>} : memref<128x128xf32, #tpu.memory_space<vmem>>, vector<1x16xf32>,
        %broadcast_in_dim3A_1464 = arith.constant 15 : i32
        %broadcast_in_dim3A_1465 = vector.broadcast %broadcast_in_dim3A_1464 : i32 to vector<16x1xi32>
        %gather3A_1466 = vector.shape_cast %broadcast_in_dim3A_1465 : vector<16x1xi32> to vector<16xi32>
        %gather3A_1467 = tpu.dynamic_gather %div3A_146[%gather3A_1466] in [0] : vector<16xf32>, vector<16xi32> -> vector<16xf32>
        %mul3A_1468 = arith.constant 16 : i32
        %mul3A_1469 = arith.muli %scan3A_135, %mul3A_1468 : i32
        %add3A_1470 = arith.constant 15 : i32
        %add3A_1471 = arith.addi %mul3A_1469, %add3A_1470 : i32
        %get3A_1472 = arith.index_cast %add3A_1471 : i32 to index
        %get3A_1473 = arith.constant 0 : index
        %get3A_1474 = tpu.vector_load %arg13[%get3A_1472, %get3A_1473] {strides = array<i32>} : memref<128x128xf32, #tpu.memory_space<vmem>>, vector<1x16xf32>,
        %get3A_1475 = vector.shape_cast %get3A_1474 : vector<1x16xf32> to vector<16xf32>
        %mul3A_1476 = arith.mulf %get3A_1475, %gather3A_1467 : vector<16xf32>
        %swap3A_1477 = arith.index_cast %add3A_1471 : i32 to index
        %swap3A_1478 = arith.constant 0 : index
        %swap3A_1479 = tpu.vector_load %arg13[%swap3A_1477, %swap3A_1478] {strides = array<i32>} : memref<128x128xf32, #tpu.memory_space<vmem>>, vector<1x16xf32>,
        %swap3A_1480 = vector.shape_cast %swap3A_1479 : vector<1x16xf32> to vector<16xf32>
        %swap3A_1481 = vector.shape_cast %mul3A_1476 : vector<16xf32> to vector<1x16xf32>
        tpu.vector_store %arg13[%swap3A_1477, %swap3A_1478], %swap3A_1481 {strides = array<i32>} : memref<128x128xf32, #tpu.memory_space<vmem>>, vector<1x16xf32>,
        %get3A_1482 = arith.index_cast %add3A_1471 : i32 to index
        %get3A_1483 = arith.constant 16 : index
        %get3A_1484 = tpu.vector_load %arg13[%get3A_1482, %get3A_1483] {strides = array<i32>} : memref<128x128xf32, #tpu.memory_space<vmem>>, vector<1x16xf32>,
        %get3A_1485 = vector.shape_cast %get3A_1484 : vector<1x16xf32> to vector<16xf32>
        %mul3A_1486 = arith.mulf %get3A_1485, %gather3A_1467 : vector<16xf32>
        %swap3A_1487 = arith.index_cast %add3A_1471 : i32 to index
        %swap3A_1488 = arith.constant 16 : index
        %swap3A_1489 = tpu.vector_load %arg13[%swap3A_1487, %swap3A_1488] {strides = array<i32>} : memref<128x128xf32, #tpu.memory_space<vmem>>, vector<1x16xf32>,
        %swap3A_1490 = vector.shape_cast %swap3A_1489 : vector<1x16xf32> to vector<16xf32>
        %swap3A_1491 = vector.shape_cast %mul3A_1486 : vector<16xf32> to vector<1x16xf32>
        tpu.vector_store %arg13[%swap3A_1487, %swap3A_1488], %swap3A_1491 {strides = array<i32>} : memref<128x128xf32, #tpu.memory_space<vmem>>, vector<1x16xf32>,
        %get3A_1492 = arith.index_cast %add3A_1471 : i32 to index
        %get3A_1493 = arith.constant 32 : index
        %get3A_1494 = tpu.vector_load %arg13[%get3A_1492, %get3A_1493] {strides = array<i32>} : memref<128x128xf32, #tpu.memory_space<vmem>>, vector<1x16xf32>,
        %get3A_1495 = vector.shape_cast %get3A_1494 : vector<1x16xf32> to vector<16xf32>
        %mul3A_1496 = arith.mulf %get3A_1495, %gather3A_1467 : vector<16xf32>
        %swap3A_1497 = arith.index_cast %add3A_1471 : i32 to index
        %swap3A_1498 = arith.constant 32 : index
        %swap3A_1499 = tpu.vector_load %arg13[%swap3A_1497, %swap3A_1498] {strides = array<i32>} : memref<128x128xf32, #tpu.memory_space<vmem>>, vector<1x16xf32>,
        %swap3A_1500 = vector.shape_cast %swap3A_1499 : vector<1x16xf32> to vector<16xf32>
        %swap3A_1501 = vector.shape_cast %mul3A_1496 : vector<16xf32> to vector<1x16xf32>
        tpu.vector_store %arg13[%swap3A_1497, %swap3A_1498], %swap3A_1501 {strides = array<i32>} : memref<128x128xf32, #tpu.memory_space<vmem>>, vector<1x16xf32>,
        %get3A_1502 = arith.index_cast %add3A_1471 : i32 to index
        %get3A_1503 = arith.constant 48 : index
        %get3A_1504 = tpu.vector_load %arg13[%get3A_1502, %get3A_1503] {strides = array<i32>} : memref<128x128xf32, #tpu.memory_space<vmem>>, vector<1x16xf32>,
        %get3A_1505 = vector.shape_cast %get3A_1504 : vector<1x16xf32> to vector<16xf32>
        %mul3A_1506 = arith.mulf %get3A_1505, %gather3A_1467 : vector<16xf32>
        %swap3A_1507 = arith.index_cast %add3A_1471 : i32 to index
        %swap3A_1508 = arith.constant 48 : index
        %swap3A_1509 = tpu.vector_load %arg13[%swap3A_1507, %swap3A_1508] {strides = array<i32>} : memref<128x128xf32, #tpu.memory_space<vmem>>, vector<1x16xf32>,
        %swap3A_1510 = vector.shape_cast %swap3A_1509 : vector<1x16xf32> to vector<16xf32>
        %swap3A_1511 = vector.shape_cast %mul3A_1506 : vector<16xf32> to vector<1x16xf32>
        tpu.vector_store %arg13[%swap3A_1507, %swap3A_1508], %swap3A_1511 {strides = array<i32>} : memref<128x128xf32, #tpu.memory_space<vmem>>, vector<1x16xf32>,
        %get3A_1512 = arith.index_cast %add3A_1471 : i32 to index
        %get3A_1513 = arith.constant 64 : index
        %get3A_1514 = tpu.vector_load %arg13[%get3A_1512, %get3A_1513] {strides = array<i32>} : memref<128x128xf32, #tpu.memory_space<vmem>>, vector<1x16xf32>,
        %get3A_1515 = vector.shape_cast %get3A_1514 : vector<1x16xf32> to vector<16xf32>
        %mul3A_1516 = arith.mulf %get3A_1515, %gather3A_1467 : vector<16xf32>
        %swap3A_1517 = arith.index_cast %add3A_1471 : i32 to index
        %swap3A_1518 = arith.constant 64 : index
        %swap3A_1519 = tpu.vector_load %arg13[%swap3A_1517, %swap3A_1518] {strides = array<i32>} : memref<128x128xf32, #tpu.memory_space<vmem>>, vector<1x16xf32>,
        %swap3A_1520 = vector.shape_cast %swap3A_1519 : vector<1x16xf32> to vector<16xf32>
        %swap3A_1521 = vector.shape_cast %mul3A_1516 : vector<16xf32> to vector<1x16xf32>
        tpu.vector_store %arg13[%swap3A_1517, %swap3A_1518], %swap3A_1521 {strides = array<i32>} : memref<128x128xf32, #tpu.memory_space<vmem>>, vector<1x16xf32>,
        %get3A_1522 = arith.index_cast %add3A_1471 : i32 to index
        %get3A_1523 = arith.constant 80 : index
        %get3A_1524 = tpu.vector_load %arg13[%get3A_1522, %get3A_1523] {strides = array<i32>} : memref<128x128xf32, #tpu.memory_space<vmem>>, vector<1x16xf32>,
        %get3A_1525 = vector.shape_cast %get3A_1524 : vector<1x16xf32> to vector<16xf32>
        %mul3A_1526 = arith.mulf %get3A_1525, %gather3A_1467 : vector<16xf32>
        %swap3A_1527 = arith.index_cast %add3A_1471 : i32 to index
        %swap3A_1528 = arith.constant 80 : index
        %swap3A_1529 = tpu.vector_load %arg13[%swap3A_1527, %swap3A_1528] {strides = array<i32>} : memref<128x128xf32, #tpu.memory_space<vmem>>, vector<1x16xf32>,
        %swap3A_1530 = vector.shape_cast %swap3A_1529 : vector<1x16xf32> to vector<16xf32>
        %swap3A_1531 = vector.shape_cast %mul3A_1526 : vector<16xf32> to vector<1x16xf32>
        tpu.vector_store %arg13[%swap3A_1527, %swap3A_1528], %swap3A_1531 {strides = array<i32>} : memref<128x128xf32, #tpu.memory_space<vmem>>, vector<1x16xf32>,
        %get3A_1532 = arith.index_cast %add3A_1471 : i32 to index
        %get3A_1533 = arith.constant 96 : index
        %get3A_1534 = tpu.vector_load %arg13[%get3A_1532, %get3A_1533] {strides = array<i32>} : memref<128x128xf32, #tpu.memory_space<vmem>>, vector<1x16xf32>,
        %get3A_1535 = vector.shape_cast %get3A_1534 : vector<1x16xf32> to vector<16xf32>
        %mul3A_1536 = arith.mulf %get3A_1535, %gather3A_1467 : vector<16xf32>
        %swap3A_1537 = arith.index_cast %add3A_1471 : i32 to index
        %swap3A_1538 = arith.constant 96 : index
        %swap3A_1539 = tpu.vector_load %arg13[%swap3A_1537, %swap3A_1538] {strides = array<i32>} : memref<128x128xf32, #tpu.memory_space<vmem>>, vector<1x16xf32>,
        %swap3A_1540 = vector.shape_cast %swap3A_1539 : vector<1x16xf32> to vector<16xf32>
        %swap3A_1541 = vector.shape_cast %mul3A_1536 : vector<16xf32> to vector<1x16xf32>
        tpu.vector_store %arg13[%swap3A_1537, %swap3A_1538], %swap3A_1541 {strides = array<i32>} : memref<128x128xf32, #tpu.memory_space<vmem>>, vector<1x16xf32>,
        %get3A_1542 = arith.index_cast %add3A_1471 : i32 to index
        %get3A_1543 = arith.constant 112 : index
        %get3A_1544 = tpu.vector_load %arg13[%get3A_1542, %get3A_1543] {strides = array<i32>} : memref<128x128xf32, #tpu.memory_space<vmem>>, vector<1x16xf32>,
        %get3A_1545 = vector.shape_cast %get3A_1544 : vector<1x16xf32> to vector<16xf32>
        %mul3A_1546 = arith.mulf %get3A_1545, %gather3A_1467 : vector<16xf32>
        %swap3A_1547 = arith.index_cast %add3A_1471 : i32 to index
        %swap3A_1548 = arith.constant 112 : index
        %swap3A_1549 = tpu.vector_load %arg13[%swap3A_1547, %swap3A_1548] {strides = array<i32>} : memref<128x128xf32, #tpu.memory_space<vmem>>, vector<1x16xf32>,
        %swap3A_1550 = vector.shape_cast %swap3A_1549 : vector<1x16xf32> to vector<16xf32>
        %swap3A_1551 = vector.shape_cast %mul3A_1546 : vector<16xf32> to vector<1x16xf32>
        tpu.vector_store %arg13[%swap3A_1547, %swap3A_1548], %swap3A_1551 {strides = array<i32>} : memref<128x128xf32, #tpu.memory_space<vmem>>, vector<1x16xf32>,
      }
      %scan3A_98 = arith.constant 8 : i32
      %dma_start3A_99 = arith.constant 0 : i32
      %dma_start3A_100 = arith.constant 0 : i32
      %dma_start3A_101 = tpu.memref_slice %arg8[%dma_start3A_99, %dma_start3A_100] : memref<10000x128xf32, #tpu.memory_space<vmem_shared>> -> memref<10000x128xf32, #tpu.memory_space<vmem_shared>>
      tpu.enqueue_indirect_dma source(%arg13 : memref<128x128xf32, #tpu.memory_space<vmem>>) target(%dma_start3A_101 : memref<10000x128xf32, #tpu.memory_space<vmem_shared>>) offsets(%arg11 : memref<128xi32, #tpu.memory_space<vmem>>) semaphore(%arg16 : memref<!tpu.dma_semaphore, #tpu.memory_space<semaphore_mem>>) {add = true}
      %mul3A_102 = arith.constant 2 : i32
      %mul3A_103 = arith.muli %scan3A_69, %mul3A_102 : i32
      %add3A_104 = arith.constant 1 : i32
      %add3A_105 = arith.addi %mul3A_103, %add3A_104 : i32
      %add3A_106 = arith.constant 1 : i32
      %add3A_107 = arith.addi %add3A_105, %add3A_106 : i32
      %dma_wait3A_108 = arith.constant 0 : i32
      %dma_wait3A_109 = tpu.memref_slice %arg9[%add3A_105, %dma_wait3A_108] : memref<80x128xi32, #tpu.memory_space<vmem>> -> memref<1x128xi32, #tpu.memory_space<vmem>>
      %dma_wait3A_110 = tpu.memref_squeeze %dma_wait3A_109 : memref<1x128xi32, #tpu.memory_space<vmem>> -> memref<128xi32, #tpu.memory_space<vmem>>
      %dma_wait3A_111 = arith.constant 0 : i32
      %dma_wait3A_112 = arith.constant 0 : i32
      %dma_wait3A_113 = tpu.memref_slice %arg2[%dma_wait3A_111, %dma_wait3A_112] : memref<20000x128xf32, #tpu.memory_space<hbm>> -> memref<20000x128xf32, #tpu.memory_space<hbm>>
      tpu.wait_indirect_dma semaphore(%arg21 : memref<!tpu.dma_semaphore, #tpu.memory_space<semaphore_mem>>) src(%dma_wait3A_113 : memref<20000x128xf32, #tpu.memory_space<hbm>>) dst(%arg19 : memref<128x128xf32, #tpu.memory_space<vmem>>)
      %lt3A_114 = arith.constant 80 : i32
      %lt3A_115 = arith.cmpi slt, %add3A_107, %lt3A_114 : i32
      %convert_element_type3A_116 = arith.extui %lt3A_115 : i1 to i32
      %cond3A_117 = arith.constant 0 : i32
      %cond3A_118 = arith.cmpi ne, %convert_element_type3A_116, %cond3A_117 : i32
      scf.if %cond3A_118 {
        %ge3A = arith.constant 2 : i32
        %ge3A_135 = arith.cmpi sge, %add3A_107, %ge3A : i32
        %convert_element_type3A_136 = arith.extui %ge3A_135 : i1 to i32
        %cond3A_137 = arith.constant 0 : i32
        %cond3A_138 = arith.cmpi ne, %convert_element_type3A_136, %cond3A_137 : i32
        scf.if %cond3A_138 {
          %dma_wait3A_152 = arith.constant 0 : i32
          %dma_wait3A_153 = arith.constant 0 : i32
          %dma_wait3A_154 = tpu.memref_slice %arg8[%dma_wait3A_152, %dma_wait3A_153] : memref<10000x128xf32, #tpu.memory_space<vmem_shared>> -> memref<10000x128xf32, #tpu.memory_space<vmem_shared>>
          tpu.wait_indirect_dma semaphore(%arg16 : memref<!tpu.dma_semaphore, #tpu.memory_space<semaphore_mem>>) src(%arg13 : memref<128x128xf32, #tpu.memory_space<vmem>>) dst(%dma_wait3A_154 : memref<10000x128xf32, #tpu.memory_space<vmem_shared>>)
        } else {
        }
        %mul3A_139 = arith.constant 128 : i32
        %mul3A_140 = arith.muli %add3A_107, %mul3A_139 : i32
        %add3A_141 = arith.addi %mul3A_18, %mul3A_140 : i32
        %dma_start3A_142 = tpu.memref_slice %arg4[%add3A_141] : memref<163840xi32, #tpu.memory_space<hbm>> -> memref<128xi32, #tpu.memory_space<hbm>>
        %dma_start3A_143 = tpu.memref_slice %arg4[%add3A_141] : memref<163840xi32, #tpu.memory_space<hbm>> -> memref<128xi32, #tpu.memory_space<hbm>>
        tpu.enqueue_dma source(%dma_start3A_143 : memref<128xi32, #tpu.memory_space<hbm>>) target(%arg11 : memref<128xi32, #tpu.memory_space<vmem>>) target_semaphore(%arg14 : memref<!tpu.dma_semaphore, #tpu.memory_space<semaphore_mem>>)
        %dma_start3A_144 = tpu.memref_slice %arg5[%add3A_141] : memref<163840xf32, #tpu.memory_space<hbm>> -> memref<128xf32, #tpu.memory_space<hbm>>
        %dma_start3A_145 = tpu.memref_slice %arg5[%add3A_141] : memref<163840xf32, #tpu.memory_space<hbm>> -> memref<128xf32, #tpu.memory_space<hbm>>
        tpu.enqueue_dma source(%dma_start3A_145 : memref<128xf32, #tpu.memory_space<hbm>>) target(%arg12 : memref<128xf32, #tpu.memory_space<vmem>>) target_semaphore(%arg14 : memref<!tpu.dma_semaphore, #tpu.memory_space<semaphore_mem>>)
        %dma_start3A_146 = arith.constant 0 : i32
        %dma_start3A_147 = tpu.memref_slice %arg9[%add3A_107, %dma_start3A_146] : memref<80x128xi32, #tpu.memory_space<vmem>> -> memref<1x128xi32, #tpu.memory_space<vmem>>
        %dma_start3A_148 = tpu.memref_squeeze %dma_start3A_147 : memref<1x128xi32, #tpu.memory_space<vmem>> -> memref<128xi32, #tpu.memory_space<vmem>>
        %dma_start3A_149 = arith.constant 0 : i32
        %dma_start3A_150 = arith.constant 0 : i32
        %dma_start3A_151 = tpu.memref_slice %arg2[%dma_start3A_149, %dma_start3A_150] : memref<20000x128xf32, #tpu.memory_space<hbm>> -> memref<20000x128xf32, #tpu.memory_space<hbm>>
        tpu.enqueue_indirect_dma source(%dma_start3A_151 : memref<20000x128xf32, #tpu.memory_space<hbm>>) target(%arg13 : memref<128x128xf32, #tpu.memory_space<vmem>>) offsets(%dma_start3A_148 : memref<128xi32, #tpu.memory_space<vmem>>) semaphore(%arg15 : memref<!tpu.dma_semaphore, #tpu.memory_space<semaphore_mem>>)
      } else {
      }
      %mul3A_119 = arith.constant 128 : i32
      %mul3A_120 = arith.muli %add3A_105, %mul3A_119 : i32
      %add3A_121 = arith.addi %mul3A_18, %mul3A_120 : i32
      %dma_wait3A_122 = tpu.memref_slice %arg4[%add3A_121] : memref<163840xi32, #tpu.memory_space<hbm>> -> memref<128xi32, #tpu.memory_space<hbm>>
      %dma_wait3A_123 = tpu.memref_slice %arg4[%add3A_121] : memref<163840xi32, #tpu.memory_space<hbm>> -> memref<128xi32, #tpu.memory_space<hbm>>
      tpu.wait_dma2 semaphore(%arg20 : memref<!tpu.dma_semaphore, #tpu.memory_space<semaphore_mem>>) src(%dma_wait3A_123 : memref<128xi32, #tpu.memory_space<hbm>>) dst(%arg17 : memref<128xi32, #tpu.memory_space<vmem>>)
      %dma_wait3A_124 = tpu.memref_slice %arg5[%add3A_121] : memref<163840xf32, #tpu.memory_space<hbm>> -> memref<128xf32, #tpu.memory_space<hbm>>
      %dma_wait3A_125 = tpu.memref_slice %arg5[%add3A_121] : memref<163840xf32, #tpu.memory_space<hbm>> -> memref<128xf32, #tpu.memory_space<hbm>>
      tpu.wait_dma2 semaphore(%arg20 : memref<!tpu.dma_semaphore, #tpu.memory_space<semaphore_mem>>) src(%dma_wait3A_125 : memref<128xf32, #tpu.memory_space<hbm>>) dst(%arg18 : memref<128xf32, #tpu.memory_space<vmem>>)
      %scan3A_126 = arith.constant 0 : i32
      %scan3A_127 = arith.constant 0 : i32
      %scan3A_128 = arith.constant 8 : i32
      %scan3A_129 = arith.addi %scan3A_127, %scan3A_128 : i32
      %scan3A_130 = arith.constant 1 : i32
      scf.for %scan3A_135 = %scan3A_127 to %scan3A_129 step %scan3A_130  : i32 {
        %mul3A_136 = arith.constant 16 : i32
        %mul3A_137 = arith.muli %scan3A_135, %mul3A_136 : i32
        %get3A = arith.index_cast %mul3A_137 : i32 to index
        %get3A_138 = tpu.vector_load %arg18[%get3A] {strides = array<i32>} : memref<128xf32, #tpu.memory_space<vmem>>, vector<16xf32>,
        %get3A_139 = vector.shape_cast %get3A_138 : vector<16xf32> to vector<16xf32>
        %neg3A = arith.constant 0.000000e+00 : f32
        %neg3A_140 = vector.broadcast %neg3A : f32 to vector<16xf32>
        %neg3A_141 = arith.subf %neg3A_140, %get3A_139 : vector<16xf32>
        %exp3A = math.exp %neg3A_141 : vector<16xf32>
        %add3A_142 = arith.constant 1.000000e+00 : f32
        %add3A_143 = vector.broadcast %add3A_142 : f32 to vector<16xf32>
        %add3A_144 = arith.addf %add3A_143, %exp3A : vector<16xf32>
        %div3A = arith.constant 1.000000e+00 : f32
        %div3A_145 = vector.broadcast %div3A : f32 to vector<16xf32>
        %div3A_146 = arith.divf %div3A_145, %add3A_144 : vector<16xf32>
        %broadcast_in_dim3A = arith.constant 0 : i32
        %broadcast_in_dim3A_147 = vector.broadcast %broadcast_in_dim3A : i32 to vector<16x1xi32>
        %gather3A = vector.shape_cast %broadcast_in_dim3A_147 : vector<16x1xi32> to vector<16xi32>
        %gather3A_148 = tpu.dynamic_gather %div3A_146[%gather3A] in [0] : vector<16xf32>, vector<16xi32> -> vector<16xf32>
        %mul3A_149 = arith.constant 16 : i32
        %mul3A_150 = arith.muli %scan3A_135, %mul3A_149 : i32
        %add3A_151 = arith.constant 0 : i32
        %add3A_152 = arith.addi %mul3A_150, %add3A_151 : i32
        %get3A_153 = arith.index_cast %add3A_152 : i32 to index
        %get3A_154 = arith.constant 0 : index
        %get3A_155 = tpu.vector_load %arg19[%get3A_153, %get3A_154] {strides = array<i32>} : memref<128x128xf32, #tpu.memory_space<vmem>>, vector<1x16xf32>,
        %get3A_156 = vector.shape_cast %get3A_155 : vector<1x16xf32> to vector<16xf32>
        %mul3A_157 = arith.mulf %get3A_156, %gather3A_148 : vector<16xf32>
        %swap3A = arith.index_cast %add3A_152 : i32 to index
        %swap3A_158 = arith.constant 0 : index
        %swap3A_159 = tpu.vector_load %arg19[%swap3A, %swap3A_158] {strides = array<i32>} : memref<128x128xf32, #tpu.memory_space<vmem>>, vector<1x16xf32>,
        %swap3A_160 = vector.shape_cast %swap3A_159 : vector<1x16xf32> to vector<16xf32>
        %swap3A_161 = vector.shape_cast %mul3A_157 : vector<16xf32> to vector<1x16xf32>
        tpu.vector_store %arg19[%swap3A, %swap3A_158], %swap3A_161 {strides = array<i32>} : memref<128x128xf32, #tpu.memory_space<vmem>>, vector<1x16xf32>,
        %get3A_162 = arith.index_cast %add3A_152 : i32 to index
        %get3A_163 = arith.constant 16 : index
        %get3A_164 = tpu.vector_load %arg19[%get3A_162, %get3A_163] {strides = array<i32>} : memref<128x128xf32, #tpu.memory_space<vmem>>, vector<1x16xf32>,
        %get3A_165 = vector.shape_cast %get3A_164 : vector<1x16xf32> to vector<16xf32>
        %mul3A_166 = arith.mulf %get3A_165, %gather3A_148 : vector<16xf32>
        %swap3A_167 = arith.index_cast %add3A_152 : i32 to index
        %swap3A_168 = arith.constant 16 : index
        %swap3A_169 = tpu.vector_load %arg19[%swap3A_167, %swap3A_168] {strides = array<i32>} : memref<128x128xf32, #tpu.memory_space<vmem>>, vector<1x16xf32>,
        %swap3A_170 = vector.shape_cast %swap3A_169 : vector<1x16xf32> to vector<16xf32>
        %swap3A_171 = vector.shape_cast %mul3A_166 : vector<16xf32> to vector<1x16xf32>
        tpu.vector_store %arg19[%swap3A_167, %swap3A_168], %swap3A_171 {strides = array<i32>} : memref<128x128xf32, #tpu.memory_space<vmem>>, vector<1x16xf32>,
        %get3A_172 = arith.index_cast %add3A_152 : i32 to index
        %get3A_173 = arith.constant 32 : index
        %get3A_174 = tpu.vector_load %arg19[%get3A_172, %get3A_173] {strides = array<i32>} : memref<128x128xf32, #tpu.memory_space<vmem>>, vector<1x16xf32>,
        %get3A_175 = vector.shape_cast %get3A_174 : vector<1x16xf32> to vector<16xf32>
        %mul3A_176 = arith.mulf %get3A_175, %gather3A_148 : vector<16xf32>
        %swap3A_177 = arith.index_cast %add3A_152 : i32 to index
        %swap3A_178 = arith.constant 32 : index
        %swap3A_179 = tpu.vector_load %arg19[%swap3A_177, %swap3A_178] {strides = array<i32>} : memref<128x128xf32, #tpu.memory_space<vmem>>, vector<1x16xf32>,
        %swap3A_180 = vector.shape_cast %swap3A_179 : vector<1x16xf32> to vector<16xf32>
        %swap3A_181 = vector.shape_cast %mul3A_176 : vector<16xf32> to vector<1x16xf32>
        tpu.vector_store %arg19[%swap3A_177, %swap3A_178], %swap3A_181 {strides = array<i32>} : memref<128x128xf32, #tpu.memory_space<vmem>>, vector<1x16xf32>,
        %get3A_182 = arith.index_cast %add3A_152 : i32 to index
        %get3A_183 = arith.constant 48 : index
        %get3A_184 = tpu.vector_load %arg19[%get3A_182, %get3A_183] {strides = array<i32>} : memref<128x128xf32, #tpu.memory_space<vmem>>, vector<1x16xf32>,
        %get3A_185 = vector.shape_cast %get3A_184 : vector<1x16xf32> to vector<16xf32>
        %mul3A_186 = arith.mulf %get3A_185, %gather3A_148 : vector<16xf32>
        %swap3A_187 = arith.index_cast %add3A_152 : i32 to index
        %swap3A_188 = arith.constant 48 : index
        %swap3A_189 = tpu.vector_load %arg19[%swap3A_187, %swap3A_188] {strides = array<i32>} : memref<128x128xf32, #tpu.memory_space<vmem>>, vector<1x16xf32>,
        %swap3A_190 = vector.shape_cast %swap3A_189 : vector<1x16xf32> to vector<16xf32>
        %swap3A_191 = vector.shape_cast %mul3A_186 : vector<16xf32> to vector<1x16xf32>
        tpu.vector_store %arg19[%swap3A_187, %swap3A_188], %swap3A_191 {strides = array<i32>} : memref<128x128xf32, #tpu.memory_space<vmem>>, vector<1x16xf32>,
        %get3A_192 = arith.index_cast %add3A_152 : i32 to index
        %get3A_193 = arith.constant 64 : index
        %get3A_194 = tpu.vector_load %arg19[%get3A_192, %get3A_193] {strides = array<i32>} : memref<128x128xf32, #tpu.memory_space<vmem>>, vector<1x16xf32>,
        %get3A_195 = vector.shape_cast %get3A_194 : vector<1x16xf32> to vector<16xf32>
        %mul3A_196 = arith.mulf %get3A_195, %gather3A_148 : vector<16xf32>
        %swap3A_197 = arith.index_cast %add3A_152 : i32 to index
        %swap3A_198 = arith.constant 64 : index
        %swap3A_199 = tpu.vector_load %arg19[%swap3A_197, %swap3A_198] {strides = array<i32>} : memref<128x128xf32, #tpu.memory_space<vmem>>, vector<1x16xf32>,
        %swap3A_200 = vector.shape_cast %swap3A_199 : vector<1x16xf32> to vector<16xf32>
        %swap3A_201 = vector.shape_cast %mul3A_196 : vector<16xf32> to vector<1x16xf32>
        tpu.vector_store %arg19[%swap3A_197, %swap3A_198], %swap3A_201 {strides = array<i32>} : memref<128x128xf32, #tpu.memory_space<vmem>>, vector<1x16xf32>,
        %get3A_202 = arith.index_cast %add3A_152 : i32 to index
        %get3A_203 = arith.constant 80 : index
        %get3A_204 = tpu.vector_load %arg19[%get3A_202, %get3A_203] {strides = array<i32>} : memref<128x128xf32, #tpu.memory_space<vmem>>, vector<1x16xf32>,
        %get3A_205 = vector.shape_cast %get3A_204 : vector<1x16xf32> to vector<16xf32>
        %mul3A_206 = arith.mulf %get3A_205, %gather3A_148 : vector<16xf32>
        %swap3A_207 = arith.index_cast %add3A_152 : i32 to index
        %swap3A_208 = arith.constant 80 : index
        %swap3A_209 = tpu.vector_load %arg19[%swap3A_207, %swap3A_208] {strides = array<i32>} : memref<128x128xf32, #tpu.memory_space<vmem>>, vector<1x16xf32>,
        %swap3A_210 = vector.shape_cast %swap3A_209 : vector<1x16xf32> to vector<16xf32>
        %swap3A_211 = vector.shape_cast %mul3A_206 : vector<16xf32> to vector<1x16xf32>
        tpu.vector_store %arg19[%swap3A_207, %swap3A_208], %swap3A_211 {strides = array<i32>} : memref<128x128xf32, #tpu.memory_space<vmem>>, vector<1x16xf32>,
        %get3A_212 = arith.index_cast %add3A_152 : i32 to index
        %get3A_213 = arith.constant 96 : index
        %get3A_214 = tpu.vector_load %arg19[%get3A_212, %get3A_213] {strides = array<i32>} : memref<128x128xf32, #tpu.memory_space<vmem>>, vector<1x16xf32>,
        %get3A_215 = vector.shape_cast %get3A_214 : vector<1x16xf32> to vector<16xf32>
        %mul3A_216 = arith.mulf %get3A_215, %gather3A_148 : vector<16xf32>
        %swap3A_217 = arith.index_cast %add3A_152 : i32 to index
        %swap3A_218 = arith.constant 96 : index
        %swap3A_219 = tpu.vector_load %arg19[%swap3A_217, %swap3A_218] {strides = array<i32>} : memref<128x128xf32, #tpu.memory_space<vmem>>, vector<1x16xf32>,
        %swap3A_220 = vector.shape_cast %swap3A_219 : vector<1x16xf32> to vector<16xf32>
        %swap3A_221 = vector.shape_cast %mul3A_216 : vector<16xf32> to vector<1x16xf32>
        tpu.vector_store %arg19[%swap3A_217, %swap3A_218], %swap3A_221 {strides = array<i32>} : memref<128x128xf32, #tpu.memory_space<vmem>>, vector<1x16xf32>,
        %get3A_222 = arith.index_cast %add3A_152 : i32 to index
        %get3A_223 = arith.constant 112 : index
        %get3A_224 = tpu.vector_load %arg19[%get3A_222, %get3A_223] {strides = array<i32>} : memref<128x128xf32, #tpu.memory_space<vmem>>, vector<1x16xf32>,
        %get3A_225 = vector.shape_cast %get3A_224 : vector<1x16xf32> to vector<16xf32>
        %mul3A_226 = arith.mulf %get3A_225, %gather3A_148 : vector<16xf32>
        %swap3A_227 = arith.index_cast %add3A_152 : i32 to index
        %swap3A_228 = arith.constant 112 : index
        %swap3A_229 = tpu.vector_load %arg19[%swap3A_227, %swap3A_228] {strides = array<i32>} : memref<128x128xf32, #tpu.memory_space<vmem>>, vector<1x16xf32>,
        %swap3A_230 = vector.shape_cast %swap3A_229 : vector<1x16xf32> to vector<16xf32>
        %swap3A_231 = vector.shape_cast %mul3A_226 : vector<16xf32> to vector<1x16xf32>
        tpu.vector_store %arg19[%swap3A_227, %swap3A_228], %swap3A_231 {strides = array<i32>} : memref<128x128xf32, #tpu.memory_space<vmem>>, vector<1x16xf32>,
        %broadcast_in_dim3A_232 = arith.constant 1 : i32
        %broadcast_in_dim3A_233 = vector.broadcast %broadcast_in_dim3A_232 : i32 to vector<16x1xi32>
        %gather3A_234 = vector.shape_cast %broadcast_in_dim3A_233 : vector<16x1xi32> to vector<16xi32>
        %gather3A_235 = tpu.dynamic_gather %div3A_146[%gather3A_234] in [0] : vector<16xf32>, vector<16xi32> -> vector<16xf32>
        %mul3A_236 = arith.constant 16 : i32
        %mul3A_237 = arith.muli %scan3A_135, %mul3A_236 : i32
        %add3A_238 = arith.constant 1 : i32
        %add3A_239 = arith.addi %mul3A_237, %add3A_238 : i32
        %get3A_240 = arith.index_cast %add3A_239 : i32 to index
        %get3A_241 = arith.constant 0 : index
        %get3A_242 = tpu.vector_load %arg19[%get3A_240, %get3A_241] {strides = array<i32>} : memref<128x128xf32, #tpu.memory_space<vmem>>, vector<1x16xf32>,
        %get3A_243 = vector.shape_cast %get3A_242 : vector<1x16xf32> to vector<16xf32>
        %mul3A_244 = arith.mulf %get3A_243, %gather3A_235 : vector<16xf32>
        %swap3A_245 = arith.index_cast %add3A_239 : i32 to index
        %swap3A_246 = arith.constant 0 : index
        %swap3A_247 = tpu.vector_load %arg19[%swap3A_245, %swap3A_246] {strides = array<i32>} : memref<128x128xf32, #tpu.memory_space<vmem>>, vector<1x16xf32>,
        %swap3A_248 = vector.shape_cast %swap3A_247 : vector<1x16xf32> to vector<16xf32>
        %swap3A_249 = vector.shape_cast %mul3A_244 : vector<16xf32> to vector<1x16xf32>
        tpu.vector_store %arg19[%swap3A_245, %swap3A_246], %swap3A_249 {strides = array<i32>} : memref<128x128xf32, #tpu.memory_space<vmem>>, vector<1x16xf32>,
        %get3A_250 = arith.index_cast %add3A_239 : i32 to index
        %get3A_251 = arith.constant 16 : index
        %get3A_252 = tpu.vector_load %arg19[%get3A_250, %get3A_251] {strides = array<i32>} : memref<128x128xf32, #tpu.memory_space<vmem>>, vector<1x16xf32>,
        %get3A_253 = vector.shape_cast %get3A_252 : vector<1x16xf32> to vector<16xf32>
        %mul3A_254 = arith.mulf %get3A_253, %gather3A_235 : vector<16xf32>
        %swap3A_255 = arith.index_cast %add3A_239 : i32 to index
        %swap3A_256 = arith.constant 16 : index
        %swap3A_257 = tpu.vector_load %arg19[%swap3A_255, %swap3A_256] {strides = array<i32>} : memref<128x128xf32, #tpu.memory_space<vmem>>, vector<1x16xf32>,
        %swap3A_258 = vector.shape_cast %swap3A_257 : vector<1x16xf32> to vector<16xf32>
        %swap3A_259 = vector.shape_cast %mul3A_254 : vector<16xf32> to vector<1x16xf32>
        tpu.vector_store %arg19[%swap3A_255, %swap3A_256], %swap3A_259 {strides = array<i32>} : memref<128x128xf32, #tpu.memory_space<vmem>>, vector<1x16xf32>,
        %get3A_260 = arith.index_cast %add3A_239 : i32 to index
        %get3A_261 = arith.constant 32 : index
        %get3A_262 = tpu.vector_load %arg19[%get3A_260, %get3A_261] {strides = array<i32>} : memref<128x128xf32, #tpu.memory_space<vmem>>, vector<1x16xf32>,
        %get3A_263 = vector.shape_cast %get3A_262 : vector<1x16xf32> to vector<16xf32>
        %mul3A_264 = arith.mulf %get3A_263, %gather3A_235 : vector<16xf32>
        %swap3A_265 = arith.index_cast %add3A_239 : i32 to index
        %swap3A_266 = arith.constant 32 : index
        %swap3A_267 = tpu.vector_load %arg19[%swap3A_265, %swap3A_266] {strides = array<i32>} : memref<128x128xf32, #tpu.memory_space<vmem>>, vector<1x16xf32>,
        %swap3A_268 = vector.shape_cast %swap3A_267 : vector<1x16xf32> to vector<16xf32>
        %swap3A_269 = vector.shape_cast %mul3A_264 : vector<16xf32> to vector<1x16xf32>
        tpu.vector_store %arg19[%swap3A_265, %swap3A_266], %swap3A_269 {strides = array<i32>} : memref<128x128xf32, #tpu.memory_space<vmem>>, vector<1x16xf32>,
        %get3A_270 = arith.index_cast %add3A_239 : i32 to index
        %get3A_271 = arith.constant 48 : index
        %get3A_272 = tpu.vector_load %arg19[%get3A_270, %get3A_271] {strides = array<i32>} : memref<128x128xf32, #tpu.memory_space<vmem>>, vector<1x16xf32>,
        %get3A_273 = vector.shape_cast %get3A_272 : vector<1x16xf32> to vector<16xf32>
        %mul3A_274 = arith.mulf %get3A_273, %gather3A_235 : vector<16xf32>
        %swap3A_275 = arith.index_cast %add3A_239 : i32 to index
        %swap3A_276 = arith.constant 48 : index
        %swap3A_277 = tpu.vector_load %arg19[%swap3A_275, %swap3A_276] {strides = array<i32>} : memref<128x128xf32, #tpu.memory_space<vmem>>, vector<1x16xf32>,
        %swap3A_278 = vector.shape_cast %swap3A_277 : vector<1x16xf32> to vector<16xf32>
        %swap3A_279 = vector.shape_cast %mul3A_274 : vector<16xf32> to vector<1x16xf32>
        tpu.vector_store %arg19[%swap3A_275, %swap3A_276], %swap3A_279 {strides = array<i32>} : memref<128x128xf32, #tpu.memory_space<vmem>>, vector<1x16xf32>,
        %get3A_280 = arith.index_cast %add3A_239 : i32 to index
        %get3A_281 = arith.constant 64 : index
        %get3A_282 = tpu.vector_load %arg19[%get3A_280, %get3A_281] {strides = array<i32>} : memref<128x128xf32, #tpu.memory_space<vmem>>, vector<1x16xf32>,
        %get3A_283 = vector.shape_cast %get3A_282 : vector<1x16xf32> to vector<16xf32>
        %mul3A_284 = arith.mulf %get3A_283, %gather3A_235 : vector<16xf32>
        %swap3A_285 = arith.index_cast %add3A_239 : i32 to index
        %swap3A_286 = arith.constant 64 : index
        %swap3A_287 = tpu.vector_load %arg19[%swap3A_285, %swap3A_286] {strides = array<i32>} : memref<128x128xf32, #tpu.memory_space<vmem>>, vector<1x16xf32>,
        %swap3A_288 = vector.shape_cast %swap3A_287 : vector<1x16xf32> to vector<16xf32>
        %swap3A_289 = vector.shape_cast %mul3A_284 : vector<16xf32> to vector<1x16xf32>
        tpu.vector_store %arg19[%swap3A_285, %swap3A_286], %swap3A_289 {strides = array<i32>} : memref<128x128xf32, #tpu.memory_space<vmem>>, vector<1x16xf32>,
        %get3A_290 = arith.index_cast %add3A_239 : i32 to index
        %get3A_291 = arith.constant 80 : index
        %get3A_292 = tpu.vector_load %arg19[%get3A_290, %get3A_291] {strides = array<i32>} : memref<128x128xf32, #tpu.memory_space<vmem>>, vector<1x16xf32>,
        %get3A_293 = vector.shape_cast %get3A_292 : vector<1x16xf32> to vector<16xf32>
        %mul3A_294 = arith.mulf %get3A_293, %gather3A_235 : vector<16xf32>
        %swap3A_295 = arith.index_cast %add3A_239 : i32 to index
        %swap3A_296 = arith.constant 80 : index
        %swap3A_297 = tpu.vector_load %arg19[%swap3A_295, %swap3A_296] {strides = array<i32>} : memref<128x128xf32, #tpu.memory_space<vmem>>, vector<1x16xf32>,
        %swap3A_298 = vector.shape_cast %swap3A_297 : vector<1x16xf32> to vector<16xf32>
        %swap3A_299 = vector.shape_cast %mul3A_294 : vector<16xf32> to vector<1x16xf32>
        tpu.vector_store %arg19[%swap3A_295, %swap3A_296], %swap3A_299 {strides = array<i32>} : memref<128x128xf32, #tpu.memory_space<vmem>>, vector<1x16xf32>,
        %get3A_300 = arith.index_cast %add3A_239 : i32 to index
        %get3A_301 = arith.constant 96 : index
        %get3A_302 = tpu.vector_load %arg19[%get3A_300, %get3A_301] {strides = array<i32>} : memref<128x128xf32, #tpu.memory_space<vmem>>, vector<1x16xf32>,
        %get3A_303 = vector.shape_cast %get3A_302 : vector<1x16xf32> to vector<16xf32>
        %mul3A_304 = arith.mulf %get3A_303, %gather3A_235 : vector<16xf32>
        %swap3A_305 = arith.index_cast %add3A_239 : i32 to index
        %swap3A_306 = arith.constant 96 : index
        %swap3A_307 = tpu.vector_load %arg19[%swap3A_305, %swap3A_306] {strides = array<i32>} : memref<128x128xf32, #tpu.memory_space<vmem>>, vector<1x16xf32>,
        %swap3A_308 = vector.shape_cast %swap3A_307 : vector<1x16xf32> to vector<16xf32>
        %swap3A_309 = vector.shape_cast %mul3A_304 : vector<16xf32> to vector<1x16xf32>
        tpu.vector_store %arg19[%swap3A_305, %swap3A_306], %swap3A_309 {strides = array<i32>} : memref<128x128xf32, #tpu.memory_space<vmem>>, vector<1x16xf32>,
        %get3A_310 = arith.index_cast %add3A_239 : i32 to index
        %get3A_311 = arith.constant 112 : index
        %get3A_312 = tpu.vector_load %arg19[%get3A_310, %get3A_311] {strides = array<i32>} : memref<128x128xf32, #tpu.memory_space<vmem>>, vector<1x16xf32>,
        %get3A_313 = vector.shape_cast %get3A_312 : vector<1x16xf32> to vector<16xf32>
        %mul3A_314 = arith.mulf %get3A_313, %gather3A_235 : vector<16xf32>
        %swap3A_315 = arith.index_cast %add3A_239 : i32 to index
        %swap3A_316 = arith.constant 112 : index
        %swap3A_317 = tpu.vector_load %arg19[%swap3A_315, %swap3A_316] {strides = array<i32>} : memref<128x128xf32, #tpu.memory_space<vmem>>, vector<1x16xf32>,
        %swap3A_318 = vector.shape_cast %swap3A_317 : vector<1x16xf32> to vector<16xf32>
        %swap3A_319 = vector.shape_cast %mul3A_314 : vector<16xf32> to vector<1x16xf32>
        tpu.vector_store %arg19[%swap3A_315, %swap3A_316], %swap3A_319 {strides = array<i32>} : memref<128x128xf32, #tpu.memory_space<vmem>>, vector<1x16xf32>,
        %broadcast_in_dim3A_320 = arith.constant 2 : i32
        %broadcast_in_dim3A_321 = vector.broadcast %broadcast_in_dim3A_320 : i32 to vector<16x1xi32>
        %gather3A_322 = vector.shape_cast %broadcast_in_dim3A_321 : vector<16x1xi32> to vector<16xi32>
        %gather3A_323 = tpu.dynamic_gather %div3A_146[%gather3A_322] in [0] : vector<16xf32>, vector<16xi32> -> vector<16xf32>
        %mul3A_324 = arith.constant 16 : i32
        %mul3A_325 = arith.muli %scan3A_135, %mul3A_324 : i32
        %add3A_326 = arith.constant 2 : i32
        %add3A_327 = arith.addi %mul3A_325, %add3A_326 : i32
        %get3A_328 = arith.index_cast %add3A_327 : i32 to index
        %get3A_329 = arith.constant 0 : index
        %get3A_330 = tpu.vector_load %arg19[%get3A_328, %get3A_329] {strides = array<i32>} : memref<128x128xf32, #tpu.memory_space<vmem>>, vector<1x16xf32>,
        %get3A_331 = vector.shape_cast %get3A_330 : vector<1x16xf32> to vector<16xf32>
        %mul3A_332 = arith.mulf %get3A_331, %gather3A_323 : vector<16xf32>
        %swap3A_333 = arith.index_cast %add3A_327 : i32 to index
        %swap3A_334 = arith.constant 0 : index
        %swap3A_335 = tpu.vector_load %arg19[%swap3A_333, %swap3A_334] {strides = array<i32>} : memref<128x128xf32, #tpu.memory_space<vmem>>, vector<1x16xf32>,
        %swap3A_336 = vector.shape_cast %swap3A_335 : vector<1x16xf32> to vector<16xf32>
        %swap3A_337 = vector.shape_cast %mul3A_332 : vector<16xf32> to vector<1x16xf32>
        tpu.vector_store %arg19[%swap3A_333, %swap3A_334], %swap3A_337 {strides = array<i32>} : memref<128x128xf32, #tpu.memory_space<vmem>>, vector<1x16xf32>,
        %get3A_338 = arith.index_cast %add3A_327 : i32 to index
        %get3A_339 = arith.constant 16 : index
        %get3A_340 = tpu.vector_load %arg19[%get3A_338, %get3A_339] {strides = array<i32>} : memref<128x128xf32, #tpu.memory_space<vmem>>, vector<1x16xf32>,
        %get3A_341 = vector.shape_cast %get3A_340 : vector<1x16xf32> to vector<16xf32>
        %mul3A_342 = arith.mulf %get3A_341, %gather3A_323 : vector<16xf32>
        %swap3A_343 = arith.index_cast %add3A_327 : i32 to index
        %swap3A_344 = arith.constant 16 : index
        %swap3A_345 = tpu.vector_load %arg19[%swap3A_343, %swap3A_344] {strides = array<i32>} : memref<128x128xf32, #tpu.memory_space<vmem>>, vector<1x16xf32>,
        %swap3A_346 = vector.shape_cast %swap3A_345 : vector<1x16xf32> to vector<16xf32>
        %swap3A_347 = vector.shape_cast %mul3A_342 : vector<16xf32> to vector<1x16xf32>
        tpu.vector_store %arg19[%swap3A_343, %swap3A_344], %swap3A_347 {strides = array<i32>} : memref<128x128xf32, #tpu.memory_space<vmem>>, vector<1x16xf32>,
        %get3A_348 = arith.index_cast %add3A_327 : i32 to index
        %get3A_349 = arith.constant 32 : index
        %get3A_350 = tpu.vector_load %arg19[%get3A_348, %get3A_349] {strides = array<i32>} : memref<128x128xf32, #tpu.memory_space<vmem>>, vector<1x16xf32>,
        %get3A_351 = vector.shape_cast %get3A_350 : vector<1x16xf32> to vector<16xf32>
        %mul3A_352 = arith.mulf %get3A_351, %gather3A_323 : vector<16xf32>
        %swap3A_353 = arith.index_cast %add3A_327 : i32 to index
        %swap3A_354 = arith.constant 32 : index
        %swap3A_355 = tpu.vector_load %arg19[%swap3A_353, %swap3A_354] {strides = array<i32>} : memref<128x128xf32, #tpu.memory_space<vmem>>, vector<1x16xf32>,
        %swap3A_356 = vector.shape_cast %swap3A_355 : vector<1x16xf32> to vector<16xf32>
        %swap3A_357 = vector.shape_cast %mul3A_352 : vector<16xf32> to vector<1x16xf32>
        tpu.vector_store %arg19[%swap3A_353, %swap3A_354], %swap3A_357 {strides = array<i32>} : memref<128x128xf32, #tpu.memory_space<vmem>>, vector<1x16xf32>,
        %get3A_358 = arith.index_cast %add3A_327 : i32 to index
        %get3A_359 = arith.constant 48 : index
        %get3A_360 = tpu.vector_load %arg19[%get3A_358, %get3A_359] {strides = array<i32>} : memref<128x128xf32, #tpu.memory_space<vmem>>, vector<1x16xf32>,
        %get3A_361 = vector.shape_cast %get3A_360 : vector<1x16xf32> to vector<16xf32>
        %mul3A_362 = arith.mulf %get3A_361, %gather3A_323 : vector<16xf32>
        %swap3A_363 = arith.index_cast %add3A_327 : i32 to index
        %swap3A_364 = arith.constant 48 : index
        %swap3A_365 = tpu.vector_load %arg19[%swap3A_363, %swap3A_364] {strides = array<i32>} : memref<128x128xf32, #tpu.memory_space<vmem>>, vector<1x16xf32>,
        %swap3A_366 = vector.shape_cast %swap3A_365 : vector<1x16xf32> to vector<16xf32>
        %swap3A_367 = vector.shape_cast %mul3A_362 : vector<16xf32> to vector<1x16xf32>
        tpu.vector_store %arg19[%swap3A_363, %swap3A_364], %swap3A_367 {strides = array<i32>} : memref<128x128xf32, #tpu.memory_space<vmem>>, vector<1x16xf32>,
        %get3A_368 = arith.index_cast %add3A_327 : i32 to index
        %get3A_369 = arith.constant 64 : index
        %get3A_370 = tpu.vector_load %arg19[%get3A_368, %get3A_369] {strides = array<i32>} : memref<128x128xf32, #tpu.memory_space<vmem>>, vector<1x16xf32>,
        %get3A_371 = vector.shape_cast %get3A_370 : vector<1x16xf32> to vector<16xf32>
        %mul3A_372 = arith.mulf %get3A_371, %gather3A_323 : vector<16xf32>
        %swap3A_373 = arith.index_cast %add3A_327 : i32 to index
        %swap3A_374 = arith.constant 64 : index
        %swap3A_375 = tpu.vector_load %arg19[%swap3A_373, %swap3A_374] {strides = array<i32>} : memref<128x128xf32, #tpu.memory_space<vmem>>, vector<1x16xf32>,
        %swap3A_376 = vector.shape_cast %swap3A_375 : vector<1x16xf32> to vector<16xf32>
        %swap3A_377 = vector.shape_cast %mul3A_372 : vector<16xf32> to vector<1x16xf32>
        tpu.vector_store %arg19[%swap3A_373, %swap3A_374], %swap3A_377 {strides = array<i32>} : memref<128x128xf32, #tpu.memory_space<vmem>>, vector<1x16xf32>,
        %get3A_378 = arith.index_cast %add3A_327 : i32 to index
        %get3A_379 = arith.constant 80 : index
        %get3A_380 = tpu.vector_load %arg19[%get3A_378, %get3A_379] {strides = array<i32>} : memref<128x128xf32, #tpu.memory_space<vmem>>, vector<1x16xf32>,
        %get3A_381 = vector.shape_cast %get3A_380 : vector<1x16xf32> to vector<16xf32>
        %mul3A_382 = arith.mulf %get3A_381, %gather3A_323 : vector<16xf32>
        %swap3A_383 = arith.index_cast %add3A_327 : i32 to index
        %swap3A_384 = arith.constant 80 : index
        %swap3A_385 = tpu.vector_load %arg19[%swap3A_383, %swap3A_384] {strides = array<i32>} : memref<128x128xf32, #tpu.memory_space<vmem>>, vector<1x16xf32>,
        %swap3A_386 = vector.shape_cast %swap3A_385 : vector<1x16xf32> to vector<16xf32>
        %swap3A_387 = vector.shape_cast %mul3A_382 : vector<16xf32> to vector<1x16xf32>
        tpu.vector_store %arg19[%swap3A_383, %swap3A_384], %swap3A_387 {strides = array<i32>} : memref<128x128xf32, #tpu.memory_space<vmem>>, vector<1x16xf32>,
        %get3A_388 = arith.index_cast %add3A_327 : i32 to index
        %get3A_389 = arith.constant 96 : index
        %get3A_390 = tpu.vector_load %arg19[%get3A_388, %get3A_389] {strides = array<i32>} : memref<128x128xf32, #tpu.memory_space<vmem>>, vector<1x16xf32>,
        %get3A_391 = vector.shape_cast %get3A_390 : vector<1x16xf32> to vector<16xf32>
        %mul3A_392 = arith.mulf %get3A_391, %gather3A_323 : vector<16xf32>
        %swap3A_393 = arith.index_cast %add3A_327 : i32 to index
        %swap3A_394 = arith.constant 96 : index
        %swap3A_395 = tpu.vector_load %arg19[%swap3A_393, %swap3A_394] {strides = array<i32>} : memref<128x128xf32, #tpu.memory_space<vmem>>, vector<1x16xf32>,
        %swap3A_396 = vector.shape_cast %swap3A_395 : vector<1x16xf32> to vector<16xf32>
        %swap3A_397 = vector.shape_cast %mul3A_392 : vector<16xf32> to vector<1x16xf32>
        tpu.vector_store %arg19[%swap3A_393, %swap3A_394], %swap3A_397 {strides = array<i32>} : memref<128x128xf32, #tpu.memory_space<vmem>>, vector<1x16xf32>,
        %get3A_398 = arith.index_cast %add3A_327 : i32 to index
        %get3A_399 = arith.constant 112 : index
        %get3A_400 = tpu.vector_load %arg19[%get3A_398, %get3A_399] {strides = array<i32>} : memref<128x128xf32, #tpu.memory_space<vmem>>, vector<1x16xf32>,
        %get3A_401 = vector.shape_cast %get3A_400 : vector<1x16xf32> to vector<16xf32>
        %mul3A_402 = arith.mulf %get3A_401, %gather3A_323 : vector<16xf32>
        %swap3A_403 = arith.index_cast %add3A_327 : i32 to index
        %swap3A_404 = arith.constant 112 : index
        %swap3A_405 = tpu.vector_load %arg19[%swap3A_403, %swap3A_404] {strides = array<i32>} : memref<128x128xf32, #tpu.memory_space<vmem>>, vector<1x16xf32>,
        %swap3A_406 = vector.shape_cast %swap3A_405 : vector<1x16xf32> to vector<16xf32>
        %swap3A_407 = vector.shape_cast %mul3A_402 : vector<16xf32> to vector<1x16xf32>
        tpu.vector_store %arg19[%swap3A_403, %swap3A_404], %swap3A_407 {strides = array<i32>} : memref<128x128xf32, #tpu.memory_space<vmem>>, vector<1x16xf32>,
        %broadcast_in_dim3A_408 = arith.constant 3 : i32
        %broadcast_in_dim3A_409 = vector.broadcast %broadcast_in_dim3A_408 : i32 to vector<16x1xi32>
        %gather3A_410 = vector.shape_cast %broadcast_in_dim3A_409 : vector<16x1xi32> to vector<16xi32>
        %gather3A_411 = tpu.dynamic_gather %div3A_146[%gather3A_410] in [0] : vector<16xf32>, vector<16xi32> -> vector<16xf32>
        %mul3A_412 = arith.constant 16 : i32
        %mul3A_413 = arith.muli %scan3A_135, %mul3A_412 : i32
        %add3A_414 = arith.constant 3 : i32
        %add3A_415 = arith.addi %mul3A_413, %add3A_414 : i32
        %get3A_416 = arith.index_cast %add3A_415 : i32 to index
        %get3A_417 = arith.constant 0 : index
        %get3A_418 = tpu.vector_load %arg19[%get3A_416, %get3A_417] {strides = array<i32>} : memref<128x128xf32, #tpu.memory_space<vmem>>, vector<1x16xf32>,
        %get3A_419 = vector.shape_cast %get3A_418 : vector<1x16xf32> to vector<16xf32>
        %mul3A_420 = arith.mulf %get3A_419, %gather3A_411 : vector<16xf32>
        %swap3A_421 = arith.index_cast %add3A_415 : i32 to index
        %swap3A_422 = arith.constant 0 : index
        %swap3A_423 = tpu.vector_load %arg19[%swap3A_421, %swap3A_422] {strides = array<i32>} : memref<128x128xf32, #tpu.memory_space<vmem>>, vector<1x16xf32>,
        %swap3A_424 = vector.shape_cast %swap3A_423 : vector<1x16xf32> to vector<16xf32>
        %swap3A_425 = vector.shape_cast %mul3A_420 : vector<16xf32> to vector<1x16xf32>
        tpu.vector_store %arg19[%swap3A_421, %swap3A_422], %swap3A_425 {strides = array<i32>} : memref<128x128xf32, #tpu.memory_space<vmem>>, vector<1x16xf32>,
        %get3A_426 = arith.index_cast %add3A_415 : i32 to index
        %get3A_427 = arith.constant 16 : index
        %get3A_428 = tpu.vector_load %arg19[%get3A_426, %get3A_427] {strides = array<i32>} : memref<128x128xf32, #tpu.memory_space<vmem>>, vector<1x16xf32>,
        %get3A_429 = vector.shape_cast %get3A_428 : vector<1x16xf32> to vector<16xf32>
        %mul3A_430 = arith.mulf %get3A_429, %gather3A_411 : vector<16xf32>
        %swap3A_431 = arith.index_cast %add3A_415 : i32 to index
        %swap3A_432 = arith.constant 16 : index
        %swap3A_433 = tpu.vector_load %arg19[%swap3A_431, %swap3A_432] {strides = array<i32>} : memref<128x128xf32, #tpu.memory_space<vmem>>, vector<1x16xf32>,
        %swap3A_434 = vector.shape_cast %swap3A_433 : vector<1x16xf32> to vector<16xf32>
        %swap3A_435 = vector.shape_cast %mul3A_430 : vector<16xf32> to vector<1x16xf32>
        tpu.vector_store %arg19[%swap3A_431, %swap3A_432], %swap3A_435 {strides = array<i32>} : memref<128x128xf32, #tpu.memory_space<vmem>>, vector<1x16xf32>,
        %get3A_436 = arith.index_cast %add3A_415 : i32 to index
        %get3A_437 = arith.constant 32 : index
        %get3A_438 = tpu.vector_load %arg19[%get3A_436, %get3A_437] {strides = array<i32>} : memref<128x128xf32, #tpu.memory_space<vmem>>, vector<1x16xf32>,
        %get3A_439 = vector.shape_cast %get3A_438 : vector<1x16xf32> to vector<16xf32>
        %mul3A_440 = arith.mulf %get3A_439, %gather3A_411 : vector<16xf32>
        %swap3A_441 = arith.index_cast %add3A_415 : i32 to index
        %swap3A_442 = arith.constant 32 : index
        %swap3A_443 = tpu.vector_load %arg19[%swap3A_441, %swap3A_442] {strides = array<i32>} : memref<128x128xf32, #tpu.memory_space<vmem>>, vector<1x16xf32>,
        %swap3A_444 = vector.shape_cast %swap3A_443 : vector<1x16xf32> to vector<16xf32>
        %swap3A_445 = vector.shape_cast %mul3A_440 : vector<16xf32> to vector<1x16xf32>
        tpu.vector_store %arg19[%swap3A_441, %swap3A_442], %swap3A_445 {strides = array<i32>} : memref<128x128xf32, #tpu.memory_space<vmem>>, vector<1x16xf32>,
        %get3A_446 = arith.index_cast %add3A_415 : i32 to index
        %get3A_447 = arith.constant 48 : index
        %get3A_448 = tpu.vector_load %arg19[%get3A_446, %get3A_447] {strides = array<i32>} : memref<128x128xf32, #tpu.memory_space<vmem>>, vector<1x16xf32>,
        %get3A_449 = vector.shape_cast %get3A_448 : vector<1x16xf32> to vector<16xf32>
        %mul3A_450 = arith.mulf %get3A_449, %gather3A_411 : vector<16xf32>
        %swap3A_451 = arith.index_cast %add3A_415 : i32 to index
        %swap3A_452 = arith.constant 48 : index
        %swap3A_453 = tpu.vector_load %arg19[%swap3A_451, %swap3A_452] {strides = array<i32>} : memref<128x128xf32, #tpu.memory_space<vmem>>, vector<1x16xf32>,
        %swap3A_454 = vector.shape_cast %swap3A_453 : vector<1x16xf32> to vector<16xf32>
        %swap3A_455 = vector.shape_cast %mul3A_450 : vector<16xf32> to vector<1x16xf32>
        tpu.vector_store %arg19[%swap3A_451, %swap3A_452], %swap3A_455 {strides = array<i32>} : memref<128x128xf32, #tpu.memory_space<vmem>>, vector<1x16xf32>,
        %get3A_456 = arith.index_cast %add3A_415 : i32 to index
        %get3A_457 = arith.constant 64 : index
        %get3A_458 = tpu.vector_load %arg19[%get3A_456, %get3A_457] {strides = array<i32>} : memref<128x128xf32, #tpu.memory_space<vmem>>, vector<1x16xf32>,
        %get3A_459 = vector.shape_cast %get3A_458 : vector<1x16xf32> to vector<16xf32>
        %mul3A_460 = arith.mulf %get3A_459, %gather3A_411 : vector<16xf32>
        %swap3A_461 = arith.index_cast %add3A_415 : i32 to index
        %swap3A_462 = arith.constant 64 : index
        %swap3A_463 = tpu.vector_load %arg19[%swap3A_461, %swap3A_462] {strides = array<i32>} : memref<128x128xf32, #tpu.memory_space<vmem>>, vector<1x16xf32>,
        %swap3A_464 = vector.shape_cast %swap3A_463 : vector<1x16xf32> to vector<16xf32>
        %swap3A_465 = vector.shape_cast %mul3A_460 : vector<16xf32> to vector<1x16xf32>
        tpu.vector_store %arg19[%swap3A_461, %swap3A_462], %swap3A_465 {strides = array<i32>} : memref<128x128xf32, #tpu.memory_space<vmem>>, vector<1x16xf32>,
        %get3A_466 = arith.index_cast %add3A_415 : i32 to index
        %get3A_467 = arith.constant 80 : index
        %get3A_468 = tpu.vector_load %arg19[%get3A_466, %get3A_467] {strides = array<i32>} : memref<128x128xf32, #tpu.memory_space<vmem>>, vector<1x16xf32>,
        %get3A_469 = vector.shape_cast %get3A_468 : vector<1x16xf32> to vector<16xf32>
        %mul3A_470 = arith.mulf %get3A_469, %gather3A_411 : vector<16xf32>
        %swap3A_471 = arith.index_cast %add3A_415 : i32 to index
        %swap3A_472 = arith.constant 80 : index
        %swap3A_473 = tpu.vector_load %arg19[%swap3A_471, %swap3A_472] {strides = array<i32>} : memref<128x128xf32, #tpu.memory_space<vmem>>, vector<1x16xf32>,
        %swap3A_474 = vector.shape_cast %swap3A_473 : vector<1x16xf32> to vector<16xf32>
        %swap3A_475 = vector.shape_cast %mul3A_470 : vector<16xf32> to vector<1x16xf32>
        tpu.vector_store %arg19[%swap3A_471, %swap3A_472], %swap3A_475 {strides = array<i32>} : memref<128x128xf32, #tpu.memory_space<vmem>>, vector<1x16xf32>,
        %get3A_476 = arith.index_cast %add3A_415 : i32 to index
        %get3A_477 = arith.constant 96 : index
        %get3A_478 = tpu.vector_load %arg19[%get3A_476, %get3A_477] {strides = array<i32>} : memref<128x128xf32, #tpu.memory_space<vmem>>, vector<1x16xf32>,
        %get3A_479 = vector.shape_cast %get3A_478 : vector<1x16xf32> to vector<16xf32>
        %mul3A_480 = arith.mulf %get3A_479, %gather3A_411 : vector<16xf32>
        %swap3A_481 = arith.index_cast %add3A_415 : i32 to index
        %swap3A_482 = arith.constant 96 : index
        %swap3A_483 = tpu.vector_load %arg19[%swap3A_481, %swap3A_482] {strides = array<i32>} : memref<128x128xf32, #tpu.memory_space<vmem>>, vector<1x16xf32>,
        %swap3A_484 = vector.shape_cast %swap3A_483 : vector<1x16xf32> to vector<16xf32>
        %swap3A_485 = vector.shape_cast %mul3A_480 : vector<16xf32> to vector<1x16xf32>
        tpu.vector_store %arg19[%swap3A_481, %swap3A_482], %swap3A_485 {strides = array<i32>} : memref<128x128xf32, #tpu.memory_space<vmem>>, vector<1x16xf32>,
        %get3A_486 = arith.index_cast %add3A_415 : i32 to index
        %get3A_487 = arith.constant 112 : index
        %get3A_488 = tpu.vector_load %arg19[%get3A_486, %get3A_487] {strides = array<i32>} : memref<128x128xf32, #tpu.memory_space<vmem>>, vector<1x16xf32>,
        %get3A_489 = vector.shape_cast %get3A_488 : vector<1x16xf32> to vector<16xf32>
        %mul3A_490 = arith.mulf %get3A_489, %gather3A_411 : vector<16xf32>
        %swap3A_491 = arith.index_cast %add3A_415 : i32 to index
        %swap3A_492 = arith.constant 112 : index
        %swap3A_493 = tpu.vector_load %arg19[%swap3A_491, %swap3A_492] {strides = array<i32>} : memref<128x128xf32, #tpu.memory_space<vmem>>, vector<1x16xf32>,
        %swap3A_494 = vector.shape_cast %swap3A_493 : vector<1x16xf32> to vector<16xf32>
        %swap3A_495 = vector.shape_cast %mul3A_490 : vector<16xf32> to vector<1x16xf32>
        tpu.vector_store %arg19[%swap3A_491, %swap3A_492], %swap3A_495 {strides = array<i32>} : memref<128x128xf32, #tpu.memory_space<vmem>>, vector<1x16xf32>,
        %broadcast_in_dim3A_496 = arith.constant 4 : i32
        %broadcast_in_dim3A_497 = vector.broadcast %broadcast_in_dim3A_496 : i32 to vector<16x1xi32>
        %gather3A_498 = vector.shape_cast %broadcast_in_dim3A_497 : vector<16x1xi32> to vector<16xi32>
        %gather3A_499 = tpu.dynamic_gather %div3A_146[%gather3A_498] in [0] : vector<16xf32>, vector<16xi32> -> vector<16xf32>
        %mul3A_500 = arith.constant 16 : i32
        %mul3A_501 = arith.muli %scan3A_135, %mul3A_500 : i32
        %add3A_502 = arith.constant 4 : i32
        %add3A_503 = arith.addi %mul3A_501, %add3A_502 : i32
        %get3A_504 = arith.index_cast %add3A_503 : i32 to index
        %get3A_505 = arith.constant 0 : index
        %get3A_506 = tpu.vector_load %arg19[%get3A_504, %get3A_505] {strides = array<i32>} : memref<128x128xf32, #tpu.memory_space<vmem>>, vector<1x16xf32>,
        %get3A_507 = vector.shape_cast %get3A_506 : vector<1x16xf32> to vector<16xf32>
        %mul3A_508 = arith.mulf %get3A_507, %gather3A_499 : vector<16xf32>
        %swap3A_509 = arith.index_cast %add3A_503 : i32 to index
        %swap3A_510 = arith.constant 0 : index
        %swap3A_511 = tpu.vector_load %arg19[%swap3A_509, %swap3A_510] {strides = array<i32>} : memref<128x128xf32, #tpu.memory_space<vmem>>, vector<1x16xf32>,
        %swap3A_512 = vector.shape_cast %swap3A_511 : vector<1x16xf32> to vector<16xf32>
        %swap3A_513 = vector.shape_cast %mul3A_508 : vector<16xf32> to vector<1x16xf32>
        tpu.vector_store %arg19[%swap3A_509, %swap3A_510], %swap3A_513 {strides = array<i32>} : memref<128x128xf32, #tpu.memory_space<vmem>>, vector<1x16xf32>,
        %get3A_514 = arith.index_cast %add3A_503 : i32 to index
        %get3A_515 = arith.constant 16 : index
        %get3A_516 = tpu.vector_load %arg19[%get3A_514, %get3A_515] {strides = array<i32>} : memref<128x128xf32, #tpu.memory_space<vmem>>, vector<1x16xf32>,
        %get3A_517 = vector.shape_cast %get3A_516 : vector<1x16xf32> to vector<16xf32>
        %mul3A_518 = arith.mulf %get3A_517, %gather3A_499 : vector<16xf32>
        %swap3A_519 = arith.index_cast %add3A_503 : i32 to index
        %swap3A_520 = arith.constant 16 : index
        %swap3A_521 = tpu.vector_load %arg19[%swap3A_519, %swap3A_520] {strides = array<i32>} : memref<128x128xf32, #tpu.memory_space<vmem>>, vector<1x16xf32>,
        %swap3A_522 = vector.shape_cast %swap3A_521 : vector<1x16xf32> to vector<16xf32>
        %swap3A_523 = vector.shape_cast %mul3A_518 : vector<16xf32> to vector<1x16xf32>
        tpu.vector_store %arg19[%swap3A_519, %swap3A_520], %swap3A_523 {strides = array<i32>} : memref<128x128xf32, #tpu.memory_space<vmem>>, vector<1x16xf32>,
        %get3A_524 = arith.index_cast %add3A_503 : i32 to index
        %get3A_525 = arith.constant 32 : index
        %get3A_526 = tpu.vector_load %arg19[%get3A_524, %get3A_525] {strides = array<i32>} : memref<128x128xf32, #tpu.memory_space<vmem>>, vector<1x16xf32>,
        %get3A_527 = vector.shape_cast %get3A_526 : vector<1x16xf32> to vector<16xf32>
        %mul3A_528 = arith.mulf %get3A_527, %gather3A_499 : vector<16xf32>
        %swap3A_529 = arith.index_cast %add3A_503 : i32 to index
        %swap3A_530 = arith.constant 32 : index
        %swap3A_531 = tpu.vector_load %arg19[%swap3A_529, %swap3A_530] {strides = array<i32>} : memref<128x128xf32, #tpu.memory_space<vmem>>, vector<1x16xf32>,
        %swap3A_532 = vector.shape_cast %swap3A_531 : vector<1x16xf32> to vector<16xf32>
        %swap3A_533 = vector.shape_cast %mul3A_528 : vector<16xf32> to vector<1x16xf32>
        tpu.vector_store %arg19[%swap3A_529, %swap3A_530], %swap3A_533 {strides = array<i32>} : memref<128x128xf32, #tpu.memory_space<vmem>>, vector<1x16xf32>,
        %get3A_534 = arith.index_cast %add3A_503 : i32 to index
        %get3A_535 = arith.constant 48 : index
        %get3A_536 = tpu.vector_load %arg19[%get3A_534, %get3A_535] {strides = array<i32>} : memref<128x128xf32, #tpu.memory_space<vmem>>, vector<1x16xf32>,
        %get3A_537 = vector.shape_cast %get3A_536 : vector<1x16xf32> to vector<16xf32>
        %mul3A_538 = arith.mulf %get3A_537, %gather3A_499 : vector<16xf32>
        %swap3A_539 = arith.index_cast %add3A_503 : i32 to index
        %swap3A_540 = arith.constant 48 : index
        %swap3A_541 = tpu.vector_load %arg19[%swap3A_539, %swap3A_540] {strides = array<i32>} : memref<128x128xf32, #tpu.memory_space<vmem>>, vector<1x16xf32>,
        %swap3A_542 = vector.shape_cast %swap3A_541 : vector<1x16xf32> to vector<16xf32>
        %swap3A_543 = vector.shape_cast %mul3A_538 : vector<16xf32> to vector<1x16xf32>
        tpu.vector_store %arg19[%swap3A_539, %swap3A_540], %swap3A_543 {strides = array<i32>} : memref<128x128xf32, #tpu.memory_space<vmem>>, vector<1x16xf32>,
        %get3A_544 = arith.index_cast %add3A_503 : i32 to index
        %get3A_545 = arith.constant 64 : index
        %get3A_546 = tpu.vector_load %arg19[%get3A_544, %get3A_545] {strides = array<i32>} : memref<128x128xf32, #tpu.memory_space<vmem>>, vector<1x16xf32>,
        %get3A_547 = vector.shape_cast %get3A_546 : vector<1x16xf32> to vector<16xf32>
        %mul3A_548 = arith.mulf %get3A_547, %gather3A_499 : vector<16xf32>
        %swap3A_549 = arith.index_cast %add3A_503 : i32 to index
        %swap3A_550 = arith.constant 64 : index
        %swap3A_551 = tpu.vector_load %arg19[%swap3A_549, %swap3A_550] {strides = array<i32>} : memref<128x128xf32, #tpu.memory_space<vmem>>, vector<1x16xf32>,
        %swap3A_552 = vector.shape_cast %swap3A_551 : vector<1x16xf32> to vector<16xf32>
        %swap3A_553 = vector.shape_cast %mul3A_548 : vector<16xf32> to vector<1x16xf32>
        tpu.vector_store %arg19[%swap3A_549, %swap3A_550], %swap3A_553 {strides = array<i32>} : memref<128x128xf32, #tpu.memory_space<vmem>>, vector<1x16xf32>,
        %get3A_554 = arith.index_cast %add3A_503 : i32 to index
        %get3A_555 = arith.constant 80 : index
        %get3A_556 = tpu.vector_load %arg19[%get3A_554, %get3A_555] {strides = array<i32>} : memref<128x128xf32, #tpu.memory_space<vmem>>, vector<1x16xf32>,
        %get3A_557 = vector.shape_cast %get3A_556 : vector<1x16xf32> to vector<16xf32>
        %mul3A_558 = arith.mulf %get3A_557, %gather3A_499 : vector<16xf32>
        %swap3A_559 = arith.index_cast %add3A_503 : i32 to index
        %swap3A_560 = arith.constant 80 : index
        %swap3A_561 = tpu.vector_load %arg19[%swap3A_559, %swap3A_560] {strides = array<i32>} : memref<128x128xf32, #tpu.memory_space<vmem>>, vector<1x16xf32>,
        %swap3A_562 = vector.shape_cast %swap3A_561 : vector<1x16xf32> to vector<16xf32>
        %swap3A_563 = vector.shape_cast %mul3A_558 : vector<16xf32> to vector<1x16xf32>
        tpu.vector_store %arg19[%swap3A_559, %swap3A_560], %swap3A_563 {strides = array<i32>} : memref<128x128xf32, #tpu.memory_space<vmem>>, vector<1x16xf32>,
        %get3A_564 = arith.index_cast %add3A_503 : i32 to index
        %get3A_565 = arith.constant 96 : index
        %get3A_566 = tpu.vector_load %arg19[%get3A_564, %get3A_565] {strides = array<i32>} : memref<128x128xf32, #tpu.memory_space<vmem>>, vector<1x16xf32>,
        %get3A_567 = vector.shape_cast %get3A_566 : vector<1x16xf32> to vector<16xf32>
        %mul3A_568 = arith.mulf %get3A_567, %gather3A_499 : vector<16xf32>
        %swap3A_569 = arith.index_cast %add3A_503 : i32 to index
        %swap3A_570 = arith.constant 96 : index
        %swap3A_571 = tpu.vector_load %arg19[%swap3A_569, %swap3A_570] {strides = array<i32>} : memref<128x128xf32, #tpu.memory_space<vmem>>, vector<1x16xf32>,
        %swap3A_572 = vector.shape_cast %swap3A_571 : vector<1x16xf32> to vector<16xf32>
        %swap3A_573 = vector.shape_cast %mul3A_568 : vector<16xf32> to vector<1x16xf32>
        tpu.vector_store %arg19[%swap3A_569, %swap3A_570], %swap3A_573 {strides = array<i32>} : memref<128x128xf32, #tpu.memory_space<vmem>>, vector<1x16xf32>,
        %get3A_574 = arith.index_cast %add3A_503 : i32 to index
        %get3A_575 = arith.constant 112 : index
        %get3A_576 = tpu.vector_load %arg19[%get3A_574, %get3A_575] {strides = array<i32>} : memref<128x128xf32, #tpu.memory_space<vmem>>, vector<1x16xf32>,
        %get3A_577 = vector.shape_cast %get3A_576 : vector<1x16xf32> to vector<16xf32>
        %mul3A_578 = arith.mulf %get3A_577, %gather3A_499 : vector<16xf32>
        %swap3A_579 = arith.index_cast %add3A_503 : i32 to index
        %swap3A_580 = arith.constant 112 : index
        %swap3A_581 = tpu.vector_load %arg19[%swap3A_579, %swap3A_580] {strides = array<i32>} : memref<128x128xf32, #tpu.memory_space<vmem>>, vector<1x16xf32>,
        %swap3A_582 = vector.shape_cast %swap3A_581 : vector<1x16xf32> to vector<16xf32>
        %swap3A_583 = vector.shape_cast %mul3A_578 : vector<16xf32> to vector<1x16xf32>
        tpu.vector_store %arg19[%swap3A_579, %swap3A_580], %swap3A_583 {strides = array<i32>} : memref<128x128xf32, #tpu.memory_space<vmem>>, vector<1x16xf32>,
        %broadcast_in_dim3A_584 = arith.constant 5 : i32
        %broadcast_in_dim3A_585 = vector.broadcast %broadcast_in_dim3A_584 : i32 to vector<16x1xi32>
        %gather3A_586 = vector.shape_cast %broadcast_in_dim3A_585 : vector<16x1xi32> to vector<16xi32>
        %gather3A_587 = tpu.dynamic_gather %div3A_146[%gather3A_586] in [0] : vector<16xf32>, vector<16xi32> -> vector<16xf32>
        %mul3A_588 = arith.constant 16 : i32
        %mul3A_589 = arith.muli %scan3A_135, %mul3A_588 : i32
        %add3A_590 = arith.constant 5 : i32
        %add3A_591 = arith.addi %mul3A_589, %add3A_590 : i32
        %get3A_592 = arith.index_cast %add3A_591 : i32 to index
        %get3A_593 = arith.constant 0 : index
        %get3A_594 = tpu.vector_load %arg19[%get3A_592, %get3A_593] {strides = array<i32>} : memref<128x128xf32, #tpu.memory_space<vmem>>, vector<1x16xf32>,
        %get3A_595 = vector.shape_cast %get3A_594 : vector<1x16xf32> to vector<16xf32>
        %mul3A_596 = arith.mulf %get3A_595, %gather3A_587 : vector<16xf32>
        %swap3A_597 = arith.index_cast %add3A_591 : i32 to index
        %swap3A_598 = arith.constant 0 : index
        %swap3A_599 = tpu.vector_load %arg19[%swap3A_597, %swap3A_598] {strides = array<i32>} : memref<128x128xf32, #tpu.memory_space<vmem>>, vector<1x16xf32>,
        %swap3A_600 = vector.shape_cast %swap3A_599 : vector<1x16xf32> to vector<16xf32>
        %swap3A_601 = vector.shape_cast %mul3A_596 : vector<16xf32> to vector<1x16xf32>
        tpu.vector_store %arg19[%swap3A_597, %swap3A_598], %swap3A_601 {strides = array<i32>} : memref<128x128xf32, #tpu.memory_space<vmem>>, vector<1x16xf32>,
        %get3A_602 = arith.index_cast %add3A_591 : i32 to index
        %get3A_603 = arith.constant 16 : index
        %get3A_604 = tpu.vector_load %arg19[%get3A_602, %get3A_603] {strides = array<i32>} : memref<128x128xf32, #tpu.memory_space<vmem>>, vector<1x16xf32>,
        %get3A_605 = vector.shape_cast %get3A_604 : vector<1x16xf32> to vector<16xf32>
        %mul3A_606 = arith.mulf %get3A_605, %gather3A_587 : vector<16xf32>
        %swap3A_607 = arith.index_cast %add3A_591 : i32 to index
        %swap3A_608 = arith.constant 16 : index
        %swap3A_609 = tpu.vector_load %arg19[%swap3A_607, %swap3A_608] {strides = array<i32>} : memref<128x128xf32, #tpu.memory_space<vmem>>, vector<1x16xf32>,
        %swap3A_610 = vector.shape_cast %swap3A_609 : vector<1x16xf32> to vector<16xf32>
        %swap3A_611 = vector.shape_cast %mul3A_606 : vector<16xf32> to vector<1x16xf32>
        tpu.vector_store %arg19[%swap3A_607, %swap3A_608], %swap3A_611 {strides = array<i32>} : memref<128x128xf32, #tpu.memory_space<vmem>>, vector<1x16xf32>,
        %get3A_612 = arith.index_cast %add3A_591 : i32 to index
        %get3A_613 = arith.constant 32 : index
        %get3A_614 = tpu.vector_load %arg19[%get3A_612, %get3A_613] {strides = array<i32>} : memref<128x128xf32, #tpu.memory_space<vmem>>, vector<1x16xf32>,
        %get3A_615 = vector.shape_cast %get3A_614 : vector<1x16xf32> to vector<16xf32>
        %mul3A_616 = arith.mulf %get3A_615, %gather3A_587 : vector<16xf32>
        %swap3A_617 = arith.index_cast %add3A_591 : i32 to index
        %swap3A_618 = arith.constant 32 : index
        %swap3A_619 = tpu.vector_load %arg19[%swap3A_617, %swap3A_618] {strides = array<i32>} : memref<128x128xf32, #tpu.memory_space<vmem>>, vector<1x16xf32>,
        %swap3A_620 = vector.shape_cast %swap3A_619 : vector<1x16xf32> to vector<16xf32>
        %swap3A_621 = vector.shape_cast %mul3A_616 : vector<16xf32> to vector<1x16xf32>
        tpu.vector_store %arg19[%swap3A_617, %swap3A_618], %swap3A_621 {strides = array<i32>} : memref<128x128xf32, #tpu.memory_space<vmem>>, vector<1x16xf32>,
        %get3A_622 = arith.index_cast %add3A_591 : i32 to index
        %get3A_623 = arith.constant 48 : index
        %get3A_624 = tpu.vector_load %arg19[%get3A_622, %get3A_623] {strides = array<i32>} : memref<128x128xf32, #tpu.memory_space<vmem>>, vector<1x16xf32>,
        %get3A_625 = vector.shape_cast %get3A_624 : vector<1x16xf32> to vector<16xf32>
        %mul3A_626 = arith.mulf %get3A_625, %gather3A_587 : vector<16xf32>
        %swap3A_627 = arith.index_cast %add3A_591 : i32 to index
        %swap3A_628 = arith.constant 48 : index
        %swap3A_629 = tpu.vector_load %arg19[%swap3A_627, %swap3A_628] {strides = array<i32>} : memref<128x128xf32, #tpu.memory_space<vmem>>, vector<1x16xf32>,
        %swap3A_630 = vector.shape_cast %swap3A_629 : vector<1x16xf32> to vector<16xf32>
        %swap3A_631 = vector.shape_cast %mul3A_626 : vector<16xf32> to vector<1x16xf32>
        tpu.vector_store %arg19[%swap3A_627, %swap3A_628], %swap3A_631 {strides = array<i32>} : memref<128x128xf32, #tpu.memory_space<vmem>>, vector<1x16xf32>,
        %get3A_632 = arith.index_cast %add3A_591 : i32 to index
        %get3A_633 = arith.constant 64 : index
        %get3A_634 = tpu.vector_load %arg19[%get3A_632, %get3A_633] {strides = array<i32>} : memref<128x128xf32, #tpu.memory_space<vmem>>, vector<1x16xf32>,
        %get3A_635 = vector.shape_cast %get3A_634 : vector<1x16xf32> to vector<16xf32>
        %mul3A_636 = arith.mulf %get3A_635, %gather3A_587 : vector<16xf32>
        %swap3A_637 = arith.index_cast %add3A_591 : i32 to index
        %swap3A_638 = arith.constant 64 : index
        %swap3A_639 = tpu.vector_load %arg19[%swap3A_637, %swap3A_638] {strides = array<i32>} : memref<128x128xf32, #tpu.memory_space<vmem>>, vector<1x16xf32>,
        %swap3A_640 = vector.shape_cast %swap3A_639 : vector<1x16xf32> to vector<16xf32>
        %swap3A_641 = vector.shape_cast %mul3A_636 : vector<16xf32> to vector<1x16xf32>
        tpu.vector_store %arg19[%swap3A_637, %swap3A_638], %swap3A_641 {strides = array<i32>} : memref<128x128xf32, #tpu.memory_space<vmem>>, vector<1x16xf32>,
        %get3A_642 = arith.index_cast %add3A_591 : i32 to index
        %get3A_643 = arith.constant 80 : index
        %get3A_644 = tpu.vector_load %arg19[%get3A_642, %get3A_643] {strides = array<i32>} : memref<128x128xf32, #tpu.memory_space<vmem>>, vector<1x16xf32>,
        %get3A_645 = vector.shape_cast %get3A_644 : vector<1x16xf32> to vector<16xf32>
        %mul3A_646 = arith.mulf %get3A_645, %gather3A_587 : vector<16xf32>
        %swap3A_647 = arith.index_cast %add3A_591 : i32 to index
        %swap3A_648 = arith.constant 80 : index
        %swap3A_649 = tpu.vector_load %arg19[%swap3A_647, %swap3A_648] {strides = array<i32>} : memref<128x128xf32, #tpu.memory_space<vmem>>, vector<1x16xf32>,
        %swap3A_650 = vector.shape_cast %swap3A_649 : vector<1x16xf32> to vector<16xf32>
        %swap3A_651 = vector.shape_cast %mul3A_646 : vector<16xf32> to vector<1x16xf32>
        tpu.vector_store %arg19[%swap3A_647, %swap3A_648], %swap3A_651 {strides = array<i32>} : memref<128x128xf32, #tpu.memory_space<vmem>>, vector<1x16xf32>,
        %get3A_652 = arith.index_cast %add3A_591 : i32 to index
        %get3A_653 = arith.constant 96 : index
        %get3A_654 = tpu.vector_load %arg19[%get3A_652, %get3A_653] {strides = array<i32>} : memref<128x128xf32, #tpu.memory_space<vmem>>, vector<1x16xf32>,
        %get3A_655 = vector.shape_cast %get3A_654 : vector<1x16xf32> to vector<16xf32>
        %mul3A_656 = arith.mulf %get3A_655, %gather3A_587 : vector<16xf32>
        %swap3A_657 = arith.index_cast %add3A_591 : i32 to index
        %swap3A_658 = arith.constant 96 : index
        %swap3A_659 = tpu.vector_load %arg19[%swap3A_657, %swap3A_658] {strides = array<i32>} : memref<128x128xf32, #tpu.memory_space<vmem>>, vector<1x16xf32>,
        %swap3A_660 = vector.shape_cast %swap3A_659 : vector<1x16xf32> to vector<16xf32>
        %swap3A_661 = vector.shape_cast %mul3A_656 : vector<16xf32> to vector<1x16xf32>
        tpu.vector_store %arg19[%swap3A_657, %swap3A_658], %swap3A_661 {strides = array<i32>} : memref<128x128xf32, #tpu.memory_space<vmem>>, vector<1x16xf32>,
        %get3A_662 = arith.index_cast %add3A_591 : i32 to index
        %get3A_663 = arith.constant 112 : index
        %get3A_664 = tpu.vector_load %arg19[%get3A_662, %get3A_663] {strides = array<i32>} : memref<128x128xf32, #tpu.memory_space<vmem>>, vector<1x16xf32>,
        %get3A_665 = vector.shape_cast %get3A_664 : vector<1x16xf32> to vector<16xf32>
        %mul3A_666 = arith.mulf %get3A_665, %gather3A_587 : vector<16xf32>
        %swap3A_667 = arith.index_cast %add3A_591 : i32 to index
        %swap3A_668 = arith.constant 112 : index
        %swap3A_669 = tpu.vector_load %arg19[%swap3A_667, %swap3A_668] {strides = array<i32>} : memref<128x128xf32, #tpu.memory_space<vmem>>, vector<1x16xf32>,
        %swap3A_670 = vector.shape_cast %swap3A_669 : vector<1x16xf32> to vector<16xf32>
        %swap3A_671 = vector.shape_cast %mul3A_666 : vector<16xf32> to vector<1x16xf32>
        tpu.vector_store %arg19[%swap3A_667, %swap3A_668], %swap3A_671 {strides = array<i32>} : memref<128x128xf32, #tpu.memory_space<vmem>>, vector<1x16xf32>,
        %broadcast_in_dim3A_672 = arith.constant 6 : i32
        %broadcast_in_dim3A_673 = vector.broadcast %broadcast_in_dim3A_672 : i32 to vector<16x1xi32>
        %gather3A_674 = vector.shape_cast %broadcast_in_dim3A_673 : vector<16x1xi32> to vector<16xi32>
        %gather3A_675 = tpu.dynamic_gather %div3A_146[%gather3A_674] in [0] : vector<16xf32>, vector<16xi32> -> vector<16xf32>
        %mul3A_676 = arith.constant 16 : i32
        %mul3A_677 = arith.muli %scan3A_135, %mul3A_676 : i32
        %add3A_678 = arith.constant 6 : i32
        %add3A_679 = arith.addi %mul3A_677, %add3A_678 : i32
        %get3A_680 = arith.index_cast %add3A_679 : i32 to index
        %get3A_681 = arith.constant 0 : index
        %get3A_682 = tpu.vector_load %arg19[%get3A_680, %get3A_681] {strides = array<i32>} : memref<128x128xf32, #tpu.memory_space<vmem>>, vector<1x16xf32>,
        %get3A_683 = vector.shape_cast %get3A_682 : vector<1x16xf32> to vector<16xf32>
        %mul3A_684 = arith.mulf %get3A_683, %gather3A_675 : vector<16xf32>
        %swap3A_685 = arith.index_cast %add3A_679 : i32 to index
        %swap3A_686 = arith.constant 0 : index
        %swap3A_687 = tpu.vector_load %arg19[%swap3A_685, %swap3A_686] {strides = array<i32>} : memref<128x128xf32, #tpu.memory_space<vmem>>, vector<1x16xf32>,
        %swap3A_688 = vector.shape_cast %swap3A_687 : vector<1x16xf32> to vector<16xf32>
        %swap3A_689 = vector.shape_cast %mul3A_684 : vector<16xf32> to vector<1x16xf32>
        tpu.vector_store %arg19[%swap3A_685, %swap3A_686], %swap3A_689 {strides = array<i32>} : memref<128x128xf32, #tpu.memory_space<vmem>>, vector<1x16xf32>,
        %get3A_690 = arith.index_cast %add3A_679 : i32 to index
        %get3A_691 = arith.constant 16 : index
        %get3A_692 = tpu.vector_load %arg19[%get3A_690, %get3A_691] {strides = array<i32>} : memref<128x128xf32, #tpu.memory_space<vmem>>, vector<1x16xf32>,
        %get3A_693 = vector.shape_cast %get3A_692 : vector<1x16xf32> to vector<16xf32>
        %mul3A_694 = arith.mulf %get3A_693, %gather3A_675 : vector<16xf32>
        %swap3A_695 = arith.index_cast %add3A_679 : i32 to index
        %swap3A_696 = arith.constant 16 : index
        %swap3A_697 = tpu.vector_load %arg19[%swap3A_695, %swap3A_696] {strides = array<i32>} : memref<128x128xf32, #tpu.memory_space<vmem>>, vector<1x16xf32>,
        %swap3A_698 = vector.shape_cast %swap3A_697 : vector<1x16xf32> to vector<16xf32>
        %swap3A_699 = vector.shape_cast %mul3A_694 : vector<16xf32> to vector<1x16xf32>
        tpu.vector_store %arg19[%swap3A_695, %swap3A_696], %swap3A_699 {strides = array<i32>} : memref<128x128xf32, #tpu.memory_space<vmem>>, vector<1x16xf32>,
        %get3A_700 = arith.index_cast %add3A_679 : i32 to index
        %get3A_701 = arith.constant 32 : index
        %get3A_702 = tpu.vector_load %arg19[%get3A_700, %get3A_701] {strides = array<i32>} : memref<128x128xf32, #tpu.memory_space<vmem>>, vector<1x16xf32>,
        %get3A_703 = vector.shape_cast %get3A_702 : vector<1x16xf32> to vector<16xf32>
        %mul3A_704 = arith.mulf %get3A_703, %gather3A_675 : vector<16xf32>
        %swap3A_705 = arith.index_cast %add3A_679 : i32 to index
        %swap3A_706 = arith.constant 32 : index
        %swap3A_707 = tpu.vector_load %arg19[%swap3A_705, %swap3A_706] {strides = array<i32>} : memref<128x128xf32, #tpu.memory_space<vmem>>, vector<1x16xf32>,
        %swap3A_708 = vector.shape_cast %swap3A_707 : vector<1x16xf32> to vector<16xf32>
        %swap3A_709 = vector.shape_cast %mul3A_704 : vector<16xf32> to vector<1x16xf32>
        tpu.vector_store %arg19[%swap3A_705, %swap3A_706], %swap3A_709 {strides = array<i32>} : memref<128x128xf32, #tpu.memory_space<vmem>>, vector<1x16xf32>,
        %get3A_710 = arith.index_cast %add3A_679 : i32 to index
        %get3A_711 = arith.constant 48 : index
        %get3A_712 = tpu.vector_load %arg19[%get3A_710, %get3A_711] {strides = array<i32>} : memref<128x128xf32, #tpu.memory_space<vmem>>, vector<1x16xf32>,
        %get3A_713 = vector.shape_cast %get3A_712 : vector<1x16xf32> to vector<16xf32>
        %mul3A_714 = arith.mulf %get3A_713, %gather3A_675 : vector<16xf32>
        %swap3A_715 = arith.index_cast %add3A_679 : i32 to index
        %swap3A_716 = arith.constant 48 : index
        %swap3A_717 = tpu.vector_load %arg19[%swap3A_715, %swap3A_716] {strides = array<i32>} : memref<128x128xf32, #tpu.memory_space<vmem>>, vector<1x16xf32>,
        %swap3A_718 = vector.shape_cast %swap3A_717 : vector<1x16xf32> to vector<16xf32>
        %swap3A_719 = vector.shape_cast %mul3A_714 : vector<16xf32> to vector<1x16xf32>
        tpu.vector_store %arg19[%swap3A_715, %swap3A_716], %swap3A_719 {strides = array<i32>} : memref<128x128xf32, #tpu.memory_space<vmem>>, vector<1x16xf32>,
        %get3A_720 = arith.index_cast %add3A_679 : i32 to index
        %get3A_721 = arith.constant 64 : index
        %get3A_722 = tpu.vector_load %arg19[%get3A_720, %get3A_721] {strides = array<i32>} : memref<128x128xf32, #tpu.memory_space<vmem>>, vector<1x16xf32>,
        %get3A_723 = vector.shape_cast %get3A_722 : vector<1x16xf32> to vector<16xf32>
        %mul3A_724 = arith.mulf %get3A_723, %gather3A_675 : vector<16xf32>
        %swap3A_725 = arith.index_cast %add3A_679 : i32 to index
        %swap3A_726 = arith.constant 64 : index
        %swap3A_727 = tpu.vector_load %arg19[%swap3A_725, %swap3A_726] {strides = array<i32>} : memref<128x128xf32, #tpu.memory_space<vmem>>, vector<1x16xf32>,
        %swap3A_728 = vector.shape_cast %swap3A_727 : vector<1x16xf32> to vector<16xf32>
        %swap3A_729 = vector.shape_cast %mul3A_724 : vector<16xf32> to vector<1x16xf32>
        tpu.vector_store %arg19[%swap3A_725, %swap3A_726], %swap3A_729 {strides = array<i32>} : memref<128x128xf32, #tpu.memory_space<vmem>>, vector<1x16xf32>,
        %get3A_730 = arith.index_cast %add3A_679 : i32 to index
        %get3A_731 = arith.constant 80 : index
        %get3A_732 = tpu.vector_load %arg19[%get3A_730, %get3A_731] {strides = array<i32>} : memref<128x128xf32, #tpu.memory_space<vmem>>, vector<1x16xf32>,
        %get3A_733 = vector.shape_cast %get3A_732 : vector<1x16xf32> to vector<16xf32>
        %mul3A_734 = arith.mulf %get3A_733, %gather3A_675 : vector<16xf32>
        %swap3A_735 = arith.index_cast %add3A_679 : i32 to index
        %swap3A_736 = arith.constant 80 : index
        %swap3A_737 = tpu.vector_load %arg19[%swap3A_735, %swap3A_736] {strides = array<i32>} : memref<128x128xf32, #tpu.memory_space<vmem>>, vector<1x16xf32>,
        %swap3A_738 = vector.shape_cast %swap3A_737 : vector<1x16xf32> to vector<16xf32>
        %swap3A_739 = vector.shape_cast %mul3A_734 : vector<16xf32> to vector<1x16xf32>
        tpu.vector_store %arg19[%swap3A_735, %swap3A_736], %swap3A_739 {strides = array<i32>} : memref<128x128xf32, #tpu.memory_space<vmem>>, vector<1x16xf32>,
        %get3A_740 = arith.index_cast %add3A_679 : i32 to index
        %get3A_741 = arith.constant 96 : index
        %get3A_742 = tpu.vector_load %arg19[%get3A_740, %get3A_741] {strides = array<i32>} : memref<128x128xf32, #tpu.memory_space<vmem>>, vector<1x16xf32>,
        %get3A_743 = vector.shape_cast %get3A_742 : vector<1x16xf32> to vector<16xf32>
        %mul3A_744 = arith.mulf %get3A_743, %gather3A_675 : vector<16xf32>
        %swap3A_745 = arith.index_cast %add3A_679 : i32 to index
        %swap3A_746 = arith.constant 96 : index
        %swap3A_747 = tpu.vector_load %arg19[%swap3A_745, %swap3A_746] {strides = array<i32>} : memref<128x128xf32, #tpu.memory_space<vmem>>, vector<1x16xf32>,
        %swap3A_748 = vector.shape_cast %swap3A_747 : vector<1x16xf32> to vector<16xf32>
        %swap3A_749 = vector.shape_cast %mul3A_744 : vector<16xf32> to vector<1x16xf32>
        tpu.vector_store %arg19[%swap3A_745, %swap3A_746], %swap3A_749 {strides = array<i32>} : memref<128x128xf32, #tpu.memory_space<vmem>>, vector<1x16xf32>,
        %get3A_750 = arith.index_cast %add3A_679 : i32 to index
        %get3A_751 = arith.constant 112 : index
        %get3A_752 = tpu.vector_load %arg19[%get3A_750, %get3A_751] {strides = array<i32>} : memref<128x128xf32, #tpu.memory_space<vmem>>, vector<1x16xf32>,
        %get3A_753 = vector.shape_cast %get3A_752 : vector<1x16xf32> to vector<16xf32>
        %mul3A_754 = arith.mulf %get3A_753, %gather3A_675 : vector<16xf32>
        %swap3A_755 = arith.index_cast %add3A_679 : i32 to index
        %swap3A_756 = arith.constant 112 : index
        %swap3A_757 = tpu.vector_load %arg19[%swap3A_755, %swap3A_756] {strides = array<i32>} : memref<128x128xf32, #tpu.memory_space<vmem>>, vector<1x16xf32>,
        %swap3A_758 = vector.shape_cast %swap3A_757 : vector<1x16xf32> to vector<16xf32>
        %swap3A_759 = vector.shape_cast %mul3A_754 : vector<16xf32> to vector<1x16xf32>
        tpu.vector_store %arg19[%swap3A_755, %swap3A_756], %swap3A_759 {strides = array<i32>} : memref<128x128xf32, #tpu.memory_space<vmem>>, vector<1x16xf32>,
        %broadcast_in_dim3A_760 = arith.constant 7 : i32
        %broadcast_in_dim3A_761 = vector.broadcast %broadcast_in_dim3A_760 : i32 to vector<16x1xi32>
        %gather3A_762 = vector.shape_cast %broadcast_in_dim3A_761 : vector<16x1xi32> to vector<16xi32>
        %gather3A_763 = tpu.dynamic_gather %div3A_146[%gather3A_762] in [0] : vector<16xf32>, vector<16xi32> -> vector<16xf32>
        %mul3A_764 = arith.constant 16 : i32
        %mul3A_765 = arith.muli %scan3A_135, %mul3A_764 : i32
        %add3A_766 = arith.constant 7 : i32
        %add3A_767 = arith.addi %mul3A_765, %add3A_766 : i32
        %get3A_768 = arith.index_cast %add3A_767 : i32 to index
        %get3A_769 = arith.constant 0 : index
        %get3A_770 = tpu.vector_load %arg19[%get3A_768, %get3A_769] {strides = array<i32>} : memref<128x128xf32, #tpu.memory_space<vmem>>, vector<1x16xf32>,
        %get3A_771 = vector.shape_cast %get3A_770 : vector<1x16xf32> to vector<16xf32>
        %mul3A_772 = arith.mulf %get3A_771, %gather3A_763 : vector<16xf32>
        %swap3A_773 = arith.index_cast %add3A_767 : i32 to index
        %swap3A_774 = arith.constant 0 : index
        %swap3A_775 = tpu.vector_load %arg19[%swap3A_773, %swap3A_774] {strides = array<i32>} : memref<128x128xf32, #tpu.memory_space<vmem>>, vector<1x16xf32>,
        %swap3A_776 = vector.shape_cast %swap3A_775 : vector<1x16xf32> to vector<16xf32>
        %swap3A_777 = vector.shape_cast %mul3A_772 : vector<16xf32> to vector<1x16xf32>
        tpu.vector_store %arg19[%swap3A_773, %swap3A_774], %swap3A_777 {strides = array<i32>} : memref<128x128xf32, #tpu.memory_space<vmem>>, vector<1x16xf32>,
        %get3A_778 = arith.index_cast %add3A_767 : i32 to index
        %get3A_779 = arith.constant 16 : index
        %get3A_780 = tpu.vector_load %arg19[%get3A_778, %get3A_779] {strides = array<i32>} : memref<128x128xf32, #tpu.memory_space<vmem>>, vector<1x16xf32>,
        %get3A_781 = vector.shape_cast %get3A_780 : vector<1x16xf32> to vector<16xf32>
        %mul3A_782 = arith.mulf %get3A_781, %gather3A_763 : vector<16xf32>
        %swap3A_783 = arith.index_cast %add3A_767 : i32 to index
        %swap3A_784 = arith.constant 16 : index
        %swap3A_785 = tpu.vector_load %arg19[%swap3A_783, %swap3A_784] {strides = array<i32>} : memref<128x128xf32, #tpu.memory_space<vmem>>, vector<1x16xf32>,
        %swap3A_786 = vector.shape_cast %swap3A_785 : vector<1x16xf32> to vector<16xf32>
        %swap3A_787 = vector.shape_cast %mul3A_782 : vector<16xf32> to vector<1x16xf32>
        tpu.vector_store %arg19[%swap3A_783, %swap3A_784], %swap3A_787 {strides = array<i32>} : memref<128x128xf32, #tpu.memory_space<vmem>>, vector<1x16xf32>,
        %get3A_788 = arith.index_cast %add3A_767 : i32 to index
        %get3A_789 = arith.constant 32 : index
        %get3A_790 = tpu.vector_load %arg19[%get3A_788, %get3A_789] {strides = array<i32>} : memref<128x128xf32, #tpu.memory_space<vmem>>, vector<1x16xf32>,
        %get3A_791 = vector.shape_cast %get3A_790 : vector<1x16xf32> to vector<16xf32>
        %mul3A_792 = arith.mulf %get3A_791, %gather3A_763 : vector<16xf32>
        %swap3A_793 = arith.index_cast %add3A_767 : i32 to index
        %swap3A_794 = arith.constant 32 : index
        %swap3A_795 = tpu.vector_load %arg19[%swap3A_793, %swap3A_794] {strides = array<i32>} : memref<128x128xf32, #tpu.memory_space<vmem>>, vector<1x16xf32>,
        %swap3A_796 = vector.shape_cast %swap3A_795 : vector<1x16xf32> to vector<16xf32>
        %swap3A_797 = vector.shape_cast %mul3A_792 : vector<16xf32> to vector<1x16xf32>
        tpu.vector_store %arg19[%swap3A_793, %swap3A_794], %swap3A_797 {strides = array<i32>} : memref<128x128xf32, #tpu.memory_space<vmem>>, vector<1x16xf32>,
        %get3A_798 = arith.index_cast %add3A_767 : i32 to index
        %get3A_799 = arith.constant 48 : index
        %get3A_800 = tpu.vector_load %arg19[%get3A_798, %get3A_799] {strides = array<i32>} : memref<128x128xf32, #tpu.memory_space<vmem>>, vector<1x16xf32>,
        %get3A_801 = vector.shape_cast %get3A_800 : vector<1x16xf32> to vector<16xf32>
        %mul3A_802 = arith.mulf %get3A_801, %gather3A_763 : vector<16xf32>
        %swap3A_803 = arith.index_cast %add3A_767 : i32 to index
        %swap3A_804 = arith.constant 48 : index
        %swap3A_805 = tpu.vector_load %arg19[%swap3A_803, %swap3A_804] {strides = array<i32>} : memref<128x128xf32, #tpu.memory_space<vmem>>, vector<1x16xf32>,
        %swap3A_806 = vector.shape_cast %swap3A_805 : vector<1x16xf32> to vector<16xf32>
        %swap3A_807 = vector.shape_cast %mul3A_802 : vector<16xf32> to vector<1x16xf32>
        tpu.vector_store %arg19[%swap3A_803, %swap3A_804], %swap3A_807 {strides = array<i32>} : memref<128x128xf32, #tpu.memory_space<vmem>>, vector<1x16xf32>,
        %get3A_808 = arith.index_cast %add3A_767 : i32 to index
        %get3A_809 = arith.constant 64 : index
        %get3A_810 = tpu.vector_load %arg19[%get3A_808, %get3A_809] {strides = array<i32>} : memref<128x128xf32, #tpu.memory_space<vmem>>, vector<1x16xf32>,
        %get3A_811 = vector.shape_cast %get3A_810 : vector<1x16xf32> to vector<16xf32>
        %mul3A_812 = arith.mulf %get3A_811, %gather3A_763 : vector<16xf32>
        %swap3A_813 = arith.index_cast %add3A_767 : i32 to index
        %swap3A_814 = arith.constant 64 : index
        %swap3A_815 = tpu.vector_load %arg19[%swap3A_813, %swap3A_814] {strides = array<i32>} : memref<128x128xf32, #tpu.memory_space<vmem>>, vector<1x16xf32>,
        %swap3A_816 = vector.shape_cast %swap3A_815 : vector<1x16xf32> to vector<16xf32>
        %swap3A_817 = vector.shape_cast %mul3A_812 : vector<16xf32> to vector<1x16xf32>
        tpu.vector_store %arg19[%swap3A_813, %swap3A_814], %swap3A_817 {strides = array<i32>} : memref<128x128xf32, #tpu.memory_space<vmem>>, vector<1x16xf32>,
        %get3A_818 = arith.index_cast %add3A_767 : i32 to index
        %get3A_819 = arith.constant 80 : index
        %get3A_820 = tpu.vector_load %arg19[%get3A_818, %get3A_819] {strides = array<i32>} : memref<128x128xf32, #tpu.memory_space<vmem>>, vector<1x16xf32>,
        %get3A_821 = vector.shape_cast %get3A_820 : vector<1x16xf32> to vector<16xf32>
        %mul3A_822 = arith.mulf %get3A_821, %gather3A_763 : vector<16xf32>
        %swap3A_823 = arith.index_cast %add3A_767 : i32 to index
        %swap3A_824 = arith.constant 80 : index
        %swap3A_825 = tpu.vector_load %arg19[%swap3A_823, %swap3A_824] {strides = array<i32>} : memref<128x128xf32, #tpu.memory_space<vmem>>, vector<1x16xf32>,
        %swap3A_826 = vector.shape_cast %swap3A_825 : vector<1x16xf32> to vector<16xf32>
        %swap3A_827 = vector.shape_cast %mul3A_822 : vector<16xf32> to vector<1x16xf32>
        tpu.vector_store %arg19[%swap3A_823, %swap3A_824], %swap3A_827 {strides = array<i32>} : memref<128x128xf32, #tpu.memory_space<vmem>>, vector<1x16xf32>,
        %get3A_828 = arith.index_cast %add3A_767 : i32 to index
        %get3A_829 = arith.constant 96 : index
        %get3A_830 = tpu.vector_load %arg19[%get3A_828, %get3A_829] {strides = array<i32>} : memref<128x128xf32, #tpu.memory_space<vmem>>, vector<1x16xf32>,
        %get3A_831 = vector.shape_cast %get3A_830 : vector<1x16xf32> to vector<16xf32>
        %mul3A_832 = arith.mulf %get3A_831, %gather3A_763 : vector<16xf32>
        %swap3A_833 = arith.index_cast %add3A_767 : i32 to index
        %swap3A_834 = arith.constant 96 : index
        %swap3A_835 = tpu.vector_load %arg19[%swap3A_833, %swap3A_834] {strides = array<i32>} : memref<128x128xf32, #tpu.memory_space<vmem>>, vector<1x16xf32>,
        %swap3A_836 = vector.shape_cast %swap3A_835 : vector<1x16xf32> to vector<16xf32>
        %swap3A_837 = vector.shape_cast %mul3A_832 : vector<16xf32> to vector<1x16xf32>
        tpu.vector_store %arg19[%swap3A_833, %swap3A_834], %swap3A_837 {strides = array<i32>} : memref<128x128xf32, #tpu.memory_space<vmem>>, vector<1x16xf32>,
        %get3A_838 = arith.index_cast %add3A_767 : i32 to index
        %get3A_839 = arith.constant 112 : index
        %get3A_840 = tpu.vector_load %arg19[%get3A_838, %get3A_839] {strides = array<i32>} : memref<128x128xf32, #tpu.memory_space<vmem>>, vector<1x16xf32>,
        %get3A_841 = vector.shape_cast %get3A_840 : vector<1x16xf32> to vector<16xf32>
        %mul3A_842 = arith.mulf %get3A_841, %gather3A_763 : vector<16xf32>
        %swap3A_843 = arith.index_cast %add3A_767 : i32 to index
        %swap3A_844 = arith.constant 112 : index
        %swap3A_845 = tpu.vector_load %arg19[%swap3A_843, %swap3A_844] {strides = array<i32>} : memref<128x128xf32, #tpu.memory_space<vmem>>, vector<1x16xf32>,
        %swap3A_846 = vector.shape_cast %swap3A_845 : vector<1x16xf32> to vector<16xf32>
        %swap3A_847 = vector.shape_cast %mul3A_842 : vector<16xf32> to vector<1x16xf32>
        tpu.vector_store %arg19[%swap3A_843, %swap3A_844], %swap3A_847 {strides = array<i32>} : memref<128x128xf32, #tpu.memory_space<vmem>>, vector<1x16xf32>,
        %broadcast_in_dim3A_848 = arith.constant 8 : i32
        %broadcast_in_dim3A_849 = vector.broadcast %broadcast_in_dim3A_848 : i32 to vector<16x1xi32>
        %gather3A_850 = vector.shape_cast %broadcast_in_dim3A_849 : vector<16x1xi32> to vector<16xi32>
        %gather3A_851 = tpu.dynamic_gather %div3A_146[%gather3A_850] in [0] : vector<16xf32>, vector<16xi32> -> vector<16xf32>
        %mul3A_852 = arith.constant 16 : i32
        %mul3A_853 = arith.muli %scan3A_135, %mul3A_852 : i32
        %add3A_854 = arith.constant 8 : i32
        %add3A_855 = arith.addi %mul3A_853, %add3A_854 : i32
        %get3A_856 = arith.index_cast %add3A_855 : i32 to index
        %get3A_857 = arith.constant 0 : index
        %get3A_858 = tpu.vector_load %arg19[%get3A_856, %get3A_857] {strides = array<i32>} : memref<128x128xf32, #tpu.memory_space<vmem>>, vector<1x16xf32>,
        %get3A_859 = vector.shape_cast %get3A_858 : vector<1x16xf32> to vector<16xf32>
        %mul3A_860 = arith.mulf %get3A_859, %gather3A_851 : vector<16xf32>
        %swap3A_861 = arith.index_cast %add3A_855 : i32 to index
        %swap3A_862 = arith.constant 0 : index
        %swap3A_863 = tpu.vector_load %arg19[%swap3A_861, %swap3A_862] {strides = array<i32>} : memref<128x128xf32, #tpu.memory_space<vmem>>, vector<1x16xf32>,
        %swap3A_864 = vector.shape_cast %swap3A_863 : vector<1x16xf32> to vector<16xf32>
        %swap3A_865 = vector.shape_cast %mul3A_860 : vector<16xf32> to vector<1x16xf32>
        tpu.vector_store %arg19[%swap3A_861, %swap3A_862], %swap3A_865 {strides = array<i32>} : memref<128x128xf32, #tpu.memory_space<vmem>>, vector<1x16xf32>,
        %get3A_866 = arith.index_cast %add3A_855 : i32 to index
        %get3A_867 = arith.constant 16 : index
        %get3A_868 = tpu.vector_load %arg19[%get3A_866, %get3A_867] {strides = array<i32>} : memref<128x128xf32, #tpu.memory_space<vmem>>, vector<1x16xf32>,
        %get3A_869 = vector.shape_cast %get3A_868 : vector<1x16xf32> to vector<16xf32>
        %mul3A_870 = arith.mulf %get3A_869, %gather3A_851 : vector<16xf32>
        %swap3A_871 = arith.index_cast %add3A_855 : i32 to index
        %swap3A_872 = arith.constant 16 : index
        %swap3A_873 = tpu.vector_load %arg19[%swap3A_871, %swap3A_872] {strides = array<i32>} : memref<128x128xf32, #tpu.memory_space<vmem>>, vector<1x16xf32>,
        %swap3A_874 = vector.shape_cast %swap3A_873 : vector<1x16xf32> to vector<16xf32>
        %swap3A_875 = vector.shape_cast %mul3A_870 : vector<16xf32> to vector<1x16xf32>
        tpu.vector_store %arg19[%swap3A_871, %swap3A_872], %swap3A_875 {strides = array<i32>} : memref<128x128xf32, #tpu.memory_space<vmem>>, vector<1x16xf32>,
        %get3A_876 = arith.index_cast %add3A_855 : i32 to index
        %get3A_877 = arith.constant 32 : index
        %get3A_878 = tpu.vector_load %arg19[%get3A_876, %get3A_877] {strides = array<i32>} : memref<128x128xf32, #tpu.memory_space<vmem>>, vector<1x16xf32>,
        %get3A_879 = vector.shape_cast %get3A_878 : vector<1x16xf32> to vector<16xf32>
        %mul3A_880 = arith.mulf %get3A_879, %gather3A_851 : vector<16xf32>
        %swap3A_881 = arith.index_cast %add3A_855 : i32 to index
        %swap3A_882 = arith.constant 32 : index
        %swap3A_883 = tpu.vector_load %arg19[%swap3A_881, %swap3A_882] {strides = array<i32>} : memref<128x128xf32, #tpu.memory_space<vmem>>, vector<1x16xf32>,
        %swap3A_884 = vector.shape_cast %swap3A_883 : vector<1x16xf32> to vector<16xf32>
        %swap3A_885 = vector.shape_cast %mul3A_880 : vector<16xf32> to vector<1x16xf32>
        tpu.vector_store %arg19[%swap3A_881, %swap3A_882], %swap3A_885 {strides = array<i32>} : memref<128x128xf32, #tpu.memory_space<vmem>>, vector<1x16xf32>,
        %get3A_886 = arith.index_cast %add3A_855 : i32 to index
        %get3A_887 = arith.constant 48 : index
        %get3A_888 = tpu.vector_load %arg19[%get3A_886, %get3A_887] {strides = array<i32>} : memref<128x128xf32, #tpu.memory_space<vmem>>, vector<1x16xf32>,
        %get3A_889 = vector.shape_cast %get3A_888 : vector<1x16xf32> to vector<16xf32>
        %mul3A_890 = arith.mulf %get3A_889, %gather3A_851 : vector<16xf32>
        %swap3A_891 = arith.index_cast %add3A_855 : i32 to index
        %swap3A_892 = arith.constant 48 : index
        %swap3A_893 = tpu.vector_load %arg19[%swap3A_891, %swap3A_892] {strides = array<i32>} : memref<128x128xf32, #tpu.memory_space<vmem>>, vector<1x16xf32>,
        %swap3A_894 = vector.shape_cast %swap3A_893 : vector<1x16xf32> to vector<16xf32>
        %swap3A_895 = vector.shape_cast %mul3A_890 : vector<16xf32> to vector<1x16xf32>
        tpu.vector_store %arg19[%swap3A_891, %swap3A_892], %swap3A_895 {strides = array<i32>} : memref<128x128xf32, #tpu.memory_space<vmem>>, vector<1x16xf32>,
        %get3A_896 = arith.index_cast %add3A_855 : i32 to index
        %get3A_897 = arith.constant 64 : index
        %get3A_898 = tpu.vector_load %arg19[%get3A_896, %get3A_897] {strides = array<i32>} : memref<128x128xf32, #tpu.memory_space<vmem>>, vector<1x16xf32>,
        %get3A_899 = vector.shape_cast %get3A_898 : vector<1x16xf32> to vector<16xf32>
        %mul3A_900 = arith.mulf %get3A_899, %gather3A_851 : vector<16xf32>
        %swap3A_901 = arith.index_cast %add3A_855 : i32 to index
        %swap3A_902 = arith.constant 64 : index
        %swap3A_903 = tpu.vector_load %arg19[%swap3A_901, %swap3A_902] {strides = array<i32>} : memref<128x128xf32, #tpu.memory_space<vmem>>, vector<1x16xf32>,
        %swap3A_904 = vector.shape_cast %swap3A_903 : vector<1x16xf32> to vector<16xf32>
        %swap3A_905 = vector.shape_cast %mul3A_900 : vector<16xf32> to vector<1x16xf32>
        tpu.vector_store %arg19[%swap3A_901, %swap3A_902], %swap3A_905 {strides = array<i32>} : memref<128x128xf32, #tpu.memory_space<vmem>>, vector<1x16xf32>,
        %get3A_906 = arith.index_cast %add3A_855 : i32 to index
        %get3A_907 = arith.constant 80 : index
        %get3A_908 = tpu.vector_load %arg19[%get3A_906, %get3A_907] {strides = array<i32>} : memref<128x128xf32, #tpu.memory_space<vmem>>, vector<1x16xf32>,
        %get3A_909 = vector.shape_cast %get3A_908 : vector<1x16xf32> to vector<16xf32>
        %mul3A_910 = arith.mulf %get3A_909, %gather3A_851 : vector<16xf32>
        %swap3A_911 = arith.index_cast %add3A_855 : i32 to index
        %swap3A_912 = arith.constant 80 : index
        %swap3A_913 = tpu.vector_load %arg19[%swap3A_911, %swap3A_912] {strides = array<i32>} : memref<128x128xf32, #tpu.memory_space<vmem>>, vector<1x16xf32>,
        %swap3A_914 = vector.shape_cast %swap3A_913 : vector<1x16xf32> to vector<16xf32>
        %swap3A_915 = vector.shape_cast %mul3A_910 : vector<16xf32> to vector<1x16xf32>
        tpu.vector_store %arg19[%swap3A_911, %swap3A_912], %swap3A_915 {strides = array<i32>} : memref<128x128xf32, #tpu.memory_space<vmem>>, vector<1x16xf32>,
        %get3A_916 = arith.index_cast %add3A_855 : i32 to index
        %get3A_917 = arith.constant 96 : index
        %get3A_918 = tpu.vector_load %arg19[%get3A_916, %get3A_917] {strides = array<i32>} : memref<128x128xf32, #tpu.memory_space<vmem>>, vector<1x16xf32>,
        %get3A_919 = vector.shape_cast %get3A_918 : vector<1x16xf32> to vector<16xf32>
        %mul3A_920 = arith.mulf %get3A_919, %gather3A_851 : vector<16xf32>
        %swap3A_921 = arith.index_cast %add3A_855 : i32 to index
        %swap3A_922 = arith.constant 96 : index
        %swap3A_923 = tpu.vector_load %arg19[%swap3A_921, %swap3A_922] {strides = array<i32>} : memref<128x128xf32, #tpu.memory_space<vmem>>, vector<1x16xf32>,
        %swap3A_924 = vector.shape_cast %swap3A_923 : vector<1x16xf32> to vector<16xf32>
        %swap3A_925 = vector.shape_cast %mul3A_920 : vector<16xf32> to vector<1x16xf32>
        tpu.vector_store %arg19[%swap3A_921, %swap3A_922], %swap3A_925 {strides = array<i32>} : memref<128x128xf32, #tpu.memory_space<vmem>>, vector<1x16xf32>,
        %get3A_926 = arith.index_cast %add3A_855 : i32 to index
        %get3A_927 = arith.constant 112 : index
        %get3A_928 = tpu.vector_load %arg19[%get3A_926, %get3A_927] {strides = array<i32>} : memref<128x128xf32, #tpu.memory_space<vmem>>, vector<1x16xf32>,
        %get3A_929 = vector.shape_cast %get3A_928 : vector<1x16xf32> to vector<16xf32>
        %mul3A_930 = arith.mulf %get3A_929, %gather3A_851 : vector<16xf32>
        %swap3A_931 = arith.index_cast %add3A_855 : i32 to index
        %swap3A_932 = arith.constant 112 : index
        %swap3A_933 = tpu.vector_load %arg19[%swap3A_931, %swap3A_932] {strides = array<i32>} : memref<128x128xf32, #tpu.memory_space<vmem>>, vector<1x16xf32>,
        %swap3A_934 = vector.shape_cast %swap3A_933 : vector<1x16xf32> to vector<16xf32>
        %swap3A_935 = vector.shape_cast %mul3A_930 : vector<16xf32> to vector<1x16xf32>
        tpu.vector_store %arg19[%swap3A_931, %swap3A_932], %swap3A_935 {strides = array<i32>} : memref<128x128xf32, #tpu.memory_space<vmem>>, vector<1x16xf32>,
        %broadcast_in_dim3A_936 = arith.constant 9 : i32
        %broadcast_in_dim3A_937 = vector.broadcast %broadcast_in_dim3A_936 : i32 to vector<16x1xi32>
        %gather3A_938 = vector.shape_cast %broadcast_in_dim3A_937 : vector<16x1xi32> to vector<16xi32>
        %gather3A_939 = tpu.dynamic_gather %div3A_146[%gather3A_938] in [0] : vector<16xf32>, vector<16xi32> -> vector<16xf32>
        %mul3A_940 = arith.constant 16 : i32
        %mul3A_941 = arith.muli %scan3A_135, %mul3A_940 : i32
        %add3A_942 = arith.constant 9 : i32
        %add3A_943 = arith.addi %mul3A_941, %add3A_942 : i32
        %get3A_944 = arith.index_cast %add3A_943 : i32 to index
        %get3A_945 = arith.constant 0 : index
        %get3A_946 = tpu.vector_load %arg19[%get3A_944, %get3A_945] {strides = array<i32>} : memref<128x128xf32, #tpu.memory_space<vmem>>, vector<1x16xf32>,
        %get3A_947 = vector.shape_cast %get3A_946 : vector<1x16xf32> to vector<16xf32>
        %mul3A_948 = arith.mulf %get3A_947, %gather3A_939 : vector<16xf32>
        %swap3A_949 = arith.index_cast %add3A_943 : i32 to index
        %swap3A_950 = arith.constant 0 : index
        %swap3A_951 = tpu.vector_load %arg19[%swap3A_949, %swap3A_950] {strides = array<i32>} : memref<128x128xf32, #tpu.memory_space<vmem>>, vector<1x16xf32>,
        %swap3A_952 = vector.shape_cast %swap3A_951 : vector<1x16xf32> to vector<16xf32>
        %swap3A_953 = vector.shape_cast %mul3A_948 : vector<16xf32> to vector<1x16xf32>
        tpu.vector_store %arg19[%swap3A_949, %swap3A_950], %swap3A_953 {strides = array<i32>} : memref<128x128xf32, #tpu.memory_space<vmem>>, vector<1x16xf32>,
        %get3A_954 = arith.index_cast %add3A_943 : i32 to index
        %get3A_955 = arith.constant 16 : index
        %get3A_956 = tpu.vector_load %arg19[%get3A_954, %get3A_955] {strides = array<i32>} : memref<128x128xf32, #tpu.memory_space<vmem>>, vector<1x16xf32>,
        %get3A_957 = vector.shape_cast %get3A_956 : vector<1x16xf32> to vector<16xf32>
        %mul3A_958 = arith.mulf %get3A_957, %gather3A_939 : vector<16xf32>
        %swap3A_959 = arith.index_cast %add3A_943 : i32 to index
        %swap3A_960 = arith.constant 16 : index
        %swap3A_961 = tpu.vector_load %arg19[%swap3A_959, %swap3A_960] {strides = array<i32>} : memref<128x128xf32, #tpu.memory_space<vmem>>, vector<1x16xf32>,
        %swap3A_962 = vector.shape_cast %swap3A_961 : vector<1x16xf32> to vector<16xf32>
        %swap3A_963 = vector.shape_cast %mul3A_958 : vector<16xf32> to vector<1x16xf32>
        tpu.vector_store %arg19[%swap3A_959, %swap3A_960], %swap3A_963 {strides = array<i32>} : memref<128x128xf32, #tpu.memory_space<vmem>>, vector<1x16xf32>,
        %get3A_964 = arith.index_cast %add3A_943 : i32 to index
        %get3A_965 = arith.constant 32 : index
        %get3A_966 = tpu.vector_load %arg19[%get3A_964, %get3A_965] {strides = array<i32>} : memref<128x128xf32, #tpu.memory_space<vmem>>, vector<1x16xf32>,
        %get3A_967 = vector.shape_cast %get3A_966 : vector<1x16xf32> to vector<16xf32>
        %mul3A_968 = arith.mulf %get3A_967, %gather3A_939 : vector<16xf32>
        %swap3A_969 = arith.index_cast %add3A_943 : i32 to index
        %swap3A_970 = arith.constant 32 : index
        %swap3A_971 = tpu.vector_load %arg19[%swap3A_969, %swap3A_970] {strides = array<i32>} : memref<128x128xf32, #tpu.memory_space<vmem>>, vector<1x16xf32>,
        %swap3A_972 = vector.shape_cast %swap3A_971 : vector<1x16xf32> to vector<16xf32>
        %swap3A_973 = vector.shape_cast %mul3A_968 : vector<16xf32> to vector<1x16xf32>
        tpu.vector_store %arg19[%swap3A_969, %swap3A_970], %swap3A_973 {strides = array<i32>} : memref<128x128xf32, #tpu.memory_space<vmem>>, vector<1x16xf32>,
        %get3A_974 = arith.index_cast %add3A_943 : i32 to index
        %get3A_975 = arith.constant 48 : index
        %get3A_976 = tpu.vector_load %arg19[%get3A_974, %get3A_975] {strides = array<i32>} : memref<128x128xf32, #tpu.memory_space<vmem>>, vector<1x16xf32>,
        %get3A_977 = vector.shape_cast %get3A_976 : vector<1x16xf32> to vector<16xf32>
        %mul3A_978 = arith.mulf %get3A_977, %gather3A_939 : vector<16xf32>
        %swap3A_979 = arith.index_cast %add3A_943 : i32 to index
        %swap3A_980 = arith.constant 48 : index
        %swap3A_981 = tpu.vector_load %arg19[%swap3A_979, %swap3A_980] {strides = array<i32>} : memref<128x128xf32, #tpu.memory_space<vmem>>, vector<1x16xf32>,
        %swap3A_982 = vector.shape_cast %swap3A_981 : vector<1x16xf32> to vector<16xf32>
        %swap3A_983 = vector.shape_cast %mul3A_978 : vector<16xf32> to vector<1x16xf32>
        tpu.vector_store %arg19[%swap3A_979, %swap3A_980], %swap3A_983 {strides = array<i32>} : memref<128x128xf32, #tpu.memory_space<vmem>>, vector<1x16xf32>,
        %get3A_984 = arith.index_cast %add3A_943 : i32 to index
        %get3A_985 = arith.constant 64 : index
        %get3A_986 = tpu.vector_load %arg19[%get3A_984, %get3A_985] {strides = array<i32>} : memref<128x128xf32, #tpu.memory_space<vmem>>, vector<1x16xf32>,
        %get3A_987 = vector.shape_cast %get3A_986 : vector<1x16xf32> to vector<16xf32>
        %mul3A_988 = arith.mulf %get3A_987, %gather3A_939 : vector<16xf32>
        %swap3A_989 = arith.index_cast %add3A_943 : i32 to index
        %swap3A_990 = arith.constant 64 : index
        %swap3A_991 = tpu.vector_load %arg19[%swap3A_989, %swap3A_990] {strides = array<i32>} : memref<128x128xf32, #tpu.memory_space<vmem>>, vector<1x16xf32>,
        %swap3A_992 = vector.shape_cast %swap3A_991 : vector<1x16xf32> to vector<16xf32>
        %swap3A_993 = vector.shape_cast %mul3A_988 : vector<16xf32> to vector<1x16xf32>
        tpu.vector_store %arg19[%swap3A_989, %swap3A_990], %swap3A_993 {strides = array<i32>} : memref<128x128xf32, #tpu.memory_space<vmem>>, vector<1x16xf32>,
        %get3A_994 = arith.index_cast %add3A_943 : i32 to index
        %get3A_995 = arith.constant 80 : index
        %get3A_996 = tpu.vector_load %arg19[%get3A_994, %get3A_995] {strides = array<i32>} : memref<128x128xf32, #tpu.memory_space<vmem>>, vector<1x16xf32>,
        %get3A_997 = vector.shape_cast %get3A_996 : vector<1x16xf32> to vector<16xf32>
        %mul3A_998 = arith.mulf %get3A_997, %gather3A_939 : vector<16xf32>
        %swap3A_999 = arith.index_cast %add3A_943 : i32 to index
        %swap3A_1000 = arith.constant 80 : index
        %swap3A_1001 = tpu.vector_load %arg19[%swap3A_999, %swap3A_1000] {strides = array<i32>} : memref<128x128xf32, #tpu.memory_space<vmem>>, vector<1x16xf32>,
        %swap3A_1002 = vector.shape_cast %swap3A_1001 : vector<1x16xf32> to vector<16xf32>
        %swap3A_1003 = vector.shape_cast %mul3A_998 : vector<16xf32> to vector<1x16xf32>
        tpu.vector_store %arg19[%swap3A_999, %swap3A_1000], %swap3A_1003 {strides = array<i32>} : memref<128x128xf32, #tpu.memory_space<vmem>>, vector<1x16xf32>,
        %get3A_1004 = arith.index_cast %add3A_943 : i32 to index
        %get3A_1005 = arith.constant 96 : index
        %get3A_1006 = tpu.vector_load %arg19[%get3A_1004, %get3A_1005] {strides = array<i32>} : memref<128x128xf32, #tpu.memory_space<vmem>>, vector<1x16xf32>,
        %get3A_1007 = vector.shape_cast %get3A_1006 : vector<1x16xf32> to vector<16xf32>
        %mul3A_1008 = arith.mulf %get3A_1007, %gather3A_939 : vector<16xf32>
        %swap3A_1009 = arith.index_cast %add3A_943 : i32 to index
        %swap3A_1010 = arith.constant 96 : index
        %swap3A_1011 = tpu.vector_load %arg19[%swap3A_1009, %swap3A_1010] {strides = array<i32>} : memref<128x128xf32, #tpu.memory_space<vmem>>, vector<1x16xf32>,
        %swap3A_1012 = vector.shape_cast %swap3A_1011 : vector<1x16xf32> to vector<16xf32>
        %swap3A_1013 = vector.shape_cast %mul3A_1008 : vector<16xf32> to vector<1x16xf32>
        tpu.vector_store %arg19[%swap3A_1009, %swap3A_1010], %swap3A_1013 {strides = array<i32>} : memref<128x128xf32, #tpu.memory_space<vmem>>, vector<1x16xf32>,
        %get3A_1014 = arith.index_cast %add3A_943 : i32 to index
        %get3A_1015 = arith.constant 112 : index
        %get3A_1016 = tpu.vector_load %arg19[%get3A_1014, %get3A_1015] {strides = array<i32>} : memref<128x128xf32, #tpu.memory_space<vmem>>, vector<1x16xf32>,
        %get3A_1017 = vector.shape_cast %get3A_1016 : vector<1x16xf32> to vector<16xf32>
        %mul3A_1018 = arith.mulf %get3A_1017, %gather3A_939 : vector<16xf32>
        %swap3A_1019 = arith.index_cast %add3A_943 : i32 to index
        %swap3A_1020 = arith.constant 112 : index
        %swap3A_1021 = tpu.vector_load %arg19[%swap3A_1019, %swap3A_1020] {strides = array<i32>} : memref<128x128xf32, #tpu.memory_space<vmem>>, vector<1x16xf32>,
        %swap3A_1022 = vector.shape_cast %swap3A_1021 : vector<1x16xf32> to vector<16xf32>
        %swap3A_1023 = vector.shape_cast %mul3A_1018 : vector<16xf32> to vector<1x16xf32>
        tpu.vector_store %arg19[%swap3A_1019, %swap3A_1020], %swap3A_1023 {strides = array<i32>} : memref<128x128xf32, #tpu.memory_space<vmem>>, vector<1x16xf32>,
        %broadcast_in_dim3A_1024 = arith.constant 10 : i32
        %broadcast_in_dim3A_1025 = vector.broadcast %broadcast_in_dim3A_1024 : i32 to vector<16x1xi32>
        %gather3A_1026 = vector.shape_cast %broadcast_in_dim3A_1025 : vector<16x1xi32> to vector<16xi32>
        %gather3A_1027 = tpu.dynamic_gather %div3A_146[%gather3A_1026] in [0] : vector<16xf32>, vector<16xi32> -> vector<16xf32>
        %mul3A_1028 = arith.constant 16 : i32
        %mul3A_1029 = arith.muli %scan3A_135, %mul3A_1028 : i32
        %add3A_1030 = arith.constant 10 : i32
        %add3A_1031 = arith.addi %mul3A_1029, %add3A_1030 : i32
        %get3A_1032 = arith.index_cast %add3A_1031 : i32 to index
        %get3A_1033 = arith.constant 0 : index
        %get3A_1034 = tpu.vector_load %arg19[%get3A_1032, %get3A_1033] {strides = array<i32>} : memref<128x128xf32, #tpu.memory_space<vmem>>, vector<1x16xf32>,
        %get3A_1035 = vector.shape_cast %get3A_1034 : vector<1x16xf32> to vector<16xf32>
        %mul3A_1036 = arith.mulf %get3A_1035, %gather3A_1027 : vector<16xf32>
        %swap3A_1037 = arith.index_cast %add3A_1031 : i32 to index
        %swap3A_1038 = arith.constant 0 : index
        %swap3A_1039 = tpu.vector_load %arg19[%swap3A_1037, %swap3A_1038] {strides = array<i32>} : memref<128x128xf32, #tpu.memory_space<vmem>>, vector<1x16xf32>,
        %swap3A_1040 = vector.shape_cast %swap3A_1039 : vector<1x16xf32> to vector<16xf32>
        %swap3A_1041 = vector.shape_cast %mul3A_1036 : vector<16xf32> to vector<1x16xf32>
        tpu.vector_store %arg19[%swap3A_1037, %swap3A_1038], %swap3A_1041 {strides = array<i32>} : memref<128x128xf32, #tpu.memory_space<vmem>>, vector<1x16xf32>,
        %get3A_1042 = arith.index_cast %add3A_1031 : i32 to index
        %get3A_1043 = arith.constant 16 : index
        %get3A_1044 = tpu.vector_load %arg19[%get3A_1042, %get3A_1043] {strides = array<i32>} : memref<128x128xf32, #tpu.memory_space<vmem>>, vector<1x16xf32>,
        %get3A_1045 = vector.shape_cast %get3A_1044 : vector<1x16xf32> to vector<16xf32>
        %mul3A_1046 = arith.mulf %get3A_1045, %gather3A_1027 : vector<16xf32>
        %swap3A_1047 = arith.index_cast %add3A_1031 : i32 to index
        %swap3A_1048 = arith.constant 16 : index
        %swap3A_1049 = tpu.vector_load %arg19[%swap3A_1047, %swap3A_1048] {strides = array<i32>} : memref<128x128xf32, #tpu.memory_space<vmem>>, vector<1x16xf32>,
        %swap3A_1050 = vector.shape_cast %swap3A_1049 : vector<1x16xf32> to vector<16xf32>
        %swap3A_1051 = vector.shape_cast %mul3A_1046 : vector<16xf32> to vector<1x16xf32>
        tpu.vector_store %arg19[%swap3A_1047, %swap3A_1048], %swap3A_1051 {strides = array<i32>} : memref<128x128xf32, #tpu.memory_space<vmem>>, vector<1x16xf32>,
        %get3A_1052 = arith.index_cast %add3A_1031 : i32 to index
        %get3A_1053 = arith.constant 32 : index
        %get3A_1054 = tpu.vector_load %arg19[%get3A_1052, %get3A_1053] {strides = array<i32>} : memref<128x128xf32, #tpu.memory_space<vmem>>, vector<1x16xf32>,
        %get3A_1055 = vector.shape_cast %get3A_1054 : vector<1x16xf32> to vector<16xf32>
        %mul3A_1056 = arith.mulf %get3A_1055, %gather3A_1027 : vector<16xf32>
        %swap3A_1057 = arith.index_cast %add3A_1031 : i32 to index
        %swap3A_1058 = arith.constant 32 : index
        %swap3A_1059 = tpu.vector_load %arg19[%swap3A_1057, %swap3A_1058] {strides = array<i32>} : memref<128x128xf32, #tpu.memory_space<vmem>>, vector<1x16xf32>,
        %swap3A_1060 = vector.shape_cast %swap3A_1059 : vector<1x16xf32> to vector<16xf32>
        %swap3A_1061 = vector.shape_cast %mul3A_1056 : vector<16xf32> to vector<1x16xf32>
        tpu.vector_store %arg19[%swap3A_1057, %swap3A_1058], %swap3A_1061 {strides = array<i32>} : memref<128x128xf32, #tpu.memory_space<vmem>>, vector<1x16xf32>,
        %get3A_1062 = arith.index_cast %add3A_1031 : i32 to index
        %get3A_1063 = arith.constant 48 : index
        %get3A_1064 = tpu.vector_load %arg19[%get3A_1062, %get3A_1063] {strides = array<i32>} : memref<128x128xf32, #tpu.memory_space<vmem>>, vector<1x16xf32>,
        %get3A_1065 = vector.shape_cast %get3A_1064 : vector<1x16xf32> to vector<16xf32>
        %mul3A_1066 = arith.mulf %get3A_1065, %gather3A_1027 : vector<16xf32>
        %swap3A_1067 = arith.index_cast %add3A_1031 : i32 to index
        %swap3A_1068 = arith.constant 48 : index
        %swap3A_1069 = tpu.vector_load %arg19[%swap3A_1067, %swap3A_1068] {strides = array<i32>} : memref<128x128xf32, #tpu.memory_space<vmem>>, vector<1x16xf32>,
        %swap3A_1070 = vector.shape_cast %swap3A_1069 : vector<1x16xf32> to vector<16xf32>
        %swap3A_1071 = vector.shape_cast %mul3A_1066 : vector<16xf32> to vector<1x16xf32>
        tpu.vector_store %arg19[%swap3A_1067, %swap3A_1068], %swap3A_1071 {strides = array<i32>} : memref<128x128xf32, #tpu.memory_space<vmem>>, vector<1x16xf32>,
        %get3A_1072 = arith.index_cast %add3A_1031 : i32 to index
        %get3A_1073 = arith.constant 64 : index
        %get3A_1074 = tpu.vector_load %arg19[%get3A_1072, %get3A_1073] {strides = array<i32>} : memref<128x128xf32, #tpu.memory_space<vmem>>, vector<1x16xf32>,
        %get3A_1075 = vector.shape_cast %get3A_1074 : vector<1x16xf32> to vector<16xf32>
        %mul3A_1076 = arith.mulf %get3A_1075, %gather3A_1027 : vector<16xf32>
        %swap3A_1077 = arith.index_cast %add3A_1031 : i32 to index
        %swap3A_1078 = arith.constant 64 : index
        %swap3A_1079 = tpu.vector_load %arg19[%swap3A_1077, %swap3A_1078] {strides = array<i32>} : memref<128x128xf32, #tpu.memory_space<vmem>>, vector<1x16xf32>,
        %swap3A_1080 = vector.shape_cast %swap3A_1079 : vector<1x16xf32> to vector<16xf32>
        %swap3A_1081 = vector.shape_cast %mul3A_1076 : vector<16xf32> to vector<1x16xf32>
        tpu.vector_store %arg19[%swap3A_1077, %swap3A_1078], %swap3A_1081 {strides = array<i32>} : memref<128x128xf32, #tpu.memory_space<vmem>>, vector<1x16xf32>,
        %get3A_1082 = arith.index_cast %add3A_1031 : i32 to index
        %get3A_1083 = arith.constant 80 : index
        %get3A_1084 = tpu.vector_load %arg19[%get3A_1082, %get3A_1083] {strides = array<i32>} : memref<128x128xf32, #tpu.memory_space<vmem>>, vector<1x16xf32>,
        %get3A_1085 = vector.shape_cast %get3A_1084 : vector<1x16xf32> to vector<16xf32>
        %mul3A_1086 = arith.mulf %get3A_1085, %gather3A_1027 : vector<16xf32>
        %swap3A_1087 = arith.index_cast %add3A_1031 : i32 to index
        %swap3A_1088 = arith.constant 80 : index
        %swap3A_1089 = tpu.vector_load %arg19[%swap3A_1087, %swap3A_1088] {strides = array<i32>} : memref<128x128xf32, #tpu.memory_space<vmem>>, vector<1x16xf32>,
        %swap3A_1090 = vector.shape_cast %swap3A_1089 : vector<1x16xf32> to vector<16xf32>
        %swap3A_1091 = vector.shape_cast %mul3A_1086 : vector<16xf32> to vector<1x16xf32>
        tpu.vector_store %arg19[%swap3A_1087, %swap3A_1088], %swap3A_1091 {strides = array<i32>} : memref<128x128xf32, #tpu.memory_space<vmem>>, vector<1x16xf32>,
        %get3A_1092 = arith.index_cast %add3A_1031 : i32 to index
        %get3A_1093 = arith.constant 96 : index
        %get3A_1094 = tpu.vector_load %arg19[%get3A_1092, %get3A_1093] {strides = array<i32>} : memref<128x128xf32, #tpu.memory_space<vmem>>, vector<1x16xf32>,
        %get3A_1095 = vector.shape_cast %get3A_1094 : vector<1x16xf32> to vector<16xf32>
        %mul3A_1096 = arith.mulf %get3A_1095, %gather3A_1027 : vector<16xf32>
        %swap3A_1097 = arith.index_cast %add3A_1031 : i32 to index
        %swap3A_1098 = arith.constant 96 : index
        %swap3A_1099 = tpu.vector_load %arg19[%swap3A_1097, %swap3A_1098] {strides = array<i32>} : memref<128x128xf32, #tpu.memory_space<vmem>>, vector<1x16xf32>,
        %swap3A_1100 = vector.shape_cast %swap3A_1099 : vector<1x16xf32> to vector<16xf32>
        %swap3A_1101 = vector.shape_cast %mul3A_1096 : vector<16xf32> to vector<1x16xf32>
        tpu.vector_store %arg19[%swap3A_1097, %swap3A_1098], %swap3A_1101 {strides = array<i32>} : memref<128x128xf32, #tpu.memory_space<vmem>>, vector<1x16xf32>,
        %get3A_1102 = arith.index_cast %add3A_1031 : i32 to index
        %get3A_1103 = arith.constant 112 : index
        %get3A_1104 = tpu.vector_load %arg19[%get3A_1102, %get3A_1103] {strides = array<i32>} : memref<128x128xf32, #tpu.memory_space<vmem>>, vector<1x16xf32>,
        %get3A_1105 = vector.shape_cast %get3A_1104 : vector<1x16xf32> to vector<16xf32>
        %mul3A_1106 = arith.mulf %get3A_1105, %gather3A_1027 : vector<16xf32>
        %swap3A_1107 = arith.index_cast %add3A_1031 : i32 to index
        %swap3A_1108 = arith.constant 112 : index
        %swap3A_1109 = tpu.vector_load %arg19[%swap3A_1107, %swap3A_1108] {strides = array<i32>} : memref<128x128xf32, #tpu.memory_space<vmem>>, vector<1x16xf32>,
        %swap3A_1110 = vector.shape_cast %swap3A_1109 : vector<1x16xf32> to vector<16xf32>
        %swap3A_1111 = vector.shape_cast %mul3A_1106 : vector<16xf32> to vector<1x16xf32>
        tpu.vector_store %arg19[%swap3A_1107, %swap3A_1108], %swap3A_1111 {strides = array<i32>} : memref<128x128xf32, #tpu.memory_space<vmem>>, vector<1x16xf32>,
        %broadcast_in_dim3A_1112 = arith.constant 11 : i32
        %broadcast_in_dim3A_1113 = vector.broadcast %broadcast_in_dim3A_1112 : i32 to vector<16x1xi32>
        %gather3A_1114 = vector.shape_cast %broadcast_in_dim3A_1113 : vector<16x1xi32> to vector<16xi32>
        %gather3A_1115 = tpu.dynamic_gather %div3A_146[%gather3A_1114] in [0] : vector<16xf32>, vector<16xi32> -> vector<16xf32>
        %mul3A_1116 = arith.constant 16 : i32
        %mul3A_1117 = arith.muli %scan3A_135, %mul3A_1116 : i32
        %add3A_1118 = arith.constant 11 : i32
        %add3A_1119 = arith.addi %mul3A_1117, %add3A_1118 : i32
        %get3A_1120 = arith.index_cast %add3A_1119 : i32 to index
        %get3A_1121 = arith.constant 0 : index
        %get3A_1122 = tpu.vector_load %arg19[%get3A_1120, %get3A_1121] {strides = array<i32>} : memref<128x128xf32, #tpu.memory_space<vmem>>, vector<1x16xf32>,
        %get3A_1123 = vector.shape_cast %get3A_1122 : vector<1x16xf32> to vector<16xf32>
        %mul3A_1124 = arith.mulf %get3A_1123, %gather3A_1115 : vector<16xf32>
        %swap3A_1125 = arith.index_cast %add3A_1119 : i32 to index
        %swap3A_1126 = arith.constant 0 : index
        %swap3A_1127 = tpu.vector_load %arg19[%swap3A_1125, %swap3A_1126] {strides = array<i32>} : memref<128x128xf32, #tpu.memory_space<vmem>>, vector<1x16xf32>,
        %swap3A_1128 = vector.shape_cast %swap3A_1127 : vector<1x16xf32> to vector<16xf32>
        %swap3A_1129 = vector.shape_cast %mul3A_1124 : vector<16xf32> to vector<1x16xf32>
        tpu.vector_store %arg19[%swap3A_1125, %swap3A_1126], %swap3A_1129 {strides = array<i32>} : memref<128x128xf32, #tpu.memory_space<vmem>>, vector<1x16xf32>,
        %get3A_1130 = arith.index_cast %add3A_1119 : i32 to index
        %get3A_1131 = arith.constant 16 : index
        %get3A_1132 = tpu.vector_load %arg19[%get3A_1130, %get3A_1131] {strides = array<i32>} : memref<128x128xf32, #tpu.memory_space<vmem>>, vector<1x16xf32>,
        %get3A_1133 = vector.shape_cast %get3A_1132 : vector<1x16xf32> to vector<16xf32>
        %mul3A_1134 = arith.mulf %get3A_1133, %gather3A_1115 : vector<16xf32>
        %swap3A_1135 = arith.index_cast %add3A_1119 : i32 to index
        %swap3A_1136 = arith.constant 16 : index
        %swap3A_1137 = tpu.vector_load %arg19[%swap3A_1135, %swap3A_1136] {strides = array<i32>} : memref<128x128xf32, #tpu.memory_space<vmem>>, vector<1x16xf32>,
        %swap3A_1138 = vector.shape_cast %swap3A_1137 : vector<1x16xf32> to vector<16xf32>
        %swap3A_1139 = vector.shape_cast %mul3A_1134 : vector<16xf32> to vector<1x16xf32>
        tpu.vector_store %arg19[%swap3A_1135, %swap3A_1136], %swap3A_1139 {strides = array<i32>} : memref<128x128xf32, #tpu.memory_space<vmem>>, vector<1x16xf32>,
        %get3A_1140 = arith.index_cast %add3A_1119 : i32 to index
        %get3A_1141 = arith.constant 32 : index
        %get3A_1142 = tpu.vector_load %arg19[%get3A_1140, %get3A_1141] {strides = array<i32>} : memref<128x128xf32, #tpu.memory_space<vmem>>, vector<1x16xf32>,
        %get3A_1143 = vector.shape_cast %get3A_1142 : vector<1x16xf32> to vector<16xf32>
        %mul3A_1144 = arith.mulf %get3A_1143, %gather3A_1115 : vector<16xf32>
        %swap3A_1145 = arith.index_cast %add3A_1119 : i32 to index
        %swap3A_1146 = arith.constant 32 : index
        %swap3A_1147 = tpu.vector_load %arg19[%swap3A_1145, %swap3A_1146] {strides = array<i32>} : memref<128x128xf32, #tpu.memory_space<vmem>>, vector<1x16xf32>,
        %swap3A_1148 = vector.shape_cast %swap3A_1147 : vector<1x16xf32> to vector<16xf32>
        %swap3A_1149 = vector.shape_cast %mul3A_1144 : vector<16xf32> to vector<1x16xf32>
        tpu.vector_store %arg19[%swap3A_1145, %swap3A_1146], %swap3A_1149 {strides = array<i32>} : memref<128x128xf32, #tpu.memory_space<vmem>>, vector<1x16xf32>,
        %get3A_1150 = arith.index_cast %add3A_1119 : i32 to index
        %get3A_1151 = arith.constant 48 : index
        %get3A_1152 = tpu.vector_load %arg19[%get3A_1150, %get3A_1151] {strides = array<i32>} : memref<128x128xf32, #tpu.memory_space<vmem>>, vector<1x16xf32>,
        %get3A_1153 = vector.shape_cast %get3A_1152 : vector<1x16xf32> to vector<16xf32>
        %mul3A_1154 = arith.mulf %get3A_1153, %gather3A_1115 : vector<16xf32>
        %swap3A_1155 = arith.index_cast %add3A_1119 : i32 to index
        %swap3A_1156 = arith.constant 48 : index
        %swap3A_1157 = tpu.vector_load %arg19[%swap3A_1155, %swap3A_1156] {strides = array<i32>} : memref<128x128xf32, #tpu.memory_space<vmem>>, vector<1x16xf32>,
        %swap3A_1158 = vector.shape_cast %swap3A_1157 : vector<1x16xf32> to vector<16xf32>
        %swap3A_1159 = vector.shape_cast %mul3A_1154 : vector<16xf32> to vector<1x16xf32>
        tpu.vector_store %arg19[%swap3A_1155, %swap3A_1156], %swap3A_1159 {strides = array<i32>} : memref<128x128xf32, #tpu.memory_space<vmem>>, vector<1x16xf32>,
        %get3A_1160 = arith.index_cast %add3A_1119 : i32 to index
        %get3A_1161 = arith.constant 64 : index
        %get3A_1162 = tpu.vector_load %arg19[%get3A_1160, %get3A_1161] {strides = array<i32>} : memref<128x128xf32, #tpu.memory_space<vmem>>, vector<1x16xf32>,
        %get3A_1163 = vector.shape_cast %get3A_1162 : vector<1x16xf32> to vector<16xf32>
        %mul3A_1164 = arith.mulf %get3A_1163, %gather3A_1115 : vector<16xf32>
        %swap3A_1165 = arith.index_cast %add3A_1119 : i32 to index
        %swap3A_1166 = arith.constant 64 : index
        %swap3A_1167 = tpu.vector_load %arg19[%swap3A_1165, %swap3A_1166] {strides = array<i32>} : memref<128x128xf32, #tpu.memory_space<vmem>>, vector<1x16xf32>,
        %swap3A_1168 = vector.shape_cast %swap3A_1167 : vector<1x16xf32> to vector<16xf32>
        %swap3A_1169 = vector.shape_cast %mul3A_1164 : vector<16xf32> to vector<1x16xf32>
        tpu.vector_store %arg19[%swap3A_1165, %swap3A_1166], %swap3A_1169 {strides = array<i32>} : memref<128x128xf32, #tpu.memory_space<vmem>>, vector<1x16xf32>,
        %get3A_1170 = arith.index_cast %add3A_1119 : i32 to index
        %get3A_1171 = arith.constant 80 : index
        %get3A_1172 = tpu.vector_load %arg19[%get3A_1170, %get3A_1171] {strides = array<i32>} : memref<128x128xf32, #tpu.memory_space<vmem>>, vector<1x16xf32>,
        %get3A_1173 = vector.shape_cast %get3A_1172 : vector<1x16xf32> to vector<16xf32>
        %mul3A_1174 = arith.mulf %get3A_1173, %gather3A_1115 : vector<16xf32>
        %swap3A_1175 = arith.index_cast %add3A_1119 : i32 to index
        %swap3A_1176 = arith.constant 80 : index
        %swap3A_1177 = tpu.vector_load %arg19[%swap3A_1175, %swap3A_1176] {strides = array<i32>} : memref<128x128xf32, #tpu.memory_space<vmem>>, vector<1x16xf32>,
        %swap3A_1178 = vector.shape_cast %swap3A_1177 : vector<1x16xf32> to vector<16xf32>
        %swap3A_1179 = vector.shape_cast %mul3A_1174 : vector<16xf32> to vector<1x16xf32>
        tpu.vector_store %arg19[%swap3A_1175, %swap3A_1176], %swap3A_1179 {strides = array<i32>} : memref<128x128xf32, #tpu.memory_space<vmem>>, vector<1x16xf32>,
        %get3A_1180 = arith.index_cast %add3A_1119 : i32 to index
        %get3A_1181 = arith.constant 96 : index
        %get3A_1182 = tpu.vector_load %arg19[%get3A_1180, %get3A_1181] {strides = array<i32>} : memref<128x128xf32, #tpu.memory_space<vmem>>, vector<1x16xf32>,
        %get3A_1183 = vector.shape_cast %get3A_1182 : vector<1x16xf32> to vector<16xf32>
        %mul3A_1184 = arith.mulf %get3A_1183, %gather3A_1115 : vector<16xf32>
        %swap3A_1185 = arith.index_cast %add3A_1119 : i32 to index
        %swap3A_1186 = arith.constant 96 : index
        %swap3A_1187 = tpu.vector_load %arg19[%swap3A_1185, %swap3A_1186] {strides = array<i32>} : memref<128x128xf32, #tpu.memory_space<vmem>>, vector<1x16xf32>,
        %swap3A_1188 = vector.shape_cast %swap3A_1187 : vector<1x16xf32> to vector<16xf32>
        %swap3A_1189 = vector.shape_cast %mul3A_1184 : vector<16xf32> to vector<1x16xf32>
        tpu.vector_store %arg19[%swap3A_1185, %swap3A_1186], %swap3A_1189 {strides = array<i32>} : memref<128x128xf32, #tpu.memory_space<vmem>>, vector<1x16xf32>,
        %get3A_1190 = arith.index_cast %add3A_1119 : i32 to index
        %get3A_1191 = arith.constant 112 : index
        %get3A_1192 = tpu.vector_load %arg19[%get3A_1190, %get3A_1191] {strides = array<i32>} : memref<128x128xf32, #tpu.memory_space<vmem>>, vector<1x16xf32>,
        %get3A_1193 = vector.shape_cast %get3A_1192 : vector<1x16xf32> to vector<16xf32>
        %mul3A_1194 = arith.mulf %get3A_1193, %gather3A_1115 : vector<16xf32>
        %swap3A_1195 = arith.index_cast %add3A_1119 : i32 to index
        %swap3A_1196 = arith.constant 112 : index
        %swap3A_1197 = tpu.vector_load %arg19[%swap3A_1195, %swap3A_1196] {strides = array<i32>} : memref<128x128xf32, #tpu.memory_space<vmem>>, vector<1x16xf32>,
        %swap3A_1198 = vector.shape_cast %swap3A_1197 : vector<1x16xf32> to vector<16xf32>
        %swap3A_1199 = vector.shape_cast %mul3A_1194 : vector<16xf32> to vector<1x16xf32>
        tpu.vector_store %arg19[%swap3A_1195, %swap3A_1196], %swap3A_1199 {strides = array<i32>} : memref<128x128xf32, #tpu.memory_space<vmem>>, vector<1x16xf32>,
        %broadcast_in_dim3A_1200 = arith.constant 12 : i32
        %broadcast_in_dim3A_1201 = vector.broadcast %broadcast_in_dim3A_1200 : i32 to vector<16x1xi32>
        %gather3A_1202 = vector.shape_cast %broadcast_in_dim3A_1201 : vector<16x1xi32> to vector<16xi32>
        %gather3A_1203 = tpu.dynamic_gather %div3A_146[%gather3A_1202] in [0] : vector<16xf32>, vector<16xi32> -> vector<16xf32>
        %mul3A_1204 = arith.constant 16 : i32
        %mul3A_1205 = arith.muli %scan3A_135, %mul3A_1204 : i32
        %add3A_1206 = arith.constant 12 : i32
        %add3A_1207 = arith.addi %mul3A_1205, %add3A_1206 : i32
        %get3A_1208 = arith.index_cast %add3A_1207 : i32 to index
        %get3A_1209 = arith.constant 0 : index
        %get3A_1210 = tpu.vector_load %arg19[%get3A_1208, %get3A_1209] {strides = array<i32>} : memref<128x128xf32, #tpu.memory_space<vmem>>, vector<1x16xf32>,
        %get3A_1211 = vector.shape_cast %get3A_1210 : vector<1x16xf32> to vector<16xf32>
        %mul3A_1212 = arith.mulf %get3A_1211, %gather3A_1203 : vector<16xf32>
        %swap3A_1213 = arith.index_cast %add3A_1207 : i32 to index
        %swap3A_1214 = arith.constant 0 : index
        %swap3A_1215 = tpu.vector_load %arg19[%swap3A_1213, %swap3A_1214] {strides = array<i32>} : memref<128x128xf32, #tpu.memory_space<vmem>>, vector<1x16xf32>,
        %swap3A_1216 = vector.shape_cast %swap3A_1215 : vector<1x16xf32> to vector<16xf32>
        %swap3A_1217 = vector.shape_cast %mul3A_1212 : vector<16xf32> to vector<1x16xf32>
        tpu.vector_store %arg19[%swap3A_1213, %swap3A_1214], %swap3A_1217 {strides = array<i32>} : memref<128x128xf32, #tpu.memory_space<vmem>>, vector<1x16xf32>,
        %get3A_1218 = arith.index_cast %add3A_1207 : i32 to index
        %get3A_1219 = arith.constant 16 : index
        %get3A_1220 = tpu.vector_load %arg19[%get3A_1218, %get3A_1219] {strides = array<i32>} : memref<128x128xf32, #tpu.memory_space<vmem>>, vector<1x16xf32>,
        %get3A_1221 = vector.shape_cast %get3A_1220 : vector<1x16xf32> to vector<16xf32>
        %mul3A_1222 = arith.mulf %get3A_1221, %gather3A_1203 : vector<16xf32>
        %swap3A_1223 = arith.index_cast %add3A_1207 : i32 to index
        %swap3A_1224 = arith.constant 16 : index
        %swap3A_1225 = tpu.vector_load %arg19[%swap3A_1223, %swap3A_1224] {strides = array<i32>} : memref<128x128xf32, #tpu.memory_space<vmem>>, vector<1x16xf32>,
        %swap3A_1226 = vector.shape_cast %swap3A_1225 : vector<1x16xf32> to vector<16xf32>
        %swap3A_1227 = vector.shape_cast %mul3A_1222 : vector<16xf32> to vector<1x16xf32>
        tpu.vector_store %arg19[%swap3A_1223, %swap3A_1224], %swap3A_1227 {strides = array<i32>} : memref<128x128xf32, #tpu.memory_space<vmem>>, vector<1x16xf32>,
        %get3A_1228 = arith.index_cast %add3A_1207 : i32 to index
        %get3A_1229 = arith.constant 32 : index
        %get3A_1230 = tpu.vector_load %arg19[%get3A_1228, %get3A_1229] {strides = array<i32>} : memref<128x128xf32, #tpu.memory_space<vmem>>, vector<1x16xf32>,
        %get3A_1231 = vector.shape_cast %get3A_1230 : vector<1x16xf32> to vector<16xf32>
        %mul3A_1232 = arith.mulf %get3A_1231, %gather3A_1203 : vector<16xf32>
        %swap3A_1233 = arith.index_cast %add3A_1207 : i32 to index
        %swap3A_1234 = arith.constant 32 : index
        %swap3A_1235 = tpu.vector_load %arg19[%swap3A_1233, %swap3A_1234] {strides = array<i32>} : memref<128x128xf32, #tpu.memory_space<vmem>>, vector<1x16xf32>,
        %swap3A_1236 = vector.shape_cast %swap3A_1235 : vector<1x16xf32> to vector<16xf32>
        %swap3A_1237 = vector.shape_cast %mul3A_1232 : vector<16xf32> to vector<1x16xf32>
        tpu.vector_store %arg19[%swap3A_1233, %swap3A_1234], %swap3A_1237 {strides = array<i32>} : memref<128x128xf32, #tpu.memory_space<vmem>>, vector<1x16xf32>,
        %get3A_1238 = arith.index_cast %add3A_1207 : i32 to index
        %get3A_1239 = arith.constant 48 : index
        %get3A_1240 = tpu.vector_load %arg19[%get3A_1238, %get3A_1239] {strides = array<i32>} : memref<128x128xf32, #tpu.memory_space<vmem>>, vector<1x16xf32>,
        %get3A_1241 = vector.shape_cast %get3A_1240 : vector<1x16xf32> to vector<16xf32>
        %mul3A_1242 = arith.mulf %get3A_1241, %gather3A_1203 : vector<16xf32>
        %swap3A_1243 = arith.index_cast %add3A_1207 : i32 to index
        %swap3A_1244 = arith.constant 48 : index
        %swap3A_1245 = tpu.vector_load %arg19[%swap3A_1243, %swap3A_1244] {strides = array<i32>} : memref<128x128xf32, #tpu.memory_space<vmem>>, vector<1x16xf32>,
        %swap3A_1246 = vector.shape_cast %swap3A_1245 : vector<1x16xf32> to vector<16xf32>
        %swap3A_1247 = vector.shape_cast %mul3A_1242 : vector<16xf32> to vector<1x16xf32>
        tpu.vector_store %arg19[%swap3A_1243, %swap3A_1244], %swap3A_1247 {strides = array<i32>} : memref<128x128xf32, #tpu.memory_space<vmem>>, vector<1x16xf32>,
        %get3A_1248 = arith.index_cast %add3A_1207 : i32 to index
        %get3A_1249 = arith.constant 64 : index
        %get3A_1250 = tpu.vector_load %arg19[%get3A_1248, %get3A_1249] {strides = array<i32>} : memref<128x128xf32, #tpu.memory_space<vmem>>, vector<1x16xf32>,
        %get3A_1251 = vector.shape_cast %get3A_1250 : vector<1x16xf32> to vector<16xf32>
        %mul3A_1252 = arith.mulf %get3A_1251, %gather3A_1203 : vector<16xf32>
        %swap3A_1253 = arith.index_cast %add3A_1207 : i32 to index
        %swap3A_1254 = arith.constant 64 : index
        %swap3A_1255 = tpu.vector_load %arg19[%swap3A_1253, %swap3A_1254] {strides = array<i32>} : memref<128x128xf32, #tpu.memory_space<vmem>>, vector<1x16xf32>,
        %swap3A_1256 = vector.shape_cast %swap3A_1255 : vector<1x16xf32> to vector<16xf32>
        %swap3A_1257 = vector.shape_cast %mul3A_1252 : vector<16xf32> to vector<1x16xf32>
        tpu.vector_store %arg19[%swap3A_1253, %swap3A_1254], %swap3A_1257 {strides = array<i32>} : memref<128x128xf32, #tpu.memory_space<vmem>>, vector<1x16xf32>,
        %get3A_1258 = arith.index_cast %add3A_1207 : i32 to index
        %get3A_1259 = arith.constant 80 : index
        %get3A_1260 = tpu.vector_load %arg19[%get3A_1258, %get3A_1259] {strides = array<i32>} : memref<128x128xf32, #tpu.memory_space<vmem>>, vector<1x16xf32>,
        %get3A_1261 = vector.shape_cast %get3A_1260 : vector<1x16xf32> to vector<16xf32>
        %mul3A_1262 = arith.mulf %get3A_1261, %gather3A_1203 : vector<16xf32>
        %swap3A_1263 = arith.index_cast %add3A_1207 : i32 to index
        %swap3A_1264 = arith.constant 80 : index
        %swap3A_1265 = tpu.vector_load %arg19[%swap3A_1263, %swap3A_1264] {strides = array<i32>} : memref<128x128xf32, #tpu.memory_space<vmem>>, vector<1x16xf32>,
        %swap3A_1266 = vector.shape_cast %swap3A_1265 : vector<1x16xf32> to vector<16xf32>
        %swap3A_1267 = vector.shape_cast %mul3A_1262 : vector<16xf32> to vector<1x16xf32>
        tpu.vector_store %arg19[%swap3A_1263, %swap3A_1264], %swap3A_1267 {strides = array<i32>} : memref<128x128xf32, #tpu.memory_space<vmem>>, vector<1x16xf32>,
        %get3A_1268 = arith.index_cast %add3A_1207 : i32 to index
        %get3A_1269 = arith.constant 96 : index
        %get3A_1270 = tpu.vector_load %arg19[%get3A_1268, %get3A_1269] {strides = array<i32>} : memref<128x128xf32, #tpu.memory_space<vmem>>, vector<1x16xf32>,
        %get3A_1271 = vector.shape_cast %get3A_1270 : vector<1x16xf32> to vector<16xf32>
        %mul3A_1272 = arith.mulf %get3A_1271, %gather3A_1203 : vector<16xf32>
        %swap3A_1273 = arith.index_cast %add3A_1207 : i32 to index
        %swap3A_1274 = arith.constant 96 : index
        %swap3A_1275 = tpu.vector_load %arg19[%swap3A_1273, %swap3A_1274] {strides = array<i32>} : memref<128x128xf32, #tpu.memory_space<vmem>>, vector<1x16xf32>,
        %swap3A_1276 = vector.shape_cast %swap3A_1275 : vector<1x16xf32> to vector<16xf32>
        %swap3A_1277 = vector.shape_cast %mul3A_1272 : vector<16xf32> to vector<1x16xf32>
        tpu.vector_store %arg19[%swap3A_1273, %swap3A_1274], %swap3A_1277 {strides = array<i32>} : memref<128x128xf32, #tpu.memory_space<vmem>>, vector<1x16xf32>,
        %get3A_1278 = arith.index_cast %add3A_1207 : i32 to index
        %get3A_1279 = arith.constant 112 : index
        %get3A_1280 = tpu.vector_load %arg19[%get3A_1278, %get3A_1279] {strides = array<i32>} : memref<128x128xf32, #tpu.memory_space<vmem>>, vector<1x16xf32>,
        %get3A_1281 = vector.shape_cast %get3A_1280 : vector<1x16xf32> to vector<16xf32>
        %mul3A_1282 = arith.mulf %get3A_1281, %gather3A_1203 : vector<16xf32>
        %swap3A_1283 = arith.index_cast %add3A_1207 : i32 to index
        %swap3A_1284 = arith.constant 112 : index
        %swap3A_1285 = tpu.vector_load %arg19[%swap3A_1283, %swap3A_1284] {strides = array<i32>} : memref<128x128xf32, #tpu.memory_space<vmem>>, vector<1x16xf32>,
        %swap3A_1286 = vector.shape_cast %swap3A_1285 : vector<1x16xf32> to vector<16xf32>
        %swap3A_1287 = vector.shape_cast %mul3A_1282 : vector<16xf32> to vector<1x16xf32>
        tpu.vector_store %arg19[%swap3A_1283, %swap3A_1284], %swap3A_1287 {strides = array<i32>} : memref<128x128xf32, #tpu.memory_space<vmem>>, vector<1x16xf32>,
        %broadcast_in_dim3A_1288 = arith.constant 13 : i32
        %broadcast_in_dim3A_1289 = vector.broadcast %broadcast_in_dim3A_1288 : i32 to vector<16x1xi32>
        %gather3A_1290 = vector.shape_cast %broadcast_in_dim3A_1289 : vector<16x1xi32> to vector<16xi32>
        %gather3A_1291 = tpu.dynamic_gather %div3A_146[%gather3A_1290] in [0] : vector<16xf32>, vector<16xi32> -> vector<16xf32>
        %mul3A_1292 = arith.constant 16 : i32
        %mul3A_1293 = arith.muli %scan3A_135, %mul3A_1292 : i32
        %add3A_1294 = arith.constant 13 : i32
        %add3A_1295 = arith.addi %mul3A_1293, %add3A_1294 : i32
        %get3A_1296 = arith.index_cast %add3A_1295 : i32 to index
        %get3A_1297 = arith.constant 0 : index
        %get3A_1298 = tpu.vector_load %arg19[%get3A_1296, %get3A_1297] {strides = array<i32>} : memref<128x128xf32, #tpu.memory_space<vmem>>, vector<1x16xf32>,
        %get3A_1299 = vector.shape_cast %get3A_1298 : vector<1x16xf32> to vector<16xf32>
        %mul3A_1300 = arith.mulf %get3A_1299, %gather3A_1291 : vector<16xf32>
        %swap3A_1301 = arith.index_cast %add3A_1295 : i32 to index
        %swap3A_1302 = arith.constant 0 : index
        %swap3A_1303 = tpu.vector_load %arg19[%swap3A_1301, %swap3A_1302] {strides = array<i32>} : memref<128x128xf32, #tpu.memory_space<vmem>>, vector<1x16xf32>,
        %swap3A_1304 = vector.shape_cast %swap3A_1303 : vector<1x16xf32> to vector<16xf32>
        %swap3A_1305 = vector.shape_cast %mul3A_1300 : vector<16xf32> to vector<1x16xf32>
        tpu.vector_store %arg19[%swap3A_1301, %swap3A_1302], %swap3A_1305 {strides = array<i32>} : memref<128x128xf32, #tpu.memory_space<vmem>>, vector<1x16xf32>,
        %get3A_1306 = arith.index_cast %add3A_1295 : i32 to index
        %get3A_1307 = arith.constant 16 : index
        %get3A_1308 = tpu.vector_load %arg19[%get3A_1306, %get3A_1307] {strides = array<i32>} : memref<128x128xf32, #tpu.memory_space<vmem>>, vector<1x16xf32>,
        %get3A_1309 = vector.shape_cast %get3A_1308 : vector<1x16xf32> to vector<16xf32>
        %mul3A_1310 = arith.mulf %get3A_1309, %gather3A_1291 : vector<16xf32>
        %swap3A_1311 = arith.index_cast %add3A_1295 : i32 to index
        %swap3A_1312 = arith.constant 16 : index
        %swap3A_1313 = tpu.vector_load %arg19[%swap3A_1311, %swap3A_1312] {strides = array<i32>} : memref<128x128xf32, #tpu.memory_space<vmem>>, vector<1x16xf32>,
        %swap3A_1314 = vector.shape_cast %swap3A_1313 : vector<1x16xf32> to vector<16xf32>
        %swap3A_1315 = vector.shape_cast %mul3A_1310 : vector<16xf32> to vector<1x16xf32>
        tpu.vector_store %arg19[%swap3A_1311, %swap3A_1312], %swap3A_1315 {strides = array<i32>} : memref<128x128xf32, #tpu.memory_space<vmem>>, vector<1x16xf32>,
        %get3A_1316 = arith.index_cast %add3A_1295 : i32 to index
        %get3A_1317 = arith.constant 32 : index
        %get3A_1318 = tpu.vector_load %arg19[%get3A_1316, %get3A_1317] {strides = array<i32>} : memref<128x128xf32, #tpu.memory_space<vmem>>, vector<1x16xf32>,
        %get3A_1319 = vector.shape_cast %get3A_1318 : vector<1x16xf32> to vector<16xf32>
        %mul3A_1320 = arith.mulf %get3A_1319, %gather3A_1291 : vector<16xf32>
        %swap3A_1321 = arith.index_cast %add3A_1295 : i32 to index
        %swap3A_1322 = arith.constant 32 : index
        %swap3A_1323 = tpu.vector_load %arg19[%swap3A_1321, %swap3A_1322] {strides = array<i32>} : memref<128x128xf32, #tpu.memory_space<vmem>>, vector<1x16xf32>,
        %swap3A_1324 = vector.shape_cast %swap3A_1323 : vector<1x16xf32> to vector<16xf32>
        %swap3A_1325 = vector.shape_cast %mul3A_1320 : vector<16xf32> to vector<1x16xf32>
        tpu.vector_store %arg19[%swap3A_1321, %swap3A_1322], %swap3A_1325 {strides = array<i32>} : memref<128x128xf32, #tpu.memory_space<vmem>>, vector<1x16xf32>,
        %get3A_1326 = arith.index_cast %add3A_1295 : i32 to index
        %get3A_1327 = arith.constant 48 : index
        %get3A_1328 = tpu.vector_load %arg19[%get3A_1326, %get3A_1327] {strides = array<i32>} : memref<128x128xf32, #tpu.memory_space<vmem>>, vector<1x16xf32>,
        %get3A_1329 = vector.shape_cast %get3A_1328 : vector<1x16xf32> to vector<16xf32>
        %mul3A_1330 = arith.mulf %get3A_1329, %gather3A_1291 : vector<16xf32>
        %swap3A_1331 = arith.index_cast %add3A_1295 : i32 to index
        %swap3A_1332 = arith.constant 48 : index
        %swap3A_1333 = tpu.vector_load %arg19[%swap3A_1331, %swap3A_1332] {strides = array<i32>} : memref<128x128xf32, #tpu.memory_space<vmem>>, vector<1x16xf32>,
        %swap3A_1334 = vector.shape_cast %swap3A_1333 : vector<1x16xf32> to vector<16xf32>
        %swap3A_1335 = vector.shape_cast %mul3A_1330 : vector<16xf32> to vector<1x16xf32>
        tpu.vector_store %arg19[%swap3A_1331, %swap3A_1332], %swap3A_1335 {strides = array<i32>} : memref<128x128xf32, #tpu.memory_space<vmem>>, vector<1x16xf32>,
        %get3A_1336 = arith.index_cast %add3A_1295 : i32 to index
        %get3A_1337 = arith.constant 64 : index
        %get3A_1338 = tpu.vector_load %arg19[%get3A_1336, %get3A_1337] {strides = array<i32>} : memref<128x128xf32, #tpu.memory_space<vmem>>, vector<1x16xf32>,
        %get3A_1339 = vector.shape_cast %get3A_1338 : vector<1x16xf32> to vector<16xf32>
        %mul3A_1340 = arith.mulf %get3A_1339, %gather3A_1291 : vector<16xf32>
        %swap3A_1341 = arith.index_cast %add3A_1295 : i32 to index
        %swap3A_1342 = arith.constant 64 : index
        %swap3A_1343 = tpu.vector_load %arg19[%swap3A_1341, %swap3A_1342] {strides = array<i32>} : memref<128x128xf32, #tpu.memory_space<vmem>>, vector<1x16xf32>,
        %swap3A_1344 = vector.shape_cast %swap3A_1343 : vector<1x16xf32> to vector<16xf32>
        %swap3A_1345 = vector.shape_cast %mul3A_1340 : vector<16xf32> to vector<1x16xf32>
        tpu.vector_store %arg19[%swap3A_1341, %swap3A_1342], %swap3A_1345 {strides = array<i32>} : memref<128x128xf32, #tpu.memory_space<vmem>>, vector<1x16xf32>,
        %get3A_1346 = arith.index_cast %add3A_1295 : i32 to index
        %get3A_1347 = arith.constant 80 : index
        %get3A_1348 = tpu.vector_load %arg19[%get3A_1346, %get3A_1347] {strides = array<i32>} : memref<128x128xf32, #tpu.memory_space<vmem>>, vector<1x16xf32>,
        %get3A_1349 = vector.shape_cast %get3A_1348 : vector<1x16xf32> to vector<16xf32>
        %mul3A_1350 = arith.mulf %get3A_1349, %gather3A_1291 : vector<16xf32>
        %swap3A_1351 = arith.index_cast %add3A_1295 : i32 to index
        %swap3A_1352 = arith.constant 80 : index
        %swap3A_1353 = tpu.vector_load %arg19[%swap3A_1351, %swap3A_1352] {strides = array<i32>} : memref<128x128xf32, #tpu.memory_space<vmem>>, vector<1x16xf32>,
        %swap3A_1354 = vector.shape_cast %swap3A_1353 : vector<1x16xf32> to vector<16xf32>
        %swap3A_1355 = vector.shape_cast %mul3A_1350 : vector<16xf32> to vector<1x16xf32>
        tpu.vector_store %arg19[%swap3A_1351, %swap3A_1352], %swap3A_1355 {strides = array<i32>} : memref<128x128xf32, #tpu.memory_space<vmem>>, vector<1x16xf32>,
        %get3A_1356 = arith.index_cast %add3A_1295 : i32 to index
        %get3A_1357 = arith.constant 96 : index
        %get3A_1358 = tpu.vector_load %arg19[%get3A_1356, %get3A_1357] {strides = array<i32>} : memref<128x128xf32, #tpu.memory_space<vmem>>, vector<1x16xf32>,
        %get3A_1359 = vector.shape_cast %get3A_1358 : vector<1x16xf32> to vector<16xf32>
        %mul3A_1360 = arith.mulf %get3A_1359, %gather3A_1291 : vector<16xf32>
        %swap3A_1361 = arith.index_cast %add3A_1295 : i32 to index
        %swap3A_1362 = arith.constant 96 : index
        %swap3A_1363 = tpu.vector_load %arg19[%swap3A_1361, %swap3A_1362] {strides = array<i32>} : memref<128x128xf32, #tpu.memory_space<vmem>>, vector<1x16xf32>,
        %swap3A_1364 = vector.shape_cast %swap3A_1363 : vector<1x16xf32> to vector<16xf32>
        %swap3A_1365 = vector.shape_cast %mul3A_1360 : vector<16xf32> to vector<1x16xf32>
        tpu.vector_store %arg19[%swap3A_1361, %swap3A_1362], %swap3A_1365 {strides = array<i32>} : memref<128x128xf32, #tpu.memory_space<vmem>>, vector<1x16xf32>,
        %get3A_1366 = arith.index_cast %add3A_1295 : i32 to index
        %get3A_1367 = arith.constant 112 : index
        %get3A_1368 = tpu.vector_load %arg19[%get3A_1366, %get3A_1367] {strides = array<i32>} : memref<128x128xf32, #tpu.memory_space<vmem>>, vector<1x16xf32>,
        %get3A_1369 = vector.shape_cast %get3A_1368 : vector<1x16xf32> to vector<16xf32>
        %mul3A_1370 = arith.mulf %get3A_1369, %gather3A_1291 : vector<16xf32>
        %swap3A_1371 = arith.index_cast %add3A_1295 : i32 to index
        %swap3A_1372 = arith.constant 112 : index
        %swap3A_1373 = tpu.vector_load %arg19[%swap3A_1371, %swap3A_1372] {strides = array<i32>} : memref<128x128xf32, #tpu.memory_space<vmem>>, vector<1x16xf32>,
        %swap3A_1374 = vector.shape_cast %swap3A_1373 : vector<1x16xf32> to vector<16xf32>
        %swap3A_1375 = vector.shape_cast %mul3A_1370 : vector<16xf32> to vector<1x16xf32>
        tpu.vector_store %arg19[%swap3A_1371, %swap3A_1372], %swap3A_1375 {strides = array<i32>} : memref<128x128xf32, #tpu.memory_space<vmem>>, vector<1x16xf32>,
        %broadcast_in_dim3A_1376 = arith.constant 14 : i32
        %broadcast_in_dim3A_1377 = vector.broadcast %broadcast_in_dim3A_1376 : i32 to vector<16x1xi32>
        %gather3A_1378 = vector.shape_cast %broadcast_in_dim3A_1377 : vector<16x1xi32> to vector<16xi32>
        %gather3A_1379 = tpu.dynamic_gather %div3A_146[%gather3A_1378] in [0] : vector<16xf32>, vector<16xi32> -> vector<16xf32>
        %mul3A_1380 = arith.constant 16 : i32
        %mul3A_1381 = arith.muli %scan3A_135, %mul3A_1380 : i32
        %add3A_1382 = arith.constant 14 : i32
        %add3A_1383 = arith.addi %mul3A_1381, %add3A_1382 : i32
        %get3A_1384 = arith.index_cast %add3A_1383 : i32 to index
        %get3A_1385 = arith.constant 0 : index
        %get3A_1386 = tpu.vector_load %arg19[%get3A_1384, %get3A_1385] {strides = array<i32>} : memref<128x128xf32, #tpu.memory_space<vmem>>, vector<1x16xf32>,
        %get3A_1387 = vector.shape_cast %get3A_1386 : vector<1x16xf32> to vector<16xf32>
        %mul3A_1388 = arith.mulf %get3A_1387, %gather3A_1379 : vector<16xf32>
        %swap3A_1389 = arith.index_cast %add3A_1383 : i32 to index
        %swap3A_1390 = arith.constant 0 : index
        %swap3A_1391 = tpu.vector_load %arg19[%swap3A_1389, %swap3A_1390] {strides = array<i32>} : memref<128x128xf32, #tpu.memory_space<vmem>>, vector<1x16xf32>,
        %swap3A_1392 = vector.shape_cast %swap3A_1391 : vector<1x16xf32> to vector<16xf32>
        %swap3A_1393 = vector.shape_cast %mul3A_1388 : vector<16xf32> to vector<1x16xf32>
        tpu.vector_store %arg19[%swap3A_1389, %swap3A_1390], %swap3A_1393 {strides = array<i32>} : memref<128x128xf32, #tpu.memory_space<vmem>>, vector<1x16xf32>,
        %get3A_1394 = arith.index_cast %add3A_1383 : i32 to index
        %get3A_1395 = arith.constant 16 : index
        %get3A_1396 = tpu.vector_load %arg19[%get3A_1394, %get3A_1395] {strides = array<i32>} : memref<128x128xf32, #tpu.memory_space<vmem>>, vector<1x16xf32>,
        %get3A_1397 = vector.shape_cast %get3A_1396 : vector<1x16xf32> to vector<16xf32>
        %mul3A_1398 = arith.mulf %get3A_1397, %gather3A_1379 : vector<16xf32>
        %swap3A_1399 = arith.index_cast %add3A_1383 : i32 to index
        %swap3A_1400 = arith.constant 16 : index
        %swap3A_1401 = tpu.vector_load %arg19[%swap3A_1399, %swap3A_1400] {strides = array<i32>} : memref<128x128xf32, #tpu.memory_space<vmem>>, vector<1x16xf32>,
        %swap3A_1402 = vector.shape_cast %swap3A_1401 : vector<1x16xf32> to vector<16xf32>
        %swap3A_1403 = vector.shape_cast %mul3A_1398 : vector<16xf32> to vector<1x16xf32>
        tpu.vector_store %arg19[%swap3A_1399, %swap3A_1400], %swap3A_1403 {strides = array<i32>} : memref<128x128xf32, #tpu.memory_space<vmem>>, vector<1x16xf32>,
        %get3A_1404 = arith.index_cast %add3A_1383 : i32 to index
        %get3A_1405 = arith.constant 32 : index
        %get3A_1406 = tpu.vector_load %arg19[%get3A_1404, %get3A_1405] {strides = array<i32>} : memref<128x128xf32, #tpu.memory_space<vmem>>, vector<1x16xf32>,
        %get3A_1407 = vector.shape_cast %get3A_1406 : vector<1x16xf32> to vector<16xf32>
        %mul3A_1408 = arith.mulf %get3A_1407, %gather3A_1379 : vector<16xf32>
        %swap3A_1409 = arith.index_cast %add3A_1383 : i32 to index
        %swap3A_1410 = arith.constant 32 : index
        %swap3A_1411 = tpu.vector_load %arg19[%swap3A_1409, %swap3A_1410] {strides = array<i32>} : memref<128x128xf32, #tpu.memory_space<vmem>>, vector<1x16xf32>,
        %swap3A_1412 = vector.shape_cast %swap3A_1411 : vector<1x16xf32> to vector<16xf32>
        %swap3A_1413 = vector.shape_cast %mul3A_1408 : vector<16xf32> to vector<1x16xf32>
        tpu.vector_store %arg19[%swap3A_1409, %swap3A_1410], %swap3A_1413 {strides = array<i32>} : memref<128x128xf32, #tpu.memory_space<vmem>>, vector<1x16xf32>,
        %get3A_1414 = arith.index_cast %add3A_1383 : i32 to index
        %get3A_1415 = arith.constant 48 : index
        %get3A_1416 = tpu.vector_load %arg19[%get3A_1414, %get3A_1415] {strides = array<i32>} : memref<128x128xf32, #tpu.memory_space<vmem>>, vector<1x16xf32>,
        %get3A_1417 = vector.shape_cast %get3A_1416 : vector<1x16xf32> to vector<16xf32>
        %mul3A_1418 = arith.mulf %get3A_1417, %gather3A_1379 : vector<16xf32>
        %swap3A_1419 = arith.index_cast %add3A_1383 : i32 to index
        %swap3A_1420 = arith.constant 48 : index
        %swap3A_1421 = tpu.vector_load %arg19[%swap3A_1419, %swap3A_1420] {strides = array<i32>} : memref<128x128xf32, #tpu.memory_space<vmem>>, vector<1x16xf32>,
        %swap3A_1422 = vector.shape_cast %swap3A_1421 : vector<1x16xf32> to vector<16xf32>
        %swap3A_1423 = vector.shape_cast %mul3A_1418 : vector<16xf32> to vector<1x16xf32>
        tpu.vector_store %arg19[%swap3A_1419, %swap3A_1420], %swap3A_1423 {strides = array<i32>} : memref<128x128xf32, #tpu.memory_space<vmem>>, vector<1x16xf32>,
        %get3A_1424 = arith.index_cast %add3A_1383 : i32 to index
        %get3A_1425 = arith.constant 64 : index
        %get3A_1426 = tpu.vector_load %arg19[%get3A_1424, %get3A_1425] {strides = array<i32>} : memref<128x128xf32, #tpu.memory_space<vmem>>, vector<1x16xf32>,
        %get3A_1427 = vector.shape_cast %get3A_1426 : vector<1x16xf32> to vector<16xf32>
        %mul3A_1428 = arith.mulf %get3A_1427, %gather3A_1379 : vector<16xf32>
        %swap3A_1429 = arith.index_cast %add3A_1383 : i32 to index
        %swap3A_1430 = arith.constant 64 : index
        %swap3A_1431 = tpu.vector_load %arg19[%swap3A_1429, %swap3A_1430] {strides = array<i32>} : memref<128x128xf32, #tpu.memory_space<vmem>>, vector<1x16xf32>,
        %swap3A_1432 = vector.shape_cast %swap3A_1431 : vector<1x16xf32> to vector<16xf32>
        %swap3A_1433 = vector.shape_cast %mul3A_1428 : vector<16xf32> to vector<1x16xf32>
        tpu.vector_store %arg19[%swap3A_1429, %swap3A_1430], %swap3A_1433 {strides = array<i32>} : memref<128x128xf32, #tpu.memory_space<vmem>>, vector<1x16xf32>,
        %get3A_1434 = arith.index_cast %add3A_1383 : i32 to index
        %get3A_1435 = arith.constant 80 : index
        %get3A_1436 = tpu.vector_load %arg19[%get3A_1434, %get3A_1435] {strides = array<i32>} : memref<128x128xf32, #tpu.memory_space<vmem>>, vector<1x16xf32>,
        %get3A_1437 = vector.shape_cast %get3A_1436 : vector<1x16xf32> to vector<16xf32>
        %mul3A_1438 = arith.mulf %get3A_1437, %gather3A_1379 : vector<16xf32>
        %swap3A_1439 = arith.index_cast %add3A_1383 : i32 to index
        %swap3A_1440 = arith.constant 80 : index
        %swap3A_1441 = tpu.vector_load %arg19[%swap3A_1439, %swap3A_1440] {strides = array<i32>} : memref<128x128xf32, #tpu.memory_space<vmem>>, vector<1x16xf32>,
        %swap3A_1442 = vector.shape_cast %swap3A_1441 : vector<1x16xf32> to vector<16xf32>
        %swap3A_1443 = vector.shape_cast %mul3A_1438 : vector<16xf32> to vector<1x16xf32>
        tpu.vector_store %arg19[%swap3A_1439, %swap3A_1440], %swap3A_1443 {strides = array<i32>} : memref<128x128xf32, #tpu.memory_space<vmem>>, vector<1x16xf32>,
        %get3A_1444 = arith.index_cast %add3A_1383 : i32 to index
        %get3A_1445 = arith.constant 96 : index
        %get3A_1446 = tpu.vector_load %arg19[%get3A_1444, %get3A_1445] {strides = array<i32>} : memref<128x128xf32, #tpu.memory_space<vmem>>, vector<1x16xf32>,
        %get3A_1447 = vector.shape_cast %get3A_1446 : vector<1x16xf32> to vector<16xf32>
        %mul3A_1448 = arith.mulf %get3A_1447, %gather3A_1379 : vector<16xf32>
        %swap3A_1449 = arith.index_cast %add3A_1383 : i32 to index
        %swap3A_1450 = arith.constant 96 : index
        %swap3A_1451 = tpu.vector_load %arg19[%swap3A_1449, %swap3A_1450] {strides = array<i32>} : memref<128x128xf32, #tpu.memory_space<vmem>>, vector<1x16xf32>,
        %swap3A_1452 = vector.shape_cast %swap3A_1451 : vector<1x16xf32> to vector<16xf32>
        %swap3A_1453 = vector.shape_cast %mul3A_1448 : vector<16xf32> to vector<1x16xf32>
        tpu.vector_store %arg19[%swap3A_1449, %swap3A_1450], %swap3A_1453 {strides = array<i32>} : memref<128x128xf32, #tpu.memory_space<vmem>>, vector<1x16xf32>,
        %get3A_1454 = arith.index_cast %add3A_1383 : i32 to index
        %get3A_1455 = arith.constant 112 : index
        %get3A_1456 = tpu.vector_load %arg19[%get3A_1454, %get3A_1455] {strides = array<i32>} : memref<128x128xf32, #tpu.memory_space<vmem>>, vector<1x16xf32>,
        %get3A_1457 = vector.shape_cast %get3A_1456 : vector<1x16xf32> to vector<16xf32>
        %mul3A_1458 = arith.mulf %get3A_1457, %gather3A_1379 : vector<16xf32>
        %swap3A_1459 = arith.index_cast %add3A_1383 : i32 to index
        %swap3A_1460 = arith.constant 112 : index
        %swap3A_1461 = tpu.vector_load %arg19[%swap3A_1459, %swap3A_1460] {strides = array<i32>} : memref<128x128xf32, #tpu.memory_space<vmem>>, vector<1x16xf32>,
        %swap3A_1462 = vector.shape_cast %swap3A_1461 : vector<1x16xf32> to vector<16xf32>
        %swap3A_1463 = vector.shape_cast %mul3A_1458 : vector<16xf32> to vector<1x16xf32>
        tpu.vector_store %arg19[%swap3A_1459, %swap3A_1460], %swap3A_1463 {strides = array<i32>} : memref<128x128xf32, #tpu.memory_space<vmem>>, vector<1x16xf32>,
        %broadcast_in_dim3A_1464 = arith.constant 15 : i32
        %broadcast_in_dim3A_1465 = vector.broadcast %broadcast_in_dim3A_1464 : i32 to vector<16x1xi32>
        %gather3A_1466 = vector.shape_cast %broadcast_in_dim3A_1465 : vector<16x1xi32> to vector<16xi32>
        %gather3A_1467 = tpu.dynamic_gather %div3A_146[%gather3A_1466] in [0] : vector<16xf32>, vector<16xi32> -> vector<16xf32>
        %mul3A_1468 = arith.constant 16 : i32
        %mul3A_1469 = arith.muli %scan3A_135, %mul3A_1468 : i32
        %add3A_1470 = arith.constant 15 : i32
        %add3A_1471 = arith.addi %mul3A_1469, %add3A_1470 : i32
        %get3A_1472 = arith.index_cast %add3A_1471 : i32 to index
        %get3A_1473 = arith.constant 0 : index
        %get3A_1474 = tpu.vector_load %arg19[%get3A_1472, %get3A_1473] {strides = array<i32>} : memref<128x128xf32, #tpu.memory_space<vmem>>, vector<1x16xf32>,
        %get3A_1475 = vector.shape_cast %get3A_1474 : vector<1x16xf32> to vector<16xf32>
        %mul3A_1476 = arith.mulf %get3A_1475, %gather3A_1467 : vector<16xf32>
        %swap3A_1477 = arith.index_cast %add3A_1471 : i32 to index
        %swap3A_1478 = arith.constant 0 : index
        %swap3A_1479 = tpu.vector_load %arg19[%swap3A_1477, %swap3A_1478] {strides = array<i32>} : memref<128x128xf32, #tpu.memory_space<vmem>>, vector<1x16xf32>,
        %swap3A_1480 = vector.shape_cast %swap3A_1479 : vector<1x16xf32> to vector<16xf32>
        %swap3A_1481 = vector.shape_cast %mul3A_1476 : vector<16xf32> to vector<1x16xf32>
        tpu.vector_store %arg19[%swap3A_1477, %swap3A_1478], %swap3A_1481 {strides = array<i32>} : memref<128x128xf32, #tpu.memory_space<vmem>>, vector<1x16xf32>,
        %get3A_1482 = arith.index_cast %add3A_1471 : i32 to index
        %get3A_1483 = arith.constant 16 : index
        %get3A_1484 = tpu.vector_load %arg19[%get3A_1482, %get3A_1483] {strides = array<i32>} : memref<128x128xf32, #tpu.memory_space<vmem>>, vector<1x16xf32>,
        %get3A_1485 = vector.shape_cast %get3A_1484 : vector<1x16xf32> to vector<16xf32>
        %mul3A_1486 = arith.mulf %get3A_1485, %gather3A_1467 : vector<16xf32>
        %swap3A_1487 = arith.index_cast %add3A_1471 : i32 to index
        %swap3A_1488 = arith.constant 16 : index
        %swap3A_1489 = tpu.vector_load %arg19[%swap3A_1487, %swap3A_1488] {strides = array<i32>} : memref<128x128xf32, #tpu.memory_space<vmem>>, vector<1x16xf32>,
        %swap3A_1490 = vector.shape_cast %swap3A_1489 : vector<1x16xf32> to vector<16xf32>
        %swap3A_1491 = vector.shape_cast %mul3A_1486 : vector<16xf32> to vector<1x16xf32>
        tpu.vector_store %arg19[%swap3A_1487, %swap3A_1488], %swap3A_1491 {strides = array<i32>} : memref<128x128xf32, #tpu.memory_space<vmem>>, vector<1x16xf32>,
        %get3A_1492 = arith.index_cast %add3A_1471 : i32 to index
        %get3A_1493 = arith.constant 32 : index
        %get3A_1494 = tpu.vector_load %arg19[%get3A_1492, %get3A_1493] {strides = array<i32>} : memref<128x128xf32, #tpu.memory_space<vmem>>, vector<1x16xf32>,
        %get3A_1495 = vector.shape_cast %get3A_1494 : vector<1x16xf32> to vector<16xf32>
        %mul3A_1496 = arith.mulf %get3A_1495, %gather3A_1467 : vector<16xf32>
        %swap3A_1497 = arith.index_cast %add3A_1471 : i32 to index
        %swap3A_1498 = arith.constant 32 : index
        %swap3A_1499 = tpu.vector_load %arg19[%swap3A_1497, %swap3A_1498] {strides = array<i32>} : memref<128x128xf32, #tpu.memory_space<vmem>>, vector<1x16xf32>,
        %swap3A_1500 = vector.shape_cast %swap3A_1499 : vector<1x16xf32> to vector<16xf32>
        %swap3A_1501 = vector.shape_cast %mul3A_1496 : vector<16xf32> to vector<1x16xf32>
        tpu.vector_store %arg19[%swap3A_1497, %swap3A_1498], %swap3A_1501 {strides = array<i32>} : memref<128x128xf32, #tpu.memory_space<vmem>>, vector<1x16xf32>,
        %get3A_1502 = arith.index_cast %add3A_1471 : i32 to index
        %get3A_1503 = arith.constant 48 : index
        %get3A_1504 = tpu.vector_load %arg19[%get3A_1502, %get3A_1503] {strides = array<i32>} : memref<128x128xf32, #tpu.memory_space<vmem>>, vector<1x16xf32>,
        %get3A_1505 = vector.shape_cast %get3A_1504 : vector<1x16xf32> to vector<16xf32>
        %mul3A_1506 = arith.mulf %get3A_1505, %gather3A_1467 : vector<16xf32>
        %swap3A_1507 = arith.index_cast %add3A_1471 : i32 to index
        %swap3A_1508 = arith.constant 48 : index
        %swap3A_1509 = tpu.vector_load %arg19[%swap3A_1507, %swap3A_1508] {strides = array<i32>} : memref<128x128xf32, #tpu.memory_space<vmem>>, vector<1x16xf32>,
        %swap3A_1510 = vector.shape_cast %swap3A_1509 : vector<1x16xf32> to vector<16xf32>
        %swap3A_1511 = vector.shape_cast %mul3A_1506 : vector<16xf32> to vector<1x16xf32>
        tpu.vector_store %arg19[%swap3A_1507, %swap3A_1508], %swap3A_1511 {strides = array<i32>} : memref<128x128xf32, #tpu.memory_space<vmem>>, vector<1x16xf32>,
        %get3A_1512 = arith.index_cast %add3A_1471 : i32 to index
        %get3A_1513 = arith.constant 64 : index
        %get3A_1514 = tpu.vector_load %arg19[%get3A_1512, %get3A_1513] {strides = array<i32>} : memref<128x128xf32, #tpu.memory_space<vmem>>, vector<1x16xf32>,
        %get3A_1515 = vector.shape_cast %get3A_1514 : vector<1x16xf32> to vector<16xf32>
        %mul3A_1516 = arith.mulf %get3A_1515, %gather3A_1467 : vector<16xf32>
        %swap3A_1517 = arith.index_cast %add3A_1471 : i32 to index
        %swap3A_1518 = arith.constant 64 : index
        %swap3A_1519 = tpu.vector_load %arg19[%swap3A_1517, %swap3A_1518] {strides = array<i32>} : memref<128x128xf32, #tpu.memory_space<vmem>>, vector<1x16xf32>,
        %swap3A_1520 = vector.shape_cast %swap3A_1519 : vector<1x16xf32> to vector<16xf32>
        %swap3A_1521 = vector.shape_cast %mul3A_1516 : vector<16xf32> to vector<1x16xf32>
        tpu.vector_store %arg19[%swap3A_1517, %swap3A_1518], %swap3A_1521 {strides = array<i32>} : memref<128x128xf32, #tpu.memory_space<vmem>>, vector<1x16xf32>,
        %get3A_1522 = arith.index_cast %add3A_1471 : i32 to index
        %get3A_1523 = arith.constant 80 : index
        %get3A_1524 = tpu.vector_load %arg19[%get3A_1522, %get3A_1523] {strides = array<i32>} : memref<128x128xf32, #tpu.memory_space<vmem>>, vector<1x16xf32>,
        %get3A_1525 = vector.shape_cast %get3A_1524 : vector<1x16xf32> to vector<16xf32>
        %mul3A_1526 = arith.mulf %get3A_1525, %gather3A_1467 : vector<16xf32>
        %swap3A_1527 = arith.index_cast %add3A_1471 : i32 to index
        %swap3A_1528 = arith.constant 80 : index
        %swap3A_1529 = tpu.vector_load %arg19[%swap3A_1527, %swap3A_1528] {strides = array<i32>} : memref<128x128xf32, #tpu.memory_space<vmem>>, vector<1x16xf32>,
        %swap3A_1530 = vector.shape_cast %swap3A_1529 : vector<1x16xf32> to vector<16xf32>
        %swap3A_1531 = vector.shape_cast %mul3A_1526 : vector<16xf32> to vector<1x16xf32>
        tpu.vector_store %arg19[%swap3A_1527, %swap3A_1528], %swap3A_1531 {strides = array<i32>} : memref<128x128xf32, #tpu.memory_space<vmem>>, vector<1x16xf32>,
        %get3A_1532 = arith.index_cast %add3A_1471 : i32 to index
        %get3A_1533 = arith.constant 96 : index
        %get3A_1534 = tpu.vector_load %arg19[%get3A_1532, %get3A_1533] {strides = array<i32>} : memref<128x128xf32, #tpu.memory_space<vmem>>, vector<1x16xf32>,
        %get3A_1535 = vector.shape_cast %get3A_1534 : vector<1x16xf32> to vector<16xf32>
        %mul3A_1536 = arith.mulf %get3A_1535, %gather3A_1467 : vector<16xf32>
        %swap3A_1537 = arith.index_cast %add3A_1471 : i32 to index
        %swap3A_1538 = arith.constant 96 : index
        %swap3A_1539 = tpu.vector_load %arg19[%swap3A_1537, %swap3A_1538] {strides = array<i32>} : memref<128x128xf32, #tpu.memory_space<vmem>>, vector<1x16xf32>,
        %swap3A_1540 = vector.shape_cast %swap3A_1539 : vector<1x16xf32> to vector<16xf32>
        %swap3A_1541 = vector.shape_cast %mul3A_1536 : vector<16xf32> to vector<1x16xf32>
        tpu.vector_store %arg19[%swap3A_1537, %swap3A_1538], %swap3A_1541 {strides = array<i32>} : memref<128x128xf32, #tpu.memory_space<vmem>>, vector<1x16xf32>,
        %get3A_1542 = arith.index_cast %add3A_1471 : i32 to index
        %get3A_1543 = arith.constant 112 : index
        %get3A_1544 = tpu.vector_load %arg19[%get3A_1542, %get3A_1543] {strides = array<i32>} : memref<128x128xf32, #tpu.memory_space<vmem>>, vector<1x16xf32>,
        %get3A_1545 = vector.shape_cast %get3A_1544 : vector<1x16xf32> to vector<16xf32>
        %mul3A_1546 = arith.mulf %get3A_1545, %gather3A_1467 : vector<16xf32>
        %swap3A_1547 = arith.index_cast %add3A_1471 : i32 to index
        %swap3A_1548 = arith.constant 112 : index
        %swap3A_1549 = tpu.vector_load %arg19[%swap3A_1547, %swap3A_1548] {strides = array<i32>} : memref<128x128xf32, #tpu.memory_space<vmem>>, vector<1x16xf32>,
        %swap3A_1550 = vector.shape_cast %swap3A_1549 : vector<1x16xf32> to vector<16xf32>
        %swap3A_1551 = vector.shape_cast %mul3A_1546 : vector<16xf32> to vector<1x16xf32>
        tpu.vector_store %arg19[%swap3A_1547, %swap3A_1548], %swap3A_1551 {strides = array<i32>} : memref<128x128xf32, #tpu.memory_space<vmem>>, vector<1x16xf32>,
      }
      %scan3A_131 = arith.constant 8 : i32
      %dma_start3A_132 = arith.constant 0 : i32
      %dma_start3A_133 = arith.constant 0 : i32
      %dma_start3A_134 = tpu.memref_slice %arg8[%dma_start3A_132, %dma_start3A_133] : memref<10000x128xf32, #tpu.memory_space<vmem_shared>> -> memref<10000x128xf32, #tpu.memory_space<vmem_shared>>
      tpu.enqueue_indirect_dma source(%arg19 : memref<128x128xf32, #tpu.memory_space<vmem>>) target(%dma_start3A_134 : memref<10000x128xf32, #tpu.memory_space<vmem_shared>>) offsets(%arg17 : memref<128xi32, #tpu.memory_space<vmem>>) semaphore(%arg22 : memref<!tpu.dma_semaphore, #tpu.memory_space<semaphore_mem>>) {add = true}
    }
    %scan3A_51 = arith.constant 40 : i32
    %dma_wait3A_52 = arith.constant 0 : i32
    %dma_wait3A_53 = arith.constant 0 : i32
    %dma_wait3A_54 = tpu.memref_slice %arg8[%dma_wait3A_52, %dma_wait3A_53] : memref<10000x128xf32, #tpu.memory_space<vmem_shared>> -> memref<10000x128xf32, #tpu.memory_space<vmem_shared>>
    tpu.wait_indirect_dma semaphore(%arg16 : memref<!tpu.dma_semaphore, #tpu.memory_space<semaphore_mem>>) src(%arg13 : memref<128x128xf32, #tpu.memory_space<vmem>>) dst(%dma_wait3A_54 : memref<10000x128xf32, #tpu.memory_space<vmem_shared>>)
    %dma_wait3A_55 = arith.constant 0 : i32
    %dma_wait3A_56 = arith.constant 0 : i32
    %dma_wait3A_57 = tpu.memref_slice %arg8[%dma_wait3A_55, %dma_wait3A_56] : memref<10000x128xf32, #tpu.memory_space<vmem_shared>> -> memref<10000x128xf32, #tpu.memory_space<vmem_shared>>
    tpu.wait_indirect_dma semaphore(%arg22 : memref<!tpu.dma_semaphore, #tpu.memory_space<semaphore_mem>>) src(%arg19 : memref<128x128xf32, #tpu.memory_space<vmem>>) dst(%dma_wait3A_57 : memref<10000x128xf32, #tpu.memory_space<vmem_shared>>)
    %barrier3A_58 = arith.constant 0 : index
    tpu.barrier barrier_id(%barrier3A_58)
    %eq3A_59 = arith.constant 0 : i32
    %eq3A_60 = arith.cmpi eq, %arg0, %eq3A_59 : i32
    %convert_element_type3A_61 = arith.extui %eq3A_60 : i1 to i32
    %cond3A_62 = arith.constant 0 : i32
    %cond3A_63 = arith.cmpi ne, %convert_element_type3A_61, %cond3A_62 : i32
    scf.if %cond3A_63 {
      "tpu.region"() ({
        %run_scoped3A = tpu.sem_alloc : memref<!tpu.dma_semaphore, #tpu.memory_space<semaphore_mem>>
        %dma_start3A_74 = arith.constant 0 : i32
        %dma_start3A_75 = tpu.memref_slice %arg6[%mul3A_5, %dma_start3A_74] : memref<10000x128xf32, #tpu.memory_space<hbm>> -> memref<624x128xf32, #tpu.memory_space<hbm>>
        %dma_start3A_76 = arith.constant 0 : i32
        %dma_start3A_77 = tpu.memref_slice %arg8[%mul3A_5, %dma_start3A_76] : memref<10000x128xf32, #tpu.memory_space<vmem_shared>> -> memref<624x128xf32, #tpu.memory_space<vmem_shared>>
        tpu.enqueue_dma source(%dma_start3A_77 : memref<624x128xf32, #tpu.memory_space<vmem_shared>>) target(%dma_start3A_75 : memref<624x128xf32, #tpu.memory_space<hbm>>) target_semaphore(%run_scoped3A : memref<!tpu.dma_semaphore, #tpu.memory_space<semaphore_mem>>)
        %dma_wait3A_78 = arith.constant 0 : i32
        %dma_wait3A_79 = tpu.memref_slice %arg6[%mul3A_5, %dma_wait3A_78] : memref<10000x128xf32, #tpu.memory_space<hbm>> -> memref<624x128xf32, #tpu.memory_space<hbm>>
        %dma_wait3A_80 = arith.constant 0 : i32
        %dma_wait3A_81 = tpu.memref_slice %arg8[%mul3A_5, %dma_wait3A_80] : memref<10000x128xf32, #tpu.memory_space<vmem_shared>> -> memref<624x128xf32, #tpu.memory_space<vmem_shared>>
        tpu.wait_dma2 semaphore(%run_scoped3A : memref<!tpu.dma_semaphore, #tpu.memory_space<semaphore_mem>>) src(%dma_wait3A_81 : memref<624x128xf32, #tpu.memory_space<vmem_shared>>) dst(%dma_wait3A_79 : memref<624x128xf32, #tpu.memory_space<hbm>>)
        tpu.yield
      }) : () -> ()
      %eq3A_69 = arith.constant 15 : i32
      %eq3A_70 = arith.cmpi eq, %arg1, %eq3A_69 : i32
      %convert_element_type3A_71 = arith.extui %eq3A_70 : i1 to i32
      %cond3A_72 = arith.constant 0 : i32
      %cond3A_73 = arith.cmpi ne, %convert_element_type3A_71, %cond3A_72 : i32
      scf.if %cond3A_73 {
        "tpu.region"() ({
          %run_scoped3A = tpu.sem_alloc : memref<!tpu.dma_semaphore, #tpu.memory_space<semaphore_mem>>
          %dma_start3A_74 = arith.constant 9984 : i32
          %dma_start3A_75 = arith.constant 0 : i32
          %dma_start3A_76 = tpu.memref_slice %arg6[%dma_start3A_74, %dma_start3A_75] : memref<10000x128xf32, #tpu.memory_space<hbm>> -> memref<16x128xf32, #tpu.memory_space<hbm>>
          %dma_start3A_77 = arith.constant 9984 : i32
          %dma_start3A_78 = arith.constant 0 : i32
          %dma_start3A_79 = tpu.memref_slice %arg8[%dma_start3A_77, %dma_start3A_78] : memref<10000x128xf32, #tpu.memory_space<vmem_shared>> -> memref<16x128xf32, #tpu.memory_space<vmem_shared>>
          tpu.enqueue_dma source(%dma_start3A_79 : memref<16x128xf32, #tpu.memory_space<vmem_shared>>) target(%dma_start3A_76 : memref<16x128xf32, #tpu.memory_space<hbm>>) target_semaphore(%run_scoped3A : memref<!tpu.dma_semaphore, #tpu.memory_space<semaphore_mem>>)
          %dma_wait3A_80 = arith.constant 9984 : i32
          %dma_wait3A_81 = arith.constant 0 : i32
          %dma_wait3A_82 = tpu.memref_slice %arg6[%dma_wait3A_80, %dma_wait3A_81] : memref<10000x128xf32, #tpu.memory_space<hbm>> -> memref<16x128xf32, #tpu.memory_space<hbm>>
          %dma_wait3A_83 = arith.constant 9984 : i32
          %dma_wait3A_84 = arith.constant 0 : i32
          %dma_wait3A_85 = tpu.memref_slice %arg8[%dma_wait3A_83, %dma_wait3A_84] : memref<10000x128xf32, #tpu.memory_space<vmem_shared>> -> memref<16x128xf32, #tpu.memory_space<vmem_shared>>
          tpu.wait_dma2 semaphore(%run_scoped3A : memref<!tpu.dma_semaphore, #tpu.memory_space<semaphore_mem>>) src(%dma_wait3A_85 : memref<16x128xf32, #tpu.memory_space<vmem_shared>>) dst(%dma_wait3A_82 : memref<16x128xf32, #tpu.memory_space<hbm>>)
          tpu.yield
        }) : () -> ()
      } else {
      }
    } else {
    }
    %eq3A_64 = arith.constant 1 : i32
    %eq3A_65 = arith.cmpi eq, %arg0, %eq3A_64 : i32
    %convert_element_type3A_66 = arith.extui %eq3A_65 : i1 to i32
    %cond3A_67 = arith.constant 0 : i32
    %cond3A_68 = arith.cmpi ne, %convert_element_type3A_66, %cond3A_67 : i32
    scf.if %cond3A_68 {
      "tpu.region"() ({
        %run_scoped3A = tpu.sem_alloc : memref<!tpu.dma_semaphore, #tpu.memory_space<semaphore_mem>>
        %dma_start3A_74 = arith.constant 0 : i32
        %dma_start3A_75 = tpu.memref_slice %arg7[%mul3A_5, %dma_start3A_74] : memref<10000x128xf32, #tpu.memory_space<hbm>> -> memref<624x128xf32, #tpu.memory_space<hbm>>
        %dma_start3A_76 = arith.constant 0 : i32
        %dma_start3A_77 = tpu.memref_slice %arg8[%mul3A_5, %dma_start3A_76] : memref<10000x128xf32, #tpu.memory_space<vmem_shared>> -> memref<624x128xf32, #tpu.memory_space<vmem_shared>>
        tpu.enqueue_dma source(%dma_start3A_77 : memref<624x128xf32, #tpu.memory_space<vmem_shared>>) target(%dma_start3A_75 : memref<624x128xf32, #tpu.memory_space<hbm>>) target_semaphore(%run_scoped3A : memref<!tpu.dma_semaphore, #tpu.memory_space<semaphore_mem>>)
        %dma_wait3A_78 = arith.constant 0 : i32
        %dma_wait3A_79 = tpu.memref_slice %arg7[%mul3A_5, %dma_wait3A_78] : memref<10000x128xf32, #tpu.memory_space<hbm>> -> memref<624x128xf32, #tpu.memory_space<hbm>>
        %dma_wait3A_80 = arith.constant 0 : i32
        %dma_wait3A_81 = tpu.memref_slice %arg8[%mul3A_5, %dma_wait3A_80] : memref<10000x128xf32, #tpu.memory_space<vmem_shared>> -> memref<624x128xf32, #tpu.memory_space<vmem_shared>>
        tpu.wait_dma2 semaphore(%run_scoped3A : memref<!tpu.dma_semaphore, #tpu.memory_space<semaphore_mem>>) src(%dma_wait3A_81 : memref<624x128xf32, #tpu.memory_space<vmem_shared>>) dst(%dma_wait3A_79 : memref<624x128xf32, #tpu.memory_space<hbm>>)
        tpu.yield
      }) : () -> ()
      %eq3A_69 = arith.constant 15 : i32
      %eq3A_70 = arith.cmpi eq, %arg1, %eq3A_69 : i32
      %convert_element_type3A_71 = arith.extui %eq3A_70 : i1 to i32
      %cond3A_72 = arith.constant 0 : i32
      %cond3A_73 = arith.cmpi ne, %convert_element_type3A_71, %cond3A_72 : i32
      scf.if %cond3A_73 {
        "tpu.region"() ({
          %run_scoped3A = tpu.sem_alloc : memref<!tpu.dma_semaphore, #tpu.memory_space<semaphore_mem>>
          %dma_start3A_74 = arith.constant 9984 : i32
          %dma_start3A_75 = arith.constant 0 : i32
          %dma_start3A_76 = tpu.memref_slice %arg7[%dma_start3A_74, %dma_start3A_75] : memref<10000x128xf32, #tpu.memory_space<hbm>> -> memref<16x128xf32, #tpu.memory_space<hbm>>
          %dma_start3A_77 = arith.constant 9984 : i32
          %dma_start3A_78 = arith.constant 0 : i32
          %dma_start3A_79 = tpu.memref_slice %arg8[%dma_start3A_77, %dma_start3A_78] : memref<10000x128xf32, #tpu.memory_space<vmem_shared>> -> memref<16x128xf32, #tpu.memory_space<vmem_shared>>
          tpu.enqueue_dma source(%dma_start3A_79 : memref<16x128xf32, #tpu.memory_space<vmem_shared>>) target(%dma_start3A_76 : memref<16x128xf32, #tpu.memory_space<hbm>>) target_semaphore(%run_scoped3A : memref<!tpu.dma_semaphore, #tpu.memory_space<semaphore_mem>>)
          %dma_wait3A_80 = arith.constant 9984 : i32
          %dma_wait3A_81 = arith.constant 0 : i32
          %dma_wait3A_82 = tpu.memref_slice %arg7[%dma_wait3A_80, %dma_wait3A_81] : memref<10000x128xf32, #tpu.memory_space<hbm>> -> memref<16x128xf32, #tpu.memory_space<hbm>>
          %dma_wait3A_83 = arith.constant 9984 : i32
          %dma_wait3A_84 = arith.constant 0 : i32
          %dma_wait3A_85 = tpu.memref_slice %arg8[%dma_wait3A_83, %dma_wait3A_84] : memref<10000x128xf32, #tpu.memory_space<vmem_shared>> -> memref<16x128xf32, #tpu.memory_space<vmem_shared>>
          tpu.wait_dma2 semaphore(%run_scoped3A : memref<!tpu.dma_semaphore, #tpu.memory_space<semaphore_mem>>) src(%dma_wait3A_85 : memref<16x128xf32, #tpu.memory_space<vmem_shared>>) dst(%dma_wait3A_82 : memref<16x128xf32, #tpu.memory_space<hbm>>)
          tpu.yield
        }) : () -> ()
      } else {
      }
    } else {
    }
    return
  }
}

module attributes {stable_mosaic.version = 14 : i64} {
  func.func @_tc_body(%arg0: i32, %arg1: memref<1024x128xf32, #tpu.memory_space<vmem>>, %arg2: memref<1024x128xf32, #tpu.memory_space<vmem>>, %arg3: memref<1x125x128xf32, #tpu.memory_space<vmem>>, %arg4: memref<1x8x128xf32, #tpu.memory_space<vmem>>, %arg5: memref<1x256xf32, #tpu.memory_space<vmem>>, %arg6: memref<256x256xf32, #tpu.memory_space<vmem>>, %arg7: memref<1x256xf32, #tpu.memory_space<vmem>>, %arg8: memref<1x1xf32, #tpu.memory_space<smem>>) attributes {dimension_semantics = [#tpu.dimension_semantics<arbitrary>], iteration_bounds = array<i64: 10>, scalar_prefetch = 0 : i64, scratch_operands = 0 : i64, tpu.core_type = #tpu.core_type<tc>, window_params = [{transform_indices = @transform_0, window_bounds = array<i64: 1024, 128>}, {transform_indices = @transform_1, window_bounds = array<i64: 1024, 128>}, {transform_indices = @transform_2, window_bounds = array<i64: 1, 125, 128>}, {transform_indices = @transform_3, window_bounds = array<i64: 1, 8, 128>}, {pipeline_mode = #tpu.pipeline_mode<synchronous>, transform_indices = @transform_4, window_bounds = array<i64: 1, 256>}, {pipeline_mode = #tpu.pipeline_mode<synchronous>, transform_indices = @transform_5, window_bounds = array<i64: 256, 256>}, {pipeline_mode = #tpu.pipeline_mode<synchronous>, transform_indices = @transform_6, window_bounds = array<i64: 1, 256>}, {transform_indices = @transform_7, window_bounds = array<i64: 1, 1>}]} {
    %eq3A = arith.constant 0 : i32
    %eq3A_0 = arith.cmpi eq, %arg0, %eq3A : i32
    %convert_element_type3A = arith.extui %eq3A_0 : i1 to i32
    %cond3A = arith.constant 0 : i32
    %cond3A_1 = arith.cmpi ne, %convert_element_type3A, %cond3A : i32
    scf.if %cond3A_1 {
      %swap3A_109 = arith.constant 0.000000e+00 : f32
      %swap3A_110 = arith.constant 0 : index
      %swap3A_111 = arith.constant 0 : index
      %swap3A_112 = memref.load %arg8[%swap3A_110, %swap3A_111] : memref<1x1xf32, #tpu.memory_space<smem>>
      memref.store %swap3A_109, %arg8[%swap3A_110, %swap3A_111] : memref<1x1xf32, #tpu.memory_space<smem>>
    } else {
    }
    %get3A = arith.constant 0 : index
    %get3A_2 = arith.constant 0 : index
    %get3A_3 = vector.load %arg5[%get3A, %get3A_2] : memref<1x256xf32, #tpu.memory_space<vmem>>, vector<1x256xf32>
    %neg3A = arith.constant 0.000000e+00 : f32
    %neg3A_4 = vector.broadcast %neg3A : f32 to vector<1x256xf32>
    %neg3A_5 = arith.subf %neg3A_4, %get3A_3 : vector<1x256xf32>
    %exp3A = math.exp %neg3A_5 : vector<1x256xf32>
    %add3A = arith.constant 1.000000e+00 : f32
    %add3A_6 = vector.broadcast %add3A : f32 to vector<1x256xf32>
    %add3A_7 = arith.addf %add3A_6, %exp3A : vector<1x256xf32>
    %div3A = arith.constant 1.000000e+00 : f32
    %div3A_8 = vector.broadcast %div3A : f32 to vector<1x256xf32>
    %div3A_9 = arith.divf %div3A_8, %add3A_7 : vector<1x256xf32>
    %get3A_10 = arith.constant 0 : index
    %get3A_11 = arith.constant 0 : index
    %get3A_12 = vector.load %arg1[%get3A_10, %get3A_11] : memref<1024x128xf32, #tpu.memory_space<vmem>>, vector<1024x128xf32>
    %slice3A = vector.extract_strided_slice %div3A_9 {offsets = [0, 0], sizes = [1, 128], strides = [1, 1]} : vector<1x256xf32> to vector<1x128xf32>
    %mul3A = vector.broadcast %slice3A : vector<1x128xf32> to vector<1024x128xf32>
    %mul3A_13 = arith.mulf %get3A_12, %mul3A : vector<1024x128xf32>
    %get3A_14 = arith.constant 0 : index
    %get3A_15 = arith.constant 0 : index
    %get3A_16 = vector.load %arg6[%get3A_14, %get3A_15] : memref<256x256xf32, #tpu.memory_space<vmem>>, vector<128x256xf32>
    %dot_general3A = arith.constant dense<0.000000e+00> : vector<1024x256xf32>
    %dot_general3A_17 = tpu.matmul %mul3A_13, %get3A_16, %dot_general3A {dimension_numbers = #tpu.dot_dimension_numbers<[1], [0], [0], [1], [0, 0, 1, 1], [], []>, transpose_lhs_hint = false} : vector<1024x128xf32>, vector<128x256xf32>, vector<1024x256xf32> -> vector<1024x256xf32>
    %get3A_18 = arith.constant 0 : index
    %get3A_19 = arith.constant 0 : index
    %get3A_20 = vector.load %arg2[%get3A_18, %get3A_19] : memref<1024x128xf32, #tpu.memory_space<vmem>>, vector<1024x128xf32>
    %slice3A_21 = vector.extract_strided_slice %div3A_9 {offsets = [0, 128], sizes = [1, 128], strides = [1, 1]} : vector<1x256xf32> to vector<1x128xf32>
    %mul3A_22 = vector.broadcast %slice3A_21 : vector<1x128xf32> to vector<1024x128xf32>
    %mul3A_23 = arith.mulf %get3A_20, %mul3A_22 : vector<1024x128xf32>
    %get3A_24 = arith.constant 128 : index
    %get3A_25 = arith.constant 0 : index
    %get3A_26 = vector.load %arg6[%get3A_24, %get3A_25] : memref<256x256xf32, #tpu.memory_space<vmem>>, vector<128x256xf32>
    %dot_general3A_27 = arith.constant dense<0.000000e+00> : vector<1024x256xf32>
    %dot_general3A_28 = tpu.matmul %mul3A_23, %get3A_26, %dot_general3A_27 {dimension_numbers = #tpu.dot_dimension_numbers<[1], [0], [0], [1], [0, 0, 1, 1], [], []>, transpose_lhs_hint = false} : vector<1024x128xf32>, vector<128x256xf32>, vector<1024x256xf32> -> vector<1024x256xf32>
    %add3A_29 = arith.addf %dot_general3A_17, %dot_general3A_28 : vector<1024x256xf32>
    %max3A = arith.constant 0.000000e+00 : f32
    %max3A_30 = vector.broadcast %max3A : f32 to vector<1024x256xf32>
    %max3A_31 = arith.maximumf %add3A_29, %max3A_30 : vector<1024x256xf32>
    %get3A_32 = arith.constant 0 : index
    %get3A_33 = arith.constant 0 : index
    %get3A_34 = vector.load %arg7[%get3A_32, %get3A_33] : memref<1x256xf32, #tpu.memory_space<vmem>>, vector<1x256xf32>
    %dot_general3A_35 = arith.constant dense<0.000000e+00> : vector<1024x1xf32>
    %dot_general3A_36 = tpu.matmul %max3A_31, %get3A_34, %dot_general3A_35 {dimension_numbers = #tpu.dot_dimension_numbers<[1], [1], [0], [0], [0, 0, 1, 0], [], []>, transpose_lhs_hint = false} : vector<1024x256xf32>, vector<1x256xf32>, vector<1024x1xf32> -> vector<1024x1xf32>
    %squeeze3A = vector.shape_cast %dot_general3A_36 : vector<1024x1xf32> to vector<1024xf32>
    %get3A_37 = arith.constant 0 : index
    %get3A_38 = arith.constant 0 : index
    %get3A_39 = arith.constant 0 : index
    %get3A_40 = vector.load %arg4[%get3A_37, %get3A_38, %get3A_39] : memref<1x8x128xf32, #tpu.memory_space<vmem>>, vector<1x8x128xf32>
    %reshape3A = vector.shape_cast %get3A_40 : vector<1x8x128xf32> to vector<1024xf32>
    %sub3A = arith.subf %squeeze3A, %reshape3A : vector<1024xf32>
    %integer_pow3A = arith.mulf %sub3A, %sub3A : vector<1024xf32>
    %reduce_sum3A = vector.shape_cast %integer_pow3A : vector<1024xf32> to vector<1x1024xf32>
    %reduce_sum3A_41 = arith.constant dense<0.000000e+00> : vector<1xf32>
    %reduce_sum3A_42 = vector.multi_reduction <add>, %reduce_sum3A, %reduce_sum3A_41 [1] : vector<1x1024xf32> to vector<1xf32>
    %reduce_sum3A_43 = vector.shape_cast %reduce_sum3A_42 : vector<1xf32> to vector<1x1xf32>
    %reduce_sum3A_44 = vector.extract %reduce_sum3A_43[0, 0] : f32 from vector<1x1xf32>
    %div3A_45 = arith.constant 1.000000e+04 : f32
    %div3A_46 = arith.divf %reduce_sum3A_44, %div3A_45 : f32
    %get3A_47 = arith.constant 0 : index
    %get3A_48 = arith.constant 0 : index
    %get3A_49 = arith.constant 0 : index
    %get3A_50 = vector.load %arg3[%get3A_47, %get3A_48, %get3A_49] : memref<1x125x128xf32, #tpu.memory_space<vmem>>, vector<1x125x128xf32>
    %neg3A_51 = arith.constant 0.000000e+00 : f32
    %neg3A_52 = vector.broadcast %neg3A_51 : f32 to vector<1x125x128xf32>
    %neg3A_53 = arith.subf %neg3A_52, %get3A_50 : vector<1x125x128xf32>
    %exp3A_54 = math.exp %neg3A_53 : vector<1x125x128xf32>
    %add3A_55 = arith.constant 1.000000e+00 : f32
    %add3A_56 = vector.broadcast %add3A_55 : f32 to vector<1x125x128xf32>
    %add3A_57 = arith.addf %add3A_56, %exp3A_54 : vector<1x125x128xf32>
    %div3A_58 = arith.constant 1.000000e+00 : f32
    %div3A_59 = vector.broadcast %div3A_58 : f32 to vector<1x125x128xf32>
    %div3A_60 = arith.divf %div3A_59, %add3A_57 : vector<1x125x128xf32>
    %neg3A_61 = arith.constant 0.000000e+00 : f32
    %neg3A_62 = vector.broadcast %neg3A_61 : f32 to vector<1x125x128xf32>
    %neg3A_63 = arith.subf %neg3A_62, %div3A_60 : vector<1x125x128xf32>
    %add3A_64 = arith.constant 1.000000e-15 : f32
    %add3A_65 = vector.broadcast %add3A_64 : f32 to vector<1x125x128xf32>
    %add3A_66 = arith.addf %div3A_60, %add3A_65 : vector<1x125x128xf32>
    %log3A = math.log %add3A_66 : vector<1x125x128xf32>
    %mul3A_67 = arith.mulf %neg3A_63, %log3A : vector<1x125x128xf32>
    %sub3A_68 = arith.constant 1.000000e+00 : f32
    %sub3A_69 = vector.broadcast %sub3A_68 : f32 to vector<1x125x128xf32>
    %sub3A_70 = arith.subf %sub3A_69, %div3A_60 : vector<1x125x128xf32>
    %sub3A_71 = arith.constant 1.000000e+00 : f32
    %sub3A_72 = vector.broadcast %sub3A_71 : f32 to vector<1x125x128xf32>
    %sub3A_73 = arith.subf %sub3A_72, %div3A_60 : vector<1x125x128xf32>
    %add3A_74 = arith.constant 1.000000e-15 : f32
    %add3A_75 = vector.broadcast %add3A_74 : f32 to vector<1x125x128xf32>
    %add3A_76 = arith.addf %sub3A_73, %add3A_75 : vector<1x125x128xf32>
    %log3A_77 = math.log %add3A_76 : vector<1x125x128xf32>
    %mul3A_78 = arith.mulf %sub3A_70, %log3A_77 : vector<1x125x128xf32>
    %sub3A_79 = arith.subf %mul3A_67, %mul3A_78 : vector<1x125x128xf32>
    %reduce_sum3A_80 = vector.shape_cast %div3A_60 : vector<1x125x128xf32> to vector<1x1x125x128xf32>
    %reduce_sum3A_81 = arith.constant dense<0.000000e+00> : vector<1xf32>
    %reduce_sum3A_82 = vector.multi_reduction <add>, %reduce_sum3A_80, %reduce_sum3A_81 [1, 2, 3] : vector<1x1x125x128xf32> to vector<1xf32>
    %reduce_sum3A_83 = vector.shape_cast %reduce_sum3A_82 : vector<1xf32> to vector<1x1x1x1xf32>
    %reduce_sum3A_84 = vector.extract %reduce_sum3A_83[0, 0, 0, 0] : f32 from vector<1x1x1x1xf32>
    %mul3A_85 = arith.constant 5.000000e-03 : f32
    %mul3A_86 = arith.mulf %mul3A_85, %reduce_sum3A_84 : f32
    %add3A_87 = arith.addf %div3A_46, %mul3A_86 : f32
    %reduce_sum3A_88 = vector.shape_cast %sub3A_79 : vector<1x125x128xf32> to vector<1x1x125x128xf32>
    %reduce_sum3A_89 = arith.constant dense<0.000000e+00> : vector<1xf32>
    %reduce_sum3A_90 = vector.multi_reduction <add>, %reduce_sum3A_88, %reduce_sum3A_89 [1, 2, 3] : vector<1x1x125x128xf32> to vector<1xf32>
    %reduce_sum3A_91 = vector.shape_cast %reduce_sum3A_90 : vector<1xf32> to vector<1x1x1x1xf32>
    %reduce_sum3A_92 = vector.extract %reduce_sum3A_91[0, 0, 0, 0] : f32 from vector<1x1x1x1xf32>
    %mul3A_93 = arith.constant 1.000000e+00 : f32
    %mul3A_94 = arith.mulf %mul3A_93, %reduce_sum3A_92 : f32
    %div3A_95 = arith.constant 1.600000e+05 : f32
    %div3A_96 = arith.divf %mul3A_94, %div3A_95 : f32
    %add3A_97 = arith.addf %add3A_87, %div3A_96 : f32
    %get3A_98 = arith.constant 0 : index
    %get3A_99 = arith.constant 0 : index
    %get3A_100 = memref.load %arg8[%get3A_98, %get3A_99] : memref<1x1xf32, #tpu.memory_space<smem>>
    %add3A_101 = arith.addf %get3A_100, %add3A_97 : f32
    %swap3A = arith.constant 0 : index
    %swap3A_102 = arith.constant 0 : index
    %swap3A_103 = memref.load %arg8[%swap3A, %swap3A_102] : memref<1x1xf32, #tpu.memory_space<smem>>
    memref.store %add3A_101, %arg8[%swap3A, %swap3A_102] : memref<1x1xf32, #tpu.memory_space<smem>>
    %eq3A_104 = arith.constant 9 : i32
    %eq3A_105 = arith.cmpi eq, %arg0, %eq3A_104 : i32
    %convert_element_type3A_106 = arith.extui %eq3A_105 : i1 to i32
    %cond3A_107 = arith.constant 0 : i32
    %cond3A_108 = arith.cmpi ne, %convert_element_type3A_106, %cond3A_107 : i32
    scf.if %cond3A_108 {
      %neg3A_109 = arith.constant 0.000000e+00 : f32
      %neg3A_110 = vector.broadcast %neg3A_109 : f32 to vector<1x256xf32>
      %neg3A_111 = arith.subf %neg3A_110, %div3A_9 : vector<1x256xf32>
      %add3A_112 = arith.constant 1.000000e-15 : f32
      %add3A_113 = vector.broadcast %add3A_112 : f32 to vector<1x256xf32>
      %add3A_114 = arith.addf %div3A_9, %add3A_113 : vector<1x256xf32>
      %log3A_115 = math.log %add3A_114 : vector<1x256xf32>
      %mul3A_116 = arith.mulf %neg3A_111, %log3A_115 : vector<1x256xf32>
      %sub3A_117 = arith.constant 1.000000e+00 : f32
      %sub3A_118 = vector.broadcast %sub3A_117 : f32 to vector<1x256xf32>
      %sub3A_119 = arith.subf %sub3A_118, %div3A_9 : vector<1x256xf32>
      %sub3A_120 = arith.constant 1.000000e+00 : f32
      %sub3A_121 = vector.broadcast %sub3A_120 : f32 to vector<1x256xf32>
      %sub3A_122 = arith.subf %sub3A_121, %div3A_9 : vector<1x256xf32>
      %add3A_123 = arith.constant 1.000000e-15 : f32
      %add3A_124 = vector.broadcast %add3A_123 : f32 to vector<1x256xf32>
      %add3A_125 = arith.addf %sub3A_122, %add3A_124 : vector<1x256xf32>
      %log3A_126 = math.log %add3A_125 : vector<1x256xf32>
      %mul3A_127 = arith.mulf %sub3A_119, %log3A_126 : vector<1x256xf32>
      %sub3A_128 = arith.subf %mul3A_116, %mul3A_127 : vector<1x256xf32>
      %get3A_129 = arith.constant 0 : index
      %get3A_130 = arith.constant 0 : index
      %get3A_131 = memref.load %arg8[%get3A_129, %get3A_130] : memref<1x1xf32, #tpu.memory_space<smem>>
      %reduce_sum3A_132 = vector.shape_cast %div3A_9 : vector<1x256xf32> to vector<1x1x256xf32>
      %reduce_sum3A_133 = arith.constant dense<0.000000e+00> : vector<1xf32>
      %reduce_sum3A_134 = vector.multi_reduction <add>, %reduce_sum3A_132, %reduce_sum3A_133 [1, 2] : vector<1x1x256xf32> to vector<1xf32>
      %reduce_sum3A_135 = vector.shape_cast %reduce_sum3A_134 : vector<1xf32> to vector<1x1x1xf32>
      %reduce_sum3A_136 = vector.extract %reduce_sum3A_135[0, 0, 0] : f32 from vector<1x1x1xf32>
      %div3A_137 = arith.constant 2.560000e+02 : f32
      %div3A_138 = arith.divf %reduce_sum3A_136, %div3A_137 : f32
      %mul3A_139 = arith.constant 1.000000e+00 : f32
      %mul3A_140 = arith.mulf %mul3A_139, %div3A_138 : f32
      %reduce_sum3A_141 = vector.shape_cast %sub3A_128 : vector<1x256xf32> to vector<1x1x256xf32>
      %reduce_sum3A_142 = arith.constant dense<0.000000e+00> : vector<1xf32>
      %reduce_sum3A_143 = vector.multi_reduction <add>, %reduce_sum3A_141, %reduce_sum3A_142 [1, 2] : vector<1x1x256xf32> to vector<1xf32>
      %reduce_sum3A_144 = vector.shape_cast %reduce_sum3A_143 : vector<1xf32> to vector<1x1x1xf32>
      %reduce_sum3A_145 = vector.extract %reduce_sum3A_144[0, 0, 0] : f32 from vector<1x1x1xf32>
      %div3A_146 = arith.constant 2.560000e+02 : f32
      %div3A_147 = arith.divf %reduce_sum3A_145, %div3A_146 : f32
      %mul3A_148 = arith.constant 1.000000e-01 : f32
      %mul3A_149 = arith.mulf %mul3A_148, %div3A_147 : f32
      %add3A_150 = arith.addf %mul3A_140, %mul3A_149 : f32
      %add3A_151 = arith.addf %get3A_131, %add3A_150 : f32
      %swap3A_152 = arith.constant 0 : index
      %swap3A_153 = arith.constant 0 : index
      %swap3A_154 = memref.load %arg8[%swap3A_152, %swap3A_153] : memref<1x1xf32, #tpu.memory_space<smem>>
      memref.store %add3A_151, %arg8[%swap3A_152, %swap3A_153] : memref<1x1xf32, #tpu.memory_space<smem>>
    } else {
    }
    return
  }
  func.func @transform_0(%arg0: i32) -> (i32, i32) {
    %c0_i32 = arith.constant 0 : i32
    %c0_i32_0 = arith.constant 0 : i32
    return %arg0, %c0_i32 : i32, i32
  }
  func.func @transform_1(%arg0: i32) -> (i32, i32) {
    %c0_i32 = arith.constant 0 : i32
    %c0_i32_0 = arith.constant 0 : i32
    return %arg0, %c0_i32 : i32, i32
  }
  func.func @transform_2(%arg0: i32) -> (i32, i32, i32) {
    %c0_i32 = arith.constant 0 : i32
    %c0_i32_0 = arith.constant 0 : i32
    %c0_i32_1 = arith.constant 0 : i32
    return %arg0, %c0_i32, %c0_i32_0 : i32, i32, i32
  }
  func.func @transform_3(%arg0: i32) -> (i32, i32, i32) {
    %c0_i32 = arith.constant 0 : i32
    %c0_i32_0 = arith.constant 0 : i32
    %c0_i32_1 = arith.constant 0 : i32
    return %arg0, %c0_i32, %c0_i32_0 : i32, i32, i32
  }
  func.func @transform_4(%arg0: i32) -> (i32, i32) {
    %c0_i32 = arith.constant 0 : i32
    %c0_i32_0 = arith.constant 0 : i32
    %c0_i32_1 = arith.constant 0 : i32
    return %c0_i32, %c0_i32_0 : i32, i32
  }
  func.func @transform_5(%arg0: i32) -> (i32, i32) {
    %c0_i32 = arith.constant 0 : i32
    %c0_i32_0 = arith.constant 0 : i32
    %c0_i32_1 = arith.constant 0 : i32
    return %c0_i32, %c0_i32_0 : i32, i32
  }
  func.func @transform_6(%arg0: i32) -> (i32, i32) {
    %c0_i32 = arith.constant 0 : i32
    %c0_i32_0 = arith.constant 0 : i32
    %c0_i32_1 = arith.constant 0 : i32
    return %c0_i32, %c0_i32_0 : i32, i32
  }
  func.func @transform_7(%arg0: i32) -> (i32, i32) {
    %c0_i32 = arith.constant 0 : i32
    %c0_i32_0 = arith.constant 0 : i32
    %c0_i32_1 = arith.constant 0 : i32
    return %c0_i32, %c0_i32_0 : i32, i32
  }
}

</mosaic_0001>

<sc_bundles>
// kernel: kernel.4.cloned.1.call-start
scs
__scs_entry_jumppad:
0x0: {  	(pc) =	sbr.rel $0x88, $3  }
0x1: {  	(tag) =	ssettag $0x0;
	lr =	simm.s32 $0x1  }
0x2: {  	[smem:$0x3F9A] =	sst lr;
	_ =	strace $0xD0000000  }
0x3: {  	_ = 	snop  }
0x4: {  	_ = 	snop  }
0x5: {  	_ = 	snop  }
0x6: {  	_ = 	snop  }
0x7: {  	_ = 	snop  }
__scs_overlays_trampoline_lowered:
0x8: {  	[smem:$0x3FA9] =	sst s0  }
0x9: {  	[smem:$0x3FAA] =	sst s1  }
0xa: {  	[smem:$0x3FAB] =	sst s2  }
0xb: {  	[smem:$0x3FAC] =	sst s3  }
0xc: {  	[smem:$0x3FAD] =	sst s4  }
0xd: {  	[smem:$0x3FAE] =	sst s5  }
0xe: {  	[smem:$0x3FAF] =	sst s6  }
0xf: {  	[smem:$0x3FB0] =	sst s7  }
0x10: {  	[smem:$0x3FB1] =	sst s8  }
0x11: {  	[smem:$0x3FB2] =	sst s9;
	s0 =	simm.s32 @!p0 $0x0  }
0x12: {  	s1 =	sld [smem:$0x3F98];
	s0 =	simm.s32 @p0 $0x1  }
0x13: {  	[smem:$0x3FB3] =	sst s0;
	s0 =	simm.s32 @!p1 $0x0  }
0x14: {  	s2 =	sld [smem:$0x3F97];
	s0 =	simm.s32 @p1 $0x1  }
0x15: {  	[smem:$0x3FB4] =	sst s0;
	s0 =	simm.s32 @!p2 $0x0  }
0x16: {  	s3 =	sld [smem:$0x3FDB];
	s0 =	simm.s32 @p2 $0x1  }
0x17: {  	s4 =	simm.s32 $0x1BF5;
	[smem:$0x3FB6] =	sst s0  }
0x18: {  	s0 =	sld [smem:$0x3F99];
	_ =	swait.ge [sflag:s4], $0x0  }
0x19: {  	s7 =	sld [smem:$0x3F9A]  }
0x1a: {  	s8 =	sadd.s32 $0xFFFFE003, lr  }
0x1b: {  	s9 =	sadd.s32 $0xFFFFFEF7, lr;
	s5 =	simm.s32 $0xFFFFFFFF;
	p2 =	slt.u32 s8, $0xFFFFF086  }
0x1c: {  	p1 =	slt.u32 s9, $0xF7A;
	s5 =	simm.s32 @!p2 $0x0  }
0x1d: {  	s5 =	simm.s32 @p1 $0x1;
	p0 =	seq.s32 s7, s2  }
0x1e: {  	s7 =	smul.u32 @!p0 $0xF7A, s2;
	p2 =	seq.s32 @!p0 s5, $0x0  }
0x1f: {  	s9 =	smul.u32 $0xF7A, s1;
	s8 =	simm.s32 @!p0 $0x1BF5;
	p2 =	por !p2, p0  }
0x20: {  	[sflag:s8] =	ssyncset.s32 @!p0 $0xFFFFF086;
	s6 =	sadd.s32 @!p0 s3, s7;
	s7 =	simm.s32 @!p0 $0x108  }
0x21: {  	s3 =	sadd.s32 s3, s9;
	s6 =	sadd.s32 @!p0 $0x88, s6;
	s7 =	simm.s32 @p2 $0x1082  }
0x22: {  	[simem:s7], [sflag:s8] =	dma.local @!p0 [hbm:s6], $0xF7A  }
0x23: {  	s9 =	sor.u32 $0xD0000000, s2;
	s6 =	simm.s32 $0x108;
	_ =	swait.ge @!p0 [sflag:s8], $0x0  }
0x24: {  	s3 =	sadd.s32 $0x88, s3;
	s6 =	simm.s32 @!p1 $0x1082;
	[sflag:s4] =	ssyncset.s32 $0xFFFFF086  }
0x25: {  	[simem:s6], [sflag:s4] =	dma.local [hbm:s3], $0xF7A  }
0x26: {  	[smem:$0x3F9A] =	sst s1;
	(tag) =	ssettag s2;
	_ =	strace s9  }
0x27: {  	s1 =	sld [smem:$0x3FAA]  }
0x28: {  	s2 =	sld [smem:$0x3FAB]  }
0x29: {  	s4 =	sld [smem:$0x3FAD]  }
0x2a: {  	p0 =	seq.s32 s5, $0x0;
	s5 =	sld [smem:$0x3FAE]  }
0x2b: {  	s6 =	sld [smem:$0x3FAF]  }
0x2c: {  	s7 =	sld [smem:$0x3FB0]  }
0x2d: {  	s3 =	simm.s32 $0x108;
	s8 =	sld [smem:$0x3FB1]  }
0x2e: {  	s3 =	simm.s32 @!p0 $0x1082;
	s9 =	sld [smem:$0x3FB2]  }
0x2f: {  	lr =	sadd.s32 s0, s3;
	s0 =	sld [smem:$0x3FA9]  }
0x30: {  	s3 =	sld [smem:$0x3FAC]  }
0x31: {  	[smem:$0x3FB5] =	sst s10  }
0x32: {  	s10 =	sld [smem:$0x3FB3];
	_ =	sdelay $0x3  }
0x33: {  	p0 =	seq.s32 s10, $0x1;
	s10 =	sld [smem:$0x3FB5];
	_ =	sdelay $0x3  }
0x34: {  	[smem:$0x3FB5] =	sst s10  }
0x35: {  	s10 =	sld [smem:$0x3FB4];
	_ =	sdelay $0x3  }
0x36: {  	p1 =	seq.s32 s10, $0x1;
	s10 =	sld [smem:$0x3FB5];
	_ =	sdelay $0x3  }
0x37: {  	[smem:$0x3FB5] =	sst s10  }
0x38: {  	s10 =	sld [smem:$0x3FB6]  }
0x39: {  	_ = 	snop;
	(pc) =	sbr.ind lr, $3  }
0x3a: {  	_ = 	snop  }
0x3b: {  	_ = 	snop  }
0x3c: {  	p2 =	seq.s32 s10, $0x1;
	s10 =	sld [smem:$0x3FB5]  }
0x3d: {  	_ =	shalt  }
0x3e: {  	_ =	shalt  }
0x3f: {  	_ =	shalt  }
0x40: {  	_ =	shalt  }
0x41: {  	_ =	shalt  }
0x42: {  	_ =	shalt  }
0x43: {  	_ =	shalt  }
0x44: {  	_ =	shalt  }
0x45: {  	_ =	shalt  }
0x46: {  	_ =	shalt  }
0x47: {  	_ =	shalt  }
0x48: {  	_ =	shalt  }
0x49: {  	_ =	shalt  }
0x4a: {  	_ =	shalt  }
0x4b: {  	_ =	shalt  }
0x4c: {  	_ =	shalt  }
0x4d: {  	_ =	shalt  }
0x4e: {  	_ =	shalt  }
0x4f: {  	_ =	shalt  }
0x50: {  	_ =	shalt  }
0x51: {  	_ =	shalt  }
0x52: {  	_ =	shalt  }
0x53: {  	_ =	shalt  }
0x54: {  	_ =	shalt  }
0x55: {  	_ =	shalt  }
0x56: {  	_ =	shalt  }
0x57: {  	_ =	shalt  }
0x58: {  	_ =	shalt  }
0x59: {  	_ =	shalt  }
0x5a: {  	_ =	shalt  }
0x5b: {  	_ =	shalt  }
0x5c: {  	_ =	shalt  }
0x5d: {  	_ =	shalt  }
0x5e: {  	_ =	shalt  }
0x5f: {  	_ =	shalt  }
0x60: {  	_ =	shalt  }
0x61: {  	_ =	shalt  }
0x62: {  	_ =	shalt  }
0x63: {  	_ =	shalt  }
0x64: {  	_ =	shalt  }
0x65: {  	_ =	shalt  }
0x66: {  	_ =	shalt  }
0x67: {  	_ =	shalt  }
0x68: {  	_ =	shalt  }
0x69: {  	_ =	shalt  }
0x6a: {  	_ =	shalt  }
0x6b: {  	_ =	shalt  }
0x6c: {  	_ =	shalt  }
0x6d: {  	_ =	shalt  }
0x6e: {  	_ =	shalt  }
0x6f: {  	_ =	shalt  }
0x70: {  	_ =	shalt  }
0x71: {  	_ =	shalt  }
0x72: {  	_ =	shalt  }
0x73: {  	_ =	shalt  }
0x74: {  	_ =	shalt  }
0x75: {  	_ =	shalt  }
0x76: {  	_ =	shalt  }
0x77: {  	_ =	shalt  }
0x78: {  	_ =	shalt  }
0x79: {  	_ =	shalt  }
0x7a: {  	_ =	shalt  }
0x7b: {  	_ =	shalt  }
0x7c: {  	_ =	shalt  }
0x7d: {  	_ =	shalt  }
0x7e: {  	_ =	shalt  }
0x7f: {  	_ =	shalt  }
0x80: {  	_ =	shalt  }
0x81: {  	_ =	shalt  }
0x82: {  	_ =	shalt  }
0x83: {  	_ =	shalt  }
0x84: {  	_ =	shalt  }
0x85: {  	_ =	shalt  }
0x86: {  	_ =	shalt  }
0x87: {  	_ =	shalt  }
.Lfunc_end0:
.L_simem_size_0:
called_computation_lowered:
.L_overlay_start_0:
0x88: {  	s2 =	sld [smem:$0x3FD9]  }
0x89: {  	s3 =	sld [smem:$0x3FFE];
	_ =	sdelay $0x1  }
0x8a: {  	s1 =	srdreg.scid  }
0x8b: {  	s0 =	sand.u32 $0x1, s1  }
0x8c: {  	s16 =	sshll.u32 s0, $0xA;
	s2 =	sadd.s32 s3, s2  }
0x8d: {  	s2 =	sadd.s32 s2, s16  }
0x8e: {  	[smem:$0x3FC1] =	sst s2  }
0x8f: {  	_ = 	snop  }
0x90: {  	(tm) =	ssettm $0x1  }
0x91: {  	s17 =	sld [smem:$0x3FFB];
	_ =	sdelay $0x3  }
0x92: {  	_ =	strace s17  }
0x93: {  	s2 =	sld [smem:$0x3FFC];
	_ =	sdelay $0x3  }
0x94: {  	_ =	strace s2  }
0x95: {  	s2 =	sld [smem:$0x3FFD];
	_ =	sdelay $0x3  }
0x96: {  	_ =	strace s2  }
0x97: {  	_ =	strace $0x8FFFFFFF  }
0x98: {  	s18 =	sld [smem:$0x3FDB];
	_ =	sdelay $0x1  }
0x99: {  	s19 =	simm.s32 $_scs_section_size  }
0x9a: {  	s4 =	simm.s32 $_size__tile_overlayer_lowered;
	s5 =	simm.s32 $_tile_overlayer_lowered  }
0x9b: {  	s22 =	simm.s32 $0x1BFF;
	s21 =	sshll.u32 s5, $0x1;
	s2 =	sadd.s32 s19, s18  }
0x9c: {  	s6 =	simm.s32 $0x0;
	s20 =	sshll.u32 s4, $0x1;
	s4 =	sadd.s32 s21, s2  }
0x9d: {  	[timem:s6], [sflag:s22] =	dma.local [hbm:s4], s20  }
0x9e: {  	_ =	swait.ge [sflag:s22], s20  }
0x9f: {  	s3 =	ssub.s32 $0x0, s20;
	[sflag:s22] =	ssyncset.done $0x0  }
0xa0: {  	[sflag:s22] =	ssyncadd.s32 s3;
	_ =	sdelay $0x1  }
0xa1: {  	s23 =	simm.s32 $0x1B8B  }
0xa2: {  	_ =	swait.ge [sflag:s23], $0x1  }
0xa3: {  	[sflag:s23] =	ssyncset.done $0x0  }
0xa4: {  	s25 =	simm.s32 $0x1B8E;
	s24 =	sld [smem:$0x3FFE];
	[sflag:s23] =	ssyncadd.s32 $0xFFFFFFFF  }
0xa5: {  	s26 =	simm.s32 $execute0_lowered;
	[smem:$0x3FD2] =	sst s25  }
0xa6: {  	s4 =	sshll.u32 s26, $0x1;
	_ =	strace $0x80000046;
	[dreg:$0x1] =	wrdreg $0xFFFFFFFF  }
0xa7: {  	s28 =	simm.s32 $_size_execute0_lowered;
	s2 =	sadd.s32 s2, s4;
	[dreg:$0x0] =	wrdreg $0x0  }
0xa8: {  	s4 =	sshll.u32 s28, $0x1;
	[dreg:$0x2] =	wrdreg s2  }
0xa9: {  	[dreg:$0x3] =	wrdreg s4  }
0xaa: {  	[dreg:$0x4] =	wrdreg $0xC0  }
0xab: {  	_ =	task [dreg:s6], $0x5FFFF  }
0xac: {  	[dreg:$0x1] =	wrdreg $0xFFFFFFFF  }
0xad: {  	[dreg:$0x0] =	wrdreg $0x60  }
0xae: {  	[dreg:$0x2] =	wrdreg s24  }
0xaf: {  	[dreg:$0x3] =	wrdreg $0x0  }
0xb0: {  	[dreg:$0x4] =	wrdreg $0x9  }
0xb1: {  	_ =	task.clear_ibuf [dreg:s6], $0x5FFFF;
	_ =	strace $0x90000046  }
0xb2: {  	s29 =	simm.s32 $0x9;
	_ =	strace $0x80000048  }
0xb3: {  	_ =	swait.ge [sflag:s29], $0x1  }
0xb4: {  	[sflag:s29] =	ssyncadd.s32 $0xFFFFFFFF  }
0xb5: {  	_ =	strace $0x90000048  }
0xb6: {  	_ =	sfence  }
0xb7: {  	s30 =	sld [smem:$0x0];
	_ =	sdelay $0x2  }
0xb8: {  	s31 =	sshll.u32 s1, $0xD;
	s1 =	sshrl.u32 s1, $0x2  }
0xb9: {  	s3 =	sand.u32 $0x4000, s31;
	s1 =	sadd.s32 s1, s30  }
0xba: {  	s0 =	sor.u32 s3, s0;
	s1 =	sshll.u32 s1, $0x11  }
0xbb: {  	s0 =	sor.u32 s1, s0  }
0xbc: {  	s0 =	sadd.s32 $0x8F2B, s0  }
0xbd: {  	[sflag:s0] =	ssyncadd.remote.s32 $0x1  }
0xbe: {  	_ =	sfence.sel $0xFFFF  }
0xbf: {  	[dreg:$0x0] =	wrdreg $0xFFFFFFFF;
	(pc) =	sbr.abs _section_cstart, $3  }
0xc0: {  	[dreg:$0x1] =	wrdreg $0xFFFFFFFF  }
0xc1: {  	_ =	task.clear_ibuf [dreg:s6], $0x2FFFF;
	_ =	strace $0x9FFFFFFF  }
0xc2: {  	(tm) =	ssettm $0x7FFFFFFF  }
0xc3: {  	_ =	shalt  }
tec
execute0_lowered:
.L_overlay_start_1:
0x0: {  	(tag) =	ssettag $0x1  }
0x1: {  	s0 =	rddreg [dreg:$0x0]  }
0x2: {  	s2 =	rddreg [dreg:$0x1];
	s3 =	simm.s32 $0x0;
	s11 =	stileid.u32  }
0x3: {  	s5 =	srdreg.scid;
	s29 =	simm.s32 $0x80;
	s30 =	simm.s32 $0x3  }
0x4: {  	s31 =	simm.s32 $0x1A180;
	s28 =	simm.s32 $0x1A280;
	[smem:$0x7FF] =	sst s3  }
0x5: {  	s1 =	smul.u32 $0x500, s11;
	s4 =	sadd.s32 $0x6200, s0;
	s7 =	sand.u32 $0x1, s5  }
0x6: {  	s8 =	smul.u32 $0x4E000, s11;
	s5 =	sadd.s32 $0x54400, s0;
	s6 =	sadd.s32 $0x59400, s0  }
0x7: {  	s13 =	sadd.s32 $0x5E400, s0;
	s14 =	sadd.s32 $0x85600, s0;
	s12 =	smul.u32 $0x2800, s11  }
0x8: {  	s15 =	sadd.s32 $0x138000, s2;
	s23 =	smul.u32 $0x2700, s11;
	p1 =	sne.s32 s11, $0xF  }
0x9: {  	p2 =	seq.s32 s11, $0xF;
	_ =	strace $0x80000047;
	[dreg:$0x3] =	wrdreg s13  }
0xa: {  	s9 =	ssub.s32 $0x2, s7;
	p0 =	seq.s32 s7, $0x1;
	[dreg:$0x4] =	wrdreg s14  }
0xb: {  	v0 =	vmov s7;
	s7 =	simm.s32 $0x5;
	s1 =	sadd.s32 s1, s0;
	s10 =	sshrl.u32 s9, $0x1  }
0xc: {  	s8 =	sshrl.u32 s8, $0x2;
	s22 =	sshrl.u32 s12, $0x3;
	s25 =	sadd.s32 s13, s23  }
0xd: {  	s26 =	sadd.s32 s14, s23;
	s23 =	simm.s32 $0x8;
	s14 =	simm.s32 $0x13880  }
0xe: {  	s0 =	simm.s32 $0x1A200;
	s17 =	ssub.s32 s9, s10;
	[dreg:$0xb] =	wrdreg s25  }
0xf: {  	s9 =	sadd.s32 s8, s2;
	s1 =	sadd.s32 $0x1200, s1;
	[dreg:$0xc] =	wrdreg s26  }
0x10: {  	s24 =	sadd.s32 s5, s22;
	s18 =	sadd.s32 s6, s22;
	[dreg:$0x9] =	wrdreg s1  }
0x11: {  	v1 =	vimm.f32 $0.0e+00;
	v2 =	vimm.s32 $0x0;
	s22 =	simm.s32 $0x16180;
	s8 =	sadd.s32 $0x4000, s9;
	[dreg:$0xa] =	wrdreg s24  }
.Ltmp0:
0x12: {  	v3 =	vimm.s32 $0x1;
	v4 =	vimm.s32 $0x2;
	v5 =	vimm.s32 $0x3;
	s19 =	sadd.s32 $0x8000, s9;
	[dreg:$0x5] =	wrdreg s8;
	(pc) =	sbr.rel .LBB2_1-.Ltmp0, $4  }
0x13: {  	v6 =	vimm.s32 $0x4;
	v7 =	vimm.s32 $0x5;
	v8 =	vimm.s32 $0x6;
	s25 =	simm.s32 $0x1;
	s20 =	sadd.s32 $0xC000, s9;
	[dreg:$0x6] =	wrdreg s19  }
0x14: {  	v9 =	vimm.s32 $0x7;
	v10 =	vimm.s32 $0x8;
	v11 =	vimm.s32 $0x9;
	s26 =	simm.s32 $0x16080;
	s21 =	sadd.s32 $0x10000, s9;
	[dreg:$0x7] =	wrdreg s20  }
0x15: {  	v12 =	vimm.s32 $0xA;
	v13 =	vimm.s32 $0xB;
	v14 =	vimm.s32 $0xC;
	s1 =	simm.s32 $0x7;
	[dreg:$0x8] =	wrdreg s21;
	s21 =	smax.u32 s17, $0x1  }
0x16: {  	v15 =	vimm.s32 $0xD;
	v16 =	vimm.s32 $0xE;
	v17 =	vimm.s32 $0xF;
	s19 =	simm.s32 $0x2;
	s20 =	simm.s32 $0x6;
	s8 =	simm.s32 $0x4  }
.LBB2_14:
0x17: {  	s11 =	sadd.s32 $0x27000, s11;
	s13 =	sshrl.u32 s15, $0x3  }
0x18: {  	[hbm:s11], [sflag:s10] =	dma.local [spmem:s13], $0x100  }
0x19: {  	_ =	swait.ge [sflag:s23], $0x100  }
0x1a: {  	[sflag:s23] =	ssyncset.done $0x0  }
0x1b: {  	[sflag:s23] =	ssyncadd.s32 $0xFFFFFF00  }
.LBB2_15:
0x1c: {  	s3 =	sadd.s32 $0x1, s3  }
0x1d: {  	p3 =	sne.s32 s3, s21  }
.Ltmp1:
0x1e: {  	_ = 	snop;
	(pc) =	sbr.rel @!p3 .LBB2_16-.Ltmp1, $1  }
0x1f: {  	_ =	sdelay $0x3  }
.LBB2_1:
0x20: {  	s10 =	simm.s32 $0x0;
	s11 =	simm.s32 $0x200  }
.LBB2_2:
0x21: {  	p3 =	sne.s32 s11, $0xFE00;
	[tilespmem:s10+$0x161F0] =	vst v1  }
0x22: {  	[tilespmem:s10+$0x16180] =	vst v1  }
0x23: {  	[tilespmem:s10+$0x16190] =	vst v1  }
.Ltmp2:
0x24: {  	[tilespmem:s10+$0x161A0] =	vst v1;
	(pc) =	sbr.rel @p3 .LBB2_2-.Ltmp2, $4  }
0x25: {  	[tilespmem:s10+$0x161B0] =	vst v1  }
0x26: {  	[tilespmem:s10+$0x161C0] =	vst v1  }
0x27: {  	[tilespmem:s10+$0x161D0] =	vst v1  }
0x28: {  	[tilespmem:s10+$0x161E0] =	vst v1;
	s10 =	sshra.s32 s11, $0x2;
	s11 =	sadd.s32 $0x200, s11  }
0x29: {  	[tilespmem:s10+$0x161F0] =	vst v1  }
0x2a: {  	[tilespmem:s10+$0x16180] =	vst v1  }
0x2b: {  	[tilespmem:s10+$0x16190] =	vst v1  }
0x2c: {  	[tilespmem:s10+$0x161A0] =	vst v1  }
0x2d: {  	[tilespmem:s10+$0x161B0] =	vst v1  }
0x2e: {  	[tilespmem:s10+$0x161C0] =	vst v1  }
0x2f: {  	[tilespmem:s10+$0x161D0] =	vst v1  }
0x30: {  	[tilespmem:s10+$0x161E0] =	vst v1  }
0x31: {  	[spmem:s9] =	stream.linear.scatter [tilespmem:s22], [sflag:$0x8], $0x4000, $0x38;
	[tilespmem:$0x1E280] =	vst v63  }
0x32: {  	_ =	swait.ge [sflag:s23], $0x4000  }
0x33: {  	[sflag:s23] =	ssyncset.done $0x0  }
0x34: {  	s11 =	rddreg [dreg:$0x5];
	[sflag:s23] =	ssyncadd.s32 $0xFFFFC000  }
0x35: {  	[spmem:s11] =	stream.linear.scatter [tilespmem:s22], [sflag:$0x8], $0x4000, $0x38;
	[tilespmem:$0x1E280] =	vst v63  }
0x36: {  	_ =	swait.ge [sflag:s23], $0x4000  }
0x37: {  	[sflag:s23] =	ssyncset.done $0x0  }
0x38: {  	s13 =	rddreg [dreg:$0x6];
	[sflag:s23] =	ssyncadd.s32 $0xFFFFC000  }
0x39: {  	[spmem:s13] =	stream.linear.scatter [tilespmem:s22], [sflag:$0x8], $0x4000, $0x38;
	[tilespmem:$0x1E280] =	vst v63  }
0x3a: {  	_ =	swait.ge [sflag:s23], $0x4000  }
0x3b: {  	[sflag:s23] =	ssyncset.done $0x0  }
0x3c: {  	s16 =	rddreg [dreg:$0x7];
	[sflag:s23] =	ssyncadd.s32 $0xFFFFC000  }
0x3d: {  	[spmem:s16] =	stream.linear.scatter [tilespmem:s22], [sflag:$0x8], $0x4000, $0x38;
	[tilespmem:$0x1E280] =	vst v63  }
0x3e: {  	_ =	swait.ge [sflag:s23], $0x4000  }
0x3f: {  	[sflag:s23] =	ssyncset.done $0x0  }
0x40: {  	s17 =	rddreg [dreg:$0x8];
	[sflag:s23] =	ssyncadd.s32 $0xFFFFC000  }
0x41: {  	[spmem:s17] =	stream.linear.scatter [tilespmem:s22], [sflag:$0x8], $0x3800, $0x38;
	[tilespmem:$0x1E280] =	vst v63  }
0x42: {  	_ =	swait.ge [sflag:s23], $0x3800  }
0x43: {  	[sflag:s23] =	ssyncset.done $0x0  }
0x44: {  	s10 =	simm.s32 @!p1 $0x16180;
	[sflag:s23] =	ssyncadd.s32 $0xFFFFC800  }
0x45: {  	[spmem:s15] =	stream.linear.scatter @!p1 [tilespmem:s10], [sflag:$0x8], $0x800, $0x38;
	[tilespmem:$0x1E280] =	vst v63  }
0x46: {  	s10 =	simm.s32 @!p1 $0x8  }
0x47: {  	_ =	swait.ge @!p1 [sflag:s10], $0x800  }
0x48: {  	[sflag:s10] =	ssyncset.done @!p1 $0x0  }
0x49: {  	[sflag:s10] =	ssyncadd.s32 @!p1 $0xFFFFF800  }
0x4a: {  	[bflag:$0x0] =	sbarrier.arrive $0xFFFF  }
0x4b: {  	s24 =	simm.s32 $0x0;
	s11 =	rddreg [dreg:$0x9]  }
0x4c: {  	[tilespmem:s14], [sflag:$0x1] =	stream.linear.gather [hbm4b:s11+s24], $0x2800, $0x38;
	[tilespmem:$0x1E280] =	vst v63  }
0x4d: {  	_ =	swait.ge [sflag:s25], $0x2800  }
0x4e: {  	[sflag:s25] =	ssyncset.done $0x0  }
0x4f: {  	s10 =	simm.s32 $0x0;
	[sflag:s25] =	ssyncadd.s32 $0xFFFFD800  }
0x50: {  	v19 =	vld [tilespmem:s10+$0x13880]  }
0x51: {  	v20 =	vld [tilespmem:s10+$0x13890]  }
0x52: {  	v22 =	vld [tilespmem:s10+$0x138A0]  }
0x53: {  	v21 =	vld [tilespmem:s10+$0x138B0]  }
0x54: {  	v18 =	vld [tilespmem:s10+$0x138C0]  }
0x55: {  	v23 =	vshll.u32 v19, $0x1;
	v19 =	vld [tilespmem:s10+$0x138D0]  }
0x56: {  	s11 =	simm.s32 $0x200;
	v24 =	vshll.u32 v20, $0x1;
	v20 =	vld [tilespmem:s10+$0x138E0];
	v23 =	vor.u32 v0, v23  }
.LBB2_4:
0x57: {  	s13 =	sshra.s32 s11, $0x2;
	p3 =	sne.s32 s11, $0x9E00;
	[tilespmem:s10+$0x13880] =	vst v23;
	v23 =	vor.u32 v0, v24;
	v22 =	vshll.u32 v22, $0x1;
	v24 =	vld [tilespmem:s10+$0x138F0]  }
0x58: {  	v25 =	vld [tilespmem:s13+$0x13880];
	[tilespmem:s10+$0x13890] =	vst v23;
	v22 =	vor.u32 v0, v22;
	v21 =	vshll.u32 v21, $0x1  }
0x59: {  	v26 =	vld [tilespmem:s13+$0x13890];
	[tilespmem:s10+$0x138A0] =	vst v22;
	v21 =	vor.u32 v0, v21;
	v18 =	vshll.u32 v18, $0x1  }
.Ltmp3:
0x5a: {  	v22 =	vld [tilespmem:s13+$0x138A0];
	[tilespmem:s10+$0x138B0] =	vst v21;
	v18 =	vor.u32 v0, v18;
	v19 =	vshll.u32 v19, $0x1;
	(pc) =	sbr.rel @p3 .LBB2_4-.Ltmp3, $4  }
0x5b: {  	v21 =	vld [tilespmem:s13+$0x138B0];
	[tilespmem:s10+$0x138C0] =	vst v18;
	v19 =	vor.u32 v0, v19;
	v20 =	vshll.u32 v20, $0x1  }
0x5c: {  	v18 =	vld [tilespmem:s13+$0x138C0];
	[tilespmem:s10+$0x138D0] =	vst v19;
	v20 =	vor.u32 v0, v20;
	v23 =	vshll.u32 v24, $0x1  }
0x5d: {  	v24 =	vshll.u32 v25, $0x1;
	v19 =	vld [tilespmem:s13+$0x138D0];
	[tilespmem:s10+$0x138E0] =	vst v20;
	v25 =	vor.u32 v0, v23  }
0x5e: {  	s11 =	sadd.s32 $0x200, s11;
	v23 =	vor.u32 v0, v24;
	v24 =	vshll.u32 v26, $0x1;
	v20 =	vld [tilespmem:s13+$0x138E0];
	[tilespmem:s10+$0x138F0] =	vst v25;
	s10 =	smov.u32 s13  }
0x5f: {  	[tilespmem:s10+$0x13880] =	vst v23;
	v62 =	vor.u32 v0, v24;
	v22 =	vshll.u32 v22, $0x1;
	v63 =	vld [tilespmem:s10+$0x138F0]  }
0x60: {  	[tilespmem:s10+$0x13890] =	vst v62;
	v22 =	vor.u32 v0, v22;
	v21 =	vshll.u32 v21, $0x1  }
0x61: {  	[tilespmem:s10+$0x138A0] =	vst v22;
	v21 =	vor.u32 v0, v21;
	v18 =	vshll.u32 v18, $0x1  }
0x62: {  	[tilespmem:s10+$0x138B0] =	vst v21;
	v18 =	vor.u32 v0, v18;
	v19 =	vshll.u32 v19, $0x1  }
0x63: {  	[tilespmem:s10+$0x138C0] =	vst v18;
	v18 =	vor.u32 v0, v19;
	v19 =	vshll.u32 v20, $0x1  }
0x64: {  	[tilespmem:s10+$0x138D0] =	vst v18;
	v18 =	vor.u32 v0, v19;
	v19 =	vshll.u32 v63, $0x1  }
0x65: {  	[tilespmem:s10+$0x138E0] =	vst v18;
	v18 =	vor.u32 v0, v19  }
0x66: {  	s11 =	rddreg [dreg:$0xa];
	[tilespmem:s10+$0x138F0] =	vst v18;
	s10 =	simm.s32 $0x0  }
0x67: {  	[tilespmem:s26], [sflag:$0x2] =	stream.linear.gather [hbm4b:s11+s10], $0x80, $0x38;
	[tilespmem:$0x1E280] =	vst v63  }
0x68: {  	s24 =	simm.s32 $0x16100  }
0x69: {  	[tilespmem:s24], [sflag:$0x2] =	stream.linear.gather [hbm4b:s18+s10], $0x80, $0x38;
	[tilespmem:$0x1E280] =	vst v63  }
0x6a: {  	s11 =	simm.s32 $0x0  }
0x6b: {  	[tilespmem:s22], [sflag:$0x3] =	stream.indirect.gather [hbm4b:s4+s29], $0x80, s14, s29, $0xb8;
	[tilespmem:$0x1E280] =	vst v63  }
.LBB2_6:
0x6c: {  	_ =	swait.ge [sflag:s30], $0x4000  }
0x6d: {  	s13 =	sshll.u32 s11, $0x8;
	p3 =	seq.s32 s11, $0x0;
	[sflag:s30] =	ssyncset.done $0x0  }
0x6e: {  	s14 =	simm.s32 @!p3 $0x7;
	s24 =	sadd.s32 s13, s12;
	[sflag:s30] =	ssyncadd.s32 $0xFFFFC000  }
0x6f: {  	s24 =	sadd.s32 $0x80, s24;
	_ =	swait.ge @!p3 [sflag:s14], $0x4000  }
0x70: {  	s24 =	sshrl.u32 s24, $0x3;
	[sflag:s14] =	ssyncset.done @!p3 $0x0  }
0x71: {  	s16 =	sadd.s32 s5, s24;
	[sflag:s14] =	ssyncadd.s32 @!p3 $0xFFFFC000  }
0x72: {  	[tilespmem:s31], [sflag:$0x5] =	stream.linear.gather [hbm4b:s16+s10], $0x80, $0x38;
	[tilespmem:$0x1E280] =	vst v63  }
0x73: {  	s17 =	sadd.s32 s6, s24  }
0x74: {  	[tilespmem:s0], [sflag:$0x5] =	stream.linear.gather [hbm4b:s17+s10], $0x80, $0x38;
	[tilespmem:$0x1E280] =	vst v63  }
0x75: {  	s24 =	sadd.s32 $0x13900, s13  }
0x76: {  	[tilespmem:s28], [sflag:$0x6] =	stream.indirect.gather [hbm4b:s4+s29], $0x80, s24, s29, $0xb8;
	[tilespmem:$0x1E280] =	vst v63  }
0x77: {  	_ =	swait.ge [sflag:s19], $0x80  }
0x78: {  	[sflag:s19] =	ssyncset.done $0x0  }
0x79: {  	[sflag:s19] =	ssyncadd.s32 $0xFFFFFF80  }
0x7a: {  	_ =	swait.ge [sflag:s19], $0x80  }
0x7b: {  	[sflag:s19] =	ssyncset.done $0x0  }
0x7c: {  	s24 =	simm.s32 $0x0;
	[sflag:s19] =	ssyncadd.s32 $0xFFFFFF80  }
.LBB2_7:
0x7d: {  	s14 =	sshll.u32 s24, $0x4  }
0x7e: {  	s14 =	sand.u32 $0x3FFFFFF0, s14  }
0x7f: {  	v18 =	vld [tilespmem:s14+$0x16100];
	_ =	sdelay $0x4  }
0x80: {  	v18 =	vsub.f32 $0.0e+00, v18;
	_ =	sdelay $0x1  }
0x81: {  	v18 =	vmul.f32 $1.442695020e+00, v18;
	_ =	sdelay $0x1  }
0x82: {  	(erf) = vpow2.f32 v18;
	_ =	sdelay $0x8  }
0x83: {  	v18 =	vpop (erf)  }
0x84: {  	v18 =	vadd.f32 $1.000000000e+00, v18;
	_ =	sdelay $0x1  }
0x85: {  	(erf) = vrcp.f32 v18;
	_ =	sdelay $0x4  }
0x86: {  	s17 =	sshll.u32 s24, $0xB  }
0x87: {  	s14 =	sand.u32 $0x3FFFF800, s17  }
0x88: {  	v19 =	vld [tilespmem:s14+$0x16180]  }
0x89: {  	v20 =	vld [tilespmem:s14+$0x16190]  }
0x8a: {  	v21 =	vld [tilespmem:s14+$0x161A0];
	v18 =	vpop (erf)  }
0x8b: {  	v23 =	vld [tilespmem:s14+$0x161B0];
	v22 =	vperm.xlane v18, v2  }
0x8c: {  	v24 =	vld [tilespmem:s14+$0x161C0]  }
0x8d: {  	v25 =	vld [tilespmem:s14+$0x161D0];
	v19 =	vmul.f32 v19, v22  }
0x8e: {  	v26 =	vld [tilespmem:s14+$0x161E0];
	v20 =	vmul.f32 v20, v22  }
0x8f: {  	v43 =	vld [tilespmem:s14+$0x161F0];
	[tilespmem:s14+$0x16180] =	vst v19;
	v19 =	vmul.f32 v21, v22  }
0x90: {  	v45 =	vld [tilespmem:s14+$0x16200];
	v44 =	vmul.f32 v23, v22;
	[tilespmem:s14+$0x16190] =	vst v20  }
0x91: {  	v46 =	vld [tilespmem:s14+$0x16210];
	[tilespmem:s14+$0x161A0] =	vst v19;
	v19 =	vmul.f32 v24, v22  }
0x92: {  	v48 =	vld [tilespmem:s14+$0x16220];
	v47 =	vmul.f32 v25, v22;
	[tilespmem:s14+$0x161B0] =	vst v44  }
0x93: {  	v27 =	vld [tilespmem:s14+$0x16230];
	v49 =	vperm.xlane v18, v3;
	[tilespmem:s14+$0x161C0] =	vst v19;
	v19 =	vmul.f32 v26, v22  }
0x94: {  	v51 =	vld [tilespmem:s14+$0x16240];
	v50 =	vmul.f32 v43, v22;
	[tilespmem:s14+$0x161D0] =	vst v47  }
0x95: {  	v52 =	vld [tilespmem:s14+$0x16250];
	[tilespmem:s14+$0x161E0] =	vst v19;
	v19 =	vmul.f32 v45, v49  }
0x96: {  	v54 =	vld [tilespmem:s14+$0x16260];
	v53 =	vmul.f32 v46, v49;
	[tilespmem:s14+$0x161F0] =	vst v50  }
0x97: {  	v55 =	vld [tilespmem:s14+$0x16270];
	[tilespmem:s14+$0x16200] =	vst v19;
	v19 =	vmul.f32 v48, v49  }
0x98: {  	v57 =	vld [tilespmem:s14+$0x16280];
	v56 =	vmul.f32 v27, v49;
	[tilespmem:s14+$0x16210] =	vst v53  }
0x99: {  	v58 =	vld [tilespmem:s14+$0x16290];
	[tilespmem:s14+$0x16220] =	vst v19;
	v19 =	vmul.f32 v51, v49  }
0x9a: {  	v60 =	vld [tilespmem:s14+$0x162A0];
	v59 =	vmul.f32 v52, v49;
	[tilespmem:s14+$0x16230] =	vst v56  }
0x9b: {  	v62 =	vld [tilespmem:s14+$0x162B0];
	v61 =	vperm.xlane v18, v4;
	[tilespmem:s14+$0x16240] =	vst v19;
	v19 =	vmul.f32 v54, v49  }
0x9c: {  	v28 =	vld [tilespmem:s14+$0x162C0];
	v63 =	vmul.f32 v55, v49;
	[tilespmem:s14+$0x16250] =	vst v59  }
0x9d: {  	v29 =	vld [tilespmem:s14+$0x162D0];
	[tilespmem:s14+$0x16260] =	vst v19;
	v19 =	vmul.f32 v57, v61  }
0x9e: {  	v31 =	vld [tilespmem:s14+$0x162E0];
	v30 =	vmul.f32 v58, v61;
	[tilespmem:s14+$0x16270] =	vst v63  }
0x9f: {  	v32 =	vld [tilespmem:s14+$0x162F0];
	[tilespmem:s14+$0x16280] =	vst v19;
	v19 =	vmul.f32 v60, v61  }
0xa0: {  	v34 =	vld [tilespmem:s14+$0x16300];
	v33 =	vmul.f32 v62, v61;
	[tilespmem:s14+$0x16290] =	vst v30  }
0xa1: {  	v35 =	vld [tilespmem:s14+$0x16310];
	[tilespmem:s14+$0x162A0] =	vst v19;
	v19 =	vmul.f32 v28, v61  }
0xa2: {  	v37 =	vld [tilespmem:s14+$0x16320];
	v36 =	vmul.f32 v29, v61;
	[tilespmem:s14+$0x162B0] =	vst v33  }
0xa3: {  	v39 =	vld [tilespmem:s14+$0x16330];
	v38 =	vperm.xlane v18, v5;
	[tilespmem:s14+$0x162C0] =	vst v19;
	v19 =	vmul.f32 v31, v61  }
0xa4: {  	v41 =	vld [tilespmem:s14+$0x16340];
	v40 =	vmul.f32 v32, v61;
	[tilespmem:s14+$0x162D0] =	vst v36  }
0xa5: {  	v45 =	vld [tilespmem:s14+$0x16370];
	[tilespmem:s14+$0x162E0] =	vst v19;
	v19 =	vmul.f32 v34, v38  }
0xa6: {  	v43 =	vmul.f32 v35, v38;
	[tilespmem:s14+$0x162F0] =	vst v40;
	v44 =	vld [tilespmem:s14+$0x16360]  }
0xa7: {  	v42 =	vld [tilespmem:s14+$0x16350];
	[tilespmem:s14+$0x16300] =	vst v19;
	v19 =	vmul.f32 v37, v38  }
0xa8: {  	v46 =	vmul.f32 v39, v38;
	[tilespmem:s14+$0x16310] =	vst v43;
	v47 =	vld [tilespmem:s14+$0x16380]  }
0xa9: {  	v52 =	vld [tilespmem:s14+$0x163B0];
	[tilespmem:s14+$0x16320] =	vst v19;
	v19 =	vmul.f32 v41, v38  }
0xaa: {  	[tilespmem:s14+$0x16330] =	vst v46;
	v50 =	vld [tilespmem:s14+$0x163A0];
	v53 =	vmul.f32 v45, v38  }
0xab: {  	v55 =	vld [tilespmem:s14+$0x163D0];
	v51 =	vperm.xlane v18, v6;
	[tilespmem:s14+$0x16340] =	vst v19;
	v19 =	vmul.f32 v44, v38  }
0xac: {  	v49 =	vmul.f32 v42, v38;
	v54 =	vld [tilespmem:s14+$0x163C0];
	[tilespmem:s14+$0x16370] =	vst v53  }
0xad: {  	v58 =	vld [tilespmem:s14+$0x163F0];
	[tilespmem:s14+$0x16360] =	vst v19;
	v19 =	vmul.f32 v47, v51  }
0xae: {  	v59 =	vmul.f32 v52, v51;
	[tilespmem:s14+$0x16350] =	vst v49;
	v57 =	vld [tilespmem:s14+$0x163E0]  }
0xaf: {  	v48 =	vld [tilespmem:s14+$0x16390];
	[tilespmem:s14+$0x16380] =	vst v19;
	v19 =	vmul.f32 v50, v51  }
0xb0: {  	v62 =	vmul.f32 v55, v51;
	[tilespmem:s14+$0x163B0] =	vst v59;
	v60 =	vld [tilespmem:s14+$0x16400]  }
0xb1: {  	v40 =	vld [tilespmem:s14+$0x16490];
	[tilespmem:s14+$0x163A0] =	vst v19;
	v19 =	vmul.f32 v54, v51  }
0xb2: {  	v63 =	vld [tilespmem:s14+$0x16420];
	v32 =	vmul.f32 v58, v51;
	[tilespmem:s14+$0x163D0] =	vst v62  }
0xb3: {  	v30 =	vperm.xlane v18, v7;
	v61 =	vld [tilespmem:s14+$0x16410];
	[tilespmem:s14+$0x163C0] =	vst v19;
	v19 =	vmul.f32 v57, v51  }
0xb4: {  	v33 =	vld [tilespmem:s14+$0x16440];
	v43 =	vperm.xlane v18, v8;
	v56 =	vmul.f32 v48, v51;
	[tilespmem:s14+$0x163F0] =	vst v32  }
0xb5: {  	v53 =	vld [tilespmem:s14+$0x16510];
	[tilespmem:s14+$0x163E0] =	vst v19;
	v19 =	vmul.f32 v60, v30  }
0xb6: {  	v36 =	vld [tilespmem:s14+$0x16460];
	v48 =	vmul.f32 v40, v43;
	[tilespmem:s14+$0x16390] =	vst v56  }
0xb7: {  	v31 =	vld [tilespmem:s14+$0x16430];
	[tilespmem:s14+$0x16400] =	vst v19;
	v19 =	vmul.f32 v63, v30  }
0xb8: {  	v39 =	vld [tilespmem:s14+$0x16480];
	[tilespmem:s14+$0x16490] =	vst v48;
	v56 =	vperm.xlane v18, v9;
	v35 =	vmul.f32 v61, v30  }
0xb9: {  	v34 =	vld [tilespmem:s14+$0x16450];
	[tilespmem:s14+$0x16420] =	vst v19;
	v19 =	vmul.f32 v33, v30  }
0xba: {  	v42 =	vld [tilespmem:s14+$0x164A0];
	v61 =	vmul.f32 v53, v56;
	[tilespmem:s14+$0x16410] =	vst v35  }
0xbb: {  	v37 =	vld [tilespmem:s14+$0x16470];
	[tilespmem:s14+$0x16440] =	vst v19;
	v19 =	vmul.f32 v36, v30  }
0xbc: {  	v46 =	vld [tilespmem:s14+$0x164C0];
	[tilespmem:s14+$0x16510] =	vst v61;
	v38 =	vmul.f32 v31, v30  }
0xbd: {  	v47 =	vld [tilespmem:s14+$0x164D0];
	[tilespmem:s14+$0x16460] =	vst v19;
	v19 =	vmul.f32 v39, v43  }
0xbe: {  	v49 =	vld [tilespmem:s14+$0x164E0];
	v41 =	vmul.f32 v34, v30;
	[tilespmem:s14+$0x16430] =	vst v38  }
0xbf: {  	v38 =	vld [tilespmem:s14+$0x165D0];
	[tilespmem:s14+$0x16480] =	vst v19;
	v19 =	vmul.f32 v42, v43  }
0xc0: {  	v52 =	vld [tilespmem:s14+$0x16500];
	[tilespmem:s14+$0x16450] =	vst v41;
	v45 =	vmul.f32 v37, v30  }
0xc1: {  	v44 =	vld [tilespmem:s14+$0x164B0];
	[tilespmem:s14+$0x164A0] =	vst v19;
	v19 =	vmul.f32 v46, v43  }
0xc2: {  	v55 =	vld [tilespmem:s14+$0x16520];
	v34 =	vperm.xlane v18, v10;
	[tilespmem:s14+$0x16470] =	vst v45;
	v54 =	vmul.f32 v47, v43  }
0xc3: {  	v50 =	vld [tilespmem:s14+$0x164F0];
	[tilespmem:s14+$0x164C0] =	vst v19;
	v19 =	vmul.f32 v49, v43  }
0xc4: {  	v59 =	vld [tilespmem:s14+$0x16540];
	v45 =	vmul.f32 v38, v34;
	[tilespmem:s14+$0x164D0] =	vst v54  }
0xc5: {  	v57 =	vld [tilespmem:s14+$0x16530];
	[tilespmem:s14+$0x164E0] =	vst v19;
	v19 =	vmul.f32 v52, v56  }
0xc6: {  	v62 =	vld [tilespmem:s14+$0x16560];
	v51 =	vmul.f32 v44, v43;
	[tilespmem:s14+$0x165D0] =	vst v45  }
0xc7: {  	v60 =	vld [tilespmem:s14+$0x16550];
	[tilespmem:s14+$0x16500] =	vst v19;
	v19 =	vmul.f32 v55, v56  }
0xc8: {  	v58 =	vmul.f32 v50, v43;
	[tilespmem:s14+$0x164B0] =	vst v51;
	v30 =	vld [tilespmem:s14+$0x16580]  }
0xc9: {  	v51 =	vld [tilespmem:s14+$0x16650];
	[tilespmem:s14+$0x16520] =	vst v19;
	v19 =	vmul.f32 v59, v56  }
0xca: {  	[tilespmem:s14+$0x164F0] =	vst v58;
	v29 =	vmul.f32 v57, v56;
	v33 =	vld [tilespmem:s14+$0x165A0]  }
0xcb: {  	v63 =	vld [tilespmem:s14+$0x16570];
	[tilespmem:s14+$0x16540] =	vst v19;
	v19 =	vmul.f32 v62, v56  }
0xcc: {  	v37 =	vld [tilespmem:s14+$0x165C0];
	v47 =	vperm.xlane v18, v11;
	[tilespmem:s14+$0x16530] =	vst v29;
	v32 =	vmul.f32 v60, v56  }
0xcd: {  	v61 =	vld [tilespmem:s14+$0x166B0];
	[tilespmem:s14+$0x16560] =	vst v19;
	v19 =	vmul.f32 v30, v34  }
0xce: {  	v40 =	vld [tilespmem:s14+$0x165E0];
	v58 =	vmul.f32 v51, v47;
	[tilespmem:s14+$0x16550] =	vst v32  }
0xcf: {  	v31 =	vld [tilespmem:s14+$0x16590];
	[tilespmem:s14+$0x16580] =	vst v19;
	v19 =	vmul.f32 v33, v34  }
0xd0: {  	v60 =	vperm.xlane v18, v12;
	v36 =	vmul.f32 v63, v56;
	[tilespmem:s14+$0x16650] =	vst v58;
	v43 =	vld [tilespmem:s14+$0x16600]  }
0xd1: {  	v57 =	vld [tilespmem:s14+$0x16690];
	[tilespmem:s14+$0x165A0] =	vst v19;
	v19 =	vmul.f32 v37, v34  }
0xd2: {  	v32 =	vmul.f32 v61, v60;
	[tilespmem:s14+$0x16570] =	vst v36;
	v46 =	vld [tilespmem:s14+$0x16620]  }
0xd3: {  	v35 =	vld [tilespmem:s14+$0x165B0];
	[tilespmem:s14+$0x165C0] =	vst v19;
	v19 =	vmul.f32 v40, v34  }
0xd4: {  	v50 =	vld [tilespmem:s14+$0x16640];
	v39 =	vmul.f32 v31, v34;
	[tilespmem:s14+$0x166B0] =	vst v32  }
0xd5: {  	v28 =	vld [tilespmem:s14+$0x166D0];
	[tilespmem:s14+$0x165E0] =	vst v19;
	v19 =	vmul.f32 v43, v47  }
0xd6: {  	v53 =	vld [tilespmem:s14+$0x16660];
	v29 =	vmul.f32 v57, v60;
	[tilespmem:s14+$0x16590] =	vst v39  }
0xd7: {  	v31 =	vld [tilespmem:s14+$0x166F0];
	[tilespmem:s14+$0x16600] =	vst v19;
	v19 =	vmul.f32 v46, v47  }
0xd8: {  	v42 =	vmul.f32 v35, v34;
	[tilespmem:s14+$0x16690] =	vst v29;
	v56 =	vld [tilespmem:s14+$0x16680]  }
0xd9: {  	v41 =	vld [tilespmem:s14+$0x165F0];
	[tilespmem:s14+$0x16620] =	vst v19;
	v19 =	vmul.f32 v50, v47  }
0xda: {  	v35 =	vmul.f32 v28, v60;
	[tilespmem:s14+$0x165B0] =	vst v42;
	v59 =	vld [tilespmem:s14+$0x166A0]  }
0xdb: {  	v44 =	vld [tilespmem:s14+$0x16610];
	[tilespmem:s14+$0x16640] =	vst v19;
	v19 =	vmul.f32 v53, v47  }
0xdc: {  	v63 =	vld [tilespmem:s14+$0x166C0];
	[tilespmem:s14+$0x166D0] =	vst v35;
	v39 =	vmul.f32 v31, v60  }
0xdd: {  	v48 =	vld [tilespmem:s14+$0x16630];
	[tilespmem:s14+$0x16660] =	vst v19;
	v19 =	vmul.f32 v56, v60  }
0xde: {  	v49 =	vmul.f32 v41, v34;
	[tilespmem:s14+$0x166F0] =	vst v39;
	v30 =	vld [tilespmem:s14+$0x166E0]  }
0xdf: {  	v54 =	vld [tilespmem:s14+$0x16670];
	[tilespmem:s14+$0x16680] =	vst v19;
	v19 =	vmul.f32 v59, v60  }
0xe0: {  	[tilespmem:s14+$0x165F0] =	vst v49;
	v52 =	vmul.f32 v44, v47;
	v33 =	vld [tilespmem:s14+$0x16700]  }
0xe1: {  	v38 =	vld [tilespmem:s14+$0x16730];
	[tilespmem:s14+$0x166A0] =	vst v19;
	v19 =	vmul.f32 v63, v60  }
0xe2: {  	v36 =	vld [tilespmem:s14+$0x16720];
	[tilespmem:s14+$0x16610] =	vst v52;
	v55 =	vmul.f32 v48, v47  }
0xe3: {  	v41 =	vld [tilespmem:s14+$0x16750];
	v37 =	vperm.xlane v18, v13;
	[tilespmem:s14+$0x166C0] =	vst v19;
	v19 =	vmul.f32 v30, v60  }
0xe4: {  	[tilespmem:s14+$0x16630] =	vst v55;
	v62 =	vmul.f32 v54, v47;
	v40 =	vld [tilespmem:s14+$0x16740]  }
0xe5: {  	v44 =	vld [tilespmem:s14+$0x16770];
	[tilespmem:s14+$0x166E0] =	vst v19;
	v19 =	vmul.f32 v33, v37  }
0xe6: {  	[tilespmem:s14+$0x16670] =	vst v62;
	v45 =	vmul.f32 v38, v37;
	v43 =	vld [tilespmem:s14+$0x16760]  }
0xe7: {  	v34 =	vld [tilespmem:s14+$0x16710];
	[tilespmem:s14+$0x16700] =	vst v19;
	v19 =	vmul.f32 v36, v37  }
0xe8: {  	v48 =	vmul.f32 v41, v37;
	[tilespmem:s14+$0x16730] =	vst v45;
	v46 =	vld [tilespmem:s14+$0x16780]  }
0xe9: {  	v51 =	vld [tilespmem:s14+$0x167B0];
	[tilespmem:s14+$0x16720] =	vst v19;
	v19 =	vmul.f32 v40, v37  }
0xea: {  	v49 =	vld [tilespmem:s14+$0x167A0];
	v52 =	vmul.f32 v44, v37;
	[tilespmem:s14+$0x16750] =	vst v48  }
0xeb: {  	v54 =	vld [tilespmem:s14+$0x167D0];
	v50 =	vperm.xlane v18, v14;
	[tilespmem:s14+$0x16740] =	vst v19;
	v19 =	vmul.f32 v43, v37  }
0xec: {  	[tilespmem:s14+$0x16770] =	vst v52;
	v42 =	vmul.f32 v34, v37;
	v53 =	vld [tilespmem:s14+$0x167C0]  }
0xed: {  	v57 =	vld [tilespmem:s14+$0x167F0];
	[tilespmem:s14+$0x16760] =	vst v19;
	v19 =	vmul.f32 v46, v50  }
0xee: {  	[tilespmem:s14+$0x16710] =	vst v42;
	v58 =	vmul.f32 v51, v50;
	v56 =	vld [tilespmem:s14+$0x167E0]  }
0xef: {  	v47 =	vld [tilespmem:s14+$0x16790];
	[tilespmem:s14+$0x16780] =	vst v19;
	v19 =	vmul.f32 v49, v50  }
0xf0: {  	v61 =	vmul.f32 v54, v50;
	[tilespmem:s14+$0x167B0] =	vst v58;
	v59 =	vld [tilespmem:s14+$0x16800]  }
0xf1: {  	v39 =	vld [tilespmem:s14+$0x16890];
	[tilespmem:s14+$0x167A0] =	vst v19;
	v19 =	vmul.f32 v53, v50  }
0xf2: {  	v62 =	vld [tilespmem:s14+$0x16820];
	v31 =	vmul.f32 v57, v50;
	[tilespmem:s14+$0x167D0] =	vst v61  }
0xf3: {  	v63 =	vperm.xlane v18, v15;
	v60 =	vld [tilespmem:s14+$0x16810];
	[tilespmem:s14+$0x167C0] =	vst v19;
	v19 =	vmul.f32 v56, v50  }
0xf4: {  	v32 =	vld [tilespmem:s14+$0x16840];
	v42 =	vperm.xlane v18, v16;
	[tilespmem:s14+$0x167F0] =	vst v31;
	v55 =	vmul.f32 v47, v50  }
0xf5: {  	v33 =	vld [tilespmem:s14+$0x16850];
	[tilespmem:s14+$0x167E0] =	vst v19;
	v19 =	vmul.f32 v59, v63  }
0xf6: {  	v35 =	vld [tilespmem:s14+$0x16860];
	v47 =	vmul.f32 v39, v42;
	[tilespmem:s14+$0x16790] =	vst v55  }
0xf7: {  	v30 =	vld [tilespmem:s14+$0x16830];
	[tilespmem:s14+$0x16800] =	vst v19;
	v19 =	vmul.f32 v62, v63  }
0xf8: {  	v38 =	vld [tilespmem:s14+$0x16880];
	[tilespmem:s14+$0x16890] =	vst v47;
	v34 =	vmul.f32 v60, v63  }
0xf9: {  	v36 =	vld [tilespmem:s14+$0x16870];
	[tilespmem:s14+$0x16820] =	vst v19;
	v19 =	vmul.f32 v32, v63  }
0xfa: {  	v41 =	vld [tilespmem:s14+$0x168A0];
	[tilespmem:s14+$0x16810] =	vst v34;
	v40 =	vmul.f32 v33, v63  }
0xfb: {  	v46 =	vld [tilespmem:s14+$0x168D0];
	[tilespmem:s14+$0x16840] =	vst v19;
	v19 =	vmul.f32 v35, v63  }
0xfc: {  	v45 =	vld [tilespmem:s14+$0x168C0];
	v37 =	vmul.f32 v30, v63;
	[tilespmem:s14+$0x16850] =	vst v40  }
0xfd: {  	v43 =	vld [tilespmem:s14+$0x168B0];
	[tilespmem:s14+$0x16860] =	vst v19;
	v19 =	vmul.f32 v38, v42  }
0xfe: {  	v48 =	vld [tilespmem:s14+$0x168E0];
	v44 =	vmul.f32 v36, v63;
	[tilespmem:s14+$0x16830] =	vst v37  }
0xff: {  	v49 =	vld [tilespmem:s14+$0x168F0];
	[tilespmem:s14+$0x16880] =	vst v19;
	v19 =	vmul.f32 v41, v42  }
0x100: {  	v51 =	vld [tilespmem:s14+$0x16900];
	[tilespmem:s14+$0x16870] =	vst v44;
	v53 =	vmul.f32 v46, v42  }
0x101: {  	v52 =	vld [tilespmem:s14+$0x16910];
	[tilespmem:s14+$0x168A0] =	vst v19;
	v19 =	vmul.f32 v45, v42  }
0x102: {  	v54 =	vld [tilespmem:s14+$0x16920];
	v50 =	vmul.f32 v43, v42;
	[tilespmem:s14+$0x168D0] =	vst v53  }
0x103: {  	v18 =	vperm.xlane v18, v17;
	v55 =	vld [tilespmem:s14+$0x16930];
	[tilespmem:s14+$0x168C0] =	vst v19;
	v19 =	vmul.f32 v48, v42  }
0x104: {  	v57 =	vld [tilespmem:s14+$0x16940];
	v56 =	vmul.f32 v49, v42;
	[tilespmem:s14+$0x168B0] =	vst v50  }
0x105: {  	v58 =	vld [tilespmem:s14+$0x16950];
	[tilespmem:s14+$0x168E0] =	vst v19;
	v19 =	vmul.f32 v51, v18  }
0x106: {  	v60 =	vld [tilespmem:s14+$0x16960];
	v59 =	vmul.f32 v52, v18;
	[tilespmem:s14+$0x168F0] =	vst v56  }
0x107: {  	v61 =	vld [tilespmem:s14+$0x16970];
	[tilespmem:s14+$0x16900] =	vst v19;
	v19 =	vmul.f32 v54, v18  }
0x108: {  	[tilespmem:s14+$0x16910] =	vst v59;
	v62 =	vmul.f32 v55, v18  }
0x109: {  	p3 =	sne.s32 s24, $0x7;
	[tilespmem:s14+$0x16920] =	vst v19;
	v19 =	vmul.f32 v57, v18  }
.Ltmp4:
0x10a: {  	[tilespmem:s14+$0x16930] =	vst v62;
	v63 =	vmul.f32 v58, v18;
	(pc) =	sbr.rel @p3 .LBB2_7-.Ltmp4, $4  }
0x10b: {  	[tilespmem:s14+$0x16940] =	vst v19;
	v19 =	vmul.f32 v60, v18  }
0x10c: {  	[tilespmem:s14+$0x16950] =	vst v63;
	v18 =	vmul.f32 v61, v18  }
0x10d: {  	[tilespmem:s14+$0x16960] =	vst v19  }
0x10e: {  	s24 =	sadd.s32 $0x1, s24;
	[tilespmem:s14+$0x16970] =	vst v18  }
0x10f: {  	[spmem:s2] =	stream.indirect.scatter.add.f32 [tilespmem:s22], [sflag:$0x4], $0x80, s26, s29, $0xb8;
	[tilespmem:$0x1E280] =	vst v63  }
0x110: {  	_ =	swait.ge [sflag:s20], $0x4000  }
0x111: {  	p3 =	seq.s32 s11, $0x27;
	[sflag:s20] =	ssyncset.done $0x0  }
0x112: {  	s14 =	simm.s32 @!p3 $0x4;
	[sflag:s20] =	ssyncadd.s32 $0xFFFFC000  }
0x113: {  	s24 =	sadd.s32 @!p3 s12, s13;
	_ =	swait.ge @!p3 [sflag:s14], $0x4000  }
0x114: {  	s24 =	sshrl.u32 @!p3 s24, $0x3;
	[sflag:s14] =	ssyncset.done @!p3 $0x0  }
0x115: {  	[sflag:s14] =	ssyncadd.s32 @!p3 $0xFFFFC000;
	s14 =	sadd.s32 @!p3 $0x20, s24  }
0x116: {  	s16 =	simm.s32 @!p3 $0x0;
	s17 =	simm.s32 @!p3 $0x16080;
	s24 =	sadd.s32 @!p3 s5, s14  }
0x117: {  	[tilespmem:s17], [sflag:$0x2] =	stream.linear.gather @!p3 [hbm4b:s24+s16], $0x80, $0x38;
	[tilespmem:$0x1E280] =	vst v63  }
0x118: {  	s14 =	sadd.s32 @!p3 s6, s14;
	s17 =	simm.s32 @!p3 $0x16100  }
0x119: {  	[tilespmem:s17], [sflag:$0x2] =	stream.linear.gather @!p3 [hbm4b:s14+s16], $0x80, $0x38;
	[tilespmem:$0x1E280] =	vst v63  }
0x11a: {  	s13 =	sadd.s32 @!p3 $0x13980, s13;
	s14 =	simm.s32 @!p3 $0x80;
	s16 =	simm.s32 @!p3 $0x16180  }
0x11b: {  	[tilespmem:s16], [sflag:$0x3] =	stream.indirect.gather @!p3 [hbm4b:s4+s14], $0x80, s13, s14, $0xb8;
	[tilespmem:$0x1E280] =	vst v63  }
0x11c: {  	_ =	swait.ge [sflag:s7], $0x80  }
0x11d: {  	[sflag:s7] =	ssyncset.done $0x0  }
0x11e: {  	[sflag:s7] =	ssyncadd.s32 $0xFFFFFF80  }
0x11f: {  	_ =	swait.ge [sflag:s7], $0x80  }
0x120: {  	[sflag:s7] =	ssyncset.done $0x0  }
0x121: {  	s13 =	simm.s32 $0x0;
	[sflag:s7] =	ssyncadd.s32 $0xFFFFFF80  }
.LBB2_9:
0x122: {  	s14 =	sshll.u32 s13, $0x4  }
0x123: {  	s14 =	sand.u32 $0x3FFFFFF0, s14  }
0x124: {  	v18 =	vld [tilespmem:s14+$0x1A200];
	_ =	sdelay $0x4  }
0x125: {  	v18 =	vsub.f32 $0.0e+00, v18;
	_ =	sdelay $0x1  }
0x126: {  	v18 =	vmul.f32 $1.442695020e+00, v18;
	_ =	sdelay $0x1  }
0x127: {  	(erf) = vpow2.f32 v18;
	_ =	sdelay $0x8  }
0x128: {  	v18 =	vpop (erf)  }
0x129: {  	v18 =	vadd.f32 $1.000000000e+00, v18;
	_ =	sdelay $0x1  }
0x12a: {  	(erf) = vrcp.f32 v18;
	_ =	sdelay $0x4  }
0x12b: {  	s24 =	sshll.u32 s13, $0xB  }
0x12c: {  	s14 =	sand.u32 $0x3FFFF800, s24  }
0x12d: {  	v19 =	vld [tilespmem:s14+$0x1A280]  }
0x12e: {  	v20 =	vld [tilespmem:s14+$0x1A290]  }
0x12f: {  	v21 =	vld [tilespmem:s14+$0x1A2A0];
	v18 =	vpop (erf)  }
0x130: {  	v23 =	vld [tilespmem:s14+$0x1A2B0];
	v22 =	vperm.xlane v18, v2  }
0x131: {  	v24 =	vld [tilespmem:s14+$0x1A2C0]  }
0x132: {  	v25 =	vld [tilespmem:s14+$0x1A2D0];
	v19 =	vmul.f32 v19, v22  }
0x133: {  	v26 =	vld [tilespmem:s14+$0x1A2E0];
	v20 =	vmul.f32 v20, v22  }
0x134: {  	v43 =	vld [tilespmem:s14+$0x1A2F0];
	[tilespmem:s14+$0x1A280] =	vst v19;
	v19 =	vmul.f32 v21, v22  }
0x135: {  	v45 =	vld [tilespmem:s14+$0x1A300];
	v44 =	vmul.f32 v23, v22;
	[tilespmem:s14+$0x1A290] =	vst v20  }
0x136: {  	v46 =	vld [tilespmem:s14+$0x1A310];
	[tilespmem:s14+$0x1A2A0] =	vst v19;
	v19 =	vmul.f32 v24, v22  }
0x137: {  	v48 =	vld [tilespmem:s14+$0x1A320];
	v47 =	vmul.f32 v25, v22;
	[tilespmem:s14+$0x1A2B0] =	vst v44  }
0x138: {  	v27 =	vld [tilespmem:s14+$0x1A330];
	v49 =	vperm.xlane v18, v3;
	[tilespmem:s14+$0x1A2C0] =	vst v19;
	v19 =	vmul.f32 v26, v22  }
0x139: {  	v51 =	vld [tilespmem:s14+$0x1A340];
	v50 =	vmul.f32 v43, v22;
	[tilespmem:s14+$0x1A2D0] =	vst v47  }
0x13a: {  	v52 =	vld [tilespmem:s14+$0x1A350];
	[tilespmem:s14+$0x1A2E0] =	vst v19;
	v19 =	vmul.f32 v45, v49  }
0x13b: {  	v54 =	vld [tilespmem:s14+$0x1A360];
	v53 =	vmul.f32 v46, v49;
	[tilespmem:s14+$0x1A2F0] =	vst v50  }
0x13c: {  	v55 =	vld [tilespmem:s14+$0x1A370];
	[tilespmem:s14+$0x1A300] =	vst v19;
	v19 =	vmul.f32 v48, v49  }
0x13d: {  	v57 =	vld [tilespmem:s14+$0x1A380];
	v56 =	vmul.f32 v27, v49;
	[tilespmem:s14+$0x1A310] =	vst v53  }
0x13e: {  	v58 =	vld [tilespmem:s14+$0x1A390];
	[tilespmem:s14+$0x1A320] =	vst v19;
	v19 =	vmul.f32 v51, v49  }
0x13f: {  	v60 =	vld [tilespmem:s14+$0x1A3A0];
	v59 =	vmul.f32 v52, v49;
	[tilespmem:s14+$0x1A330] =	vst v56  }
0x140: {  	v62 =	vld [tilespmem:s14+$0x1A3B0];
	v61 =	vperm.xlane v18, v4;
	[tilespmem:s14+$0x1A340] =	vst v19;
	v19 =	vmul.f32 v54, v49  }
0x141: {  	v28 =	vld [tilespmem:s14+$0x1A3C0];
	v63 =	vmul.f32 v55, v49;
	[tilespmem:s14+$0x1A350] =	vst v59  }
0x142: {  	v29 =	vld [tilespmem:s14+$0x1A3D0];
	[tilespmem:s14+$0x1A360] =	vst v19;
	v19 =	vmul.f32 v57, v61  }
0x143: {  	v31 =	vld [tilespmem:s14+$0x1A3E0];
	v30 =	vmul.f32 v58, v61;
	[tilespmem:s14+$0x1A370] =	vst v63  }
0x144: {  	v32 =	vld [tilespmem:s14+$0x1A3F0];
	[tilespmem:s14+$0x1A380] =	vst v19;
	v19 =	vmul.f32 v60, v61  }
0x145: {  	v34 =	vld [tilespmem:s14+$0x1A400];
	v33 =	vmul.f32 v62, v61;
	[tilespmem:s14+$0x1A390] =	vst v30  }
0x146: {  	v35 =	vld [tilespmem:s14+$0x1A410];
	[tilespmem:s14+$0x1A3A0] =	vst v19;
	v19 =	vmul.f32 v28, v61  }
0x147: {  	v37 =	vld [tilespmem:s14+$0x1A420];
	v36 =	vmul.f32 v29, v61;
	[tilespmem:s14+$0x1A3B0] =	vst v33  }
0x148: {  	v39 =	vld [tilespmem:s14+$0x1A430];
	v38 =	vperm.xlane v18, v5;
	[tilespmem:s14+$0x1A3C0] =	vst v19;
	v19 =	vmul.f32 v31, v61  }
0x149: {  	v41 =	vld [tilespmem:s14+$0x1A440];
	v40 =	vmul.f32 v32, v61;
	[tilespmem:s14+$0x1A3D0] =	vst v36  }
0x14a: {  	v45 =	vld [tilespmem:s14+$0x1A470];
	[tilespmem:s14+$0x1A3E0] =	vst v19;
	v19 =	vmul.f32 v34, v38  }
0x14b: {  	v43 =	vmul.f32 v35, v38;
	[tilespmem:s14+$0x1A3F0] =	vst v40;
	v44 =	vld [tilespmem:s14+$0x1A460]  }
0x14c: {  	v42 =	vld [tilespmem:s14+$0x1A450];
	[tilespmem:s14+$0x1A400] =	vst v19;
	v19 =	vmul.f32 v37, v38  }
0x14d: {  	v46 =	vmul.f32 v39, v38;
	[tilespmem:s14+$0x1A410] =	vst v43;
	v47 =	vld [tilespmem:s14+$0x1A480]  }
0x14e: {  	v52 =	vld [tilespmem:s14+$0x1A4B0];
	[tilespmem:s14+$0x1A420] =	vst v19;
	v19 =	vmul.f32 v41, v38  }
0x14f: {  	[tilespmem:s14+$0x1A430] =	vst v46;
	v50 =	vld [tilespmem:s14+$0x1A4A0];
	v53 =	vmul.f32 v45, v38  }
0x150: {  	v55 =	vld [tilespmem:s14+$0x1A4D0];
	v51 =	vperm.xlane v18, v6;
	[tilespmem:s14+$0x1A440] =	vst v19;
	v19 =	vmul.f32 v44, v38  }
0x151: {  	v49 =	vmul.f32 v42, v38;
	v54 =	vld [tilespmem:s14+$0x1A4C0];
	[tilespmem:s14+$0x1A470] =	vst v53  }
0x152: {  	v58 =	vld [tilespmem:s14+$0x1A4F0];
	[tilespmem:s14+$0x1A460] =	vst v19;
	v19 =	vmul.f32 v47, v51  }
0x153: {  	v59 =	vmul.f32 v52, v51;
	[tilespmem:s14+$0x1A450] =	vst v49;
	v57 =	vld [tilespmem:s14+$0x1A4E0]  }
0x154: {  	v48 =	vld [tilespmem:s14+$0x1A490];
	[tilespmem:s14+$0x1A480] =	vst v19;
	v19 =	vmul.f32 v50, v51  }
0x155: {  	v62 =	vmul.f32 v55, v51;
	[tilespmem:s14+$0x1A4B0] =	vst v59;
	v60 =	vld [tilespmem:s14+$0x1A500]  }
0x156: {  	v40 =	vld [tilespmem:s14+$0x1A590];
	[tilespmem:s14+$0x1A4A0] =	vst v19;
	v19 =	vmul.f32 v54, v51  }
0x157: {  	v63 =	vld [tilespmem:s14+$0x1A520];
	v32 =	vmul.f32 v58, v51;
	[tilespmem:s14+$0x1A4D0] =	vst v62  }
0x158: {  	v30 =	vperm.xlane v18, v7;
	v61 =	vld [tilespmem:s14+$0x1A510];
	[tilespmem:s14+$0x1A4C0] =	vst v19;
	v19 =	vmul.f32 v57, v51  }
0x159: {  	v33 =	vld [tilespmem:s14+$0x1A540];
	v43 =	vperm.xlane v18, v8;
	v56 =	vmul.f32 v48, v51;
	[tilespmem:s14+$0x1A4F0] =	vst v32  }
0x15a: {  	v53 =	vld [tilespmem:s14+$0x1A610];
	[tilespmem:s14+$0x1A4E0] =	vst v19;
	v19 =	vmul.f32 v60, v30  }
0x15b: {  	v36 =	vld [tilespmem:s14+$0x1A560];
	v48 =	vmul.f32 v40, v43;
	[tilespmem:s14+$0x1A490] =	vst v56  }
0x15c: {  	v31 =	vld [tilespmem:s14+$0x1A530];
	[tilespmem:s14+$0x1A500] =	vst v19;
	v19 =	vmul.f32 v63, v30  }
0x15d: {  	v39 =	vld [tilespmem:s14+$0x1A580];
	[tilespmem:s14+$0x1A590] =	vst v48;
	v56 =	vperm.xlane v18, v9;
	v35 =	vmul.f32 v61, v30  }
0x15e: {  	v34 =	vld [tilespmem:s14+$0x1A550];
	[tilespmem:s14+$0x1A520] =	vst v19;
	v19 =	vmul.f32 v33, v30  }
0x15f: {  	v42 =	vld [tilespmem:s14+$0x1A5A0];
	v61 =	vmul.f32 v53, v56;
	[tilespmem:s14+$0x1A510] =	vst v35  }
0x160: {  	v37 =	vld [tilespmem:s14+$0x1A570];
	[tilespmem:s14+$0x1A540] =	vst v19;
	v19 =	vmul.f32 v36, v30  }
0x161: {  	v46 =	vld [tilespmem:s14+$0x1A5C0];
	[tilespmem:s14+$0x1A610] =	vst v61;
	v38 =	vmul.f32 v31, v30  }
0x162: {  	v47 =	vld [tilespmem:s14+$0x1A5D0];
	[tilespmem:s14+$0x1A560] =	vst v19;
	v19 =	vmul.f32 v39, v43  }
0x163: {  	v49 =	vld [tilespmem:s14+$0x1A5E0];
	v41 =	vmul.f32 v34, v30;
	[tilespmem:s14+$0x1A530] =	vst v38  }
0x164: {  	v38 =	vld [tilespmem:s14+$0x1A6D0];
	[tilespmem:s14+$0x1A580] =	vst v19;
	v19 =	vmul.f32 v42, v43  }
0x165: {  	v52 =	vld [tilespmem:s14+$0x1A600];
	[tilespmem:s14+$0x1A550] =	vst v41;
	v45 =	vmul.f32 v37, v30  }
0x166: {  	v44 =	vld [tilespmem:s14+$0x1A5B0];
	[tilespmem:s14+$0x1A5A0] =	vst v19;
	v19 =	vmul.f32 v46, v43  }
0x167: {  	v55 =	vld [tilespmem:s14+$0x1A620];
	v34 =	vperm.xlane v18, v10;
	[tilespmem:s14+$0x1A570] =	vst v45;
	v54 =	vmul.f32 v47, v43  }
0x168: {  	v50 =	vld [tilespmem:s14+$0x1A5F0];
	[tilespmem:s14+$0x1A5C0] =	vst v19;
	v19 =	vmul.f32 v49, v43  }
0x169: {  	v59 =	vld [tilespmem:s14+$0x1A640];
	v45 =	vmul.f32 v38, v34;
	[tilespmem:s14+$0x1A5D0] =	vst v54  }
0x16a: {  	v57 =	vld [tilespmem:s14+$0x1A630];
	[tilespmem:s14+$0x1A5E0] =	vst v19;
	v19 =	vmul.f32 v52, v56  }
0x16b: {  	v62 =	vld [tilespmem:s14+$0x1A660];
	v51 =	vmul.f32 v44, v43;
	[tilespmem:s14+$0x1A6D0] =	vst v45  }
0x16c: {  	v60 =	vld [tilespmem:s14+$0x1A650];
	[tilespmem:s14+$0x1A600] =	vst v19;
	v19 =	vmul.f32 v55, v56  }
0x16d: {  	v58 =	vmul.f32 v50, v43;
	[tilespmem:s14+$0x1A5B0] =	vst v51;
	v30 =	vld [tilespmem:s14+$0x1A680]  }
0x16e: {  	v51 =	vld [tilespmem:s14+$0x1A750];
	[tilespmem:s14+$0x1A620] =	vst v19;
	v19 =	vmul.f32 v59, v56  }
0x16f: {  	[tilespmem:s14+$0x1A5F0] =	vst v58;
	v29 =	vmul.f32 v57, v56;
	v33 =	vld [tilespmem:s14+$0x1A6A0]  }
0x170: {  	v63 =	vld [tilespmem:s14+$0x1A670];
	[tilespmem:s14+$0x1A640] =	vst v19;
	v19 =	vmul.f32 v62, v56  }
0x171: {  	v37 =	vld [tilespmem:s14+$0x1A6C0];
	v47 =	vperm.xlane v18, v11;
	[tilespmem:s14+$0x1A630] =	vst v29;
	v32 =	vmul.f32 v60, v56  }
0x172: {  	v61 =	vld [tilespmem:s14+$0x1A7B0];
	[tilespmem:s14+$0x1A660] =	vst v19;
	v19 =	vmul.f32 v30, v34  }
0x173: {  	v40 =	vld [tilespmem:s14+$0x1A6E0];
	v58 =	vmul.f32 v51, v47;
	[tilespmem:s14+$0x1A650] =	vst v32  }
0x174: {  	v31 =	vld [tilespmem:s14+$0x1A690];
	[tilespmem:s14+$0x1A680] =	vst v19;
	v19 =	vmul.f32 v33, v34  }
0x175: {  	v60 =	vperm.xlane v18, v12;
	v36 =	vmul.f32 v63, v56;
	[tilespmem:s14+$0x1A750] =	vst v58;
	v43 =	vld [tilespmem:s14+$0x1A700]  }
0x176: {  	v57 =	vld [tilespmem:s14+$0x1A790];
	[tilespmem:s14+$0x1A6A0] =	vst v19;
	v19 =	vmul.f32 v37, v34  }
0x177: {  	v32 =	vmul.f32 v61, v60;
	[tilespmem:s14+$0x1A670] =	vst v36;
	v46 =	vld [tilespmem:s14+$0x1A720]  }
0x178: {  	v35 =	vld [tilespmem:s14+$0x1A6B0];
	[tilespmem:s14+$0x1A6C0] =	vst v19;
	v19 =	vmul.f32 v40, v34  }
0x179: {  	v50 =	vld [tilespmem:s14+$0x1A740];
	v39 =	vmul.f32 v31, v34;
	[tilespmem:s14+$0x1A7B0] =	vst v32  }
0x17a: {  	v28 =	vld [tilespmem:s14+$0x1A7D0];
	[tilespmem:s14+$0x1A6E0] =	vst v19;
	v19 =	vmul.f32 v43, v47  }
0x17b: {  	v53 =	vld [tilespmem:s14+$0x1A760];
	v29 =	vmul.f32 v57, v60;
	[tilespmem:s14+$0x1A690] =	vst v39  }
0x17c: {  	v31 =	vld [tilespmem:s14+$0x1A7F0];
	[tilespmem:s14+$0x1A700] =	vst v19;
	v19 =	vmul.f32 v46, v47  }
0x17d: {  	v42 =	vmul.f32 v35, v34;
	[tilespmem:s14+$0x1A790] =	vst v29;
	v56 =	vld [tilespmem:s14+$0x1A780]  }
0x17e: {  	v41 =	vld [tilespmem:s14+$0x1A6F0];
	[tilespmem:s14+$0x1A720] =	vst v19;
	v19 =	vmul.f32 v50, v47  }
0x17f: {  	v35 =	vmul.f32 v28, v60;
	[tilespmem:s14+$0x1A6B0] =	vst v42;
	v59 =	vld [tilespmem:s14+$0x1A7A0]  }
0x180: {  	v44 =	vld [tilespmem:s14+$0x1A710];
	[tilespmem:s14+$0x1A740] =	vst v19;
	v19 =	vmul.f32 v53, v47  }
0x181: {  	v63 =	vld [tilespmem:s14+$0x1A7C0];
	[tilespmem:s14+$0x1A7D0] =	vst v35;
	v39 =	vmul.f32 v31, v60  }
0x182: {  	v48 =	vld [tilespmem:s14+$0x1A730];
	[tilespmem:s14+$0x1A760] =	vst v19;
	v19 =	vmul.f32 v56, v60  }
0x183: {  	v49 =	vmul.f32 v41, v34;
	[tilespmem:s14+$0x1A7F0] =	vst v39;
	v30 =	vld [tilespmem:s14+$0x1A7E0]  }
0x184: {  	v54 =	vld [tilespmem:s14+$0x1A770];
	[tilespmem:s14+$0x1A780] =	vst v19;
	v19 =	vmul.f32 v59, v60  }
0x185: {  	[tilespmem:s14+$0x1A6F0] =	vst v49;
	v52 =	vmul.f32 v44, v47;
	v33 =	vld [tilespmem:s14+$0x1A800]  }
0x186: {  	v38 =	vld [tilespmem:s14+$0x1A830];
	[tilespmem:s14+$0x1A7A0] =	vst v19;
	v19 =	vmul.f32 v63, v60  }
0x187: {  	v36 =	vld [tilespmem:s14+$0x1A820];
	[tilespmem:s14+$0x1A710] =	vst v52;
	v55 =	vmul.f32 v48, v47  }
0x188: {  	v41 =	vld [tilespmem:s14+$0x1A850];
	v37 =	vperm.xlane v18, v13;
	[tilespmem:s14+$0x1A7C0] =	vst v19;
	v19 =	vmul.f32 v30, v60  }
0x189: {  	[tilespmem:s14+$0x1A730] =	vst v55;
	v62 =	vmul.f32 v54, v47;
	v40 =	vld [tilespmem:s14+$0x1A840]  }
0x18a: {  	v44 =	vld [tilespmem:s14+$0x1A870];
	[tilespmem:s14+$0x1A7E0] =	vst v19;
	v19 =	vmul.f32 v33, v37  }
0x18b: {  	[tilespmem:s14+$0x1A770] =	vst v62;
	v45 =	vmul.f32 v38, v37;
	v43 =	vld [tilespmem:s14+$0x1A860]  }
0x18c: {  	v34 =	vld [tilespmem:s14+$0x1A810];
	[tilespmem:s14+$0x1A800] =	vst v19;
	v19 =	vmul.f32 v36, v37  }
0x18d: {  	v48 =	vmul.f32 v41, v37;
	[tilespmem:s14+$0x1A830] =	vst v45;
	v46 =	vld [tilespmem:s14+$0x1A880]  }
0x18e: {  	v51 =	vld [tilespmem:s14+$0x1A8B0];
	[tilespmem:s14+$0x1A820] =	vst v19;
	v19 =	vmul.f32 v40, v37  }
0x18f: {  	v49 =	vld [tilespmem:s14+$0x1A8A0];
	v52 =	vmul.f32 v44, v37;
	[tilespmem:s14+$0x1A850] =	vst v48  }
0x190: {  	v54 =	vld [tilespmem:s14+$0x1A8D0];
	v50 =	vperm.xlane v18, v14;
	[tilespmem:s14+$0x1A840] =	vst v19;
	v19 =	vmul.f32 v43, v37  }
0x191: {  	[tilespmem:s14+$0x1A870] =	vst v52;
	v42 =	vmul.f32 v34, v37;
	v53 =	vld [tilespmem:s14+$0x1A8C0]  }
0x192: {  	v57 =	vld [tilespmem:s14+$0x1A8F0];
	[tilespmem:s14+$0x1A860] =	vst v19;
	v19 =	vmul.f32 v46, v50  }
0x193: {  	[tilespmem:s14+$0x1A810] =	vst v42;
	v58 =	vmul.f32 v51, v50;
	v56 =	vld [tilespmem:s14+$0x1A8E0]  }
0x194: {  	v47 =	vld [tilespmem:s14+$0x1A890];
	[tilespmem:s14+$0x1A880] =	vst v19;
	v19 =	vmul.f32 v49, v50  }
0x195: {  	v61 =	vmul.f32 v54, v50;
	[tilespmem:s14+$0x1A8B0] =	vst v58;
	v59 =	vld [tilespmem:s14+$0x1A900]  }
0x196: {  	v39 =	vld [tilespmem:s14+$0x1A990];
	[tilespmem:s14+$0x1A8A0] =	vst v19;
	v19 =	vmul.f32 v53, v50  }
0x197: {  	v62 =	vld [tilespmem:s14+$0x1A920];
	v31 =	vmul.f32 v57, v50;
	[tilespmem:s14+$0x1A8D0] =	vst v61  }
0x198: {  	v63 =	vperm.xlane v18, v15;
	v60 =	vld [tilespmem:s14+$0x1A910];
	[tilespmem:s14+$0x1A8C0] =	vst v19;
	v19 =	vmul.f32 v56, v50  }
0x199: {  	v32 =	vld [tilespmem:s14+$0x1A940];
	v42 =	vperm.xlane v18, v16;
	[tilespmem:s14+$0x1A8F0] =	vst v31;
	v55 =	vmul.f32 v47, v50  }
0x19a: {  	v33 =	vld [tilespmem:s14+$0x1A950];
	[tilespmem:s14+$0x1A8E0] =	vst v19;
	v19 =	vmul.f32 v59, v63  }
0x19b: {  	v35 =	vld [tilespmem:s14+$0x1A960];
	v47 =	vmul.f32 v39, v42;
	[tilespmem:s14+$0x1A890] =	vst v55  }
0x19c: {  	v30 =	vld [tilespmem:s14+$0x1A930];
	[tilespmem:s14+$0x1A900] =	vst v19;
	v19 =	vmul.f32 v62, v63  }
0x19d: {  	v38 =	vld [tilespmem:s14+$0x1A980];
	[tilespmem:s14+$0x1A990] =	vst v47;
	v34 =	vmul.f32 v60, v63  }
0x19e: {  	v36 =	vld [tilespmem:s14+$0x1A970];
	[tilespmem:s14+$0x1A920] =	vst v19;
	v19 =	vmul.f32 v32, v63  }
0x19f: {  	v41 =	vld [tilespmem:s14+$0x1A9A0];
	[tilespmem:s14+$0x1A910] =	vst v34;
	v40 =	vmul.f32 v33, v63  }
0x1a0: {  	v46 =	vld [tilespmem:s14+$0x1A9D0];
	[tilespmem:s14+$0x1A940] =	vst v19;
	v19 =	vmul.f32 v35, v63  }
0x1a1: {  	v45 =	vld [tilespmem:s14+$0x1A9C0];
	v37 =	vmul.f32 v30, v63;
	[tilespmem:s14+$0x1A950] =	vst v40  }
0x1a2: {  	v43 =	vld [tilespmem:s14+$0x1A9B0];
	[tilespmem:s14+$0x1A960] =	vst v19;
	v19 =	vmul.f32 v38, v42  }
0x1a3: {  	v48 =	vld [tilespmem:s14+$0x1A9E0];
	v44 =	vmul.f32 v36, v63;
	[tilespmem:s14+$0x1A930] =	vst v37  }
0x1a4: {  	v49 =	vld [tilespmem:s14+$0x1A9F0];
	[tilespmem:s14+$0x1A980] =	vst v19;
	v19 =	vmul.f32 v41, v42  }
0x1a5: {  	v51 =	vld [tilespmem:s14+$0x1AA00];
	[tilespmem:s14+$0x1A970] =	vst v44;
	v53 =	vmul.f32 v46, v42  }
0x1a6: {  	v52 =	vld [tilespmem:s14+$0x1AA10];
	[tilespmem:s14+$0x1A9A0] =	vst v19;
	v19 =	vmul.f32 v45, v42  }
0x1a7: {  	v54 =	vld [tilespmem:s14+$0x1AA20];
	v50 =	vmul.f32 v43, v42;
	[tilespmem:s14+$0x1A9D0] =	vst v53  }
0x1a8: {  	v18 =	vperm.xlane v18, v17;
	v55 =	vld [tilespmem:s14+$0x1AA30];
	[tilespmem:s14+$0x1A9C0] =	vst v19;
	v19 =	vmul.f32 v48, v42  }
0x1a9: {  	v57 =	vld [tilespmem:s14+$0x1AA40];
	v56 =	vmul.f32 v49, v42;
	[tilespmem:s14+$0x1A9B0] =	vst v50  }
0x1aa: {  	v58 =	vld [tilespmem:s14+$0x1AA50];
	[tilespmem:s14+$0x1A9E0] =	vst v19;
	v19 =	vmul.f32 v51, v18  }
0x1ab: {  	v60 =	vld [tilespmem:s14+$0x1AA60];
	v59 =	vmul.f32 v52, v18;
	[tilespmem:s14+$0x1A9F0] =	vst v56  }
0x1ac: {  	v61 =	vld [tilespmem:s14+$0x1AA70];
	[tilespmem:s14+$0x1AA00] =	vst v19;
	v19 =	vmul.f32 v54, v18  }
0x1ad: {  	[tilespmem:s14+$0x1AA10] =	vst v59;
	v62 =	vmul.f32 v55, v18  }
0x1ae: {  	p3 =	sne.s32 s13, $0x7;
	[tilespmem:s14+$0x1AA20] =	vst v19;
	v19 =	vmul.f32 v57, v18  }
.Ltmp5:
0x1af: {  	[tilespmem:s14+$0x1AA30] =	vst v62;
	v63 =	vmul.f32 v58, v18;
	(pc) =	sbr.rel @p3 .LBB2_9-.Ltmp5, $4  }
0x1b0: {  	[tilespmem:s14+$0x1AA40] =	vst v19;
	v19 =	vmul.f32 v60, v18  }
0x1b1: {  	[tilespmem:s14+$0x1AA50] =	vst v63;
	v18 =	vmul.f32 v61, v18  }
0x1b2: {  	[tilespmem:s14+$0x1AA60] =	vst v19  }
0x1b3: {  	s13 =	sadd.s32 $0x1, s13;
	[tilespmem:s14+$0x1AA70] =	vst v18  }
0x1b4: {  	s11 =	sadd.s32 $0x1, s11  }
0x1b5: {  	p3 =	sne.s32 s11, $0x28  }
.Ltmp6:
0x1b6: {  	_ = 	snop;
	(pc) =	sbr.rel @p3 .LBB2_6-.Ltmp6, $2  }
0x1b7: {  	_ =	sdelay $0x2  }
0x1b8: {  	[spmem:s2] =	stream.indirect.scatter.add.f32 [tilespmem:s28], [sflag:$0x7], $0x80, s31, s29, $0xb8;
	[tilespmem:$0x1E280] =	vst v63  }
0x1b9: {  	_ =	swait.ge [sflag:s8], $0x4000  }
0x1ba: {  	[sflag:s8] =	ssyncset.done $0x0  }
0x1bb: {  	[sflag:s8] =	ssyncadd.s32 $0xFFFFC000  }
.Ltmp7:
0x1bc: {  	_ =	swait.ge [sflag:s1], $0x4000;
	(pc) =	sbr.rel @!p0 .LBB2_12-.Ltmp7, $4  }
0x1bd: {  	[sflag:s1] =	ssyncset.done $0x0  }
0x1be: {  	s10 =	stileid.u32;
	[sflag:s1] =	ssyncadd.s32 $0xFFFFC000  }
0x1bf: {  	s13 =	sshll.u32 s10, $0x6;
	[bflag:$0x0] =	sbarrier.arrive $0xFFFF  }
0x1c0: {  	s11 =	sshrl.u32 s9, $0x3;
	s10 =	sor.u32 $0x1C08, s13  }
0x1c1: {  	s10 =	sor.u32 $0x1C08, s13;
	s24 =	rddreg [dreg:$0xc]  }
0x1c2: {  	[hbm:s24], [sflag:s10] =	dma.local [spmem:s11], $0x2700  }
.Ltmp8:
0x1c3: {  	_ = 	snop;
	(pc) =	sbr.rel @p1 .LBB2_15-.Ltmp8, $4  }
.Ltmp9:
0x1c4: {  	_ = 	snop;
	(pc) =	sbr.rel @!p1 .LBB2_14-.Ltmp9, $4  }
0x1c5: {  	_ =	swait.ge [sflag:s23], $0x2700  }
0x1c6: {  	[sflag:s23] =	ssyncset.done $0x0  }
0x1c7: {  	s14 =	simm.s32 $0x13880;
	s11 =	rddreg [dreg:$0x4];
	[sflag:s23] =	ssyncadd.s32 $0xFFFFD900  }
0x1c8: {  	_ = 	snop  }
.LBB2_12:
0x1c9: {  	s13 =	rddreg [dreg:$0xb]  }
0x1ca: {  	[hbm:s13], [sflag:s10] =	dma.local [spmem:s11], $0x2700  }
.Ltmp10:
0x1cb: {  	_ = 	snop;
	(pc) =	sbr.rel @p2 .LBB2_14-.Ltmp10, $4  }
.Ltmp11:
0x1cc: {  	_ = 	snop;
	(pc) =	sbr.rel @!p2 .LBB2_15-.Ltmp11, $4  }
0x1cd: {  	_ =	swait.ge [sflag:s23], $0x2700  }
0x1ce: {  	[sflag:s23] =	ssyncset.done $0x0  }
0x1cf: {  	s14 =	simm.s32 $0x13880;
	s11 =	rddreg [dreg:$0x3];
	[sflag:s23] =	ssyncadd.s32 $0xFFFFD900  }
0x1d0: {  	_ = 	snop  }
.LBB2_16:
0x1d1: {  	_ =	sfence.sel $0x180000  }
0x1d2: {  	[bflag:$0x0] =	sbarrier.arrive $0xFFFF  }
0x1d3: {  	_ =	strace $0x90000047  }
0x1d4: {  	s0 =	stileid.u32;
	[bflag:$0x2] =	sbarrier.arrive $0xFFFF  }
0x1d5: {  	p0 =	sne.s32 s0, $0x0;
	s0 =	rddreg [dreg:$0x2]  }
0x1d6: {  	s0 =	sadd.s32 @!p0 $0x100000, s0  }
0x1d7: {  	[sflag:s0] =	ssyncadd.tile.s32 @!p0 $0x1;
	_ =	shalt  }
.Lfunc_end2:
_tile_overlayer_lowered:
.L_overlay_start_2:
0x1d8: {  	(tag) =	ssettag $0x2  }
0x1d9: {  	s0 =	rddreg [dreg:$0x0];
	s2 =	stileid.u32  }
0x1da: {  	s1 =	rddreg [dreg:$0x1];
	p0 =	sne.s32 s2, $0x0  }
0x1db: {  	s3 =	rddreg [dreg:$0x2];
	[bflag:$0x3] =	sbarrier.arrive $0xFFFF;
	s2 =	simm.s32 @!p0 $0x1C08  }
0x1dc: {  	[timem:s3], [sflag:s2] =	dma.local @!p0 [hbm:s0], s1  }
0x1dd: {  	s0 =	simm.s32 @!p0 $0x8  }
0x1de: {  	_ =	swait.ge @!p0 [sflag:s0], s1  }
0x1df: {  	s1 =	ssub.s32 @!p0 $0x0, s1;
	[sflag:s0] =	ssyncset.done @!p0 $0x0  }
0x1e0: {  	[sflag:s0] =	ssyncadd.s32 @!p0 s1  }
0x1e1: {  	[bflag:$0x3] =	sbarrier.arrive $0xFFFF  }
0x1e2: {  	_ =	shalt  }

</sc_bundles>
